<compile_context>
chip_gen: v7x
topology: tpu7x:2x2x1
jax: 0.10.2.dev20260603
libtpu: 0.0.44.dev20260713+nightly
codegen_flags: <defaults>
</compile_context>

<pallas_src>
import functools

import jax
import jax.numpy as jnp
from jax import lax
from jax.experimental import pallas as pl
from jax.experimental.pallas import tpu as pltpu
from jax.experimental.pallas import tpu_sc as plsc

N_NODES = 10000
N_EDGES = 320000
D_FEAT = 128
D_EDGE = 16
D_OUT = 16

_NT = N_EDGES // 128
_BLK = 16000
_BT = _BLK // 128

_NC, _NS = 2, 16
_NW = _NC * _NS
_CT = 10
_CH = _CT * 128
_NCHUNK = N_EDGES // _CH
_NSLOT = -(-_NCHUNK // _NW)


def _proj_body(v_ref, w1_ref, w2_ref, p_ref, q_ref):
    v = v_ref[...]
    p_ref[...] = jnp.dot(v, w1_ref[...], preferred_element_type=jnp.float32)
    q_ref[...] = jnp.dot(v, w2_ref[...], preferred_element_type=jnp.float32)


def _base_body(eT_ref, weT_ref, bT_ref, o_ref):
    m = jnp.dot(weT_ref[...], eT_ref[...],
                preferred_element_type=jnp.float32) + bT_ref[...]
    x = m.reshape(2, 8, _BT, 128)
    o_ref[...] = x.transpose(0, 2, 1, 3)


def _sc_body(sd_hbm, p_hbm, q_hbm, base_hbm, out_hbm,
             idx_s, idx_d, rows_s, rows_d, acc, p_sp, q_sp,
             sem_g0, sem_g1, sem_o):
    wid = lax.axis_index("s") * _NC + lax.axis_index("c")
    sid = lax.axis_index("s")

    @pl.when(sid == 0)
    def _():
        pltpu.sync_copy(p_hbm, p_sp)

    @pl.when(sid == 1)
    def _():
        pltpu.sync_copy(q_hbm, q_sp)

    plsc.subcore_barrier()
    ii = lax.iota(jnp.int32, 16)
    c1 = (lax.shift_right_logical(ii, 3) * (_CT * 1024)
          + lax.bitwise_and(ii, 7) * 128)
    half = _NT * 1024
    sem_g = (sem_g0, sem_g1)
    cw = _CT * 1024

    def issue_gathers(chunk, buf):
        off = chunk * _CH
        pltpu.sync_copy(sd_hbm.at[0, pl.ds(off, _CH)], idx_s.at[buf])
        pltpu.sync_copy(sd_hbm.at[1, pl.ds(off, _CH)], idx_d.at[buf])
        pltpu.async_copy(p_sp.at[idx_s.at[buf]], rows_s.at[buf], sem_g[buf])
        pltpu.async_copy(q_sp.at[idx_d.at[buf]], rows_d.at[buf], sem_g[buf])

    def drain_gathers(buf):
        pltpu.make_async_copy(p_hbm.at[pl.ds(0, _CH)],
                              rows_s.at[buf], sem_g[buf]).wait()
        pltpu.make_async_copy(q_hbm.at[pl.ds(0, _CH)],
                              rows_d.at[buf], sem_g[buf]).wait()

    def drain_out():
        pltpu.make_async_copy(base_hbm.at[pl.ds(0, cw)],
                              acc.at[pl.ds(0, cw)], sem_o).wait()
        pltpu.make_async_copy(base_hbm.at[pl.ds(0, cw)],
                              acc.at[pl.ds(cw, cw)], sem_o).wait()

    def do_half(k, buf):
        chunk = wid + k * _NW

        @pl.when(chunk < _NCHUNK)
        def _():
            nxt = chunk + _NW

            @pl.when(nxt < _NCHUNK)
            def _():
                issue_gathers(nxt, buf ^ 1)

            @pl.when(k >= 1)
            def _():
                drain_out()

            t0 = chunk * _CT
            pltpu.sync_copy(base_hbm.at[pl.ds(t0 * 1024, cw)],
                            acc.at[pl.ds(0, cw)])
            pltpu.sync_copy(base_hbm.at[pl.ds(half + t0 * 1024, cw)],
                            acc.at[pl.ds(cw, cw)])
            drain_gathers(buf)

            bufv = jnp.full((16,), buf, jnp.int32)
            for t in range(_CT):
                ct1 = c1 + t * 1024

                @plsc.parallel_loop(0, 128, 1, unroll=8)
                def add_row(r0):
                    rv = lax.bitwise_and(jnp.broadcast_to(r0, (16,)) + ii,
                                         127)
                    eidx = rv + (t * 128)
                    xs = plsc.load_gather(rows_s, [bufv, eidx, ii])
                    xd = plsc.load_gather(rows_d, [bufv, eidx, ii])
                    plsc.addupdate_scatter(acc, [ct1 + rv], xs + xd)

            pltpu.async_copy(acc.at[pl.ds(0, cw)],
                             out_hbm.at[pl.ds(t0 * 1024, cw)], sem_o)
            pltpu.async_copy(acc.at[pl.ds(cw, cw)],
                             out_hbm.at[pl.ds(half + t0 * 1024, cw)], sem_o)

    issue_gathers(wid, 0)

    def pair(j, carry):
        do_half(2 * j, 0)
        do_half(2 * j + 1, 1)
        return carry

    lax.fori_loop(0, _NSLOT // 2, pair, 0)
    drain_out()


def kernel(e, v, edges, W, b):
    W1 = W[:D_FEAT]
    W2 = W[D_FEAT:2 * D_FEAT]
    WeT = W[2 * D_FEAT:].T
    bT = b.reshape(D_OUT, 1)
    eT = e.T
    sd = edges.T

    P, Q = pl.pallas_call(
        _proj_body,
        out_shape=[jax.ShapeDtypeStruct((N_NODES, D_OUT), jnp.float32)] * 2,
    )(v, W1, W2)

    base4 = pl.pallas_call(
        _base_body,
        grid=(N_EDGES // _BLK,),
        in_specs=[
            pl.BlockSpec((D_OUT, _BLK), lambda i: (0, i)),
            pl.BlockSpec((D_OUT, D_OUT), lambda i: (0, 0)),
            pl.BlockSpec((D_OUT, 1), lambda i: (0, 0)),
        ],
        out_specs=pl.BlockSpec((2, _BT, 8, 128), lambda i: (0, i, 0, 0)),
        out_shape=jax.ShapeDtypeStruct((2, _NT, 8, 128), jnp.float32),
    )(eT, WeT, bT)

    mesh = plsc.VectorSubcoreMesh(
        core_axis_name="c", subcore_axis_name="s",
        num_cores=_NC, num_subcores=_NS)
    sc = pl.kernel(
        _sc_body,
        out_type=jax.ShapeDtypeStruct((2 * _NT * 8 * 128,), jnp.float32),
        mesh=mesh,
        scratch_types=[
            pltpu.VMEM((2, _CH), jnp.int32),
            pltpu.VMEM((2, _CH), jnp.int32),
            pltpu.VMEM((2, _CH, D_OUT), jnp.float32),
            pltpu.VMEM((2, _CH, D_OUT), jnp.float32),
            pltpu.VMEM((2 * _CT * 8 * 128,), jnp.float32),
            pltpu.VMEM_SHARED((N_NODES, D_OUT), jnp.float32),
            pltpu.VMEM_SHARED((N_NODES, D_OUT), jnp.float32),
            pltpu.SemaphoreType.DMA,
            pltpu.SemaphoreType.DMA,
            pltpu.SemaphoreType.DMA,
        ],
        compiler_params=pltpu.CompilerParams(
            use_tc_tiling_on_sc=False, needs_layout_passes=False),
    )
    out_flat = sc(sd, P, Q, base4.reshape(-1))
    return (out_flat.reshape(2, _NT, 8, 128)
            .transpose(1, 3, 0, 2).reshape(N_EDGES, D_OUT))

# --- scband reference (transcript-rebuilt; emitter-appended) ---
"""Pipeline reference for scband-cell-message-block-90623809945607 (READ-ONLY COPY).

The authoritative reference and input builder live on the scoring server;
editing this copy changes nothing except your own understanding.
"""

import jax, jax.numpy as jnp
import numpy as np

N_NODES = 10000
N_EDGES = 320000
D_FEAT = 128
D_EDGE = 16
D_OUT = 16


def setup_inputs(seed: int = 0) -> dict:
    key = jax.random.key(seed)
    k1, k2, k3, k4, k5 = jax.random.split(key, 5)
    v = jax.random.normal(k1, (N_NODES, D_FEAT), dtype=jnp.float32)
    e = jax.random.normal(k2, (N_EDGES, D_EDGE), dtype=jnp.float32)
    edges = jax.random.randint(k3, (N_EDGES, 2), 0, N_NODES).astype(jnp.int32)
    # custom_func = Linear(2*D_FEAT + D_EDGE, D_OUT)
    W = (jax.random.normal(k4, (2 * D_FEAT + D_EDGE, D_OUT), dtype=jnp.float32) * 0.05)
    b = (jax.random.normal(k5, (D_OUT,), dtype=jnp.float32) * 0.05)
    return {"e": e, "v": v, "edges": edges, "W": W, "b": b}


def reference(e, v, edges, W, b):
    # e_features = cat([v[edges[:,0]], v[edges[:,1]], e], dim=1)
    src = jnp.take(v, edges[:, 0], axis=0)
    dst = jnp.take(v, edges[:, 1], axis=0)
    e_features = jnp.concatenate([src, dst, e], axis=1)
    # e = self.net(e_features)  -> Linear
    return e_features @ W + b

if __name__ == "__main__":
    import jax
    _d = setup_inputs()
    print(jax.jit(kernel)(*tuple(_d.values())))

</pallas_src>

<mosaic_0001>
#map = affine_map<(d0, d1) -> (0, 0)>
#map1 = affine_map<(d0, d1) -> (0)>
module attributes {stable_mosaic.version = 14 : i64} {
  func.func @_sc_body(%arg0: i32, %arg1: i32, %arg2: memref<2x320000xi32, #tpu.memory_space<hbm>>, %arg3: memref<10000x16xf32, #tpu.memory_space<hbm>>, %arg4: memref<10000x16xf32, #tpu.memory_space<hbm>>, %arg5: memref<5120000xf32, #tpu.memory_space<hbm>>, %arg6: memref<5120000xf32, #tpu.memory_space<hbm>>, %arg7: memref<2x1280xi32, #tpu.memory_space<vmem>>, %arg8: memref<2x1280xi32, #tpu.memory_space<vmem>>, %arg9: memref<2x1280x16xf32, #tpu.memory_space<vmem>>, %arg10: memref<2x1280x16xf32, #tpu.memory_space<vmem>>, %arg11: memref<20480xf32, #tpu.memory_space<vmem>>, %arg12: memref<10000x16xf32, #tpu.memory_space<vmem_shared>>, %arg13: memref<10000x16xf32, #tpu.memory_space<vmem_shared>>, %arg14: memref<!tpu.dma_semaphore, #tpu.memory_space<semaphore_mem>>, %arg15: memref<!tpu.dma_semaphore, #tpu.memory_space<semaphore_mem>>, %arg16: memref<!tpu.dma_semaphore, #tpu.memory_space<semaphore_mem>>) attributes {dimension_semantics = [#tpu.dimension_semantics<core_parallel>, #tpu.dimension_semantics<subcore_parallel>], iteration_bounds = array<i64: 2, 16>, scalar_prefetch = 0 : i64, scratch_operands = 10 : i64, tpu.core_type = #tpu.core_type<sc_vector_subcore>, window_params = [{transform_indices = #map}, {transform_indices = #map}, {transform_indices = #map}, {transform_indices = #map1}, {transform_indices = #map1}]} {
    %mul3A = arith.constant 2 : i32
    %mul3A_0 = arith.muli %arg1, %mul3A : i32
    %add3A = arith.addi %mul3A_0, %arg0 : i32
    %eq3A = arith.constant 0 : i32
    %eq3A_1 = arith.cmpi eq, %arg1, %eq3A : i32
    %convert_element_type3A = arith.extui %eq3A_1 : i1 to i32
    %cond3A = arith.constant 0 : i32
    %cond3A_2 = arith.cmpi ne, %convert_element_type3A, %cond3A : i32
    scf.if %cond3A_2 {
      "tpu.region"() ({
        %run_scoped3A_67 = tpu.sem_alloc : memref<!tpu.dma_semaphore, #tpu.memory_space<semaphore_mem>>
        tpu.enqueue_dma source(%arg3 : memref<10000x16xf32, #tpu.memory_space<hbm>>) target(%arg12 : memref<10000x16xf32, #tpu.memory_space<vmem_shared>>) target_semaphore(%run_scoped3A_67 : memref<!tpu.dma_semaphore, #tpu.memory_space<semaphore_mem>>)
        tpu.wait_dma2 semaphore(%run_scoped3A_67 : memref<!tpu.dma_semaphore, #tpu.memory_space<semaphore_mem>>) src(%arg3 : memref<10000x16xf32, #tpu.memory_space<hbm>>) dst(%arg12 : memref<10000x16xf32, #tpu.memory_space<vmem_shared>>)
        tpu.yield
      }) : () -> ()
    } else {
    }
    %eq3A_3 = arith.constant 1 : i32
    %eq3A_4 = arith.cmpi eq, %arg1, %eq3A_3 : i32
    %convert_element_type3A_5 = arith.extui %eq3A_4 : i1 to i32
    %cond3A_6 = arith.constant 0 : i32
    %cond3A_7 = arith.cmpi ne, %convert_element_type3A_5, %cond3A_6 : i32
    scf.if %cond3A_7 {
      "tpu.region"() ({
        %run_scoped3A_67 = tpu.sem_alloc : memref<!tpu.dma_semaphore, #tpu.memory_space<semaphore_mem>>
        tpu.enqueue_dma source(%arg4 : memref<10000x16xf32, #tpu.memory_space<hbm>>) target(%arg13 : memref<10000x16xf32, #tpu.memory_space<vmem_shared>>) target_semaphore(%run_scoped3A_67 : memref<!tpu.dma_semaphore, #tpu.memory_space<semaphore_mem>>)
        tpu.wait_dma2 semaphore(%run_scoped3A_67 : memref<!tpu.dma_semaphore, #tpu.memory_space<semaphore_mem>>) src(%arg4 : memref<10000x16xf32, #tpu.memory_space<hbm>>) dst(%arg13 : memref<10000x16xf32, #tpu.memory_space<vmem_shared>>)
        tpu.yield
      }) : () -> ()
    } else {
    }
    %barrier3A = arith.constant 0 : index
    tpu.barrier barrier_id(%barrier3A)
    %iota3A = tpu.iota {dimensions = array<i32: 0>} : vector<16xi32>
    %shift_right_logical3A = arith.constant 3 : i32
    %shift_right_logical3A_8 = vector.broadcast %shift_right_logical3A : i32 to vector<16xi32>
    %shift_right_logical3A_9 = arith.shrui %iota3A, %shift_right_logical3A_8 : vector<16xi32>
    %mul3A_10 = arith.constant 10240 : i32
    %mul3A_11 = vector.broadcast %mul3A_10 : i32 to vector<16xi32>
    %mul3A_12 = arith.muli %shift_right_logical3A_9, %mul3A_11 : vector<16xi32>
    %and3A = arith.constant 7 : i32
    %and3A_13 = vector.broadcast %and3A : i32 to vector<16xi32>
    %and3A_14 = arith.andi %iota3A, %and3A_13 : vector<16xi32>
    %mul3A_15 = arith.constant 128 : i32
    %mul3A_16 = vector.broadcast %mul3A_15 : i32 to vector<16xi32>
    %mul3A_17 = arith.muli %and3A_14, %mul3A_16 : vector<16xi32>
    %add3A_18 = arith.addi %mul3A_12, %mul3A_17 : vector<16xi32>
    %mul3A_19 = arith.constant 1280 : i32
    %mul3A_20 = arith.muli %add3A, %mul3A_19 : i32
    %run_scoped3A = arith.constant 0 : i32
    %run_scoped3A_21 = arith.constant 0 : i32
    "tpu.region"() ({
      %run_scoped3A_67 = tpu.sem_alloc : memref<!tpu.dma_semaphore, #tpu.memory_space<semaphore_mem>>
      %dma_start3A_68 = arith.constant 0 : i32
      %dma_start3A_69 = tpu.memref_slice %arg7[%run_scoped3A_21, %dma_start3A_68] : memref<2x1280xi32, #tpu.memory_space<vmem>> -> memref<1x1280xi32, #tpu.memory_space<vmem>>
      %dma_start3A_70 = tpu.memref_squeeze %dma_start3A_69 : memref<1x1280xi32, #tpu.memory_space<vmem>> -> memref<1280xi32, #tpu.memory_space<vmem>>
      %dma_start3A_71 = tpu.memref_slice %arg2[%run_scoped3A, %mul3A_20] : memref<2x320000xi32, #tpu.memory_space<hbm>> -> memref<1x1280xi32, #tpu.memory_space<hbm>>
      %dma_start3A_72 = tpu.memref_squeeze %dma_start3A_71 : memref<1x1280xi32, #tpu.memory_space<hbm>> -> memref<1280xi32, #tpu.memory_space<hbm>>
      %dma_start3A_73 = arith.constant 0 : i32
      %dma_start3A_74 = tpu.memref_slice %arg7[%run_scoped3A_21, %dma_start3A_73] : memref<2x1280xi32, #tpu.memory_space<vmem>> -> memref<1x1280xi32, #tpu.memory_space<vmem>>
      %dma_start3A_75 = tpu.memref_squeeze %dma_start3A_74 : memref<1x1280xi32, #tpu.memory_space<vmem>> -> memref<1280xi32, #tpu.memory_space<vmem>>
      %dma_start3A_76 = tpu.memref_slice %arg2[%run_scoped3A, %mul3A_20] : memref<2x320000xi32, #tpu.memory_space<hbm>> -> memref<1x1280xi32, #tpu.memory_space<hbm>>
      %dma_start3A_77 = tpu.memref_squeeze %dma_start3A_76 : memref<1x1280xi32, #tpu.memory_space<hbm>> -> memref<1280xi32, #tpu.memory_space<hbm>>
      tpu.enqueue_dma source(%dma_start3A_77 : memref<1280xi32, #tpu.memory_space<hbm>>) target(%dma_start3A_75 : memref<1280xi32, #tpu.memory_space<vmem>>) target_semaphore(%run_scoped3A_67 : memref<!tpu.dma_semaphore, #tpu.memory_space<semaphore_mem>>)
      %dma_wait3A_78 = arith.constant 0 : i32
      %dma_wait3A_79 = tpu.memref_slice %arg7[%run_scoped3A_21, %dma_wait3A_78] : memref<2x1280xi32, #tpu.memory_space<vmem>> -> memref<1x1280xi32, #tpu.memory_space<vmem>>
      %dma_wait3A_80 = tpu.memref_squeeze %dma_wait3A_79 : memref<1x1280xi32, #tpu.memory_space<vmem>> -> memref<1280xi32, #tpu.memory_space<vmem>>
      %dma_wait3A_81 = tpu.memref_slice %arg2[%run_scoped3A, %mul3A_20] : memref<2x320000xi32, #tpu.memory_space<hbm>> -> memref<1x1280xi32, #tpu.memory_space<hbm>>
      %dma_wait3A_82 = tpu.memref_squeeze %dma_wait3A_81 : memref<1x1280xi32, #tpu.memory_space<hbm>> -> memref<1280xi32, #tpu.memory_space<hbm>>
      %dma_wait3A_83 = arith.constant 0 : i32
      %dma_wait3A_84 = tpu.memref_slice %arg7[%run_scoped3A_21, %dma_wait3A_83] : memref<2x1280xi32, #tpu.memory_space<vmem>> -> memref<1x1280xi32, #tpu.memory_space<vmem>>
      %dma_wait3A_85 = tpu.memref_squeeze %dma_wait3A_84 : memref<1x1280xi32, #tpu.memory_space<vmem>> -> memref<1280xi32, #tpu.memory_space<vmem>>
      %dma_wait3A_86 = tpu.memref_slice %arg2[%run_scoped3A, %mul3A_20] : memref<2x320000xi32, #tpu.memory_space<hbm>> -> memref<1x1280xi32, #tpu.memory_space<hbm>>
      %dma_wait3A_87 = tpu.memref_squeeze %dma_wait3A_86 : memref<1x1280xi32, #tpu.memory_space<hbm>> -> memref<1280xi32, #tpu.memory_space<hbm>>
      tpu.wait_dma2 semaphore(%run_scoped3A_67 : memref<!tpu.dma_semaphore, #tpu.memory_space<semaphore_mem>>) src(%dma_wait3A_87 : memref<1280xi32, #tpu.memory_space<hbm>>) dst(%dma_wait3A_85 : memref<1280xi32, #tpu.memory_space<vmem>>)
      tpu.yield
    }) : () -> ()
    %run_scoped3A_22 = arith.constant 1 : i32
    %run_scoped3A_23 = arith.constant 0 : i32
    "tpu.region"() ({
      %run_scoped3A_67 = tpu.sem_alloc : memref<!tpu.dma_semaphore, #tpu.memory_space<semaphore_mem>>
      %dma_start3A_68 = arith.constant 0 : i32
      %dma_start3A_69 = tpu.memref_slice %arg8[%run_scoped3A_23, %dma_start3A_68] : memref<2x1280xi32, #tpu.memory_space<vmem>> -> memref<1x1280xi32, #tpu.memory_space<vmem>>
      %dma_start3A_70 = tpu.memref_squeeze %dma_start3A_69 : memref<1x1280xi32, #tpu.memory_space<vmem>> -> memref<1280xi32, #tpu.memory_space<vmem>>
      %dma_start3A_71 = tpu.memref_slice %arg2[%run_scoped3A_22, %mul3A_20] : memref<2x320000xi32, #tpu.memory_space<hbm>> -> memref<1x1280xi32, #tpu.memory_space<hbm>>
      %dma_start3A_72 = tpu.memref_squeeze %dma_start3A_71 : memref<1x1280xi32, #tpu.memory_space<hbm>> -> memref<1280xi32, #tpu.memory_space<hbm>>
      %dma_start3A_73 = arith.constant 0 : i32
      %dma_start3A_74 = tpu.memref_slice %arg8[%run_scoped3A_23, %dma_start3A_73] : memref<2x1280xi32, #tpu.memory_space<vmem>> -> memref<1x1280xi32, #tpu.memory_space<vmem>>
      %dma_start3A_75 = tpu.memref_squeeze %dma_start3A_74 : memref<1x1280xi32, #tpu.memory_space<vmem>> -> memref<1280xi32, #tpu.memory_space<vmem>>
      %dma_start3A_76 = tpu.memref_slice %arg2[%run_scoped3A_22, %mul3A_20] : memref<2x320000xi32, #tpu.memory_space<hbm>> -> memref<1x1280xi32, #tpu.memory_space<hbm>>
      %dma_start3A_77 = tpu.memref_squeeze %dma_start3A_76 : memref<1x1280xi32, #tpu.memory_space<hbm>> -> memref<1280xi32, #tpu.memory_space<hbm>>
      tpu.enqueue_dma source(%dma_start3A_77 : memref<1280xi32, #tpu.memory_space<hbm>>) target(%dma_start3A_75 : memref<1280xi32, #tpu.memory_space<vmem>>) target_semaphore(%run_scoped3A_67 : memref<!tpu.dma_semaphore, #tpu.memory_space<semaphore_mem>>)
      %dma_wait3A_78 = arith.constant 0 : i32
      %dma_wait3A_79 = tpu.memref_slice %arg8[%run_scoped3A_23, %dma_wait3A_78] : memref<2x1280xi32, #tpu.memory_space<vmem>> -> memref<1x1280xi32, #tpu.memory_space<vmem>>
      %dma_wait3A_80 = tpu.memref_squeeze %dma_wait3A_79 : memref<1x1280xi32, #tpu.memory_space<vmem>> -> memref<1280xi32, #tpu.memory_space<vmem>>
      %dma_wait3A_81 = tpu.memref_slice %arg2[%run_scoped3A_22, %mul3A_20] : memref<2x320000xi32, #tpu.memory_space<hbm>> -> memref<1x1280xi32, #tpu.memory_space<hbm>>
      %dma_wait3A_82 = tpu.memref_squeeze %dma_wait3A_81 : memref<1x1280xi32, #tpu.memory_space<hbm>> -> memref<1280xi32, #tpu.memory_space<hbm>>
      %dma_wait3A_83 = arith.constant 0 : i32
      %dma_wait3A_84 = tpu.memref_slice %arg8[%run_scoped3A_23, %dma_wait3A_83] : memref<2x1280xi32, #tpu.memory_space<vmem>> -> memref<1x1280xi32, #tpu.memory_space<vmem>>
      %dma_wait3A_85 = tpu.memref_squeeze %dma_wait3A_84 : memref<1x1280xi32, #tpu.memory_space<vmem>> -> memref<1280xi32, #tpu.memory_space<vmem>>
      %dma_wait3A_86 = tpu.memref_slice %arg2[%run_scoped3A_22, %mul3A_20] : memref<2x320000xi32, #tpu.memory_space<hbm>> -> memref<1x1280xi32, #tpu.memory_space<hbm>>
      %dma_wait3A_87 = tpu.memref_squeeze %dma_wait3A_86 : memref<1x1280xi32, #tpu.memory_space<hbm>> -> memref<1280xi32, #tpu.memory_space<hbm>>
      tpu.wait_dma2 semaphore(%run_scoped3A_67 : memref<!tpu.dma_semaphore, #tpu.memory_space<semaphore_mem>>) src(%dma_wait3A_87 : memref<1280xi32, #tpu.memory_space<hbm>>) dst(%dma_wait3A_85 : memref<1280xi32, #tpu.memory_space<vmem>>)
      tpu.yield
    }) : () -> ()
    %dma_start3A = arith.constant 0 : i32
    %dma_start3A_24 = arith.constant 0 : i32
    %dma_start3A_25 = arith.constant 0 : i32
    %dma_start3A_26 = arith.constant 0 : i32
    %dma_start3A_27 = tpu.memref_slice %arg9[%dma_start3A_24, %dma_start3A_25, %dma_start3A_26] : memref<2x1280x16xf32, #tpu.memory_space<vmem>> -> memref<1x1280x16xf32, #tpu.memory_space<vmem>>
    %dma_start3A_28 = tpu.memref_squeeze %dma_start3A_27 : memref<1x1280x16xf32, #tpu.memory_space<vmem>> -> memref<1280x16xf32, #tpu.memory_space<vmem>>
    %dma_start3A_29 = arith.constant 0 : i32
    %dma_start3A_30 = tpu.memref_slice %arg7[%dma_start3A, %dma_start3A_29] : memref<2x1280xi32, #tpu.memory_space<vmem>> -> memref<1x1280xi32, #tpu.memory_space<vmem>>
    %dma_start3A_31 = tpu.memref_squeeze %dma_start3A_30 : memref<1x1280xi32, #tpu.memory_space<vmem>> -> memref<1280xi32, #tpu.memory_space<vmem>>
    %dma_start3A_32 = arith.constant 0 : i32
    %dma_start3A_33 = arith.constant 0 : i32
    %dma_start3A_34 = tpu.memref_slice %arg12[%dma_start3A_32, %dma_start3A_33] : memref<10000x16xf32, #tpu.memory_space<vmem_shared>> -> memref<10000x16xf32, #tpu.memory_space<vmem_shared>>
    tpu.enqueue_indirect_dma source(%dma_start3A_34 : memref<10000x16xf32, #tpu.memory_space<vmem_shared>>) target(%dma_start3A_28 : memref<1280x16xf32, #tpu.memory_space<vmem>>) offsets(%dma_start3A_31 : memref<1280xi32, #tpu.memory_space<vmem>>) semaphore(%arg14 : memref<!tpu.dma_semaphore, #tpu.memory_space<semaphore_mem>>)
    %dma_start3A_35 = arith.constant 0 : i32
    %dma_start3A_36 = arith.constant 0 : i32
    %dma_start3A_37 = arith.constant 0 : i32
    %dma_start3A_38 = arith.constant 0 : i32
    %dma_start3A_39 = tpu.memref_slice %arg10[%dma_start3A_36, %dma_start3A_37, %dma_start3A_38] : memref<2x1280x16xf32, #tpu.memory_space<vmem>> -> memref<1x1280x16xf32, #tpu.memory_space<vmem>>
    %dma_start3A_40 = tpu.memref_squeeze %dma_start3A_39 : memref<1x1280x16xf32, #tpu.memory_space<vmem>> -> memref<1280x16xf32, #tpu.memory_space<vmem>>
    %dma_start3A_41 = arith.constant 0 : i32
    %dma_start3A_42 = tpu.memref_slice %arg8[%dma_start3A_35, %dma_start3A_41] : memref<2x1280xi32, #tpu.memory_space<vmem>> -> memref<1x1280xi32, #tpu.memory_space<vmem>>
    %dma_start3A_43 = tpu.memref_squeeze %dma_start3A_42 : memref<1x1280xi32, #tpu.memory_space<vmem>> -> memref<1280xi32, #tpu.memory_space<vmem>>
    %dma_start3A_44 = arith.constant 0 : i32
    %dma_start3A_45 = arith.constant 0 : i32
    %dma_start3A_46 = tpu.memref_slice %arg13[%dma_start3A_44, %dma_start3A_45] : memref<10000x16xf32, #tpu.memory_space<vmem_shared>> -> memref<10000x16xf32, #tpu.memory_space<vmem_shared>>
    tpu.enqueue_indirect_dma source(%dma_start3A_46 : memref<10000x16xf32, #tpu.memory_space<vmem_shared>>) target(%dma_start3A_40 : memref<1280x16xf32, #tpu.memory_space<vmem>>) offsets(%dma_start3A_43 : memref<1280xi32, #tpu.memory_space<vmem>>) semaphore(%arg14 : memref<!tpu.dma_semaphore, #tpu.memory_space<semaphore_mem>>)
    %scan3A = arith.constant 0 : i32
    %scan3A_47 = arith.constant 0 : i32
    %scan3A_48 = arith.constant 4 : i32
    %scan3A_49 = arith.addi %scan3A_47, %scan3A_48 : i32
    %scan3A_50 = arith.constant 1 : i32
    scf.for %scan3A_67 = %scan3A_47 to %scan3A_49 step %scan3A_50  : i32 {
      %mul3A_68 = arith.constant 2 : i32
      %mul3A_69 = arith.muli %mul3A_68, %scan3A_67 : i32
      %mul3A_70 = arith.constant 32 : i32
      %mul3A_71 = arith.muli %mul3A_69, %mul3A_70 : i32
      %add3A_72 = arith.addi %add3A, %mul3A_71 : i32
      %lt3A = arith.constant 250 : i32
      %lt3A_73 = arith.cmpi slt, %add3A_72, %lt3A : i32
      %convert_element_type3A_74 = arith.extui %lt3A_73 : i1 to i32
      %cond3A_75 = arith.constant 0 : i32
      %cond3A_76 = arith.cmpi ne, %convert_element_type3A_74, %cond3A_75 : i32
      scf.if %cond3A_76 {
        %add3A_89 = arith.constant 32 : i32
        %add3A_90 = arith.addi %add3A_72, %add3A_89 : i32
        %lt3A_91 = arith.constant 250 : i32
        %lt3A_92 = arith.cmpi slt, %add3A_90, %lt3A_91 : i32
        %convert_element_type3A_93 = arith.extui %lt3A_92 : i1 to i32
        %cond3A_94 = arith.constant 0 : i32
        %cond3A_95 = arith.cmpi ne, %convert_element_type3A_93, %cond3A_94 : i32
        scf.if %cond3A_95 {
          %mul3A_216 = arith.constant 1280 : i32
          %mul3A_217 = arith.muli %add3A_90, %mul3A_216 : i32
          %run_scoped3A_218 = arith.constant 0 : i32
          %run_scoped3A_219 = arith.constant 1 : i32
          "tpu.region"() ({
            %run_scoped3A_246 = tpu.sem_alloc : memref<!tpu.dma_semaphore, #tpu.memory_space<semaphore_mem>>
            %dma_start3A_247 = arith.constant 0 : i32
            %dma_start3A_248 = tpu.memref_slice %arg7[%run_scoped3A_219, %dma_start3A_247] : memref<2x1280xi32, #tpu.memory_space<vmem>> -> memref<1x1280xi32, #tpu.memory_space<vmem>>
            %dma_start3A_249 = tpu.memref_squeeze %dma_start3A_248 : memref<1x1280xi32, #tpu.memory_space<vmem>> -> memref<1280xi32, #tpu.memory_space<vmem>>
            %dma_start3A_250 = tpu.memref_slice %arg2[%run_scoped3A_218, %mul3A_217] : memref<2x320000xi32, #tpu.memory_space<hbm>> -> memref<1x1280xi32, #tpu.memory_space<hbm>>
            %dma_start3A_251 = tpu.memref_squeeze %dma_start3A_250 : memref<1x1280xi32, #tpu.memory_space<hbm>> -> memref<1280xi32, #tpu.memory_space<hbm>>
            %dma_start3A_252 = arith.constant 0 : i32
            %dma_start3A_253 = tpu.memref_slice %arg7[%run_scoped3A_219, %dma_start3A_252] : memref<2x1280xi32, #tpu.memory_space<vmem>> -> memref<1x1280xi32, #tpu.memory_space<vmem>>
            %dma_start3A_254 = tpu.memref_squeeze %dma_start3A_253 : memref<1x1280xi32, #tpu.memory_space<vmem>> -> memref<1280xi32, #tpu.memory_space<vmem>>
            %dma_start3A_255 = tpu.memref_slice %arg2[%run_scoped3A_218, %mul3A_217] : memref<2x320000xi32, #tpu.memory_space<hbm>> -> memref<1x1280xi32, #tpu.memory_space<hbm>>
            %dma_start3A_256 = tpu.memref_squeeze %dma_start3A_255 : memref<1x1280xi32, #tpu.memory_space<hbm>> -> memref<1280xi32, #tpu.memory_space<hbm>>
            tpu.enqueue_dma source(%dma_start3A_256 : memref<1280xi32, #tpu.memory_space<hbm>>) target(%dma_start3A_254 : memref<1280xi32, #tpu.memory_space<vmem>>) target_semaphore(%run_scoped3A_246 : memref<!tpu.dma_semaphore, #tpu.memory_space<semaphore_mem>>)
            %dma_wait3A_257 = arith.constant 0 : i32
            %dma_wait3A_258 = tpu.memref_slice %arg7[%run_scoped3A_219, %dma_wait3A_257] : memref<2x1280xi32, #tpu.memory_space<vmem>> -> memref<1x1280xi32, #tpu.memory_space<vmem>>
            %dma_wait3A_259 = tpu.memref_squeeze %dma_wait3A_258 : memref<1x1280xi32, #tpu.memory_space<vmem>> -> memref<1280xi32, #tpu.memory_space<vmem>>
            %dma_wait3A_260 = tpu.memref_slice %arg2[%run_scoped3A_218, %mul3A_217] : memref<2x320000xi32, #tpu.memory_space<hbm>> -> memref<1x1280xi32, #tpu.memory_space<hbm>>
            %dma_wait3A_261 = tpu.memref_squeeze %dma_wait3A_260 : memref<1x1280xi32, #tpu.memory_space<hbm>> -> memref<1280xi32, #tpu.memory_space<hbm>>
            %dma_wait3A_262 = arith.constant 0 : i32
            %dma_wait3A_263 = tpu.memref_slice %arg7[%run_scoped3A_219, %dma_wait3A_262] : memref<2x1280xi32, #tpu.memory_space<vmem>> -> memref<1x1280xi32, #tpu.memory_space<vmem>>
            %dma_wait3A_264 = tpu.memref_squeeze %dma_wait3A_263 : memref<1x1280xi32, #tpu.memory_space<vmem>> -> memref<1280xi32, #tpu.memory_space<vmem>>
            %dma_wait3A_265 = tpu.memref_slice %arg2[%run_scoped3A_218, %mul3A_217] : memref<2x320000xi32, #tpu.memory_space<hbm>> -> memref<1x1280xi32, #tpu.memory_space<hbm>>
            %dma_wait3A_266 = tpu.memref_squeeze %dma_wait3A_265 : memref<1x1280xi32, #tpu.memory_space<hbm>> -> memref<1280xi32, #tpu.memory_space<hbm>>
            tpu.wait_dma2 semaphore(%run_scoped3A_246 : memref<!tpu.dma_semaphore, #tpu.memory_space<semaphore_mem>>) src(%dma_wait3A_266 : memref<1280xi32, #tpu.memory_space<hbm>>) dst(%dma_wait3A_264 : memref<1280xi32, #tpu.memory_space<vmem>>)
            tpu.yield
          }) : () -> ()
          %run_scoped3A_220 = arith.constant 1 : i32
          %run_scoped3A_221 = arith.constant 1 : i32
          "tpu.region"() ({
            %run_scoped3A_246 = tpu.sem_alloc : memref<!tpu.dma_semaphore, #tpu.memory_space<semaphore_mem>>
            %dma_start3A_247 = arith.constant 0 : i32
            %dma_start3A_248 = tpu.memref_slice %arg8[%run_scoped3A_221, %dma_start3A_247] : memref<2x1280xi32, #tpu.memory_space<vmem>> -> memref<1x1280xi32, #tpu.memory_space<vmem>>
            %dma_start3A_249 = tpu.memref_squeeze %dma_start3A_248 : memref<1x1280xi32, #tpu.memory_space<vmem>> -> memref<1280xi32, #tpu.memory_space<vmem>>
            %dma_start3A_250 = tpu.memref_slice %arg2[%run_scoped3A_220, %mul3A_217] : memref<2x320000xi32, #tpu.memory_space<hbm>> -> memref<1x1280xi32, #tpu.memory_space<hbm>>
            %dma_start3A_251 = tpu.memref_squeeze %dma_start3A_250 : memref<1x1280xi32, #tpu.memory_space<hbm>> -> memref<1280xi32, #tpu.memory_space<hbm>>
            %dma_start3A_252 = arith.constant 0 : i32
            %dma_start3A_253 = tpu.memref_slice %arg8[%run_scoped3A_221, %dma_start3A_252] : memref<2x1280xi32, #tpu.memory_space<vmem>> -> memref<1x1280xi32, #tpu.memory_space<vmem>>
            %dma_start3A_254 = tpu.memref_squeeze %dma_start3A_253 : memref<1x1280xi32, #tpu.memory_space<vmem>> -> memref<1280xi32, #tpu.memory_space<vmem>>
            %dma_start3A_255 = tpu.memref_slice %arg2[%run_scoped3A_220, %mul3A_217] : memref<2x320000xi32, #tpu.memory_space<hbm>> -> memref<1x1280xi32, #tpu.memory_space<hbm>>
            %dma_start3A_256 = tpu.memref_squeeze %dma_start3A_255 : memref<1x1280xi32, #tpu.memory_space<hbm>> -> memref<1280xi32, #tpu.memory_space<hbm>>
            tpu.enqueue_dma source(%dma_start3A_256 : memref<1280xi32, #tpu.memory_space<hbm>>) target(%dma_start3A_254 : memref<1280xi32, #tpu.memory_space<vmem>>) target_semaphore(%run_scoped3A_246 : memref<!tpu.dma_semaphore, #tpu.memory_space<semaphore_mem>>)
            %dma_wait3A_257 = arith.constant 0 : i32
            %dma_wait3A_258 = tpu.memref_slice %arg8[%run_scoped3A_221, %dma_wait3A_257] : memref<2x1280xi32, #tpu.memory_space<vmem>> -> memref<1x1280xi32, #tpu.memory_space<vmem>>
            %dma_wait3A_259 = tpu.memref_squeeze %dma_wait3A_258 : memref<1x1280xi32, #tpu.memory_space<vmem>> -> memref<1280xi32, #tpu.memory_space<vmem>>
            %dma_wait3A_260 = tpu.memref_slice %arg2[%run_scoped3A_220, %mul3A_217] : memref<2x320000xi32, #tpu.memory_space<hbm>> -> memref<1x1280xi32, #tpu.memory_space<hbm>>
            %dma_wait3A_261 = tpu.memref_squeeze %dma_wait3A_260 : memref<1x1280xi32, #tpu.memory_space<hbm>> -> memref<1280xi32, #tpu.memory_space<hbm>>
            %dma_wait3A_262 = arith.constant 0 : i32
            %dma_wait3A_263 = tpu.memref_slice %arg8[%run_scoped3A_221, %dma_wait3A_262] : memref<2x1280xi32, #tpu.memory_space<vmem>> -> memref<1x1280xi32, #tpu.memory_space<vmem>>
            %dma_wait3A_264 = tpu.memref_squeeze %dma_wait3A_263 : memref<1x1280xi32, #tpu.memory_space<vmem>> -> memref<1280xi32, #tpu.memory_space<vmem>>
            %dma_wait3A_265 = tpu.memref_slice %arg2[%run_scoped3A_220, %mul3A_217] : memref<2x320000xi32, #tpu.memory_space<hbm>> -> memref<1x1280xi32, #tpu.memory_space<hbm>>
            %dma_wait3A_266 = tpu.memref_squeeze %dma_wait3A_265 : memref<1x1280xi32, #tpu.memory_space<hbm>> -> memref<1280xi32, #tpu.memory_space<hbm>>
            tpu.wait_dma2 semaphore(%run_scoped3A_246 : memref<!tpu.dma_semaphore, #tpu.memory_space<semaphore_mem>>) src(%dma_wait3A_266 : memref<1280xi32, #tpu.memory_space<hbm>>) dst(%dma_wait3A_264 : memref<1280xi32, #tpu.memory_space<vmem>>)
            tpu.yield
          }) : () -> ()
          %dma_start3A_222 = arith.constant 1 : i32
          %dma_start3A_223 = arith.constant 1 : i32
          %dma_start3A_224 = arith.constant 0 : i32
          %dma_start3A_225 = arith.constant 0 : i32
          %dma_start3A_226 = tpu.memref_slice %arg9[%dma_start3A_223, %dma_start3A_224, %dma_start3A_225] : memref<2x1280x16xf32, #tpu.memory_space<vmem>> -> memref<1x1280x16xf32, #tpu.memory_space<vmem>>
          %dma_start3A_227 = tpu.memref_squeeze %dma_start3A_226 : memref<1x1280x16xf32, #tpu.memory_space<vmem>> -> memref<1280x16xf32, #tpu.memory_space<vmem>>
          %dma_start3A_228 = arith.constant 0 : i32
          %dma_start3A_229 = tpu.memref_slice %arg7[%dma_start3A_222, %dma_start3A_228] : memref<2x1280xi32, #tpu.memory_space<vmem>> -> memref<1x1280xi32, #tpu.memory_space<vmem>>
          %dma_start3A_230 = tpu.memref_squeeze %dma_start3A_229 : memref<1x1280xi32, #tpu.memory_space<vmem>> -> memref<1280xi32, #tpu.memory_space<vmem>>
          %dma_start3A_231 = arith.constant 0 : i32
          %dma_start3A_232 = arith.constant 0 : i32
          %dma_start3A_233 = tpu.memref_slice %arg12[%dma_start3A_231, %dma_start3A_232] : memref<10000x16xf32, #tpu.memory_space<vmem_shared>> -> memref<10000x16xf32, #tpu.memory_space<vmem_shared>>
          tpu.enqueue_indirect_dma source(%dma_start3A_233 : memref<10000x16xf32, #tpu.memory_space<vmem_shared>>) target(%dma_start3A_227 : memref<1280x16xf32, #tpu.memory_space<vmem>>) offsets(%dma_start3A_230 : memref<1280xi32, #tpu.memory_space<vmem>>) semaphore(%arg15 : memref<!tpu.dma_semaphore, #tpu.memory_space<semaphore_mem>>)
          %dma_start3A_234 = arith.constant 1 : i32
          %dma_start3A_235 = arith.constant 1 : i32
          %dma_start3A_236 = arith.constant 0 : i32
          %dma_start3A_237 = arith.constant 0 : i32
          %dma_start3A_238 = tpu.memref_slice %arg10[%dma_start3A_235, %dma_start3A_236, %dma_start3A_237] : memref<2x1280x16xf32, #tpu.memory_space<vmem>> -> memref<1x1280x16xf32, #tpu.memory_space<vmem>>
          %dma_start3A_239 = tpu.memref_squeeze %dma_start3A_238 : memref<1x1280x16xf32, #tpu.memory_space<vmem>> -> memref<1280x16xf32, #tpu.memory_space<vmem>>
          %dma_start3A_240 = arith.constant 0 : i32
          %dma_start3A_241 = tpu.memref_slice %arg8[%dma_start3A_234, %dma_start3A_240] : memref<2x1280xi32, #tpu.memory_space<vmem>> -> memref<1x1280xi32, #tpu.memory_space<vmem>>
          %dma_start3A_242 = tpu.memref_squeeze %dma_start3A_241 : memref<1x1280xi32, #tpu.memory_space<vmem>> -> memref<1280xi32, #tpu.memory_space<vmem>>
          %dma_start3A_243 = arith.constant 0 : i32
          %dma_start3A_244 = arith.constant 0 : i32
          %dma_start3A_245 = tpu.memref_slice %arg13[%dma_start3A_243, %dma_start3A_244] : memref<10000x16xf32, #tpu.memory_space<vmem_shared>> -> memref<10000x16xf32, #tpu.memory_space<vmem_shared>>
          tpu.enqueue_indirect_dma source(%dma_start3A_245 : memref<10000x16xf32, #tpu.memory_space<vmem_shared>>) target(%dma_start3A_239 : memref<1280x16xf32, #tpu.memory_space<vmem>>) offsets(%dma_start3A_242 : memref<1280xi32, #tpu.memory_space<vmem>>) semaphore(%arg15 : memref<!tpu.dma_semaphore, #tpu.memory_space<semaphore_mem>>)
        } else {
        }
        %ge3A = arith.constant 1 : i32
        %ge3A_96 = arith.cmpi sge, %mul3A_69, %ge3A : i32
        %convert_element_type3A_97 = arith.extui %ge3A_96 : i1 to i32
        %cond3A_98 = arith.constant 0 : i32
        %cond3A_99 = arith.cmpi ne, %convert_element_type3A_97, %cond3A_98 : i32
        scf.if %cond3A_99 {
          %dma_wait3A_216 = arith.constant 0 : i32
          %dma_wait3A_217 = tpu.memref_slice %arg11[%dma_wait3A_216] : memref<20480xf32, #tpu.memory_space<vmem>> -> memref<10240xf32, #tpu.memory_space<vmem>>
          %dma_wait3A_218 = arith.constant 0 : i32
          %dma_wait3A_219 = tpu.memref_slice %arg5[%dma_wait3A_218] : memref<5120000xf32, #tpu.memory_space<hbm>> -> memref<10240xf32, #tpu.memory_space<hbm>>
          %dma_wait3A_220 = arith.constant 0 : i32
          %dma_wait3A_221 = tpu.memref_slice %arg11[%dma_wait3A_220] : memref<20480xf32, #tpu.memory_space<vmem>> -> memref<10240xf32, #tpu.memory_space<vmem>>
          %dma_wait3A_222 = arith.constant 0 : i32
          %dma_wait3A_223 = tpu.memref_slice %arg5[%dma_wait3A_222] : memref<5120000xf32, #tpu.memory_space<hbm>> -> memref<10240xf32, #tpu.memory_space<hbm>>
          tpu.wait_dma2 semaphore(%arg16 : memref<!tpu.dma_semaphore, #tpu.memory_space<semaphore_mem>>) src(%dma_wait3A_223 : memref<10240xf32, #tpu.memory_space<hbm>>) dst(%dma_wait3A_221 : memref<10240xf32, #tpu.memory_space<vmem>>)
          %dma_wait3A_224 = arith.constant 10240 : i32
          %dma_wait3A_225 = tpu.memref_slice %arg11[%dma_wait3A_224] : memref<20480xf32, #tpu.memory_space<vmem>> -> memref<10240xf32, #tpu.memory_space<vmem>>
          %dma_wait3A_226 = arith.constant 0 : i32
          %dma_wait3A_227 = tpu.memref_slice %arg5[%dma_wait3A_226] : memref<5120000xf32, #tpu.memory_space<hbm>> -> memref<10240xf32, #tpu.memory_space<hbm>>
          %dma_wait3A_228 = arith.constant 10240 : i32
          %dma_wait3A_229 = tpu.memref_slice %arg11[%dma_wait3A_228] : memref<20480xf32, #tpu.memory_space<vmem>> -> memref<10240xf32, #tpu.memory_space<vmem>>
          %dma_wait3A_230 = arith.constant 0 : i32
          %dma_wait3A_231 = tpu.memref_slice %arg5[%dma_wait3A_230] : memref<5120000xf32, #tpu.memory_space<hbm>> -> memref<10240xf32, #tpu.memory_space<hbm>>
          tpu.wait_dma2 semaphore(%arg16 : memref<!tpu.dma_semaphore, #tpu.memory_space<semaphore_mem>>) src(%dma_wait3A_231 : memref<10240xf32, #tpu.memory_space<hbm>>) dst(%dma_wait3A_229 : memref<10240xf32, #tpu.memory_space<vmem>>)
        } else {
        }
        %mul3A_100 = arith.constant 10 : i32
        %mul3A_101 = arith.muli %add3A_72, %mul3A_100 : i32
        %mul3A_102 = arith.constant 1024 : i32
        %mul3A_103 = arith.muli %mul3A_101, %mul3A_102 : i32
        "tpu.region"() ({
          %run_scoped3A_216 = tpu.sem_alloc : memref<!tpu.dma_semaphore, #tpu.memory_space<semaphore_mem>>
          %dma_start3A_217 = arith.constant 0 : i32
          %dma_start3A_218 = tpu.memref_slice %arg11[%dma_start3A_217] : memref<20480xf32, #tpu.memory_space<vmem>> -> memref<10240xf32, #tpu.memory_space<vmem>>
          %dma_start3A_219 = tpu.memref_slice %arg5[%mul3A_103] : memref<5120000xf32, #tpu.memory_space<hbm>> -> memref<10240xf32, #tpu.memory_space<hbm>>
          %dma_start3A_220 = arith.constant 0 : i32
          %dma_start3A_221 = tpu.memref_slice %arg11[%dma_start3A_220] : memref<20480xf32, #tpu.memory_space<vmem>> -> memref<10240xf32, #tpu.memory_space<vmem>>
          %dma_start3A_222 = tpu.memref_slice %arg5[%mul3A_103] : memref<5120000xf32, #tpu.memory_space<hbm>> -> memref<10240xf32, #tpu.memory_space<hbm>>
          tpu.enqueue_dma source(%dma_start3A_222 : memref<10240xf32, #tpu.memory_space<hbm>>) target(%dma_start3A_221 : memref<10240xf32, #tpu.memory_space<vmem>>) target_semaphore(%run_scoped3A_216 : memref<!tpu.dma_semaphore, #tpu.memory_space<semaphore_mem>>)
          %dma_wait3A_223 = arith.constant 0 : i32
          %dma_wait3A_224 = tpu.memref_slice %arg11[%dma_wait3A_223] : memref<20480xf32, #tpu.memory_space<vmem>> -> memref<10240xf32, #tpu.memory_space<vmem>>
          %dma_wait3A_225 = tpu.memref_slice %arg5[%mul3A_103] : memref<5120000xf32, #tpu.memory_space<hbm>> -> memref<10240xf32, #tpu.memory_space<hbm>>
          %dma_wait3A_226 = arith.constant 0 : i32
          %dma_wait3A_227 = tpu.memref_slice %arg11[%dma_wait3A_226] : memref<20480xf32, #tpu.memory_space<vmem>> -> memref<10240xf32, #tpu.memory_space<vmem>>
          %dma_wait3A_228 = tpu.memref_slice %arg5[%mul3A_103] : memref<5120000xf32, #tpu.memory_space<hbm>> -> memref<10240xf32, #tpu.memory_space<hbm>>
          tpu.wait_dma2 semaphore(%run_scoped3A_216 : memref<!tpu.dma_semaphore, #tpu.memory_space<semaphore_mem>>) src(%dma_wait3A_228 : memref<10240xf32, #tpu.memory_space<hbm>>) dst(%dma_wait3A_227 : memref<10240xf32, #tpu.memory_space<vmem>>)
          tpu.yield
        }) : () -> ()
        %mul3A_104 = arith.constant 1024 : i32
        %mul3A_105 = arith.muli %mul3A_101, %mul3A_104 : i32
        %add3A_106 = arith.constant 2560000 : i32
        %add3A_107 = arith.addi %add3A_106, %mul3A_105 : i32
        "tpu.region"() ({
          %run_scoped3A_216 = tpu.sem_alloc : memref<!tpu.dma_semaphore, #tpu.memory_space<semaphore_mem>>
          %dma_start3A_217 = arith.constant 10240 : i32
          %dma_start3A_218 = tpu.memref_slice %arg11[%dma_start3A_217] : memref<20480xf32, #tpu.memory_space<vmem>> -> memref<10240xf32, #tpu.memory_space<vmem>>
          %dma_start3A_219 = tpu.memref_slice %arg5[%add3A_107] : memref<5120000xf32, #tpu.memory_space<hbm>> -> memref<10240xf32, #tpu.memory_space<hbm>>
          %dma_start3A_220 = arith.constant 10240 : i32
          %dma_start3A_221 = tpu.memref_slice %arg11[%dma_start3A_220] : memref<20480xf32, #tpu.memory_space<vmem>> -> memref<10240xf32, #tpu.memory_space<vmem>>
          %dma_start3A_222 = tpu.memref_slice %arg5[%add3A_107] : memref<5120000xf32, #tpu.memory_space<hbm>> -> memref<10240xf32, #tpu.memory_space<hbm>>
          tpu.enqueue_dma source(%dma_start3A_222 : memref<10240xf32, #tpu.memory_space<hbm>>) target(%dma_start3A_221 : memref<10240xf32, #tpu.memory_space<vmem>>) target_semaphore(%run_scoped3A_216 : memref<!tpu.dma_semaphore, #tpu.memory_space<semaphore_mem>>)
          %dma_wait3A_223 = arith.constant 10240 : i32
          %dma_wait3A_224 = tpu.memref_slice %arg11[%dma_wait3A_223] : memref<20480xf32, #tpu.memory_space<vmem>> -> memref<10240xf32, #tpu.memory_space<vmem>>
          %dma_wait3A_225 = tpu.memref_slice %arg5[%add3A_107] : memref<5120000xf32, #tpu.memory_space<hbm>> -> memref<10240xf32, #tpu.memory_space<hbm>>
          %dma_wait3A_226 = arith.constant 10240 : i32
          %dma_wait3A_227 = tpu.memref_slice %arg11[%dma_wait3A_226] : memref<20480xf32, #tpu.memory_space<vmem>> -> memref<10240xf32, #tpu.memory_space<vmem>>
          %dma_wait3A_228 = tpu.memref_slice %arg5[%add3A_107] : memref<5120000xf32, #tpu.memory_space<hbm>> -> memref<10240xf32, #tpu.memory_space<hbm>>
          tpu.wait_dma2 semaphore(%run_scoped3A_216 : memref<!tpu.dma_semaphore, #tpu.memory_space<semaphore_mem>>) src(%dma_wait3A_228 : memref<10240xf32, #tpu.memory_space<hbm>>) dst(%dma_wait3A_227 : memref<10240xf32, #tpu.memory_space<vmem>>)
          tpu.yield
        }) : () -> ()
        %dma_wait3A_108 = arith.constant 0 : i32
        %dma_wait3A_109 = arith.constant 0 : i32
        %dma_wait3A_110 = arith.constant 0 : i32
        %dma_wait3A_111 = tpu.memref_slice %arg9[%dma_wait3A_108, %dma_wait3A_109, %dma_wait3A_110] : memref<2x1280x16xf32, #tpu.memory_space<vmem>> -> memref<1x1280x16xf32, #tpu.memory_space<vmem>>
        %dma_wait3A_112 = tpu.memref_squeeze %dma_wait3A_111 : memref<1x1280x16xf32, #tpu.memory_space<vmem>> -> memref<1280x16xf32, #tpu.memory_space<vmem>>
        %dma_wait3A_113 = arith.constant 0 : i32
        %dma_wait3A_114 = arith.constant 0 : i32
        %dma_wait3A_115 = tpu.memref_slice %arg3[%dma_wait3A_113, %dma_wait3A_114] : memref<10000x16xf32, #tpu.memory_space<hbm>> -> memref<1280x16xf32, #tpu.memory_space<hbm>>
        %dma_wait3A_116 = arith.constant 0 : i32
        %dma_wait3A_117 = arith.constant 0 : i32
        %dma_wait3A_118 = tpu.memref_slice %arg9[%dma_wait3A_108, %dma_wait3A_116, %dma_wait3A_117] : memref<2x1280x16xf32, #tpu.memory_space<vmem>> -> memref<1x1280x16xf32, #tpu.memory_space<vmem>>
        %dma_wait3A_119 = tpu.memref_squeeze %dma_wait3A_118 : memref<1x1280x16xf32, #tpu.memory_space<vmem>> -> memref<1280x16xf32, #tpu.memory_space<vmem>>
        %dma_wait3A_120 = arith.constant 0 : i32
        %dma_wait3A_121 = arith.constant 0 : i32
        %dma_wait3A_122 = tpu.memref_slice %arg3[%dma_wait3A_120, %dma_wait3A_121] : memref<10000x16xf32, #tpu.memory_space<hbm>> -> memref<1280x16xf32, #tpu.memory_space<hbm>>
        tpu.wait_dma2 semaphore(%arg14 : memref<!tpu.dma_semaphore, #tpu.memory_space<semaphore_mem>>) src(%dma_wait3A_122 : memref<1280x16xf32, #tpu.memory_space<hbm>>) dst(%dma_wait3A_119 : memref<1280x16xf32, #tpu.memory_space<vmem>>)
        %dma_wait3A_123 = arith.constant 0 : i32
        %dma_wait3A_124 = arith.constant 0 : i32
        %dma_wait3A_125 = arith.constant 0 : i32
        %dma_wait3A_126 = tpu.memref_slice %arg10[%dma_wait3A_123, %dma_wait3A_124, %dma_wait3A_125] : memref<2x1280x16xf32, #tpu.memory_space<vmem>> -> memref<1x1280x16xf32, #tpu.memory_space<vmem>>
        %dma_wait3A_127 = tpu.memref_squeeze %dma_wait3A_126 : memref<1x1280x16xf32, #tpu.memory_space<vmem>> -> memref<1280x16xf32, #tpu.memory_space<vmem>>
        %dma_wait3A_128 = arith.constant 0 : i32
        %dma_wait3A_129 = arith.constant 0 : i32
        %dma_wait3A_130 = tpu.memref_slice %arg4[%dma_wait3A_128, %dma_wait3A_129] : memref<10000x16xf32, #tpu.memory_space<hbm>> -> memref<1280x16xf32, #tpu.memory_space<hbm>>
        %dma_wait3A_131 = arith.constant 0 : i32
        %dma_wait3A_132 = arith.constant 0 : i32
        %dma_wait3A_133 = tpu.memref_slice %arg10[%dma_wait3A_123, %dma_wait3A_131, %dma_wait3A_132] : memref<2x1280x16xf32, #tpu.memory_space<vmem>> -> memref<1x1280x16xf32, #tpu.memory_space<vmem>>
        %dma_wait3A_134 = tpu.memref_squeeze %dma_wait3A_133 : memref<1x1280x16xf32, #tpu.memory_space<vmem>> -> memref<1280x16xf32, #tpu.memory_space<vmem>>
        %dma_wait3A_135 = arith.constant 0 : i32
        %dma_wait3A_136 = arith.constant 0 : i32
        %dma_wait3A_137 = tpu.memref_slice %arg4[%dma_wait3A_135, %dma_wait3A_136] : memref<10000x16xf32, #tpu.memory_space<hbm>> -> memref<1280x16xf32, #tpu.memory_space<hbm>>
        tpu.wait_dma2 semaphore(%arg14 : memref<!tpu.dma_semaphore, #tpu.memory_space<semaphore_mem>>) src(%dma_wait3A_137 : memref<1280x16xf32, #tpu.memory_space<hbm>>) dst(%dma_wait3A_134 : memref<1280x16xf32, #tpu.memory_space<vmem>>)
        %broadcast_in_dim3A = arith.constant 0 : i32
        %broadcast_in_dim3A_138 = vector.broadcast %broadcast_in_dim3A : i32 to vector<16xi32>
        %add3A_139 = arith.constant 0 : i32
        %add3A_140 = vector.broadcast %add3A_139 : i32 to vector<16xi32>
        %add3A_141 = arith.addi %add3A_18, %add3A_140 : vector<16xi32>
        %parallel_loop3A = arith.constant 0 : i32
        %parallel_loop3A_142 = arith.constant 128 : i32
        %parallel_loop3A_143 = arith.constant 1 : i32
        scf.for %parallel_loop3A_216 = %parallel_loop3A to %parallel_loop3A_142 step %parallel_loop3A_143  : i32 {
          %parallel_loop3A_217 = vector.broadcast %parallel_loop3A_216 : i32 to vector<16xi32>
          %parallel_loop3A_218 = arith.addi %parallel_loop3A_217, %iota3A : vector<16xi32>
          %parallel_loop3A_219 = arith.constant 127 : i32
          %parallel_loop3A_220 = vector.broadcast %parallel_loop3A_219 : i32 to vector<16xi32>
          %parallel_loop3A_221 = arith.andi %parallel_loop3A_218, %parallel_loop3A_220 : vector<16xi32>
          %parallel_loop3A_222 = arith.constant 0 : i32
          %parallel_loop3A_223 = vector.broadcast %parallel_loop3A_222 : i32 to vector<16xi32>
          %parallel_loop3A_224 = arith.addi %parallel_loop3A_221, %parallel_loop3A_223 : vector<16xi32>
          %parallel_loop3A_225 = tpu.vector_load_idx %arg9[%broadcast_in_dim3A_138, %parallel_loop3A_224, %iota3A] : memref<2x1280x16xf32, #tpu.memory_space<vmem>>[vector<16xi32>, vector<16xi32>, vector<16xi32>], vector<16xf32>,
          %parallel_loop3A_226 = tpu.vector_load_idx %arg10[%broadcast_in_dim3A_138, %parallel_loop3A_224, %iota3A] : memref<2x1280x16xf32, #tpu.memory_space<vmem>>[vector<16xi32>, vector<16xi32>, vector<16xi32>], vector<16xf32>,
          %parallel_loop3A_227 = arith.addi %add3A_141, %parallel_loop3A_221 : vector<16xi32>
          %parallel_loop3A_228 = arith.addf %parallel_loop3A_225, %parallel_loop3A_226 : vector<16xf32>
          tpu.vector_store_idx %arg11[%parallel_loop3A_227], %parallel_loop3A_228 {add = true} : memref<20480xf32, #tpu.memory_space<vmem>>[vector<16xi32>], vector<16xf32>,
        } {sc.loop_unroll_factor = 8 : i64, sc.parallel_access}
        %add3A_144 = arith.constant 1024 : i32
        %add3A_145 = vector.broadcast %add3A_144 : i32 to vector<16xi32>
        %add3A_146 = arith.addi %add3A_18, %add3A_145 : vector<16xi32>
        %parallel_loop3A_147 = arith.constant 0 : i32
        %parallel_loop3A_148 = arith.constant 128 : i32
        %parallel_loop3A_149 = arith.constant 1 : i32
        scf.for %parallel_loop3A_216 = %parallel_loop3A_147 to %parallel_loop3A_148 step %parallel_loop3A_149  : i32 {
          %parallel_loop3A_217 = vector.broadcast %parallel_loop3A_216 : i32 to vector<16xi32>
          %parallel_loop3A_218 = arith.addi %parallel_loop3A_217, %iota3A : vector<16xi32>
          %parallel_loop3A_219 = arith.constant 127 : i32
          %parallel_loop3A_220 = vector.broadcast %parallel_loop3A_219 : i32 to vector<16xi32>
          %parallel_loop3A_221 = arith.andi %parallel_loop3A_218, %parallel_loop3A_220 : vector<16xi32>
          %parallel_loop3A_222 = arith.constant 128 : i32
          %parallel_loop3A_223 = vector.broadcast %parallel_loop3A_222 : i32 to vector<16xi32>
          %parallel_loop3A_224 = arith.addi %parallel_loop3A_221, %parallel_loop3A_223 : vector<16xi32>
          %parallel_loop3A_225 = tpu.vector_load_idx %arg9[%broadcast_in_dim3A_138, %parallel_loop3A_224, %iota3A] : memref<2x1280x16xf32, #tpu.memory_space<vmem>>[vector<16xi32>, vector<16xi32>, vector<16xi32>], vector<16xf32>,
          %parallel_loop3A_226 = tpu.vector_load_idx %arg10[%broadcast_in_dim3A_138, %parallel_loop3A_224, %iota3A] : memref<2x1280x16xf32, #tpu.memory_space<vmem>>[vector<16xi32>, vector<16xi32>, vector<16xi32>], vector<16xf32>,
          %parallel_loop3A_227 = arith.addi %add3A_146, %parallel_loop3A_221 : vector<16xi32>
          %parallel_loop3A_228 = arith.addf %parallel_loop3A_225, %parallel_loop3A_226 : vector<16xf32>
          tpu.vector_store_idx %arg11[%parallel_loop3A_227], %parallel_loop3A_228 {add = true} : memref<20480xf32, #tpu.memory_space<vmem>>[vector<16xi32>], vector<16xf32>,
        } {sc.loop_unroll_factor = 8 : i64, sc.parallel_access}
        %add3A_150 = arith.constant 2048 : i32
        %add3A_151 = vector.broadcast %add3A_150 : i32 to vector<16xi32>
        %add3A_152 = arith.addi %add3A_18, %add3A_151 : vector<16xi32>
        %parallel_loop3A_153 = arith.constant 0 : i32
        %parallel_loop3A_154 = arith.constant 128 : i32
        %parallel_loop3A_155 = arith.constant 1 : i32
        scf.for %parallel_loop3A_216 = %parallel_loop3A_153 to %parallel_loop3A_154 step %parallel_loop3A_155  : i32 {
          %parallel_loop3A_217 = vector.broadcast %parallel_loop3A_216 : i32 to vector<16xi32>
          %parallel_loop3A_218 = arith.addi %parallel_loop3A_217, %iota3A : vector<16xi32>
          %parallel_loop3A_219 = arith.constant 127 : i32
          %parallel_loop3A_220 = vector.broadcast %parallel_loop3A_219 : i32 to vector<16xi32>
          %parallel_loop3A_221 = arith.andi %parallel_loop3A_218, %parallel_loop3A_220 : vector<16xi32>
          %parallel_loop3A_222 = arith.constant 256 : i32
          %parallel_loop3A_223 = vector.broadcast %parallel_loop3A_222 : i32 to vector<16xi32>
          %parallel_loop3A_224 = arith.addi %parallel_loop3A_221, %parallel_loop3A_223 : vector<16xi32>
          %parallel_loop3A_225 = tpu.vector_load_idx %arg9[%broadcast_in_dim3A_138, %parallel_loop3A_224, %iota3A] : memref<2x1280x16xf32, #tpu.memory_space<vmem>>[vector<16xi32>, vector<16xi32>, vector<16xi32>], vector<16xf32>,
          %parallel_loop3A_226 = tpu.vector_load_idx %arg10[%broadcast_in_dim3A_138, %parallel_loop3A_224, %iota3A] : memref<2x1280x16xf32, #tpu.memory_space<vmem>>[vector<16xi32>, vector<16xi32>, vector<16xi32>], vector<16xf32>,
          %parallel_loop3A_227 = arith.addi %add3A_152, %parallel_loop3A_221 : vector<16xi32>
          %parallel_loop3A_228 = arith.addf %parallel_loop3A_225, %parallel_loop3A_226 : vector<16xf32>
          tpu.vector_store_idx %arg11[%parallel_loop3A_227], %parallel_loop3A_228 {add = true} : memref<20480xf32, #tpu.memory_space<vmem>>[vector<16xi32>], vector<16xf32>,
        } {sc.loop_unroll_factor = 8 : i64, sc.parallel_access}
        %add3A_156 = arith.constant 3072 : i32
        %add3A_157 = vector.broadcast %add3A_156 : i32 to vector<16xi32>
        %add3A_158 = arith.addi %add3A_18, %add3A_157 : vector<16xi32>
        %parallel_loop3A_159 = arith.constant 0 : i32
        %parallel_loop3A_160 = arith.constant 128 : i32
        %parallel_loop3A_161 = arith.constant 1 : i32
        scf.for %parallel_loop3A_216 = %parallel_loop3A_159 to %parallel_loop3A_160 step %parallel_loop3A_161  : i32 {
          %parallel_loop3A_217 = vector.broadcast %parallel_loop3A_216 : i32 to vector<16xi32>
          %parallel_loop3A_218 = arith.addi %parallel_loop3A_217, %iota3A : vector<16xi32>
          %parallel_loop3A_219 = arith.constant 127 : i32
          %parallel_loop3A_220 = vector.broadcast %parallel_loop3A_219 : i32 to vector<16xi32>
          %parallel_loop3A_221 = arith.andi %parallel_loop3A_218, %parallel_loop3A_220 : vector<16xi32>
          %parallel_loop3A_222 = arith.constant 384 : i32
          %parallel_loop3A_223 = vector.broadcast %parallel_loop3A_222 : i32 to vector<16xi32>
          %parallel_loop3A_224 = arith.addi %parallel_loop3A_221, %parallel_loop3A_223 : vector<16xi32>
          %parallel_loop3A_225 = tpu.vector_load_idx %arg9[%broadcast_in_dim3A_138, %parallel_loop3A_224, %iota3A] : memref<2x1280x16xf32, #tpu.memory_space<vmem>>[vector<16xi32>, vector<16xi32>, vector<16xi32>], vector<16xf32>,
          %parallel_loop3A_226 = tpu.vector_load_idx %arg10[%broadcast_in_dim3A_138, %parallel_loop3A_224, %iota3A] : memref<2x1280x16xf32, #tpu.memory_space<vmem>>[vector<16xi32>, vector<16xi32>, vector<16xi32>], vector<16xf32>,
          %parallel_loop3A_227 = arith.addi %add3A_158, %parallel_loop3A_221 : vector<16xi32>
          %parallel_loop3A_228 = arith.addf %parallel_loop3A_225, %parallel_loop3A_226 : vector<16xf32>
          tpu.vector_store_idx %arg11[%parallel_loop3A_227], %parallel_loop3A_228 {add = true} : memref<20480xf32, #tpu.memory_space<vmem>>[vector<16xi32>], vector<16xf32>,
        } {sc.loop_unroll_factor = 8 : i64, sc.parallel_access}
        %add3A_162 = arith.constant 4096 : i32
        %add3A_163 = vector.broadcast %add3A_162 : i32 to vector<16xi32>
        %add3A_164 = arith.addi %add3A_18, %add3A_163 : vector<16xi32>
        %parallel_loop3A_165 = arith.constant 0 : i32
        %parallel_loop3A_166 = arith.constant 128 : i32
        %parallel_loop3A_167 = arith.constant 1 : i32
        scf.for %parallel_loop3A_216 = %parallel_loop3A_165 to %parallel_loop3A_166 step %parallel_loop3A_167  : i32 {
          %parallel_loop3A_217 = vector.broadcast %parallel_loop3A_216 : i32 to vector<16xi32>
          %parallel_loop3A_218 = arith.addi %parallel_loop3A_217, %iota3A : vector<16xi32>
          %parallel_loop3A_219 = arith.constant 127 : i32
          %parallel_loop3A_220 = vector.broadcast %parallel_loop3A_219 : i32 to vector<16xi32>
          %parallel_loop3A_221 = arith.andi %parallel_loop3A_218, %parallel_loop3A_220 : vector<16xi32>
          %parallel_loop3A_222 = arith.constant 512 : i32
          %parallel_loop3A_223 = vector.broadcast %parallel_loop3A_222 : i32 to vector<16xi32>
          %parallel_loop3A_224 = arith.addi %parallel_loop3A_221, %parallel_loop3A_223 : vector<16xi32>
          %parallel_loop3A_225 = tpu.vector_load_idx %arg9[%broadcast_in_dim3A_138, %parallel_loop3A_224, %iota3A] : memref<2x1280x16xf32, #tpu.memory_space<vmem>>[vector<16xi32>, vector<16xi32>, vector<16xi32>], vector<16xf32>,
          %parallel_loop3A_226 = tpu.vector_load_idx %arg10[%broadcast_in_dim3A_138, %parallel_loop3A_224, %iota3A] : memref<2x1280x16xf32, #tpu.memory_space<vmem>>[vector<16xi32>, vector<16xi32>, vector<16xi32>], vector<16xf32>,
          %parallel_loop3A_227 = arith.addi %add3A_164, %parallel_loop3A_221 : vector<16xi32>
          %parallel_loop3A_228 = arith.addf %parallel_loop3A_225, %parallel_loop3A_226 : vector<16xf32>
          tpu.vector_store_idx %arg11[%parallel_loop3A_227], %parallel_loop3A_228 {add = true} : memref<20480xf32, #tpu.memory_space<vmem>>[vector<16xi32>], vector<16xf32>,
        } {sc.loop_unroll_factor = 8 : i64, sc.parallel_access}
        %add3A_168 = arith.constant 5120 : i32
        %add3A_169 = vector.broadcast %add3A_168 : i32 to vector<16xi32>
        %add3A_170 = arith.addi %add3A_18, %add3A_169 : vector<16xi32>
        %parallel_loop3A_171 = arith.constant 0 : i32
        %parallel_loop3A_172 = arith.constant 128 : i32
        %parallel_loop3A_173 = arith.constant 1 : i32
        scf.for %parallel_loop3A_216 = %parallel_loop3A_171 to %parallel_loop3A_172 step %parallel_loop3A_173  : i32 {
          %parallel_loop3A_217 = vector.broadcast %parallel_loop3A_216 : i32 to vector<16xi32>
          %parallel_loop3A_218 = arith.addi %parallel_loop3A_217, %iota3A : vector<16xi32>
          %parallel_loop3A_219 = arith.constant 127 : i32
          %parallel_loop3A_220 = vector.broadcast %parallel_loop3A_219 : i32 to vector<16xi32>
          %parallel_loop3A_221 = arith.andi %parallel_loop3A_218, %parallel_loop3A_220 : vector<16xi32>
          %parallel_loop3A_222 = arith.constant 640 : i32
          %parallel_loop3A_223 = vector.broadcast %parallel_loop3A_222 : i32 to vector<16xi32>
          %parallel_loop3A_224 = arith.addi %parallel_loop3A_221, %parallel_loop3A_223 : vector<16xi32>
          %parallel_loop3A_225 = tpu.vector_load_idx %arg9[%broadcast_in_dim3A_138, %parallel_loop3A_224, %iota3A] : memref<2x1280x16xf32, #tpu.memory_space<vmem>>[vector<16xi32>, vector<16xi32>, vector<16xi32>], vector<16xf32>,
          %parallel_loop3A_226 = tpu.vector_load_idx %arg10[%broadcast_in_dim3A_138, %parallel_loop3A_224, %iota3A] : memref<2x1280x16xf32, #tpu.memory_space<vmem>>[vector<16xi32>, vector<16xi32>, vector<16xi32>], vector<16xf32>,
          %parallel_loop3A_227 = arith.addi %add3A_170, %parallel_loop3A_221 : vector<16xi32>
          %parallel_loop3A_228 = arith.addf %parallel_loop3A_225, %parallel_loop3A_226 : vector<16xf32>
          tpu.vector_store_idx %arg11[%parallel_loop3A_227], %parallel_loop3A_228 {add = true} : memref<20480xf32, #tpu.memory_space<vmem>>[vector<16xi32>], vector<16xf32>,
        } {sc.loop_unroll_factor = 8 : i64, sc.parallel_access}
        %add3A_174 = arith.constant 6144 : i32
        %add3A_175 = vector.broadcast %add3A_174 : i32 to vector<16xi32>
        %add3A_176 = arith.addi %add3A_18, %add3A_175 : vector<16xi32>
        %parallel_loop3A_177 = arith.constant 0 : i32
        %parallel_loop3A_178 = arith.constant 128 : i32
        %parallel_loop3A_179 = arith.constant 1 : i32
        scf.for %parallel_loop3A_216 = %parallel_loop3A_177 to %parallel_loop3A_178 step %parallel_loop3A_179  : i32 {
          %parallel_loop3A_217 = vector.broadcast %parallel_loop3A_216 : i32 to vector<16xi32>
          %parallel_loop3A_218 = arith.addi %parallel_loop3A_217, %iota3A : vector<16xi32>
          %parallel_loop3A_219 = arith.constant 127 : i32
          %parallel_loop3A_220 = vector.broadcast %parallel_loop3A_219 : i32 to vector<16xi32>
          %parallel_loop3A_221 = arith.andi %parallel_loop3A_218, %parallel_loop3A_220 : vector<16xi32>
          %parallel_loop3A_222 = arith.constant 768 : i32
          %parallel_loop3A_223 = vector.broadcast %parallel_loop3A_222 : i32 to vector<16xi32>
          %parallel_loop3A_224 = arith.addi %parallel_loop3A_221, %parallel_loop3A_223 : vector<16xi32>
          %parallel_loop3A_225 = tpu.vector_load_idx %arg9[%broadcast_in_dim3A_138, %parallel_loop3A_224, %iota3A] : memref<2x1280x16xf32, #tpu.memory_space<vmem>>[vector<16xi32>, vector<16xi32>, vector<16xi32>], vector<16xf32>,
          %parallel_loop3A_226 = tpu.vector_load_idx %arg10[%broadcast_in_dim3A_138, %parallel_loop3A_224, %iota3A] : memref<2x1280x16xf32, #tpu.memory_space<vmem>>[vector<16xi32>, vector<16xi32>, vector<16xi32>], vector<16xf32>,
          %parallel_loop3A_227 = arith.addi %add3A_176, %parallel_loop3A_221 : vector<16xi32>
          %parallel_loop3A_228 = arith.addf %parallel_loop3A_225, %parallel_loop3A_226 : vector<16xf32>
          tpu.vector_store_idx %arg11[%parallel_loop3A_227], %parallel_loop3A_228 {add = true} : memref<20480xf32, #tpu.memory_space<vmem>>[vector<16xi32>], vector<16xf32>,
        } {sc.loop_unroll_factor = 8 : i64, sc.parallel_access}
        %add3A_180 = arith.constant 7168 : i32
        %add3A_181 = vector.broadcast %add3A_180 : i32 to vector<16xi32>
        %add3A_182 = arith.addi %add3A_18, %add3A_181 : vector<16xi32>
        %parallel_loop3A_183 = arith.constant 0 : i32
        %parallel_loop3A_184 = arith.constant 128 : i32
        %parallel_loop3A_185 = arith.constant 1 : i32
        scf.for %parallel_loop3A_216 = %parallel_loop3A_183 to %parallel_loop3A_184 step %parallel_loop3A_185  : i32 {
          %parallel_loop3A_217 = vector.broadcast %parallel_loop3A_216 : i32 to vector<16xi32>
          %parallel_loop3A_218 = arith.addi %parallel_loop3A_217, %iota3A : vector<16xi32>
          %parallel_loop3A_219 = arith.constant 127 : i32
          %parallel_loop3A_220 = vector.broadcast %parallel_loop3A_219 : i32 to vector<16xi32>
          %parallel_loop3A_221 = arith.andi %parallel_loop3A_218, %parallel_loop3A_220 : vector<16xi32>
          %parallel_loop3A_222 = arith.constant 896 : i32
          %parallel_loop3A_223 = vector.broadcast %parallel_loop3A_222 : i32 to vector<16xi32>
          %parallel_loop3A_224 = arith.addi %parallel_loop3A_221, %parallel_loop3A_223 : vector<16xi32>
          %parallel_loop3A_225 = tpu.vector_load_idx %arg9[%broadcast_in_dim3A_138, %parallel_loop3A_224, %iota3A] : memref<2x1280x16xf32, #tpu.memory_space<vmem>>[vector<16xi32>, vector<16xi32>, vector<16xi32>], vector<16xf32>,
          %parallel_loop3A_226 = tpu.vector_load_idx %arg10[%broadcast_in_dim3A_138, %parallel_loop3A_224, %iota3A] : memref<2x1280x16xf32, #tpu.memory_space<vmem>>[vector<16xi32>, vector<16xi32>, vector<16xi32>], vector<16xf32>,
          %parallel_loop3A_227 = arith.addi %add3A_182, %parallel_loop3A_221 : vector<16xi32>
          %parallel_loop3A_228 = arith.addf %parallel_loop3A_225, %parallel_loop3A_226 : vector<16xf32>
          tpu.vector_store_idx %arg11[%parallel_loop3A_227], %parallel_loop3A_228 {add = true} : memref<20480xf32, #tpu.memory_space<vmem>>[vector<16xi32>], vector<16xf32>,
        } {sc.loop_unroll_factor = 8 : i64, sc.parallel_access}
        %add3A_186 = arith.constant 8192 : i32
        %add3A_187 = vector.broadcast %add3A_186 : i32 to vector<16xi32>
        %add3A_188 = arith.addi %add3A_18, %add3A_187 : vector<16xi32>
        %parallel_loop3A_189 = arith.constant 0 : i32
        %parallel_loop3A_190 = arith.constant 128 : i32
        %parallel_loop3A_191 = arith.constant 1 : i32
        scf.for %parallel_loop3A_216 = %parallel_loop3A_189 to %parallel_loop3A_190 step %parallel_loop3A_191  : i32 {
          %parallel_loop3A_217 = vector.broadcast %parallel_loop3A_216 : i32 to vector<16xi32>
          %parallel_loop3A_218 = arith.addi %parallel_loop3A_217, %iota3A : vector<16xi32>
          %parallel_loop3A_219 = arith.constant 127 : i32
          %parallel_loop3A_220 = vector.broadcast %parallel_loop3A_219 : i32 to vector<16xi32>
          %parallel_loop3A_221 = arith.andi %parallel_loop3A_218, %parallel_loop3A_220 : vector<16xi32>
          %parallel_loop3A_222 = arith.constant 1024 : i32
          %parallel_loop3A_223 = vector.broadcast %parallel_loop3A_222 : i32 to vector<16xi32>
          %parallel_loop3A_224 = arith.addi %parallel_loop3A_221, %parallel_loop3A_223 : vector<16xi32>
          %parallel_loop3A_225 = tpu.vector_load_idx %arg9[%broadcast_in_dim3A_138, %parallel_loop3A_224, %iota3A] : memref<2x1280x16xf32, #tpu.memory_space<vmem>>[vector<16xi32>, vector<16xi32>, vector<16xi32>], vector<16xf32>,
          %parallel_loop3A_226 = tpu.vector_load_idx %arg10[%broadcast_in_dim3A_138, %parallel_loop3A_224, %iota3A] : memref<2x1280x16xf32, #tpu.memory_space<vmem>>[vector<16xi32>, vector<16xi32>, vector<16xi32>], vector<16xf32>,
          %parallel_loop3A_227 = arith.addi %add3A_188, %parallel_loop3A_221 : vector<16xi32>
          %parallel_loop3A_228 = arith.addf %parallel_loop3A_225, %parallel_loop3A_226 : vector<16xf32>
          tpu.vector_store_idx %arg11[%parallel_loop3A_227], %parallel_loop3A_228 {add = true} : memref<20480xf32, #tpu.memory_space<vmem>>[vector<16xi32>], vector<16xf32>,
        } {sc.loop_unroll_factor = 8 : i64, sc.parallel_access}
        %add3A_192 = arith.constant 9216 : i32
        %add3A_193 = vector.broadcast %add3A_192 : i32 to vector<16xi32>
        %add3A_194 = arith.addi %add3A_18, %add3A_193 : vector<16xi32>
        %parallel_loop3A_195 = arith.constant 0 : i32
        %parallel_loop3A_196 = arith.constant 128 : i32
        %parallel_loop3A_197 = arith.constant 1 : i32
        scf.for %parallel_loop3A_216 = %parallel_loop3A_195 to %parallel_loop3A_196 step %parallel_loop3A_197  : i32 {
          %parallel_loop3A_217 = vector.broadcast %parallel_loop3A_216 : i32 to vector<16xi32>
          %parallel_loop3A_218 = arith.addi %parallel_loop3A_217, %iota3A : vector<16xi32>
          %parallel_loop3A_219 = arith.constant 127 : i32
          %parallel_loop3A_220 = vector.broadcast %parallel_loop3A_219 : i32 to vector<16xi32>
          %parallel_loop3A_221 = arith.andi %parallel_loop3A_218, %parallel_loop3A_220 : vector<16xi32>
          %parallel_loop3A_222 = arith.constant 1152 : i32
          %parallel_loop3A_223 = vector.broadcast %parallel_loop3A_222 : i32 to vector<16xi32>
          %parallel_loop3A_224 = arith.addi %parallel_loop3A_221, %parallel_loop3A_223 : vector<16xi32>
          %parallel_loop3A_225 = tpu.vector_load_idx %arg9[%broadcast_in_dim3A_138, %parallel_loop3A_224, %iota3A] : memref<2x1280x16xf32, #tpu.memory_space<vmem>>[vector<16xi32>, vector<16xi32>, vector<16xi32>], vector<16xf32>,
          %parallel_loop3A_226 = tpu.vector_load_idx %arg10[%broadcast_in_dim3A_138, %parallel_loop3A_224, %iota3A] : memref<2x1280x16xf32, #tpu.memory_space<vmem>>[vector<16xi32>, vector<16xi32>, vector<16xi32>], vector<16xf32>,
          %parallel_loop3A_227 = arith.addi %add3A_194, %parallel_loop3A_221 : vector<16xi32>
          %parallel_loop3A_228 = arith.addf %parallel_loop3A_225, %parallel_loop3A_226 : vector<16xf32>
          tpu.vector_store_idx %arg11[%parallel_loop3A_227], %parallel_loop3A_228 {add = true} : memref<20480xf32, #tpu.memory_space<vmem>>[vector<16xi32>], vector<16xf32>,
        } {sc.loop_unroll_factor = 8 : i64, sc.parallel_access}
        %mul3A_198 = arith.constant 1024 : i32
        %mul3A_199 = arith.muli %mul3A_101, %mul3A_198 : i32
        %dma_start3A_200 = arith.constant 0 : i32
        %dma_start3A_201 = tpu.memref_slice %arg11[%dma_start3A_200] : memref<20480xf32, #tpu.memory_space<vmem>> -> memref<10240xf32, #tpu.memory_space<vmem>>
        %dma_start3A_202 = tpu.memref_slice %arg6[%mul3A_199] : memref<5120000xf32, #tpu.memory_space<hbm>> -> memref<10240xf32, #tpu.memory_space<hbm>>
        %dma_start3A_203 = tpu.memref_slice %arg6[%mul3A_199] : memref<5120000xf32, #tpu.memory_space<hbm>> -> memref<10240xf32, #tpu.memory_space<hbm>>
        %dma_start3A_204 = arith.constant 0 : i32
        %dma_start3A_205 = tpu.memref_slice %arg11[%dma_start3A_204] : memref<20480xf32, #tpu.memory_space<vmem>> -> memref<10240xf32, #tpu.memory_space<vmem>>
        tpu.enqueue_dma source(%dma_start3A_205 : memref<10240xf32, #tpu.memory_space<vmem>>) target(%dma_start3A_203 : memref<10240xf32, #tpu.memory_space<hbm>>) target_semaphore(%arg16 : memref<!tpu.dma_semaphore, #tpu.memory_space<semaphore_mem>>)
        %mul3A_206 = arith.constant 1024 : i32
        %mul3A_207 = arith.muli %mul3A_101, %mul3A_206 : i32
        %add3A_208 = arith.constant 2560000 : i32
        %add3A_209 = arith.addi %add3A_208, %mul3A_207 : i32
        %dma_start3A_210 = arith.constant 10240 : i32
        %dma_start3A_211 = tpu.memref_slice %arg11[%dma_start3A_210] : memref<20480xf32, #tpu.memory_space<vmem>> -> memref<10240xf32, #tpu.memory_space<vmem>>
        %dma_start3A_212 = tpu.memref_slice %arg6[%add3A_209] : memref<5120000xf32, #tpu.memory_space<hbm>> -> memref<10240xf32, #tpu.memory_space<hbm>>
        %dma_start3A_213 = tpu.memref_slice %arg6[%add3A_209] : memref<5120000xf32, #tpu.memory_space<hbm>> -> memref<10240xf32, #tpu.memory_space<hbm>>
        %dma_start3A_214 = arith.constant 10240 : i32
        %dma_start3A_215 = tpu.memref_slice %arg11[%dma_start3A_214] : memref<20480xf32, #tpu.memory_space<vmem>> -> memref<10240xf32, #tpu.memory_space<vmem>>
        tpu.enqueue_dma source(%dma_start3A_215 : memref<10240xf32, #tpu.memory_space<vmem>>) target(%dma_start3A_213 : memref<10240xf32, #tpu.memory_space<hbm>>) target_semaphore(%arg16 : memref<!tpu.dma_semaphore, #tpu.memory_space<semaphore_mem>>)
      } else {
      }
      %mul3A_77 = arith.constant 2 : i32
      %mul3A_78 = arith.muli %mul3A_77, %scan3A_67 : i32
      %add3A_79 = arith.constant 1 : i32
      %add3A_80 = arith.addi %mul3A_78, %add3A_79 : i32
      %mul3A_81 = arith.constant 32 : i32
      %mul3A_82 = arith.muli %add3A_80, %mul3A_81 : i32
      %add3A_83 = arith.addi %add3A, %mul3A_82 : i32
      %lt3A_84 = arith.constant 250 : i32
      %lt3A_85 = arith.cmpi slt, %add3A_83, %lt3A_84 : i32
      %convert_element_type3A_86 = arith.extui %lt3A_85 : i1 to i32
      %cond3A_87 = arith.constant 0 : i32
      %cond3A_88 = arith.cmpi ne, %convert_element_type3A_86, %cond3A_87 : i32
      scf.if %cond3A_88 {
        %add3A_89 = arith.constant 32 : i32
        %add3A_90 = arith.addi %add3A_83, %add3A_89 : i32
        %lt3A_91 = arith.constant 250 : i32
        %lt3A_92 = arith.cmpi slt, %add3A_90, %lt3A_91 : i32
        %convert_element_type3A_93 = arith.extui %lt3A_92 : i1 to i32
        %cond3A_94 = arith.constant 0 : i32
        %cond3A_95 = arith.cmpi ne, %convert_element_type3A_93, %cond3A_94 : i32
        scf.if %cond3A_95 {
          %mul3A_216 = arith.constant 1280 : i32
          %mul3A_217 = arith.muli %add3A_90, %mul3A_216 : i32
          %run_scoped3A_218 = arith.constant 0 : i32
          %run_scoped3A_219 = arith.constant 0 : i32
          "tpu.region"() ({
            %run_scoped3A_246 = tpu.sem_alloc : memref<!tpu.dma_semaphore, #tpu.memory_space<semaphore_mem>>
            %dma_start3A_247 = arith.constant 0 : i32
            %dma_start3A_248 = tpu.memref_slice %arg7[%run_scoped3A_219, %dma_start3A_247] : memref<2x1280xi32, #tpu.memory_space<vmem>> -> memref<1x1280xi32, #tpu.memory_space<vmem>>
            %dma_start3A_249 = tpu.memref_squeeze %dma_start3A_248 : memref<1x1280xi32, #tpu.memory_space<vmem>> -> memref<1280xi32, #tpu.memory_space<vmem>>
            %dma_start3A_250 = tpu.memref_slice %arg2[%run_scoped3A_218, %mul3A_217] : memref<2x320000xi32, #tpu.memory_space<hbm>> -> memref<1x1280xi32, #tpu.memory_space<hbm>>
            %dma_start3A_251 = tpu.memref_squeeze %dma_start3A_250 : memref<1x1280xi32, #tpu.memory_space<hbm>> -> memref<1280xi32, #tpu.memory_space<hbm>>
            %dma_start3A_252 = arith.constant 0 : i32
            %dma_start3A_253 = tpu.memref_slice %arg7[%run_scoped3A_219, %dma_start3A_252] : memref<2x1280xi32, #tpu.memory_space<vmem>> -> memref<1x1280xi32, #tpu.memory_space<vmem>>
            %dma_start3A_254 = tpu.memref_squeeze %dma_start3A_253 : memref<1x1280xi32, #tpu.memory_space<vmem>> -> memref<1280xi32, #tpu.memory_space<vmem>>
            %dma_start3A_255 = tpu.memref_slice %arg2[%run_scoped3A_218, %mul3A_217] : memref<2x320000xi32, #tpu.memory_space<hbm>> -> memref<1x1280xi32, #tpu.memory_space<hbm>>
            %dma_start3A_256 = tpu.memref_squeeze %dma_start3A_255 : memref<1x1280xi32, #tpu.memory_space<hbm>> -> memref<1280xi32, #tpu.memory_space<hbm>>
            tpu.enqueue_dma source(%dma_start3A_256 : memref<1280xi32, #tpu.memory_space<hbm>>) target(%dma_start3A_254 : memref<1280xi32, #tpu.memory_space<vmem>>) target_semaphore(%run_scoped3A_246 : memref<!tpu.dma_semaphore, #tpu.memory_space<semaphore_mem>>)
            %dma_wait3A_257 = arith.constant 0 : i32
            %dma_wait3A_258 = tpu.memref_slice %arg7[%run_scoped3A_219, %dma_wait3A_257] : memref<2x1280xi32, #tpu.memory_space<vmem>> -> memref<1x1280xi32, #tpu.memory_space<vmem>>
            %dma_wait3A_259 = tpu.memref_squeeze %dma_wait3A_258 : memref<1x1280xi32, #tpu.memory_space<vmem>> -> memref<1280xi32, #tpu.memory_space<vmem>>
            %dma_wait3A_260 = tpu.memref_slice %arg2[%run_scoped3A_218, %mul3A_217] : memref<2x320000xi32, #tpu.memory_space<hbm>> -> memref<1x1280xi32, #tpu.memory_space<hbm>>
            %dma_wait3A_261 = tpu.memref_squeeze %dma_wait3A_260 : memref<1x1280xi32, #tpu.memory_space<hbm>> -> memref<1280xi32, #tpu.memory_space<hbm>>
            %dma_wait3A_262 = arith.constant 0 : i32
            %dma_wait3A_263 = tpu.memref_slice %arg7[%run_scoped3A_219, %dma_wait3A_262] : memref<2x1280xi32, #tpu.memory_space<vmem>> -> memref<1x1280xi32, #tpu.memory_space<vmem>>
            %dma_wait3A_264 = tpu.memref_squeeze %dma_wait3A_263 : memref<1x1280xi32, #tpu.memory_space<vmem>> -> memref<1280xi32, #tpu.memory_space<vmem>>
            %dma_wait3A_265 = tpu.memref_slice %arg2[%run_scoped3A_218, %mul3A_217] : memref<2x320000xi32, #tpu.memory_space<hbm>> -> memref<1x1280xi32, #tpu.memory_space<hbm>>
            %dma_wait3A_266 = tpu.memref_squeeze %dma_wait3A_265 : memref<1x1280xi32, #tpu.memory_space<hbm>> -> memref<1280xi32, #tpu.memory_space<hbm>>
            tpu.wait_dma2 semaphore(%run_scoped3A_246 : memref<!tpu.dma_semaphore, #tpu.memory_space<semaphore_mem>>) src(%dma_wait3A_266 : memref<1280xi32, #tpu.memory_space<hbm>>) dst(%dma_wait3A_264 : memref<1280xi32, #tpu.memory_space<vmem>>)
            tpu.yield
          }) : () -> ()
          %run_scoped3A_220 = arith.constant 1 : i32
          %run_scoped3A_221 = arith.constant 0 : i32
          "tpu.region"() ({
            %run_scoped3A_246 = tpu.sem_alloc : memref<!tpu.dma_semaphore, #tpu.memory_space<semaphore_mem>>
            %dma_start3A_247 = arith.constant 0 : i32
            %dma_start3A_248 = tpu.memref_slice %arg8[%run_scoped3A_221, %dma_start3A_247] : memref<2x1280xi32, #tpu.memory_space<vmem>> -> memref<1x1280xi32, #tpu.memory_space<vmem>>
            %dma_start3A_249 = tpu.memref_squeeze %dma_start3A_248 : memref<1x1280xi32, #tpu.memory_space<vmem>> -> memref<1280xi32, #tpu.memory_space<vmem>>
            %dma_start3A_250 = tpu.memref_slice %arg2[%run_scoped3A_220, %mul3A_217] : memref<2x320000xi32, #tpu.memory_space<hbm>> -> memref<1x1280xi32, #tpu.memory_space<hbm>>
            %dma_start3A_251 = tpu.memref_squeeze %dma_start3A_250 : memref<1x1280xi32, #tpu.memory_space<hbm>> -> memref<1280xi32, #tpu.memory_space<hbm>>
            %dma_start3A_252 = arith.constant 0 : i32
            %dma_start3A_253 = tpu.memref_slice %arg8[%run_scoped3A_221, %dma_start3A_252] : memref<2x1280xi32, #tpu.memory_space<vmem>> -> memref<1x1280xi32, #tpu.memory_space<vmem>>
            %dma_start3A_254 = tpu.memref_squeeze %dma_start3A_253 : memref<1x1280xi32, #tpu.memory_space<vmem>> -> memref<1280xi32, #tpu.memory_space<vmem>>
            %dma_start3A_255 = tpu.memref_slice %arg2[%run_scoped3A_220, %mul3A_217] : memref<2x320000xi32, #tpu.memory_space<hbm>> -> memref<1x1280xi32, #tpu.memory_space<hbm>>
            %dma_start3A_256 = tpu.memref_squeeze %dma_start3A_255 : memref<1x1280xi32, #tpu.memory_space<hbm>> -> memref<1280xi32, #tpu.memory_space<hbm>>
            tpu.enqueue_dma source(%dma_start3A_256 : memref<1280xi32, #tpu.memory_space<hbm>>) target(%dma_start3A_254 : memref<1280xi32, #tpu.memory_space<vmem>>) target_semaphore(%run_scoped3A_246 : memref<!tpu.dma_semaphore, #tpu.memory_space<semaphore_mem>>)
            %dma_wait3A_257 = arith.constant 0 : i32
            %dma_wait3A_258 = tpu.memref_slice %arg8[%run_scoped3A_221, %dma_wait3A_257] : memref<2x1280xi32, #tpu.memory_space<vmem>> -> memref<1x1280xi32, #tpu.memory_space<vmem>>
            %dma_wait3A_259 = tpu.memref_squeeze %dma_wait3A_258 : memref<1x1280xi32, #tpu.memory_space<vmem>> -> memref<1280xi32, #tpu.memory_space<vmem>>
            %dma_wait3A_260 = tpu.memref_slice %arg2[%run_scoped3A_220, %mul3A_217] : memref<2x320000xi32, #tpu.memory_space<hbm>> -> memref<1x1280xi32, #tpu.memory_space<hbm>>
            %dma_wait3A_261 = tpu.memref_squeeze %dma_wait3A_260 : memref<1x1280xi32, #tpu.memory_space<hbm>> -> memref<1280xi32, #tpu.memory_space<hbm>>
            %dma_wait3A_262 = arith.constant 0 : i32
            %dma_wait3A_263 = tpu.memref_slice %arg8[%run_scoped3A_221, %dma_wait3A_262] : memref<2x1280xi32, #tpu.memory_space<vmem>> -> memref<1x1280xi32, #tpu.memory_space<vmem>>
            %dma_wait3A_264 = tpu.memref_squeeze %dma_wait3A_263 : memref<1x1280xi32, #tpu.memory_space<vmem>> -> memref<1280xi32, #tpu.memory_space<vmem>>
            %dma_wait3A_265 = tpu.memref_slice %arg2[%run_scoped3A_220, %mul3A_217] : memref<2x320000xi32, #tpu.memory_space<hbm>> -> memref<1x1280xi32, #tpu.memory_space<hbm>>
            %dma_wait3A_266 = tpu.memref_squeeze %dma_wait3A_265 : memref<1x1280xi32, #tpu.memory_space<hbm>> -> memref<1280xi32, #tpu.memory_space<hbm>>
            tpu.wait_dma2 semaphore(%run_scoped3A_246 : memref<!tpu.dma_semaphore, #tpu.memory_space<semaphore_mem>>) src(%dma_wait3A_266 : memref<1280xi32, #tpu.memory_space<hbm>>) dst(%dma_wait3A_264 : memref<1280xi32, #tpu.memory_space<vmem>>)
            tpu.yield
          }) : () -> ()
          %dma_start3A_222 = arith.constant 0 : i32
          %dma_start3A_223 = arith.constant 0 : i32
          %dma_start3A_224 = arith.constant 0 : i32
          %dma_start3A_225 = arith.constant 0 : i32
          %dma_start3A_226 = tpu.memref_slice %arg9[%dma_start3A_223, %dma_start3A_224, %dma_start3A_225] : memref<2x1280x16xf32, #tpu.memory_space<vmem>> -> memref<1x1280x16xf32, #tpu.memory_space<vmem>>
          %dma_start3A_227 = tpu.memref_squeeze %dma_start3A_226 : memref<1x1280x16xf32, #tpu.memory_space<vmem>> -> memref<1280x16xf32, #tpu.memory_space<vmem>>
          %dma_start3A_228 = arith.constant 0 : i32
          %dma_start3A_229 = tpu.memref_slice %arg7[%dma_start3A_222, %dma_start3A_228] : memref<2x1280xi32, #tpu.memory_space<vmem>> -> memref<1x1280xi32, #tpu.memory_space<vmem>>
          %dma_start3A_230 = tpu.memref_squeeze %dma_start3A_229 : memref<1x1280xi32, #tpu.memory_space<vmem>> -> memref<1280xi32, #tpu.memory_space<vmem>>
          %dma_start3A_231 = arith.constant 0 : i32
          %dma_start3A_232 = arith.constant 0 : i32
          %dma_start3A_233 = tpu.memref_slice %arg12[%dma_start3A_231, %dma_start3A_232] : memref<10000x16xf32, #tpu.memory_space<vmem_shared>> -> memref<10000x16xf32, #tpu.memory_space<vmem_shared>>
          tpu.enqueue_indirect_dma source(%dma_start3A_233 : memref<10000x16xf32, #tpu.memory_space<vmem_shared>>) target(%dma_start3A_227 : memref<1280x16xf32, #tpu.memory_space<vmem>>) offsets(%dma_start3A_230 : memref<1280xi32, #tpu.memory_space<vmem>>) semaphore(%arg14 : memref<!tpu.dma_semaphore, #tpu.memory_space<semaphore_mem>>)
          %dma_start3A_234 = arith.constant 0 : i32
          %dma_start3A_235 = arith.constant 0 : i32
          %dma_start3A_236 = arith.constant 0 : i32
          %dma_start3A_237 = arith.constant 0 : i32
          %dma_start3A_238 = tpu.memref_slice %arg10[%dma_start3A_235, %dma_start3A_236, %dma_start3A_237] : memref<2x1280x16xf32, #tpu.memory_space<vmem>> -> memref<1x1280x16xf32, #tpu.memory_space<vmem>>
          %dma_start3A_239 = tpu.memref_squeeze %dma_start3A_238 : memref<1x1280x16xf32, #tpu.memory_space<vmem>> -> memref<1280x16xf32, #tpu.memory_space<vmem>>
          %dma_start3A_240 = arith.constant 0 : i32
          %dma_start3A_241 = tpu.memref_slice %arg8[%dma_start3A_234, %dma_start3A_240] : memref<2x1280xi32, #tpu.memory_space<vmem>> -> memref<1x1280xi32, #tpu.memory_space<vmem>>
          %dma_start3A_242 = tpu.memref_squeeze %dma_start3A_241 : memref<1x1280xi32, #tpu.memory_space<vmem>> -> memref<1280xi32, #tpu.memory_space<vmem>>
          %dma_start3A_243 = arith.constant 0 : i32
          %dma_start3A_244 = arith.constant 0 : i32
          %dma_start3A_245 = tpu.memref_slice %arg13[%dma_start3A_243, %dma_start3A_244] : memref<10000x16xf32, #tpu.memory_space<vmem_shared>> -> memref<10000x16xf32, #tpu.memory_space<vmem_shared>>
          tpu.enqueue_indirect_dma source(%dma_start3A_245 : memref<10000x16xf32, #tpu.memory_space<vmem_shared>>) target(%dma_start3A_239 : memref<1280x16xf32, #tpu.memory_space<vmem>>) offsets(%dma_start3A_242 : memref<1280xi32, #tpu.memory_space<vmem>>) semaphore(%arg14 : memref<!tpu.dma_semaphore, #tpu.memory_space<semaphore_mem>>)
        } else {
        }
        %ge3A = arith.constant 1 : i32
        %ge3A_96 = arith.cmpi sge, %add3A_80, %ge3A : i32
        %convert_element_type3A_97 = arith.extui %ge3A_96 : i1 to i32
        %cond3A_98 = arith.constant 0 : i32
        %cond3A_99 = arith.cmpi ne, %convert_element_type3A_97, %cond3A_98 : i32
        scf.if %cond3A_99 {
          %dma_wait3A_216 = arith.constant 0 : i32
          %dma_wait3A_217 = tpu.memref_slice %arg11[%dma_wait3A_216] : memref<20480xf32, #tpu.memory_space<vmem>> -> memref<10240xf32, #tpu.memory_space<vmem>>
          %dma_wait3A_218 = arith.constant 0 : i32
          %dma_wait3A_219 = tpu.memref_slice %arg5[%dma_wait3A_218] : memref<5120000xf32, #tpu.memory_space<hbm>> -> memref<10240xf32, #tpu.memory_space<hbm>>
          %dma_wait3A_220 = arith.constant 0 : i32
          %dma_wait3A_221 = tpu.memref_slice %arg11[%dma_wait3A_220] : memref<20480xf32, #tpu.memory_space<vmem>> -> memref<10240xf32, #tpu.memory_space<vmem>>
          %dma_wait3A_222 = arith.constant 0 : i32
          %dma_wait3A_223 = tpu.memref_slice %arg5[%dma_wait3A_222] : memref<5120000xf32, #tpu.memory_space<hbm>> -> memref<10240xf32, #tpu.memory_space<hbm>>
          tpu.wait_dma2 semaphore(%arg16 : memref<!tpu.dma_semaphore, #tpu.memory_space<semaphore_mem>>) src(%dma_wait3A_223 : memref<10240xf32, #tpu.memory_space<hbm>>) dst(%dma_wait3A_221 : memref<10240xf32, #tpu.memory_space<vmem>>)
          %dma_wait3A_224 = arith.constant 10240 : i32
          %dma_wait3A_225 = tpu.memref_slice %arg11[%dma_wait3A_224] : memref<20480xf32, #tpu.memory_space<vmem>> -> memref<10240xf32, #tpu.memory_space<vmem>>
          %dma_wait3A_226 = arith.constant 0 : i32
          %dma_wait3A_227 = tpu.memref_slice %arg5[%dma_wait3A_226] : memref<5120000xf32, #tpu.memory_space<hbm>> -> memref<10240xf32, #tpu.memory_space<hbm>>
          %dma_wait3A_228 = arith.constant 10240 : i32
          %dma_wait3A_229 = tpu.memref_slice %arg11[%dma_wait3A_228] : memref<20480xf32, #tpu.memory_space<vmem>> -> memref<10240xf32, #tpu.memory_space<vmem>>
          %dma_wait3A_230 = arith.constant 0 : i32
          %dma_wait3A_231 = tpu.memref_slice %arg5[%dma_wait3A_230] : memref<5120000xf32, #tpu.memory_space<hbm>> -> memref<10240xf32, #tpu.memory_space<hbm>>
          tpu.wait_dma2 semaphore(%arg16 : memref<!tpu.dma_semaphore, #tpu.memory_space<semaphore_mem>>) src(%dma_wait3A_231 : memref<10240xf32, #tpu.memory_space<hbm>>) dst(%dma_wait3A_229 : memref<10240xf32, #tpu.memory_space<vmem>>)
        } else {
        }
        %mul3A_100 = arith.constant 10 : i32
        %mul3A_101 = arith.muli %add3A_83, %mul3A_100 : i32
        %mul3A_102 = arith.constant 1024 : i32
        %mul3A_103 = arith.muli %mul3A_101, %mul3A_102 : i32
        "tpu.region"() ({
          %run_scoped3A_216 = tpu.sem_alloc : memref<!tpu.dma_semaphore, #tpu.memory_space<semaphore_mem>>
          %dma_start3A_217 = arith.constant 0 : i32
          %dma_start3A_218 = tpu.memref_slice %arg11[%dma_start3A_217] : memref<20480xf32, #tpu.memory_space<vmem>> -> memref<10240xf32, #tpu.memory_space<vmem>>
          %dma_start3A_219 = tpu.memref_slice %arg5[%mul3A_103] : memref<5120000xf32, #tpu.memory_space<hbm>> -> memref<10240xf32, #tpu.memory_space<hbm>>
          %dma_start3A_220 = arith.constant 0 : i32
          %dma_start3A_221 = tpu.memref_slice %arg11[%dma_start3A_220] : memref<20480xf32, #tpu.memory_space<vmem>> -> memref<10240xf32, #tpu.memory_space<vmem>>
          %dma_start3A_222 = tpu.memref_slice %arg5[%mul3A_103] : memref<5120000xf32, #tpu.memory_space<hbm>> -> memref<10240xf32, #tpu.memory_space<hbm>>
          tpu.enqueue_dma source(%dma_start3A_222 : memref<10240xf32, #tpu.memory_space<hbm>>) target(%dma_start3A_221 : memref<10240xf32, #tpu.memory_space<vmem>>) target_semaphore(%run_scoped3A_216 : memref<!tpu.dma_semaphore, #tpu.memory_space<semaphore_mem>>)
          %dma_wait3A_223 = arith.constant 0 : i32
          %dma_wait3A_224 = tpu.memref_slice %arg11[%dma_wait3A_223] : memref<20480xf32, #tpu.memory_space<vmem>> -> memref<10240xf32, #tpu.memory_space<vmem>>
          %dma_wait3A_225 = tpu.memref_slice %arg5[%mul3A_103] : memref<5120000xf32, #tpu.memory_space<hbm>> -> memref<10240xf32, #tpu.memory_space<hbm>>
          %dma_wait3A_226 = arith.constant 0 : i32
          %dma_wait3A_227 = tpu.memref_slice %arg11[%dma_wait3A_226] : memref<20480xf32, #tpu.memory_space<vmem>> -> memref<10240xf32, #tpu.memory_space<vmem>>
          %dma_wait3A_228 = tpu.memref_slice %arg5[%mul3A_103] : memref<5120000xf32, #tpu.memory_space<hbm>> -> memref<10240xf32, #tpu.memory_space<hbm>>
          tpu.wait_dma2 semaphore(%run_scoped3A_216 : memref<!tpu.dma_semaphore, #tpu.memory_space<semaphore_mem>>) src(%dma_wait3A_228 : memref<10240xf32, #tpu.memory_space<hbm>>) dst(%dma_wait3A_227 : memref<10240xf32, #tpu.memory_space<vmem>>)
          tpu.yield
        }) : () -> ()
        %mul3A_104 = arith.constant 1024 : i32
        %mul3A_105 = arith.muli %mul3A_101, %mul3A_104 : i32
        %add3A_106 = arith.constant 2560000 : i32
        %add3A_107 = arith.addi %add3A_106, %mul3A_105 : i32
        "tpu.region"() ({
          %run_scoped3A_216 = tpu.sem_alloc : memref<!tpu.dma_semaphore, #tpu.memory_space<semaphore_mem>>
          %dma_start3A_217 = arith.constant 10240 : i32
          %dma_start3A_218 = tpu.memref_slice %arg11[%dma_start3A_217] : memref<20480xf32, #tpu.memory_space<vmem>> -> memref<10240xf32, #tpu.memory_space<vmem>>
          %dma_start3A_219 = tpu.memref_slice %arg5[%add3A_107] : memref<5120000xf32, #tpu.memory_space<hbm>> -> memref<10240xf32, #tpu.memory_space<hbm>>
          %dma_start3A_220 = arith.constant 10240 : i32
          %dma_start3A_221 = tpu.memref_slice %arg11[%dma_start3A_220] : memref<20480xf32, #tpu.memory_space<vmem>> -> memref<10240xf32, #tpu.memory_space<vmem>>
          %dma_start3A_222 = tpu.memref_slice %arg5[%add3A_107] : memref<5120000xf32, #tpu.memory_space<hbm>> -> memref<10240xf32, #tpu.memory_space<hbm>>
          tpu.enqueue_dma source(%dma_start3A_222 : memref<10240xf32, #tpu.memory_space<hbm>>) target(%dma_start3A_221 : memref<10240xf32, #tpu.memory_space<vmem>>) target_semaphore(%run_scoped3A_216 : memref<!tpu.dma_semaphore, #tpu.memory_space<semaphore_mem>>)
          %dma_wait3A_223 = arith.constant 10240 : i32
          %dma_wait3A_224 = tpu.memref_slice %arg11[%dma_wait3A_223] : memref<20480xf32, #tpu.memory_space<vmem>> -> memref<10240xf32, #tpu.memory_space<vmem>>
          %dma_wait3A_225 = tpu.memref_slice %arg5[%add3A_107] : memref<5120000xf32, #tpu.memory_space<hbm>> -> memref<10240xf32, #tpu.memory_space<hbm>>
          %dma_wait3A_226 = arith.constant 10240 : i32
          %dma_wait3A_227 = tpu.memref_slice %arg11[%dma_wait3A_226] : memref<20480xf32, #tpu.memory_space<vmem>> -> memref<10240xf32, #tpu.memory_space<vmem>>
          %dma_wait3A_228 = tpu.memref_slice %arg5[%add3A_107] : memref<5120000xf32, #tpu.memory_space<hbm>> -> memref<10240xf32, #tpu.memory_space<hbm>>
          tpu.wait_dma2 semaphore(%run_scoped3A_216 : memref<!tpu.dma_semaphore, #tpu.memory_space<semaphore_mem>>) src(%dma_wait3A_228 : memref<10240xf32, #tpu.memory_space<hbm>>) dst(%dma_wait3A_227 : memref<10240xf32, #tpu.memory_space<vmem>>)
          tpu.yield
        }) : () -> ()
        %dma_wait3A_108 = arith.constant 1 : i32
        %dma_wait3A_109 = arith.constant 0 : i32
        %dma_wait3A_110 = arith.constant 0 : i32
        %dma_wait3A_111 = tpu.memref_slice %arg9[%dma_wait3A_108, %dma_wait3A_109, %dma_wait3A_110] : memref<2x1280x16xf32, #tpu.memory_space<vmem>> -> memref<1x1280x16xf32, #tpu.memory_space<vmem>>
        %dma_wait3A_112 = tpu.memref_squeeze %dma_wait3A_111 : memref<1x1280x16xf32, #tpu.memory_space<vmem>> -> memref<1280x16xf32, #tpu.memory_space<vmem>>
        %dma_wait3A_113 = arith.constant 0 : i32
        %dma_wait3A_114 = arith.constant 0 : i32
        %dma_wait3A_115 = tpu.memref_slice %arg3[%dma_wait3A_113, %dma_wait3A_114] : memref<10000x16xf32, #tpu.memory_space<hbm>> -> memref<1280x16xf32, #tpu.memory_space<hbm>>
        %dma_wait3A_116 = arith.constant 0 : i32
        %dma_wait3A_117 = arith.constant 0 : i32
        %dma_wait3A_118 = tpu.memref_slice %arg9[%dma_wait3A_108, %dma_wait3A_116, %dma_wait3A_117] : memref<2x1280x16xf32, #tpu.memory_space<vmem>> -> memref<1x1280x16xf32, #tpu.memory_space<vmem>>
        %dma_wait3A_119 = tpu.memref_squeeze %dma_wait3A_118 : memref<1x1280x16xf32, #tpu.memory_space<vmem>> -> memref<1280x16xf32, #tpu.memory_space<vmem>>
        %dma_wait3A_120 = arith.constant 0 : i32
        %dma_wait3A_121 = arith.constant 0 : i32
        %dma_wait3A_122 = tpu.memref_slice %arg3[%dma_wait3A_120, %dma_wait3A_121] : memref<10000x16xf32, #tpu.memory_space<hbm>> -> memref<1280x16xf32, #tpu.memory_space<hbm>>
        tpu.wait_dma2 semaphore(%arg15 : memref<!tpu.dma_semaphore, #tpu.memory_space<semaphore_mem>>) src(%dma_wait3A_122 : memref<1280x16xf32, #tpu.memory_space<hbm>>) dst(%dma_wait3A_119 : memref<1280x16xf32, #tpu.memory_space<vmem>>)
        %dma_wait3A_123 = arith.constant 1 : i32
        %dma_wait3A_124 = arith.constant 0 : i32
        %dma_wait3A_125 = arith.constant 0 : i32
        %dma_wait3A_126 = tpu.memref_slice %arg10[%dma_wait3A_123, %dma_wait3A_124, %dma_wait3A_125] : memref<2x1280x16xf32, #tpu.memory_space<vmem>> -> memref<1x1280x16xf32, #tpu.memory_space<vmem>>
        %dma_wait3A_127 = tpu.memref_squeeze %dma_wait3A_126 : memref<1x1280x16xf32, #tpu.memory_space<vmem>> -> memref<1280x16xf32, #tpu.memory_space<vmem>>
        %dma_wait3A_128 = arith.constant 0 : i32
        %dma_wait3A_129 = arith.constant 0 : i32
        %dma_wait3A_130 = tpu.memref_slice %arg4[%dma_wait3A_128, %dma_wait3A_129] : memref<10000x16xf32, #tpu.memory_space<hbm>> -> memref<1280x16xf32, #tpu.memory_space<hbm>>
        %dma_wait3A_131 = arith.constant 0 : i32
        %dma_wait3A_132 = arith.constant 0 : i32
        %dma_wait3A_133 = tpu.memref_slice %arg10[%dma_wait3A_123, %dma_wait3A_131, %dma_wait3A_132] : memref<2x1280x16xf32, #tpu.memory_space<vmem>> -> memref<1x1280x16xf32, #tpu.memory_space<vmem>>
        %dma_wait3A_134 = tpu.memref_squeeze %dma_wait3A_133 : memref<1x1280x16xf32, #tpu.memory_space<vmem>> -> memref<1280x16xf32, #tpu.memory_space<vmem>>
        %dma_wait3A_135 = arith.constant 0 : i32
        %dma_wait3A_136 = arith.constant 0 : i32
        %dma_wait3A_137 = tpu.memref_slice %arg4[%dma_wait3A_135, %dma_wait3A_136] : memref<10000x16xf32, #tpu.memory_space<hbm>> -> memref<1280x16xf32, #tpu.memory_space<hbm>>
        tpu.wait_dma2 semaphore(%arg15 : memref<!tpu.dma_semaphore, #tpu.memory_space<semaphore_mem>>) src(%dma_wait3A_137 : memref<1280x16xf32, #tpu.memory_space<hbm>>) dst(%dma_wait3A_134 : memref<1280x16xf32, #tpu.memory_space<vmem>>)
        %broadcast_in_dim3A = arith.constant 1 : i32
        %broadcast_in_dim3A_138 = vector.broadcast %broadcast_in_dim3A : i32 to vector<16xi32>
        %add3A_139 = arith.constant 0 : i32
        %add3A_140 = vector.broadcast %add3A_139 : i32 to vector<16xi32>
        %add3A_141 = arith.addi %add3A_18, %add3A_140 : vector<16xi32>
        %parallel_loop3A = arith.constant 0 : i32
        %parallel_loop3A_142 = arith.constant 128 : i32
        %parallel_loop3A_143 = arith.constant 1 : i32
        scf.for %parallel_loop3A_216 = %parallel_loop3A to %parallel_loop3A_142 step %parallel_loop3A_143  : i32 {
          %parallel_loop3A_217 = vector.broadcast %parallel_loop3A_216 : i32 to vector<16xi32>
          %parallel_loop3A_218 = arith.addi %parallel_loop3A_217, %iota3A : vector<16xi32>
          %parallel_loop3A_219 = arith.constant 127 : i32
          %parallel_loop3A_220 = vector.broadcast %parallel_loop3A_219 : i32 to vector<16xi32>
          %parallel_loop3A_221 = arith.andi %parallel_loop3A_218, %parallel_loop3A_220 : vector<16xi32>
          %parallel_loop3A_222 = arith.constant 0 : i32
          %parallel_loop3A_223 = vector.broadcast %parallel_loop3A_222 : i32 to vector<16xi32>
          %parallel_loop3A_224 = arith.addi %parallel_loop3A_221, %parallel_loop3A_223 : vector<16xi32>
          %parallel_loop3A_225 = tpu.vector_load_idx %arg9[%broadcast_in_dim3A_138, %parallel_loop3A_224, %iota3A] : memref<2x1280x16xf32, #tpu.memory_space<vmem>>[vector<16xi32>, vector<16xi32>, vector<16xi32>], vector<16xf32>,
          %parallel_loop3A_226 = tpu.vector_load_idx %arg10[%broadcast_in_dim3A_138, %parallel_loop3A_224, %iota3A] : memref<2x1280x16xf32, #tpu.memory_space<vmem>>[vector<16xi32>, vector<16xi32>, vector<16xi32>], vector<16xf32>,
          %parallel_loop3A_227 = arith.addi %add3A_141, %parallel_loop3A_221 : vector<16xi32>
          %parallel_loop3A_228 = arith.addf %parallel_loop3A_225, %parallel_loop3A_226 : vector<16xf32>
          tpu.vector_store_idx %arg11[%parallel_loop3A_227], %parallel_loop3A_228 {add = true} : memref<20480xf32, #tpu.memory_space<vmem>>[vector<16xi32>], vector<16xf32>,
        } {sc.loop_unroll_factor = 8 : i64, sc.parallel_access}
        %add3A_144 = arith.constant 1024 : i32
        %add3A_145 = vector.broadcast %add3A_144 : i32 to vector<16xi32>
        %add3A_146 = arith.addi %add3A_18, %add3A_145 : vector<16xi32>
        %parallel_loop3A_147 = arith.constant 0 : i32
        %parallel_loop3A_148 = arith.constant 128 : i32
        %parallel_loop3A_149 = arith.constant 1 : i32
        scf.for %parallel_loop3A_216 = %parallel_loop3A_147 to %parallel_loop3A_148 step %parallel_loop3A_149  : i32 {
          %parallel_loop3A_217 = vector.broadcast %parallel_loop3A_216 : i32 to vector<16xi32>
          %parallel_loop3A_218 = arith.addi %parallel_loop3A_217, %iota3A : vector<16xi32>
          %parallel_loop3A_219 = arith.constant 127 : i32
          %parallel_loop3A_220 = vector.broadcast %parallel_loop3A_219 : i32 to vector<16xi32>
          %parallel_loop3A_221 = arith.andi %parallel_loop3A_218, %parallel_loop3A_220 : vector<16xi32>
          %parallel_loop3A_222 = arith.constant 128 : i32
          %parallel_loop3A_223 = vector.broadcast %parallel_loop3A_222 : i32 to vector<16xi32>
          %parallel_loop3A_224 = arith.addi %parallel_loop3A_221, %parallel_loop3A_223 : vector<16xi32>
          %parallel_loop3A_225 = tpu.vector_load_idx %arg9[%broadcast_in_dim3A_138, %parallel_loop3A_224, %iota3A] : memref<2x1280x16xf32, #tpu.memory_space<vmem>>[vector<16xi32>, vector<16xi32>, vector<16xi32>], vector<16xf32>,
          %parallel_loop3A_226 = tpu.vector_load_idx %arg10[%broadcast_in_dim3A_138, %parallel_loop3A_224, %iota3A] : memref<2x1280x16xf32, #tpu.memory_space<vmem>>[vector<16xi32>, vector<16xi32>, vector<16xi32>], vector<16xf32>,
          %parallel_loop3A_227 = arith.addi %add3A_146, %parallel_loop3A_221 : vector<16xi32>
          %parallel_loop3A_228 = arith.addf %parallel_loop3A_225, %parallel_loop3A_226 : vector<16xf32>
          tpu.vector_store_idx %arg11[%parallel_loop3A_227], %parallel_loop3A_228 {add = true} : memref<20480xf32, #tpu.memory_space<vmem>>[vector<16xi32>], vector<16xf32>,
        } {sc.loop_unroll_factor = 8 : i64, sc.parallel_access}
        %add3A_150 = arith.constant 2048 : i32
        %add3A_151 = vector.broadcast %add3A_150 : i32 to vector<16xi32>
        %add3A_152 = arith.addi %add3A_18, %add3A_151 : vector<16xi32>
        %parallel_loop3A_153 = arith.constant 0 : i32
        %parallel_loop3A_154 = arith.constant 128 : i32
        %parallel_loop3A_155 = arith.constant 1 : i32
        scf.for %parallel_loop3A_216 = %parallel_loop3A_153 to %parallel_loop3A_154 step %parallel_loop3A_155  : i32 {
          %parallel_loop3A_217 = vector.broadcast %parallel_loop3A_216 : i32 to vector<16xi32>
          %parallel_loop3A_218 = arith.addi %parallel_loop3A_217, %iota3A : vector<16xi32>
          %parallel_loop3A_219 = arith.constant 127 : i32
          %parallel_loop3A_220 = vector.broadcast %parallel_loop3A_219 : i32 to vector<16xi32>
          %parallel_loop3A_221 = arith.andi %parallel_loop3A_218, %parallel_loop3A_220 : vector<16xi32>
          %parallel_loop3A_222 = arith.constant 256 : i32
          %parallel_loop3A_223 = vector.broadcast %parallel_loop3A_222 : i32 to vector<16xi32>
          %parallel_loop3A_224 = arith.addi %parallel_loop3A_221, %parallel_loop3A_223 : vector<16xi32>
          %parallel_loop3A_225 = tpu.vector_load_idx %arg9[%broadcast_in_dim3A_138, %parallel_loop3A_224, %iota3A] : memref<2x1280x16xf32, #tpu.memory_space<vmem>>[vector<16xi32>, vector<16xi32>, vector<16xi32>], vector<16xf32>,
          %parallel_loop3A_226 = tpu.vector_load_idx %arg10[%broadcast_in_dim3A_138, %parallel_loop3A_224, %iota3A] : memref<2x1280x16xf32, #tpu.memory_space<vmem>>[vector<16xi32>, vector<16xi32>, vector<16xi32>], vector<16xf32>,
          %parallel_loop3A_227 = arith.addi %add3A_152, %parallel_loop3A_221 : vector<16xi32>
          %parallel_loop3A_228 = arith.addf %parallel_loop3A_225, %parallel_loop3A_226 : vector<16xf32>
          tpu.vector_store_idx %arg11[%parallel_loop3A_227], %parallel_loop3A_228 {add = true} : memref<20480xf32, #tpu.memory_space<vmem>>[vector<16xi32>], vector<16xf32>,
        } {sc.loop_unroll_factor = 8 : i64, sc.parallel_access}
        %add3A_156 = arith.constant 3072 : i32
        %add3A_157 = vector.broadcast %add3A_156 : i32 to vector<16xi32>
        %add3A_158 = arith.addi %add3A_18, %add3A_157 : vector<16xi32>
        %parallel_loop3A_159 = arith.constant 0 : i32
        %parallel_loop3A_160 = arith.constant 128 : i32
        %parallel_loop3A_161 = arith.constant 1 : i32
        scf.for %parallel_loop3A_216 = %parallel_loop3A_159 to %parallel_loop3A_160 step %parallel_loop3A_161  : i32 {
          %parallel_loop3A_217 = vector.broadcast %parallel_loop3A_216 : i32 to vector<16xi32>
          %parallel_loop3A_218 = arith.addi %parallel_loop3A_217, %iota3A : vector<16xi32>
          %parallel_loop3A_219 = arith.constant 127 : i32
          %parallel_loop3A_220 = vector.broadcast %parallel_loop3A_219 : i32 to vector<16xi32>
          %parallel_loop3A_221 = arith.andi %parallel_loop3A_218, %parallel_loop3A_220 : vector<16xi32>
          %parallel_loop3A_222 = arith.constant 384 : i32
          %parallel_loop3A_223 = vector.broadcast %parallel_loop3A_222 : i32 to vector<16xi32>
          %parallel_loop3A_224 = arith.addi %parallel_loop3A_221, %parallel_loop3A_223 : vector<16xi32>
          %parallel_loop3A_225 = tpu.vector_load_idx %arg9[%broadcast_in_dim3A_138, %parallel_loop3A_224, %iota3A] : memref<2x1280x16xf32, #tpu.memory_space<vmem>>[vector<16xi32>, vector<16xi32>, vector<16xi32>], vector<16xf32>,
          %parallel_loop3A_226 = tpu.vector_load_idx %arg10[%broadcast_in_dim3A_138, %parallel_loop3A_224, %iota3A] : memref<2x1280x16xf32, #tpu.memory_space<vmem>>[vector<16xi32>, vector<16xi32>, vector<16xi32>], vector<16xf32>,
          %parallel_loop3A_227 = arith.addi %add3A_158, %parallel_loop3A_221 : vector<16xi32>
          %parallel_loop3A_228 = arith.addf %parallel_loop3A_225, %parallel_loop3A_226 : vector<16xf32>
          tpu.vector_store_idx %arg11[%parallel_loop3A_227], %parallel_loop3A_228 {add = true} : memref<20480xf32, #tpu.memory_space<vmem>>[vector<16xi32>], vector<16xf32>,
        } {sc.loop_unroll_factor = 8 : i64, sc.parallel_access}
        %add3A_162 = arith.constant 4096 : i32
        %add3A_163 = vector.broadcast %add3A_162 : i32 to vector<16xi32>
        %add3A_164 = arith.addi %add3A_18, %add3A_163 : vector<16xi32>
        %parallel_loop3A_165 = arith.constant 0 : i32
        %parallel_loop3A_166 = arith.constant 128 : i32
        %parallel_loop3A_167 = arith.constant 1 : i32
        scf.for %parallel_loop3A_216 = %parallel_loop3A_165 to %parallel_loop3A_166 step %parallel_loop3A_167  : i32 {
          %parallel_loop3A_217 = vector.broadcast %parallel_loop3A_216 : i32 to vector<16xi32>
          %parallel_loop3A_218 = arith.addi %parallel_loop3A_217, %iota3A : vector<16xi32>
          %parallel_loop3A_219 = arith.constant 127 : i32
          %parallel_loop3A_220 = vector.broadcast %parallel_loop3A_219 : i32 to vector<16xi32>
          %parallel_loop3A_221 = arith.andi %parallel_loop3A_218, %parallel_loop3A_220 : vector<16xi32>
          %parallel_loop3A_222 = arith.constant 512 : i32
          %parallel_loop3A_223 = vector.broadcast %parallel_loop3A_222 : i32 to vector<16xi32>
          %parallel_loop3A_224 = arith.addi %parallel_loop3A_221, %parallel_loop3A_223 : vector<16xi32>
          %parallel_loop3A_225 = tpu.vector_load_idx %arg9[%broadcast_in_dim3A_138, %parallel_loop3A_224, %iota3A] : memref<2x1280x16xf32, #tpu.memory_space<vmem>>[vector<16xi32>, vector<16xi32>, vector<16xi32>], vector<16xf32>,
          %parallel_loop3A_226 = tpu.vector_load_idx %arg10[%broadcast_in_dim3A_138, %parallel_loop3A_224, %iota3A] : memref<2x1280x16xf32, #tpu.memory_space<vmem>>[vector<16xi32>, vector<16xi32>, vector<16xi32>], vector<16xf32>,
          %parallel_loop3A_227 = arith.addi %add3A_164, %parallel_loop3A_221 : vector<16xi32>
          %parallel_loop3A_228 = arith.addf %parallel_loop3A_225, %parallel_loop3A_226 : vector<16xf32>
          tpu.vector_store_idx %arg11[%parallel_loop3A_227], %parallel_loop3A_228 {add = true} : memref<20480xf32, #tpu.memory_space<vmem>>[vector<16xi32>], vector<16xf32>,
        } {sc.loop_unroll_factor = 8 : i64, sc.parallel_access}
        %add3A_168 = arith.constant 5120 : i32
        %add3A_169 = vector.broadcast %add3A_168 : i32 to vector<16xi32>
        %add3A_170 = arith.addi %add3A_18, %add3A_169 : vector<16xi32>
        %parallel_loop3A_171 = arith.constant 0 : i32
        %parallel_loop3A_172 = arith.constant 128 : i32
        %parallel_loop3A_173 = arith.constant 1 : i32
        scf.for %parallel_loop3A_216 = %parallel_loop3A_171 to %parallel_loop3A_172 step %parallel_loop3A_173  : i32 {
          %parallel_loop3A_217 = vector.broadcast %parallel_loop3A_216 : i32 to vector<16xi32>
          %parallel_loop3A_218 = arith.addi %parallel_loop3A_217, %iota3A : vector<16xi32>
          %parallel_loop3A_219 = arith.constant 127 : i32
          %parallel_loop3A_220 = vector.broadcast %parallel_loop3A_219 : i32 to vector<16xi32>
          %parallel_loop3A_221 = arith.andi %parallel_loop3A_218, %parallel_loop3A_220 : vector<16xi32>
          %parallel_loop3A_222 = arith.constant 640 : i32
          %parallel_loop3A_223 = vector.broadcast %parallel_loop3A_222 : i32 to vector<16xi32>
          %parallel_loop3A_224 = arith.addi %parallel_loop3A_221, %parallel_loop3A_223 : vector<16xi32>
          %parallel_loop3A_225 = tpu.vector_load_idx %arg9[%broadcast_in_dim3A_138, %parallel_loop3A_224, %iota3A] : memref<2x1280x16xf32, #tpu.memory_space<vmem>>[vector<16xi32>, vector<16xi32>, vector<16xi32>], vector<16xf32>,
          %parallel_loop3A_226 = tpu.vector_load_idx %arg10[%broadcast_in_dim3A_138, %parallel_loop3A_224, %iota3A] : memref<2x1280x16xf32, #tpu.memory_space<vmem>>[vector<16xi32>, vector<16xi32>, vector<16xi32>], vector<16xf32>,
          %parallel_loop3A_227 = arith.addi %add3A_170, %parallel_loop3A_221 : vector<16xi32>
          %parallel_loop3A_228 = arith.addf %parallel_loop3A_225, %parallel_loop3A_226 : vector<16xf32>
          tpu.vector_store_idx %arg11[%parallel_loop3A_227], %parallel_loop3A_228 {add = true} : memref<20480xf32, #tpu.memory_space<vmem>>[vector<16xi32>], vector<16xf32>,
        } {sc.loop_unroll_factor = 8 : i64, sc.parallel_access}
        %add3A_174 = arith.constant 6144 : i32
        %add3A_175 = vector.broadcast %add3A_174 : i32 to vector<16xi32>
        %add3A_176 = arith.addi %add3A_18, %add3A_175 : vector<16xi32>
        %parallel_loop3A_177 = arith.constant 0 : i32
        %parallel_loop3A_178 = arith.constant 128 : i32
        %parallel_loop3A_179 = arith.constant 1 : i32
        scf.for %parallel_loop3A_216 = %parallel_loop3A_177 to %parallel_loop3A_178 step %parallel_loop3A_179  : i32 {
          %parallel_loop3A_217 = vector.broadcast %parallel_loop3A_216 : i32 to vector<16xi32>
          %parallel_loop3A_218 = arith.addi %parallel_loop3A_217, %iota3A : vector<16xi32>
          %parallel_loop3A_219 = arith.constant 127 : i32
          %parallel_loop3A_220 = vector.broadcast %parallel_loop3A_219 : i32 to vector<16xi32>
          %parallel_loop3A_221 = arith.andi %parallel_loop3A_218, %parallel_loop3A_220 : vector<16xi32>
          %parallel_loop3A_222 = arith.constant 768 : i32
          %parallel_loop3A_223 = vector.broadcast %parallel_loop3A_222 : i32 to vector<16xi32>
          %parallel_loop3A_224 = arith.addi %parallel_loop3A_221, %parallel_loop3A_223 : vector<16xi32>
          %parallel_loop3A_225 = tpu.vector_load_idx %arg9[%broadcast_in_dim3A_138, %parallel_loop3A_224, %iota3A] : memref<2x1280x16xf32, #tpu.memory_space<vmem>>[vector<16xi32>, vector<16xi32>, vector<16xi32>], vector<16xf32>,
          %parallel_loop3A_226 = tpu.vector_load_idx %arg10[%broadcast_in_dim3A_138, %parallel_loop3A_224, %iota3A] : memref<2x1280x16xf32, #tpu.memory_space<vmem>>[vector<16xi32>, vector<16xi32>, vector<16xi32>], vector<16xf32>,
          %parallel_loop3A_227 = arith.addi %add3A_176, %parallel_loop3A_221 : vector<16xi32>
          %parallel_loop3A_228 = arith.addf %parallel_loop3A_225, %parallel_loop3A_226 : vector<16xf32>
          tpu.vector_store_idx %arg11[%parallel_loop3A_227], %parallel_loop3A_228 {add = true} : memref<20480xf32, #tpu.memory_space<vmem>>[vector<16xi32>], vector<16xf32>,
        } {sc.loop_unroll_factor = 8 : i64, sc.parallel_access}
        %add3A_180 = arith.constant 7168 : i32
        %add3A_181 = vector.broadcast %add3A_180 : i32 to vector<16xi32>
        %add3A_182 = arith.addi %add3A_18, %add3A_181 : vector<16xi32>
        %parallel_loop3A_183 = arith.constant 0 : i32
        %parallel_loop3A_184 = arith.constant 128 : i32
        %parallel_loop3A_185 = arith.constant 1 : i32
        scf.for %parallel_loop3A_216 = %parallel_loop3A_183 to %parallel_loop3A_184 step %parallel_loop3A_185  : i32 {
          %parallel_loop3A_217 = vector.broadcast %parallel_loop3A_216 : i32 to vector<16xi32>
          %parallel_loop3A_218 = arith.addi %parallel_loop3A_217, %iota3A : vector<16xi32>
          %parallel_loop3A_219 = arith.constant 127 : i32
          %parallel_loop3A_220 = vector.broadcast %parallel_loop3A_219 : i32 to vector<16xi32>
          %parallel_loop3A_221 = arith.andi %parallel_loop3A_218, %parallel_loop3A_220 : vector<16xi32>
          %parallel_loop3A_222 = arith.constant 896 : i32
          %parallel_loop3A_223 = vector.broadcast %parallel_loop3A_222 : i32 to vector<16xi32>
          %parallel_loop3A_224 = arith.addi %parallel_loop3A_221, %parallel_loop3A_223 : vector<16xi32>
          %parallel_loop3A_225 = tpu.vector_load_idx %arg9[%broadcast_in_dim3A_138, %parallel_loop3A_224, %iota3A] : memref<2x1280x16xf32, #tpu.memory_space<vmem>>[vector<16xi32>, vector<16xi32>, vector<16xi32>], vector<16xf32>,
          %parallel_loop3A_226 = tpu.vector_load_idx %arg10[%broadcast_in_dim3A_138, %parallel_loop3A_224, %iota3A] : memref<2x1280x16xf32, #tpu.memory_space<vmem>>[vector<16xi32>, vector<16xi32>, vector<16xi32>], vector<16xf32>,
          %parallel_loop3A_227 = arith.addi %add3A_182, %parallel_loop3A_221 : vector<16xi32>
          %parallel_loop3A_228 = arith.addf %parallel_loop3A_225, %parallel_loop3A_226 : vector<16xf32>
          tpu.vector_store_idx %arg11[%parallel_loop3A_227], %parallel_loop3A_228 {add = true} : memref<20480xf32, #tpu.memory_space<vmem>>[vector<16xi32>], vector<16xf32>,
        } {sc.loop_unroll_factor = 8 : i64, sc.parallel_access}
        %add3A_186 = arith.constant 8192 : i32
        %add3A_187 = vector.broadcast %add3A_186 : i32 to vector<16xi32>
        %add3A_188 = arith.addi %add3A_18, %add3A_187 : vector<16xi32>
        %parallel_loop3A_189 = arith.constant 0 : i32
        %parallel_loop3A_190 = arith.constant 128 : i32
        %parallel_loop3A_191 = arith.constant 1 : i32
        scf.for %parallel_loop3A_216 = %parallel_loop3A_189 to %parallel_loop3A_190 step %parallel_loop3A_191  : i32 {
          %parallel_loop3A_217 = vector.broadcast %parallel_loop3A_216 : i32 to vector<16xi32>
          %parallel_loop3A_218 = arith.addi %parallel_loop3A_217, %iota3A : vector<16xi32>
          %parallel_loop3A_219 = arith.constant 127 : i32
          %parallel_loop3A_220 = vector.broadcast %parallel_loop3A_219 : i32 to vector<16xi32>
          %parallel_loop3A_221 = arith.andi %parallel_loop3A_218, %parallel_loop3A_220 : vector<16xi32>
          %parallel_loop3A_222 = arith.constant 1024 : i32
          %parallel_loop3A_223 = vector.broadcast %parallel_loop3A_222 : i32 to vector<16xi32>
          %parallel_loop3A_224 = arith.addi %parallel_loop3A_221, %parallel_loop3A_223 : vector<16xi32>
          %parallel_loop3A_225 = tpu.vector_load_idx %arg9[%broadcast_in_dim3A_138, %parallel_loop3A_224, %iota3A] : memref<2x1280x16xf32, #tpu.memory_space<vmem>>[vector<16xi32>, vector<16xi32>, vector<16xi32>], vector<16xf32>,
          %parallel_loop3A_226 = tpu.vector_load_idx %arg10[%broadcast_in_dim3A_138, %parallel_loop3A_224, %iota3A] : memref<2x1280x16xf32, #tpu.memory_space<vmem>>[vector<16xi32>, vector<16xi32>, vector<16xi32>], vector<16xf32>,
          %parallel_loop3A_227 = arith.addi %add3A_188, %parallel_loop3A_221 : vector<16xi32>
          %parallel_loop3A_228 = arith.addf %parallel_loop3A_225, %parallel_loop3A_226 : vector<16xf32>
          tpu.vector_store_idx %arg11[%parallel_loop3A_227], %parallel_loop3A_228 {add = true} : memref<20480xf32, #tpu.memory_space<vmem>>[vector<16xi32>], vector<16xf32>,
        } {sc.loop_unroll_factor = 8 : i64, sc.parallel_access}
        %add3A_192 = arith.constant 9216 : i32
        %add3A_193 = vector.broadcast %add3A_192 : i32 to vector<16xi32>
        %add3A_194 = arith.addi %add3A_18, %add3A_193 : vector<16xi32>
        %parallel_loop3A_195 = arith.constant 0 : i32
        %parallel_loop3A_196 = arith.constant 128 : i32
        %parallel_loop3A_197 = arith.constant 1 : i32
        scf.for %parallel_loop3A_216 = %parallel_loop3A_195 to %parallel_loop3A_196 step %parallel_loop3A_197  : i32 {
          %parallel_loop3A_217 = vector.broadcast %parallel_loop3A_216 : i32 to vector<16xi32>
          %parallel_loop3A_218 = arith.addi %parallel_loop3A_217, %iota3A : vector<16xi32>
          %parallel_loop3A_219 = arith.constant 127 : i32
          %parallel_loop3A_220 = vector.broadcast %parallel_loop3A_219 : i32 to vector<16xi32>
          %parallel_loop3A_221 = arith.andi %parallel_loop3A_218, %parallel_loop3A_220 : vector<16xi32>
          %parallel_loop3A_222 = arith.constant 1152 : i32
          %parallel_loop3A_223 = vector.broadcast %parallel_loop3A_222 : i32 to vector<16xi32>
          %parallel_loop3A_224 = arith.addi %parallel_loop3A_221, %parallel_loop3A_223 : vector<16xi32>
          %parallel_loop3A_225 = tpu.vector_load_idx %arg9[%broadcast_in_dim3A_138, %parallel_loop3A_224, %iota3A] : memref<2x1280x16xf32, #tpu.memory_space<vmem>>[vector<16xi32>, vector<16xi32>, vector<16xi32>], vector<16xf32>,
          %parallel_loop3A_226 = tpu.vector_load_idx %arg10[%broadcast_in_dim3A_138, %parallel_loop3A_224, %iota3A] : memref<2x1280x16xf32, #tpu.memory_space<vmem>>[vector<16xi32>, vector<16xi32>, vector<16xi32>], vector<16xf32>,
          %parallel_loop3A_227 = arith.addi %add3A_194, %parallel_loop3A_221 : vector<16xi32>
          %parallel_loop3A_228 = arith.addf %parallel_loop3A_225, %parallel_loop3A_226 : vector<16xf32>
          tpu.vector_store_idx %arg11[%parallel_loop3A_227], %parallel_loop3A_228 {add = true} : memref<20480xf32, #tpu.memory_space<vmem>>[vector<16xi32>], vector<16xf32>,
        } {sc.loop_unroll_factor = 8 : i64, sc.parallel_access}
        %mul3A_198 = arith.constant 1024 : i32
        %mul3A_199 = arith.muli %mul3A_101, %mul3A_198 : i32
        %dma_start3A_200 = arith.constant 0 : i32
        %dma_start3A_201 = tpu.memref_slice %arg11[%dma_start3A_200] : memref<20480xf32, #tpu.memory_space<vmem>> -> memref<10240xf32, #tpu.memory_space<vmem>>
        %dma_start3A_202 = tpu.memref_slice %arg6[%mul3A_199] : memref<5120000xf32, #tpu.memory_space<hbm>> -> memref<10240xf32, #tpu.memory_space<hbm>>
        %dma_start3A_203 = tpu.memref_slice %arg6[%mul3A_199] : memref<5120000xf32, #tpu.memory_space<hbm>> -> memref<10240xf32, #tpu.memory_space<hbm>>
        %dma_start3A_204 = arith.constant 0 : i32
        %dma_start3A_205 = tpu.memref_slice %arg11[%dma_start3A_204] : memref<20480xf32, #tpu.memory_space<vmem>> -> memref<10240xf32, #tpu.memory_space<vmem>>
        tpu.enqueue_dma source(%dma_start3A_205 : memref<10240xf32, #tpu.memory_space<vmem>>) target(%dma_start3A_203 : memref<10240xf32, #tpu.memory_space<hbm>>) target_semaphore(%arg16 : memref<!tpu.dma_semaphore, #tpu.memory_space<semaphore_mem>>)
        %mul3A_206 = arith.constant 1024 : i32
        %mul3A_207 = arith.muli %mul3A_101, %mul3A_206 : i32
        %add3A_208 = arith.constant 2560000 : i32
        %add3A_209 = arith.addi %add3A_208, %mul3A_207 : i32
        %dma_start3A_210 = arith.constant 10240 : i32
        %dma_start3A_211 = tpu.memref_slice %arg11[%dma_start3A_210] : memref<20480xf32, #tpu.memory_space<vmem>> -> memref<10240xf32, #tpu.memory_space<vmem>>
        %dma_start3A_212 = tpu.memref_slice %arg6[%add3A_209] : memref<5120000xf32, #tpu.memory_space<hbm>> -> memref<10240xf32, #tpu.memory_space<hbm>>
        %dma_start3A_213 = tpu.memref_slice %arg6[%add3A_209] : memref<5120000xf32, #tpu.memory_space<hbm>> -> memref<10240xf32, #tpu.memory_space<hbm>>
        %dma_start3A_214 = arith.constant 10240 : i32
        %dma_start3A_215 = tpu.memref_slice %arg11[%dma_start3A_214] : memref<20480xf32, #tpu.memory_space<vmem>> -> memref<10240xf32, #tpu.memory_space<vmem>>
        tpu.enqueue_dma source(%dma_start3A_215 : memref<10240xf32, #tpu.memory_space<vmem>>) target(%dma_start3A_213 : memref<10240xf32, #tpu.memory_space<hbm>>) target_semaphore(%arg16 : memref<!tpu.dma_semaphore, #tpu.memory_space<semaphore_mem>>)
      } else {
      }
    }
    %scan3A_51 = arith.constant 4 : i32
    %dma_wait3A = arith.constant 0 : i32
    %dma_wait3A_52 = tpu.memref_slice %arg11[%dma_wait3A] : memref<20480xf32, #tpu.memory_space<vmem>> -> memref<10240xf32, #tpu.memory_space<vmem>>
    %dma_wait3A_53 = arith.constant 0 : i32
    %dma_wait3A_54 = tpu.memref_slice %arg5[%dma_wait3A_53] : memref<5120000xf32, #tpu.memory_space<hbm>> -> memref<10240xf32, #tpu.memory_space<hbm>>
    %dma_wait3A_55 = arith.constant 0 : i32
    %dma_wait3A_56 = tpu.memref_slice %arg11[%dma_wait3A_55] : memref<20480xf32, #tpu.memory_space<vmem>> -> memref<10240xf32, #tpu.memory_space<vmem>>
    %dma_wait3A_57 = arith.constant 0 : i32
    %dma_wait3A_58 = tpu.memref_slice %arg5[%dma_wait3A_57] : memref<5120000xf32, #tpu.memory_space<hbm>> -> memref<10240xf32, #tpu.memory_space<hbm>>
    tpu.wait_dma2 semaphore(%arg16 : memref<!tpu.dma_semaphore, #tpu.memory_space<semaphore_mem>>) src(%dma_wait3A_58 : memref<10240xf32, #tpu.memory_space<hbm>>) dst(%dma_wait3A_56 : memref<10240xf32, #tpu.memory_space<vmem>>)
    %dma_wait3A_59 = arith.constant 10240 : i32
    %dma_wait3A_60 = tpu.memref_slice %arg11[%dma_wait3A_59] : memref<20480xf32, #tpu.memory_space<vmem>> -> memref<10240xf32, #tpu.memory_space<vmem>>
    %dma_wait3A_61 = arith.constant 0 : i32
    %dma_wait3A_62 = tpu.memref_slice %arg5[%dma_wait3A_61] : memref<5120000xf32, #tpu.memory_space<hbm>> -> memref<10240xf32, #tpu.memory_space<hbm>>
    %dma_wait3A_63 = arith.constant 10240 : i32
    %dma_wait3A_64 = tpu.memref_slice %arg11[%dma_wait3A_63] : memref<20480xf32, #tpu.memory_space<vmem>> -> memref<10240xf32, #tpu.memory_space<vmem>>
    %dma_wait3A_65 = arith.constant 0 : i32
    %dma_wait3A_66 = tpu.memref_slice %arg5[%dma_wait3A_65] : memref<5120000xf32, #tpu.memory_space<hbm>> -> memref<10240xf32, #tpu.memory_space<hbm>>
    tpu.wait_dma2 semaphore(%arg16 : memref<!tpu.dma_semaphore, #tpu.memory_space<semaphore_mem>>) src(%dma_wait3A_66 : memref<10240xf32, #tpu.memory_space<hbm>>) dst(%dma_wait3A_64 : memref<10240xf32, #tpu.memory_space<vmem>>)
    return
  }
}

module attributes {stable_mosaic.version = 14 : i64} {
  func.func @_proj_body(%arg0: memref<10000x128xf32, #tpu.memory_space<vmem>>, %arg1: memref<128x16xf32, #tpu.memory_space<vmem>>, %arg2: memref<128x16xf32, #tpu.memory_space<vmem>>, %arg3: memref<10000x16xf32, #tpu.memory_space<vmem>>, %arg4: memref<10000x16xf32, #tpu.memory_space<vmem>>) attributes {dimension_semantics = [], scalar_prefetch = 0 : i64, scratch_operands = 0 : i64, tpu.core_type = #tpu.core_type<tc>} {
    %get3A = arith.constant 0 : index
    %get3A_0 = arith.constant 0 : index
    %get3A_1 = vector.load %arg0[%get3A, %get3A_0] : memref<10000x128xf32, #tpu.memory_space<vmem>>, vector<10000x128xf32>
    %get3A_2 = arith.constant 0 : index
    %get3A_3 = arith.constant 0 : index
    %get3A_4 = vector.load %arg1[%get3A_2, %get3A_3] : memref<128x16xf32, #tpu.memory_space<vmem>>, vector<128x16xf32>
    %dot_general3A = arith.constant dense<0.000000e+00> : vector<10000x16xf32>
    %dot_general3A_5 = tpu.matmul %get3A_1, %get3A_4, %dot_general3A {dimension_numbers = #tpu.dot_dimension_numbers<[1], [0], [0], [1], [0, 0, 1, 1], [], []>, transpose_lhs_hint = false} : vector<10000x128xf32>, vector<128x16xf32>, vector<10000x16xf32> -> vector<10000x16xf32>
    %swap3A = arith.constant 0 : index
    %swap3A_6 = arith.constant 0 : index
    %swap3A_7 = vector.load %arg3[%swap3A, %swap3A_6] : memref<10000x16xf32, #tpu.memory_space<vmem>>, vector<10000x16xf32>
    tpu.vector_store %arg3[%swap3A, %swap3A_6], %dot_general3A_5 {strides = array<i32>} : memref<10000x16xf32, #tpu.memory_space<vmem>>, vector<10000x16xf32>,
    %get3A_8 = arith.constant 0 : index
    %get3A_9 = arith.constant 0 : index
    %get3A_10 = vector.load %arg2[%get3A_8, %get3A_9] : memref<128x16xf32, #tpu.memory_space<vmem>>, vector<128x16xf32>
    %dot_general3A_11 = arith.constant dense<0.000000e+00> : vector<10000x16xf32>
    %dot_general3A_12 = tpu.matmul %get3A_1, %get3A_10, %dot_general3A_11 {dimension_numbers = #tpu.dot_dimension_numbers<[1], [0], [0], [1], [0, 0, 1, 1], [], []>, transpose_lhs_hint = false} : vector<10000x128xf32>, vector<128x16xf32>, vector<10000x16xf32> -> vector<10000x16xf32>
    %swap3A_13 = arith.constant 0 : index
    %swap3A_14 = arith.constant 0 : index
    %swap3A_15 = vector.load %arg4[%swap3A_13, %swap3A_14] : memref<10000x16xf32, #tpu.memory_space<vmem>>, vector<10000x16xf32>
    tpu.vector_store %arg4[%swap3A_13, %swap3A_14], %dot_general3A_12 {strides = array<i32>} : memref<10000x16xf32, #tpu.memory_space<vmem>>, vector<10000x16xf32>,
    return
  }
}

module attributes {stable_mosaic.version = 14 : i64} {
  func.func @_base_body(%arg0: i32, %arg1: memref<16x16000xf32, #tpu.memory_space<vmem>>, %arg2: memref<16x16xf32, #tpu.memory_space<vmem>>, %arg3: memref<16x1xf32, #tpu.memory_space<vmem>>, %arg4: memref<2x125x8x128xf32, #tpu.memory_space<vmem>>) attributes {dimension_semantics = [#tpu.dimension_semantics<arbitrary>], iteration_bounds = array<i64: 20>, scalar_prefetch = 0 : i64, scratch_operands = 0 : i64, tpu.core_type = #tpu.core_type<tc>, window_params = [{transform_indices = @transform_0, window_bounds = array<i64: 16, 16000>}, {pipeline_mode = #tpu.pipeline_mode<synchronous>, transform_indices = @transform_1, window_bounds = array<i64: 16, 16>}, {pipeline_mode = #tpu.pipeline_mode<synchronous>, transform_indices = @transform_2, window_bounds = array<i64: 16, 1>}, {transform_indices = @transform_3, window_bounds = array<i64: 2, 125, 8, 128>}]} {
    %get3A = arith.constant 0 : index
    %get3A_0 = arith.constant 0 : index
    %get3A_1 = vector.load %arg2[%get3A, %get3A_0] : memref<16x16xf32, #tpu.memory_space<vmem>>, vector<16x16xf32>
    %get3A_2 = arith.constant 0 : index
    %get3A_3 = arith.constant 0 : index
    %get3A_4 = vector.load %arg1[%get3A_2, %get3A_3] : memref<16x16000xf32, #tpu.memory_space<vmem>>, vector<16x16000xf32>
    %dot_general3A = arith.constant dense<0.000000e+00> : vector<16x16000xf32>
    %dot_general3A_5 = tpu.matmul %get3A_1, %get3A_4, %dot_general3A {dimension_numbers = #tpu.dot_dimension_numbers<[1], [0], [0], [1], [0, 0, 1, 1], [], []>, transpose_lhs_hint = false} : vector<16x16xf32>, vector<16x16000xf32>, vector<16x16000xf32> -> vector<16x16000xf32>
    %get3A_6 = arith.constant 0 : index
    %get3A_7 = arith.constant 0 : index
    %get3A_8 = vector.load %arg3[%get3A_6, %get3A_7] : memref<16x1xf32, #tpu.memory_space<vmem>>, vector<16x1xf32>
    %add3A = vector.broadcast %get3A_8 : vector<16x1xf32> to vector<16x16000xf32>
    %add3A_9 = arith.addf %dot_general3A_5, %add3A : vector<16x16000xf32>
    %reshape3A = vector.shape_cast %add3A_9 : vector<16x16000xf32> to vector<2x8x125x128xf32>
    %transpose3A = tpu.transpose %reshape3A, [0, 2, 1, 3] : vector<2x8x125x128xf32> -> vector<2x125x8x128xf32>
    %swap3A = arith.constant 0 : index
    %swap3A_10 = arith.constant 0 : index
    %swap3A_11 = arith.constant 0 : index
    %swap3A_12 = arith.constant 0 : index
    %swap3A_13 = vector.load %arg4[%swap3A, %swap3A_10, %swap3A_11, %swap3A_12] : memref<2x125x8x128xf32, #tpu.memory_space<vmem>>, vector<2x125x8x128xf32>
    tpu.vector_store %arg4[%swap3A, %swap3A_10, %swap3A_11, %swap3A_12], %transpose3A {strides = array<i32>} : memref<2x125x8x128xf32, #tpu.memory_space<vmem>>, vector<2x125x8x128xf32>,
    return
  }
  func.func @transform_0(%arg0: i32) -> (i32, i32) {
    %c0_i32 = arith.constant 0 : i32
    %c0_i32_0 = arith.constant 0 : i32
    return %c0_i32, %arg0 : i32, i32
  }
  func.func @transform_1(%arg0: i32) -> (i32, i32) {
    %c0_i32 = arith.constant 0 : i32
    %c0_i32_0 = arith.constant 0 : i32
    %c0_i32_1 = arith.constant 0 : i32
    return %c0_i32, %c0_i32_0 : i32, i32
  }
  func.func @transform_2(%arg0: i32) -> (i32, i32) {
    %c0_i32 = arith.constant 0 : i32
    %c0_i32_0 = arith.constant 0 : i32
    %c0_i32_1 = arith.constant 0 : i32
    return %c0_i32, %c0_i32_0 : i32, i32
  }
  func.func @transform_3(%arg0: i32) -> (i32, i32, i32, i32) {
    %c0_i32 = arith.constant 0 : i32
    %c0_i32_0 = arith.constant 0 : i32
    %c0_i32_1 = arith.constant 0 : i32
    %c0_i32_2 = arith.constant 0 : i32
    return %c0_i32, %arg0, %c0_i32_0, %c0_i32_1 : i32, i32, i32, i32
  }
}

</mosaic_0001>

<sc_bundles>
// kernel: kernel.5.cloned.1.call-start
scs
__scs_entry_jumppad:
0x0: {  	(pc) =	sbr.rel $0x88, $3  }
0x1: {  	(tag) =	ssettag $0x0;
	lr =	simm.s32 $0x1  }
0x2: {  	[smem:$0x3F9C] =	sst lr;
	_ =	strace $0xD0000000  }
0x3: {  	_ = 	snop  }
0x4: {  	_ = 	snop  }
0x5: {  	_ = 	snop  }
0x6: {  	_ = 	snop  }
0x7: {  	_ = 	snop  }
__scs_overlays_trampoline_lowered:
0x8: {  	[smem:$0x3FAB] =	sst s0  }
0x9: {  	[smem:$0x3FAC] =	sst s1  }
0xa: {  	[smem:$0x3FAD] =	sst s2  }
0xb: {  	[smem:$0x3FAE] =	sst s3  }
0xc: {  	[smem:$0x3FAF] =	sst s4  }
0xd: {  	[smem:$0x3FB0] =	sst s5  }
0xe: {  	[smem:$0x3FB1] =	sst s6  }
0xf: {  	[smem:$0x3FB2] =	sst s7  }
0x10: {  	[smem:$0x3FB3] =	sst s8  }
0x11: {  	[smem:$0x3FB4] =	sst s9;
	s0 =	simm.s32 @!p0 $0x0  }
0x12: {  	s1 =	sld [smem:$0x3F9A];
	s0 =	simm.s32 @p0 $0x1  }
0x13: {  	[smem:$0x3FB5] =	sst s0;
	s0 =	simm.s32 @!p1 $0x0  }
0x14: {  	s2 =	sld [smem:$0x3F99];
	s0 =	simm.s32 @p1 $0x1  }
0x15: {  	[smem:$0x3FB6] =	sst s0;
	s0 =	simm.s32 @!p2 $0x0  }
0x16: {  	s3 =	sld [smem:$0x3FDB];
	s0 =	simm.s32 @p2 $0x1  }
0x17: {  	s4 =	simm.s32 $0x1BF5;
	[smem:$0x3FB8] =	sst s0  }
0x18: {  	s0 =	sld [smem:$0x3F9B];
	_ =	swait.ge [sflag:s4], $0x0  }
0x19: {  	s7 =	sld [smem:$0x3F9C]  }
0x1a: {  	s8 =	sadd.s32 $0xFFFFE003, lr  }
0x1b: {  	s9 =	sadd.s32 $0xFFFFFEF7, lr;
	s5 =	simm.s32 $0xFFFFFFFF;
	p2 =	slt.u32 s8, $0xFFFFF086  }
0x1c: {  	p1 =	slt.u32 s9, $0xF7A;
	s5 =	simm.s32 @!p2 $0x0  }
0x1d: {  	s5 =	simm.s32 @p1 $0x1;
	p0 =	seq.s32 s7, s2  }
0x1e: {  	s7 =	smul.u32 @!p0 $0xF7A, s2;
	p2 =	seq.s32 @!p0 s5, $0x0  }
0x1f: {  	s9 =	smul.u32 $0xF7A, s1;
	s8 =	simm.s32 @!p0 $0x1BF5;
	p2 =	por !p2, p0  }
0x20: {  	[sflag:s8] =	ssyncset.s32 @!p0 $0xFFFFF086;
	s6 =	sadd.s32 @!p0 s3, s7;
	s7 =	simm.s32 @!p0 $0x108  }
0x21: {  	s3 =	sadd.s32 s3, s9;
	s6 =	sadd.s32 @!p0 $0x88, s6;
	s7 =	simm.s32 @p2 $0x1082  }
0x22: {  	[simem:s7], [sflag:s8] =	dma.local @!p0 [hbm:s6], $0xF7A  }
0x23: {  	s9 =	sor.u32 $0xD0000000, s2;
	s6 =	simm.s32 $0x108;
	_ =	swait.ge @!p0 [sflag:s8], $0x0  }
0x24: {  	s3 =	sadd.s32 $0x88, s3;
	s6 =	simm.s32 @!p1 $0x1082;
	[sflag:s4] =	ssyncset.s32 $0xFFFFF086  }
0x25: {  	[simem:s6], [sflag:s4] =	dma.local [hbm:s3], $0xF7A  }
0x26: {  	[smem:$0x3F9C] =	sst s1;
	(tag) =	ssettag s2;
	_ =	strace s9  }
0x27: {  	s1 =	sld [smem:$0x3FAC]  }
0x28: {  	s2 =	sld [smem:$0x3FAD]  }
0x29: {  	s4 =	sld [smem:$0x3FAF]  }
0x2a: {  	p0 =	seq.s32 s5, $0x0;
	s5 =	sld [smem:$0x3FB0]  }
0x2b: {  	s6 =	sld [smem:$0x3FB1]  }
0x2c: {  	s7 =	sld [smem:$0x3FB2]  }
0x2d: {  	s3 =	simm.s32 $0x108;
	s8 =	sld [smem:$0x3FB3]  }
0x2e: {  	s3 =	simm.s32 @!p0 $0x1082;
	s9 =	sld [smem:$0x3FB4]  }
0x2f: {  	lr =	sadd.s32 s0, s3;
	s0 =	sld [smem:$0x3FAB]  }
0x30: {  	s3 =	sld [smem:$0x3FAE]  }
0x31: {  	[smem:$0x3FB7] =	sst s10  }
0x32: {  	s10 =	sld [smem:$0x3FB5];
	_ =	sdelay $0x3  }
0x33: {  	p0 =	seq.s32 s10, $0x1;
	s10 =	sld [smem:$0x3FB7];
	_ =	sdelay $0x3  }
0x34: {  	[smem:$0x3FB7] =	sst s10  }
0x35: {  	s10 =	sld [smem:$0x3FB6];
	_ =	sdelay $0x3  }
0x36: {  	p1 =	seq.s32 s10, $0x1;
	s10 =	sld [smem:$0x3FB7];
	_ =	sdelay $0x3  }
0x37: {  	[smem:$0x3FB7] =	sst s10  }
0x38: {  	s10 =	sld [smem:$0x3FB8]  }
0x39: {  	_ = 	snop;
	(pc) =	sbr.ind lr, $3  }
0x3a: {  	_ = 	snop  }
0x3b: {  	_ = 	snop  }
0x3c: {  	p2 =	seq.s32 s10, $0x1;
	s10 =	sld [smem:$0x3FB7]  }
0x3d: {  	_ =	shalt  }
0x3e: {  	_ =	shalt  }
0x3f: {  	_ =	shalt  }
0x40: {  	_ =	shalt  }
0x41: {  	_ =	shalt  }
0x42: {  	_ =	shalt  }
0x43: {  	_ =	shalt  }
0x44: {  	_ =	shalt  }
0x45: {  	_ =	shalt  }
0x46: {  	_ =	shalt  }
0x47: {  	_ =	shalt  }
0x48: {  	_ =	shalt  }
0x49: {  	_ =	shalt  }
0x4a: {  	_ =	shalt  }
0x4b: {  	_ =	shalt  }
0x4c: {  	_ =	shalt  }
0x4d: {  	_ =	shalt  }
0x4e: {  	_ =	shalt  }
0x4f: {  	_ =	shalt  }
0x50: {  	_ =	shalt  }
0x51: {  	_ =	shalt  }
0x52: {  	_ =	shalt  }
0x53: {  	_ =	shalt  }
0x54: {  	_ =	shalt  }
0x55: {  	_ =	shalt  }
0x56: {  	_ =	shalt  }
0x57: {  	_ =	shalt  }
0x58: {  	_ =	shalt  }
0x59: {  	_ =	shalt  }
0x5a: {  	_ =	shalt  }
0x5b: {  	_ =	shalt  }
0x5c: {  	_ =	shalt  }
0x5d: {  	_ =	shalt  }
0x5e: {  	_ =	shalt  }
0x5f: {  	_ =	shalt  }
0x60: {  	_ =	shalt  }
0x61: {  	_ =	shalt  }
0x62: {  	_ =	shalt  }
0x63: {  	_ =	shalt  }
0x64: {  	_ =	shalt  }
0x65: {  	_ =	shalt  }
0x66: {  	_ =	shalt  }
0x67: {  	_ =	shalt  }
0x68: {  	_ =	shalt  }
0x69: {  	_ =	shalt  }
0x6a: {  	_ =	shalt  }
0x6b: {  	_ =	shalt  }
0x6c: {  	_ =	shalt  }
0x6d: {  	_ =	shalt  }
0x6e: {  	_ =	shalt  }
0x6f: {  	_ =	shalt  }
0x70: {  	_ =	shalt  }
0x71: {  	_ =	shalt  }
0x72: {  	_ =	shalt  }
0x73: {  	_ =	shalt  }
0x74: {  	_ =	shalt  }
0x75: {  	_ =	shalt  }
0x76: {  	_ =	shalt  }
0x77: {  	_ =	shalt  }
0x78: {  	_ =	shalt  }
0x79: {  	_ =	shalt  }
0x7a: {  	_ =	shalt  }
0x7b: {  	_ =	shalt  }
0x7c: {  	_ =	shalt  }
0x7d: {  	_ =	shalt  }
0x7e: {  	_ =	shalt  }
0x7f: {  	_ =	shalt  }
0x80: {  	_ =	shalt  }
0x81: {  	_ =	shalt  }
0x82: {  	_ =	shalt  }
0x83: {  	_ =	shalt  }
0x84: {  	_ =	shalt  }
0x85: {  	_ =	shalt  }
0x86: {  	_ =	shalt  }
0x87: {  	_ =	shalt  }
.Lfunc_end0:
.L_simem_size_0:
called_computation_lowered:
.L_overlay_start_0:
0x88: {  	s2 =	sld [smem:$0x3FD9]  }
0x89: {  	s3 =	sld [smem:$0x3FFE];
	_ =	sdelay $0x1  }
0x8a: {  	s1 =	srdreg.scid  }
0x8b: {  	s0 =	sand.u32 $0x1, s1  }
0x8c: {  	s17 =	sshll.u32 s0, $0xA;
	s2 =	sadd.s32 s3, s2  }
0x8d: {  	s2 =	sadd.s32 s2, s17  }
0x8e: {  	[smem:$0x3FC3] =	sst s2  }
0x8f: {  	_ = 	snop  }
0x90: {  	s2 =	sld [smem:$0x3FD0];
	(tm) =	ssettm $0x1  }
0x91: {  	s18 =	sld [smem:$0x3FFB];
	_ =	sdelay $0x3  }
0x92: {  	_ =	strace s18  }
0x93: {  	s3 =	sld [smem:$0x3FFC];
	_ =	sdelay $0x3  }
0x94: {  	_ =	strace s3  }
0x95: {  	s3 =	sld [smem:$0x3FFD];
	_ =	sdelay $0x3  }
0x96: {  	_ =	strace s3  }
0x97: {  	_ =	strace $0x8FFFFFFF  }
0x98: {  	s19 =	sld [smem:$0x3FDB];
	_ =	sdelay $0x1  }
0x99: {  	s4 =	simm.s32 $_scs_section_size  }
0x9a: {  	s5 =	simm.s32 $_size__tile_overlayer_lowered;
	s6 =	simm.s32 $_tile_overlayer_lowered  }
0x9b: {  	s22 =	simm.s32 $0x1BFF;
	s21 =	sshll.u32 s6, $0x1;
	s3 =	sadd.s32 s4, s19  }
0x9c: {  	s7 =	simm.s32 $0x0;
	s20 =	sshll.u32 s5, $0x1;
	s5 =	sadd.s32 s21, s3  }
0x9d: {  	[timem:s7], [sflag:s22] =	dma.local [hbm:s5], s20  }
0x9e: {  	_ =	swait.ge [sflag:s22], s20  }
0x9f: {  	s4 =	ssub.s32 $0x0, s20;
	[sflag:s22] =	ssyncset.done $0x0  }
0xa0: {  	[sflag:s22] =	ssyncadd.s32 s4;
	_ =	sdelay $0x1  }
0xa1: {  	s23 =	simm.s32 $0x1B8B  }
0xa2: {  	_ =	swait.ge [sflag:s23], $0x1  }
0xa3: {  	[sflag:s23] =	ssyncset.done $0x0  }
0xa4: {  	s25 =	simm.s32 $0x1B8E;
	s24 =	sld [smem:$0x3FFE];
	[sflag:s23] =	ssyncadd.s32 $0xFFFFFFFF  }
0xa5: {  	s26 =	simm.s32 $execute0_lowered;
	[smem:$0x3FD2] =	sst s25  }
0xa6: {  	s5 =	sshll.u32 s26, $0x1;
	_ =	strace $0x80000046;
	[dreg:$0x1] =	wrdreg $0xFFFFFFFF  }
0xa7: {  	s28 =	simm.s32 $_size_execute0_lowered;
	s3 =	sadd.s32 s3, s5;
	[dreg:$0x0] =	wrdreg $0x0  }
0xa8: {  	s5 =	sshll.u32 s28, $0x1;
	[dreg:$0x2] =	wrdreg s3  }
0xa9: {  	[dreg:$0x3] =	wrdreg s5  }
0xaa: {  	[dreg:$0x4] =	wrdreg $0xC0  }
0xab: {  	_ =	task [dreg:s7], $0x5FFFF  }
0xac: {  	[dreg:$0x1] =	wrdreg $0xFFFFFFFF  }
0xad: {  	[dreg:$0x0] =	wrdreg $0x60  }
0xae: {  	[dreg:$0x2] =	wrdreg s24  }
0xaf: {  	[dreg:$0x3] =	wrdreg s2  }
0xb0: {  	[dreg:$0x4] =	wrdreg $0x1A4000  }
0xb1: {  	[dreg:$0x5] =	wrdreg $0x1CB100  }
0xb2: {  	[dreg:$0x6] =	wrdreg $0x9  }
0xb3: {  	_ =	task.clear_ibuf [dreg:s7], $0x7FFFF;
	_ =	strace $0x90000046  }
0xb4: {  	s29 =	simm.s32 $0x9;
	_ =	strace $0x80000048  }
0xb5: {  	_ =	swait.ge [sflag:s29], $0x1  }
0xb6: {  	[sflag:s29] =	ssyncadd.s32 $0xFFFFFFFF  }
0xb7: {  	_ =	strace $0x90000048  }
0xb8: {  	_ =	sfence  }
0xb9: {  	s30 =	sld [smem:$0x0];
	_ =	sdelay $0x2  }
0xba: {  	s31 =	sshll.u32 s1, $0xD;
	s1 =	sshrl.u32 s1, $0x2  }
0xbb: {  	s3 =	sand.u32 $0x4000, s31;
	s1 =	sadd.s32 s1, s30  }
0xbc: {  	s0 =	sor.u32 s3, s0;
	s1 =	sshll.u32 s1, $0x11  }
0xbd: {  	s0 =	sor.u32 s1, s0  }
0xbe: {  	s0 =	sadd.s32 $0x8F2B, s0  }
0xbf: {  	[sflag:s0] =	ssyncadd.remote.s32 $0x1  }
0xc0: {  	_ =	sfence.sel $0xFFFF  }
0xc1: {  	[dreg:$0x0] =	wrdreg $0xFFFFFFFF;
	(pc) =	sbr.abs _section_cstart, $3  }
0xc2: {  	[dreg:$0x1] =	wrdreg $0xFFFFFFFF  }
0xc3: {  	_ =	task.clear_ibuf [dreg:s7], $0x2FFFF;
	_ =	strace $0x9FFFFFFF  }
0xc4: {  	(tm) =	ssettm $0x7FFFFFFF  }
0xc5: {  	_ =	shalt  }
tec
execute0_lowered:
.L_overlay_start_1:
0x0: {  	(tag) =	ssettag $0x1  }
0x1: {  	v0 =	vimm.s32 $0x2B80  }
0x2: {  	vm14 =	vcmask $0x300;
	vm13 =	vcmask $0x704;
	vm12 =	vcmask $0xB08  }
0x3: {  	vm11 =	vcmask $0xF0C;
	vm10 =	vcmask $0x1310;
	vm9 =	vcmask $0x1714  }
0x4: {  	vm8 =	vcmask $0x1B18;
	vm7 =	vcmask $0x1F1C;
	vm4 =	vcmask $0x2320  }
0x5: {  	v2 =	vimm.s32 $0x2F87;
	v3 =	vimm.s32 $0x2F80;
	vm0 =	vcmask $0x2724  }
0x6: {  	vm1 =	vcmask $0x2B28;
	vm2 =	vcmask $0x2F2C;
	vm3 =	vcmask $0x3330  }
0x7: {  	vm5 =	vcmask $0x3734;
	vm6 =	vcmask $0x3B38;
	v7 =	vimm.s32 $0x3380  }
0x8: {  	v8 =	vimm.s32 $0x3787;
	v9 =	vimm.s32 $0x3780;
	v10 =	vimm.s32 $0x3B80  }
0x9: {  	v11 =	vimm.s32 $0x3F87;
	v12 =	vimm.s32 $0x3F80;
	v13 =	vimm.s32 $0x4380  }
0xa: {  	v14 =	vimm.s32 $0x4787;
	v15 =	vimm.s32 $0x4780;
	v16 =	vimm.s32 $0x4B80  }
0xb: {  	v17 =	vimm.s32 $0x4F87;
	v18 =	vimm.s32 $0x4F80;
	v0 =	vsel vm14, $0x0, v0  }
0xc: {  	v2 =	vsel vm14, $0x400, v2;
	v3 =	vsel vm14, $0x400, v3;
	v7 =	vsel vm14, $0x800, v7  }
0xd: {  	v8 =	vsel vm14, $0xC00, v8;
	v9 =	vsel vm14, $0xC00, v9;
	v10 =	vsel vm14, $0x1000, v10  }
0xe: {  	v11 =	vsel vm14, $0x1400, v11;
	v12 =	vsel vm14, $0x1400, v12;
	v13 =	vsel vm14, $0x1800, v13  }
0xf: {  	v14 =	vsel vm14, $0x1C00, v14;
	v15 =	vsel vm14, $0x1C00, v15;
	v16 =	vsel vm14, $0x2000, v16  }
0x10: {  	v17 =	vsel vm14, $0x2400, v17;
	v18 =	vsel vm14, $0x2400, v18;
	v0 =	vsel vm13, $0x80, v0  }
0x11: {  	v2 =	vsel vm13, $0x481, v2;
	v3 =	vsel vm13, $0x480, v3;
	v7 =	vsel vm13, $0x880, v7  }
0x12: {  	v8 =	vsel vm13, $0xC81, v8;
	v9 =	vsel vm13, $0xC80, v9;
	v10 =	vsel vm13, $0x1080, v10  }
0x13: {  	v11 =	vsel vm13, $0x1481, v11;
	v12 =	vsel vm13, $0x1480, v12;
	v13 =	vsel vm13, $0x1880, v13  }
0x14: {  	v14 =	vsel vm13, $0x1C81, v14;
	v15 =	vsel vm13, $0x1C80, v15;
	v16 =	vsel vm13, $0x2080, v16  }
0x15: {  	v17 =	vsel vm13, $0x2481, v17;
	v18 =	vsel vm13, $0x2480, v18;
	v0 =	vsel vm12, $0x100, v0  }
0x16: {  	v2 =	vsel vm12, $0x502, v2;
	v3 =	vsel vm12, $0x500, v3;
	v7 =	vsel vm12, $0x900, v7  }
0x17: {  	v8 =	vsel vm12, $0xD02, v8;
	v9 =	vsel vm12, $0xD00, v9;
	v10 =	vsel vm12, $0x1100, v10  }
0x18: {  	v11 =	vsel vm12, $0x1502, v11;
	v12 =	vsel vm12, $0x1500, v12;
	v13 =	vsel vm12, $0x1900, v13  }
0x19: {  	v14 =	vsel vm12, $0x1D02, v14;
	v15 =	vsel vm12, $0x1D00, v15;
	v16 =	vsel vm12, $0x2100, v16  }
0x1a: {  	v17 =	vsel vm12, $0x2502, v17;
	v18 =	vsel vm12, $0x2500, v18;
	v0 =	vsel vm11, $0x180, v0  }
0x1b: {  	v2 =	vsel vm11, $0x583, v2;
	v3 =	vsel vm11, $0x580, v3;
	v7 =	vsel vm11, $0x980, v7  }
0x1c: {  	v8 =	vsel vm11, $0xD83, v8;
	v9 =	vsel vm11, $0xD80, v9;
	v10 =	vsel vm11, $0x1180, v10  }
0x1d: {  	v11 =	vsel vm11, $0x1583, v11;
	v12 =	vsel vm11, $0x1580, v12;
	v13 =	vsel vm11, $0x1980, v13  }
0x1e: {  	v14 =	vsel vm11, $0x1D83, v14;
	v15 =	vsel vm11, $0x1D80, v15;
	v16 =	vsel vm11, $0x2180, v16  }
0x1f: {  	v17 =	vsel vm11, $0x2583, v17;
	v18 =	vsel vm11, $0x2580, v18;
	v0 =	vsel vm10, $0x200, v0  }
0x20: {  	v2 =	vsel vm10, $0x604, v2;
	v3 =	vsel vm10, $0x600, v3;
	v7 =	vsel vm10, $0xA00, v7  }
0x21: {  	v8 =	vsel vm10, $0xE04, v8;
	v9 =	vsel vm10, $0xE00, v9;
	v10 =	vsel vm10, $0x1200, v10  }
0x22: {  	v11 =	vsel vm10, $0x1604, v11;
	v12 =	vsel vm10, $0x1600, v12;
	v13 =	vsel vm10, $0x1A00, v13  }
0x23: {  	v14 =	vsel vm10, $0x1E04, v14;
	v15 =	vsel vm10, $0x1E00, v15;
	v16 =	vsel vm10, $0x2200, v16  }
0x24: {  	v17 =	vsel vm10, $0x2604, v17;
	v18 =	vsel vm10, $0x2600, v18;
	v0 =	vsel vm9, $0x280, v0  }
0x25: {  	v2 =	vsel vm9, $0x685, v2;
	v3 =	vsel vm9, $0x680, v3;
	v7 =	vsel vm9, $0xA80, v7  }
0x26: {  	v8 =	vsel vm9, $0xE85, v8;
	v9 =	vsel vm9, $0xE80, v9;
	v10 =	vsel vm9, $0x1280, v10  }
0x27: {  	v11 =	vsel vm9, $0x1685, v11;
	v12 =	vsel vm9, $0x1680, v12;
	v13 =	vsel vm9, $0x1A80, v13  }
0x28: {  	v14 =	vsel vm9, $0x1E85, v14;
	v15 =	vsel vm9, $0x1E80, v15;
	v16 =	vsel vm9, $0x2280, v16  }
0x29: {  	v17 =	vsel vm9, $0x2685, v17;
	v18 =	vsel vm9, $0x2680, v18;
	v1 =	vsel vm8, $0x300, v0  }
0x2a: {  	v0 =	vlaneseq.u32;
	v2 =	vsel vm8, $0x706, v2;
	v3 =	vsel vm8, $0x700, v3  }
0x2b: {  	v7 =	vsel vm8, $0xB00, v7;
	v8 =	vsel vm8, $0xF06, v8;
	v9 =	vsel vm8, $0xF00, v9  }
0x2c: {  	v10 =	vsel vm8, $0x1300, v10;
	v11 =	vsel vm8, $0x1706, v11;
	v12 =	vsel vm8, $0x1700, v12  }
0x2d: {  	v13 =	vsel vm8, $0x1B00, v13;
	v14 =	vsel vm8, $0x1F06, v14;
	v15 =	vsel vm8, $0x1F00, v15  }
0x2e: {  	v16 =	vsel vm8, $0x2300, v16;
	v17 =	vsel vm8, $0x2706, v17;
	v18 =	vsel vm8, $0x2700, v18  }
0x2f: {  	v1 =	vsel vm7, $0x380, v1;
	v2 =	vsel vm7, $0x787, v2;
	v3 =	vsel vm7, $0x780, v3  }
0x30: {  	v6 =	vor.u32 $0x1000, v0;
	v7 =	vsel vm7, $0xB80, v7;
	v8 =	vsel vm7, $0xF87, v8  }
0x31: {  	v9 =	vsel vm7, $0xF80, v9;
	v10 =	vsel vm7, $0x1380, v10;
	v11 =	vsel vm7, $0x1787, v11  }
0x32: {  	v12 =	vsel vm7, $0x1780, v12;
	v13 =	vsel vm7, $0x1B80, v13;
	v14 =	vsel vm7, $0x1F87, v14  }
0x33: {  	v15 =	vsel vm7, $0x1F80, v15;
	v16 =	vsel vm7, $0x2380, v16;
	v17 =	vsel vm7, $0x2787, v17  }
0x34: {  	v18 =	vsel vm7, $0x2780, v18;
	v1 =	vsel vm4, $0x2800, v1;
	v2 =	vsel vm4, $0x2C00, v2  }
0x35: {  	v3 =	vsel vm4, $0x2C00, v3;
	v7 =	vsel vm4, $0x3000, v7;
	v8 =	vsel vm4, $0x3400, v8  }
0x36: {  	v9 =	vsel vm4, $0x3400, v9;
	v10 =	vsel vm4, $0x3800, v10;
	v11 =	vsel vm4, $0x3C00, v11  }
0x37: {  	v12 =	vsel vm4, $0x3C00, v12;
	v13 =	vsel vm4, $0x4000, v13;
	v14 =	vsel vm4, $0x4400, v14  }
0x38: {  	v15 =	vsel vm4, $0x4400, v15;
	v16 =	vsel vm4, $0x4800, v16;
	v17 =	vsel vm4, $0x4C00, v17  }
0x39: {  	v18 =	vsel vm4, $0x4C00, v18;
	v1 =	vsel vm0, $0x2880, v1;
	v2 =	vsel vm0, $0x2C81, v2  }
0x3a: {  	v3 =	vsel vm0, $0x2C80, v3;
	v7 =	vsel vm0, $0x3080, v7;
	v8 =	vsel vm0, $0x3481, v8  }
0x3b: {  	v9 =	vsel vm0, $0x3480, v9;
	v10 =	vsel vm0, $0x3880, v10;
	v11 =	vsel vm0, $0x3C81, v11  }
0x3c: {  	v12 =	vsel vm0, $0x3C80, v12;
	v13 =	vsel vm0, $0x4080, v13;
	v14 =	vsel vm0, $0x4481, v14  }
0x3d: {  	v15 =	vsel vm0, $0x4480, v15;
	v16 =	vsel vm0, $0x4880, v16;
	v17 =	vsel vm0, $0x4C81, v17  }
0x3e: {  	v18 =	vsel vm0, $0x4C80, v18;
	v1 =	vsel vm1, $0x2900, v1;
	v2 =	vsel vm1, $0x2D02, v2  }
0x3f: {  	v3 =	vsel vm1, $0x2D00, v3;
	v7 =	vsel vm1, $0x3100, v7;
	v8 =	vsel vm1, $0x3502, v8  }
0x40: {  	v9 =	vsel vm1, $0x3500, v9;
	v10 =	vsel vm1, $0x3900, v10;
	v11 =	vsel vm1, $0x3D02, v11  }
0x41: {  	v12 =	vsel vm1, $0x3D00, v12;
	v13 =	vsel vm1, $0x4100, v13;
	v14 =	vsel vm1, $0x4502, v14  }
0x42: {  	v15 =	vsel vm1, $0x4500, v15;
	v16 =	vsel vm1, $0x4900, v16;
	v17 =	vsel vm1, $0x4D02, v17  }
0x43: {  	v18 =	vsel vm1, $0x4D00, v18;
	v1 =	vsel vm2, $0x2980, v1;
	v4 =	vsel vm2, $0x2D83, v2  }
0x44: {  	v3 =	vsel vm2, $0x2D80, v3;
	v2 =	vand.u32 $0x7, v0;
	v7 =	vsel vm2, $0x3180, v7  }
0x45: {  	v8 =	vsel vm2, $0x3583, v8;
	v9 =	vsel vm2, $0x3580, v9;
	v10 =	vsel vm2, $0x3980, v10  }
0x46: {  	v11 =	vsel vm2, $0x3D83, v11;
	v12 =	vsel vm2, $0x3D80, v12;
	v13 =	vsel vm2, $0x4180, v13  }
0x47: {  	v14 =	vsel vm2, $0x4583, v14;
	v15 =	vsel vm2, $0x4580, v15;
	v16 =	vsel vm2, $0x4980, v16  }
0x48: {  	s7 =	rddreg [dreg:$0x0];
	v17 =	vsel vm2, $0x4D83, v17;
	v18 =	vsel vm2, $0x4D80, v18;
	v1 =	vsel vm3, $0x2A00, v1  }
0x49: {  	s0 =	rddreg [dreg:$0x1];
	v4 =	vsel vm3, $0x2E04, v4;
	v5 =	vsel vm3, $0x2E00, v3;
	v3 =	vor.u32 $0x800, v0  }
0x4a: {  	s1 =	rddreg [dreg:$0x2];
	v7 =	vsel vm3, $0x3200, v7;
	v8 =	vsel vm3, $0x3604, v8;
	v9 =	vsel vm3, $0x3600, v9  }
0x4b: {  	s3 =	rddreg [dreg:$0x3];
	s5 =	srdreg.scid;
	v10 =	vsel vm3, $0x3A00, v10;
	v11 =	vsel vm3, $0x3E04, v11;
	v12 =	vsel vm3, $0x3E00, v12  }
0x4c: {  	s2 =	stileid.u32;
	s4 =	simm.s32 $0x0;
	s15 =	simm.s32 $0x4;
	v13 =	vsel vm3, $0x4200, v13;
	v14 =	vsel vm3, $0x4604, v14;
	v15 =	vsel vm3, $0x4600, v15  }
0x4d: {  	s18 =	simm.s32 $0x1400;
	s19 =	simm.s32 $0xB400;
	s20 =	simm.s32 $0x15400;
	v16 =	vsel vm3, $0x4A00, v16;
	v17 =	vsel vm3, $0x4E04, v17;
	v18 =	vsel vm3, $0x4E00, v18  }
0x4e: {  	s21 =	simm.s32 $0x17C00;
	s22 =	simm.s32 $0x1;
	s23 =	simm.s32 $0x3;
	v1 =	vsel vm5, $0x2A80, v1;
	v4 =	vsel vm5, $0x2E85, v4;
	v5 =	vsel vm5, $0x2E80, v5  }
0x4f: {  	s24 =	simm.s32 $0x2;
	s28 =	simm.s32 $0x0;
	s8 =	sand.u32 $0x1, s5;
	v7 =	vsel vm5, $0x3280, v7;
	v8 =	vsel vm5, $0x3685, v8;
	v9 =	vsel vm5, $0x3680, v9  }
0x50: {  	s25 =	sshll.u32 s2, $0x1;
	[smem:$0x7FF] =	sst s4;
	s6 =	sadd.s32 $0xC00, s7;
	v10 =	vsel vm5, $0x3A80, v10;
	v11 =	vsel vm5, $0x3E85, v11;
	v12 =	vsel vm5, $0x3E80, v12  }
0x51: {  	s10 =	sadd.s32 $0x14600, s7;
	s29 =	sadd.s32 $0x19600, s7;
	s5 =	sor.u32 s8, s25;
	v13 =	vsel vm5, $0x4280, v13;
	v14 =	vsel vm5, $0x4685, v14;
	v15 =	vsel vm5, $0x4680, v15  }
0x52: {  	p0 =	seq.s32 s2, $0x1;
	s31 =	sshrl.u32 s3, $0x3;
	s9 =	smul.u32 $0x500, s5;
	v16 =	vsel vm5, $0x4A80, v16;
	v17 =	vsel vm5, $0x4E85, v17;
	v18 =	vsel vm5, $0x4E80, v18  }
.Ltmp0:
0x53: {  	_ =	strace $0x80000047;
	[dreg:$0x5] =	wrdreg s10;
	v1 =	vsel vm6, $0x2B00, v1;
	v4 =	vsel vm6, $0x2F06, v4;
	v5 =	vsel vm6, $0x2F00, v5;
	(pc) =	sbr.rel .LBB2_1-.Ltmp0, $4  }
0x54: {  	p1 =	sne.s32 s2, $0x0;
	s26 =	ssub.s32 $0x2, s8;
	[dreg:$0x6] =	wrdreg s29;
	v7 =	vsel vm6, $0x3300, v7;
	v8 =	vsel vm6, $0x3706, v8;
	v9 =	vsel vm6, $0x3700, v9  }
0x55: {  	[dreg:$0x7] =	wrdreg s31;
	s11 =	sshrl.u32 s26, $0x1;
	s12 =	sshrl.u32 s9, $0x3;
	v10 =	vsel vm6, $0x3B00, v10;
	v11 =	vsel vm6, $0x3F06, v11;
	v12 =	vsel vm6, $0x3F00, v12  }
0x56: {  	s30 =	ssub.s32 s26, s11;
	s26 =	simm.s32 $0x0;
	s10 =	sadd.s32 s6, s12;
	v13 =	vsel vm6, $0x4300, v13;
	v14 =	vsel vm6, $0x4706, v14;
	v15 =	vsel vm6, $0x4700, v15  }
0x57: {  	s9 =	sadd.s32 $0x1E600, s7;
	s12 =	smax.u32 s30, $0x1;
	s11 =	sadd.s32 $0x9C40, s10;
	v16 =	vsel vm6, $0x4B00, v16;
	v17 =	vsel vm6, $0x4F06, v17;
	v18 =	vsel vm6, $0x4F00, v18  }
.LBB2_50:
0x58: {  	s26 =	sadd.s32 $0x1, s26  }
0x59: {  	_ =	swait.ge [sflag:s23], $0x2800;
	p2 =	sne.s32 s26, s12  }
.Ltmp1:
0x5a: {  	[sflag:s23] =	ssyncset.done $0x0;
	(pc) =	sbr.rel @!p2 .LBB2_51-.Ltmp1, $4  }
0x5b: {  	[sflag:s23] =	ssyncadd.s32 $0xFFFFD800  }
0x5c: {  	_ =	swait.ge [sflag:s23], $0x2800  }
0x5d: {  	[sflag:s23] =	ssyncset.done $0x0  }
0x5e: {  	[sflag:s23] =	ssyncadd.s32 $0xFFFFD800  }
.LBB2_1:
.Ltmp2:
0x5f: {  	(pc) =	sbr.rel @p0 .LBB2_4-.Ltmp2, $1  }
0x60: {  	_ =	sdelay $0x3  }
.Ltmp3:
0x61: {  	(pc) =	sbr.rel @p1 .LBB2_6-.Ltmp3, $1  }
0x62: {  	_ =	sdelay $0x3  }
.Ltmp4:
0x63: {  	(pc) =	sbr.rel .LBB2_5-.Ltmp4, $3  }
0x64: {  	_ =	sdelay $0x1  }
0x65: {  	s2 =	sshrl.u32 s1, $0x3;
	s7 =	rddreg [dreg:$0x5];
	s8 =	simm.s32 $0x1C04  }
0x66: {  	[spmem:s2], [sflag:s8] =	dma.local [hbm:s7], $0x4E20  }
.LBB2_4:
0x67: {  	s2 =	rddreg [dreg:$0x6]  }
0x68: {  	s7 =	rddreg [dreg:$0x7];
	s8 =	simm.s32 $0x1C44  }
0x69: {  	[spmem:s7], [sflag:s8] =	dma.local [hbm:s2], $0x4E20  }
.LBB2_5:
0x6a: {  	_ =	swait.ge [sflag:s15], $0x4E20  }
0x6b: {  	[sflag:s15] =	ssyncset.done $0x0  }
0x6c: {  	[sflag:s15] =	ssyncadd.s32 $0xFFFFB1E0  }
.LBB2_6:
0x6d: {  	[bflag:$0x0] =	sbarrier.arrive $0xFFFF  }
0x6e: {  	[tilespmem:s28], [sflag:$0x4] =	stream.linear.gather [hbm4b:s10+s28], $0x500, $0x38;
	[tilespmem:$0x1F220] =	vst v63  }
0x6f: {  	_ =	swait.ge [sflag:s15], $0x500  }
0x70: {  	[sflag:s15] =	ssyncset.done $0x0  }
0x71: {  	s2 =	simm.s32 $0xA00;
	[sflag:s15] =	ssyncadd.s32 $0xFFFFFB00  }
0x72: {  	[tilespmem:s2], [sflag:$0x4] =	stream.linear.gather [hbm4b:s11+s28], $0x500, $0x38;
	[tilespmem:$0x1F220] =	vst v63  }
0x73: {  	_ =	swait.ge [sflag:s15], $0x500  }
.Ltmp5:
0x74: {  	[sflag:s15] =	ssyncset.done $0x0;
	(pc) =	sbr.rel .LBB2_7-.Ltmp5, $4  }
0x75: {  	s7 =	simm.s32 $0x500;
	[sflag:s15] =	ssyncadd.s32 $0xFFFFFB00  }
0x76: {  	[tilespmem:s18], [sflag:$0x1] =	stream.indirect.gather [spmem:s1], $0x10, s28, s7, $0xb8;
	[tilespmem:$0x1F220] =	vst v63  }
0x77: {  	s29 =	simm.s32 $0x0  }
0x78: {  	[tilespmem:s19], [sflag:$0x1] =	stream.indirect.gather [spmem:s3], $0x10, s2, s7, $0xb8;
	[tilespmem:$0x1F220] =	vst v63  }
.LBB2_49:
0x79: {  	s29 =	sadd.s32 $0x1, s29  }
0x7a: {  	p2 =	sne.s32 s29, $0x4  }
.Ltmp6:
0x7b: {  	_ = 	snop;
	(pc) =	sbr.rel @!p2 .LBB2_50-.Ltmp6, $1  }
0x7c: {  	_ =	sdelay $0x3  }
.LBB2_7:
0x7d: {  	s2 =	sshll.u32 s29, $0x6  }
0x7e: {  	s2 =	sor.u32 s5, s2  }
0x7f: {  	s30 =	sor.u32 $0x20, s2  }
0x80: {  	p2 =	sgt.u32 s30, $0xF9  }
0x81: {  	s7 =	smul.u32 @!p2 $0x500, s30;
	_ =	sdelay $0x1  }
0x82: {  	s14 =	simm.s32 @!p2 $0x0;
	s7 =	sshrl.u32 @!p2 s7, $0x3  }
0x83: {  	s25 =	simm.s32 @!p2 $0x500;
	s31 =	simm.s32 @!p2 $0x4;
	s7 =	sadd.s32 @!p2 s6, s7  }
0x84: {  	[tilespmem:s25], [sflag:$0x4] =	stream.linear.gather @!p2 [hbm4b:s7+s14], $0x500, $0x38;
	[tilespmem:$0x1F220] =	vst v63  }
0x85: {  	_ =	swait.ge @!p2 [sflag:s31], $0x500  }
0x86: {  	[sflag:s31] =	ssyncset.done @!p2 $0x0  }
0x87: {  	s8 =	simm.s32 @!p2 $0xF00;
	s7 =	sadd.s32 @!p2 $0x9C40, s7;
	[sflag:s31] =	ssyncadd.s32 @!p2 $0xFFFFFB00  }
0x88: {  	[tilespmem:s8], [sflag:$0x4] =	stream.linear.gather @!p2 [hbm4b:s7+s14], $0x500, $0x38;
	[tilespmem:$0x1F220] =	vst v63  }
0x89: {  	_ =	swait.ge @!p2 [sflag:s31], $0x500  }
0x8a: {  	[sflag:s31] =	ssyncset.done @!p2 $0x0  }
0x8b: {  	s7 =	simm.s32 @!p2 $0x6400;
	[sflag:s31] =	ssyncadd.s32 @!p2 $0xFFFFFB00  }
0x8c: {  	[tilespmem:s7], [sflag:$0x2] =	stream.indirect.gather @!p2 [spmem:s1], $0x10, s25, s25, $0xb8;
	[tilespmem:$0x1F220] =	vst v63  }
0x8d: {  	p3 =	seq.s32 s29, $0x0;
	s7 =	simm.s32 @!p2 $0x10400  }
0x8e: {  	[tilespmem:s7], [sflag:$0x2] =	stream.indirect.gather @!p2 [spmem:s3], $0x10, s8, s25, $0xb8;
	[tilespmem:$0x1F220] =	vst v63  }
0x8f: {  	s7 =	simm.s32 @!p3 $0x3  }
0x90: {  	_ =	swait.ge @!p3 [sflag:s7], $0x2800  }
0x91: {  	[sflag:s7] =	ssyncset.done @!p3 $0x0  }
0x92: {  	s2 =	smul.u32 $0x2800, s2;
	[sflag:s7] =	ssyncadd.s32 @!p3 $0xFFFFD800  }
0x93: {  	_ =	swait.ge @!p3 [sflag:s7], $0x2800  }
0x94: {  	s31 =	sshrl.u32 s2, $0x3;
	[sflag:s7] =	ssyncset.done @!p3 $0x0  }
0x95: {  	s2 =	sadd.s32 s9, s31;
	[sflag:s7] =	ssyncadd.s32 @!p3 $0xFFFFD800  }
0x96: {  	[tilespmem:s20], [sflag:$0x4] =	stream.linear.gather [hbm4b:s2+s28], $0x2800, $0x38;
	[tilespmem:$0x1F220] =	vst v63  }
0x97: {  	s17 =	simm.s32 $0x1;
	_ =	swait.ge [sflag:s15], $0x2800  }
0x98: {  	s13 =	simm.s32 $0x4;
	s2 =	sadd.s32 $0x4E200, s31;
	[sflag:s15] =	ssyncset.done $0x0  }
0x99: {  	v29 =	vadd.s32 s17, v0;
	s17 =	simm.s32 $0x3;
	s16 =	sadd.s32 s9, s2;
	[sflag:s15] =	ssyncadd.s32 $0xFFFFD800  }
0x9a: {  	v32 =	vadd.s32 s13, v0;
	[tilespmem:s21], [sflag:$0x4] =	stream.linear.gather [hbm4b:s16+s28], $0x2800, $0x38;
	[tilespmem:$0x1F220] =	vst v63  }
0x9b: {  	v24 =	vand.u32 $0x7F, v29;
	v31 =	vadd.s32 s17, v0;
	v29 =	vand.u32 $0x7, v29;
	s14 =	simm.s32 $0x5;
	s16 =	simm.s32 $0x7;
	_ =	swait.ge [sflag:s15], $0x2800  }
0x9c: {  	v61 =	vor.u32 v1, v24;
	v23 =	vadd.s32 s14, v0;
	v25 =	vadd.s32 s16, v0;
	[sflag:s15] =	ssyncset.done $0x0  }
0x9d: {  	v63 =	vand.u32 $0x2BF8, v61;
	v19 =	vand.u32 $0x7F, v23;
	v21 =	vand.u32 $0x7F, v25;
	[sflag:s15] =	ssyncadd.s32 $0xFFFFD800  }
0x9e: {  	v27 =	vshll.u32 v19, $0x4;
	v33 =	vor.u32 v1, v19;
	v26 =	vshll.u32 v21, $0x4;
	_ =	swait.ge [sflag:s22], $0x5000  }
0x9f: {  	v19 =	vadd.s32 s28, v0;
	v34 =	vor.u32 v0, v26;
	v26 =	vor.u32 v0, v27;
	[sflag:s22] =	ssyncset.done $0x0  }
0xa0: {  	v28 =	vshll.u32 v24, $0x4;
	v29 =	vor.u32 v29, v63;
	v30 =	vand.u32 $0x7F, v19;
	[sflag:s22] =	ssyncadd.s32 $0xFFFFB000  }
0xa1: {  	v23 =	vand.u32 $0x7, v23;
	v19 =	vor.u32 v0, v28;
	v28 =	vshll.u32 v30, $0x4;
	s25 =	simm.s32 $0x2;
	_ =	swait.ge [sflag:s22], $0x5000  }
0xa2: {  	v33 =	vand.u32 $0x2BF8, v33;
	v36 =	vor.u32 v0, v28;
	v37 =	vadd.s32 s25, v0;
	[sflag:s22] =	ssyncset.done $0x0  }
0xa3: {  	v30 =	vor.u32 v1, v30;
	v23 =	vor.u32 v23, v33;
	v22 =	vand.u32 $0x7F, v37;
	[sflag:s22] =	ssyncadd.s32 $0xFFFFB000  }
0xa4: {  	v28 =	vand.u32 $0x7F, v31;
	v38 =	vand.u32 $0x2BF8, v30;
	v20 =	vshll.u32 v22, $0x4;
	v41 =	vld.idx.msk [tilespmem:v26+s19+$0x0], $0xffff  }
0xa5: {  	v31 =	vand.u32 $0x7, v31;
	s25 =	simm.s32 $0x6;
	v30 =	vshll.u32 v28, $0x4;
	v44 =	vor.u32 v0, v20;
	v45 =	vld.idx.msk [tilespmem:v26+s18+$0x0], $0xffff  }
0xa6: {  	v28 =	vor.u32 v1, v28;
	v35 =	vadd.s32 s25, v0;
	v42 =	vor.u32 v0, v30;
	v30 =	vld.idx.msk [tilespmem:v34+s19+$0x0], $0xffff  }
0xa7: {  	v40 =	vand.u32 $0x2BF8, v28;
	v24 =	vor.u32 v1, v22;
	v22 =	vor.u32 v2, v38;
	v46 =	vld.idx.msk [tilespmem:v36+s18+$0x0], $0xffff  }
0xa8: {  	v20 =	vand.u32 $0x7F, v35;
	v21 =	vor.u32 v1, v21;
	v27 =	vand.u32 $0x7F, v32;
	v47 =	vld.idx.msk [tilespmem:v36+s19+$0x0], $0xffff  }
0xa9: {  	v62 =	vand.u32 $0x7, v25;
	v43 =	vand.u32 $0x2BF8, v21;
	v21 =	vshll.u32 v27, $0x4;
	v25 =	vld.idx.msk [tilespmem:v19+s19+$0x0], $0xffff  }
0xaa: {  	v28 =	vor.u32 v1, v20;
	v26 =	vshll.u32 v20, $0x4;
	v20 =	vor.u32 v0, v21;
	v33 =	vld.idx.msk [tilespmem:v44+s19+$0x0], $0xffff  }
0xab: {  	v21 =	vor.u32 v0, v26;
	v26 =	vand.u32 $0x2BF8, v28;
	v28 =	vand.u32 $0x7, v35;
	v35 =	vld.idx.msk [tilespmem:v34+s18+$0x0], $0xffff  }
0xac: {  	v31 =	vor.u32 v31, v40;
	v40 =	vand.u32 $0x7, v32;
	v27 =	vor.u32 v1, v27;
	v36 =	vld.idx.msk [tilespmem:v44+s18+$0x0], $0xffff  }
0xad: {  	v38 =	vand.u32 $0x2BF8, v24;
	v24 =	vor.u32 v62, v43;
	v39 =	vand.u32 $0x2BF8, v27;
	v34 =	vld.idx.msk [tilespmem:v42+s19+$0x0], $0xffff  }
0xae: {  	s25 =	simm.s32 $0x8;
	v27 =	vadd.f32 v41, v45;
	v32 =	vadd.f32 v47, v46;
	v41 =	vand.u32 $0x7, v37;
	v37 =	vld.idx.msk [tilespmem:v42+s18+$0x0], $0xffff  }
.LBB2_8:
0xaf: {  	s7 =	sadd.s32 $0x1, s25  }
0xb0: {  	s8 =	sadd.s32 $0x2, s25;
	s14 =	sadd.s32 $0x3, s25;
	v19 =	vld.idx.msk [tilespmem:v19+s18+$0x0], $0xffff;
	v38 =	vor.u32 v41, v38;
	v39 =	vor.u32 v40, v39;
	v30 =	vadd.f32 v30, v35;
	s13 =	smov.u32 s25  }
0xb1: {  	s16 =	sadd.s32 $0x6, s25;
	v26 =	vor.u32 v28, v26;
	v40 =	vadd.s32 s7, v0;
	v41 =	vadd.s32 s8, v0;
	s7 =	sadd.s32 $0x4, s25;
	s8 =	sadd.s32 $0x5, s25;
	v35 =	vld.idx.msk [tilespmem:v20+s19+$0x0], $0xffff  }
0xb2: {  	p3 =	slt.u32 s25, $0x78;
	s25 =	sadd.s32 $0x8, s25;
	v42 =	vand.u32 $0x7F, v41;
	v43 =	vadd.s32 s7, v0;
	v44 =	vadd.s32 s8, v0;
	s7 =	sadd.s32 $0x7, s13;
	v28 =	vld.idx.msk [tilespmem:v21+s19+$0x0], $0xffff  }
0xb3: {  	v45 =	vand.u32 $0x7F, v40;
	v46 =	vshll.u32 v42, $0x4;
	v47 =	vadd.s32 s7, v0;
	v20 =	vld.idx.msk [tilespmem:v20+s18+$0x0], $0xffff  }
0xb4: {  	v48 =	vadd.s32 s14, v0;
	v33 =	vadd.f32 v33, v36;
	v49 =	vand.u32 $0x7F, v47;
	v21 =	vld.idx.msk [tilespmem:v21+s18+$0x0], $0xffff  }
0xb5: {  	v36 =	vand.u32 $0x7F, v44;
	v50 =	vshll.u32 v49, $0x4;
	[tilespmem:v22+s20+$0x0] =	vst.idx.add.f32.msk $0xffff, v32;
	v22 =	vadd.f32 v34, v37  }
0xb6: {  	v32 =	vshll.u32 v36, $0x4;
	v34 =	vor.u32 v1, v36;
	v36 =	vor.u32 v0, v50;
	[tilespmem:v38+s20+$0x0] =	vst.idx.add.f32.msk $0xffff, v33  }
0xb7: {  	v37 =	vadd.s32 s16, v0;
	v33 =	vand.u32 $0x7F, v43;
	v32 =	vor.u32 v0, v32;
	[tilespmem:v24+s20+$0x0] =	vst.idx.add.f32.msk $0xffff, v30  }
0xb8: {  	v25 =	vadd.f32 v25, v19;
	v24 =	vadd.s32 s13, v0;
	v30 =	vshll.u32 v45, $0x4;
	[tilespmem:v23+s20+$0x0] =	vst.idx.add.f32.msk $0xffff, v27  }
0xb9: {  	v23 =	vand.u32 $0x7F, v24;
	v19 =	vor.u32 v0, v30;
	v20 =	vadd.f32 v35, v20;
	[tilespmem:v31+s20+$0x0] =	vst.idx.add.f32.msk $0xffff, v22  }
0xba: {  	v22 =	vshll.u32 v23, $0x4;
	v23 =	vor.u32 v1, v23;
	v21 =	vadd.f32 v28, v21;
	[tilespmem:v29+s20+$0x0] =	vst.idx.add.f32.msk $0xffff, v25  }
0xbb: {  	v24 =	vand.u32 $0x7F, v48;
	v22 =	vor.u32 v0, v22;
	v23 =	vand.u32 $0x2BF8, v23;
	[tilespmem:v39+s20+$0x0] =	vst.idx.add.f32.msk $0xffff, v20  }
0xbc: {  	v25 =	vor.u32 v1, v49;
	v20 =	vshll.u32 v24, $0x4;
	v24 =	vor.u32 v1, v24;
	[tilespmem:v26+s20+$0x0] =	vst.idx.add.f32.msk $0xffff, v21  }
0xbd: {  	v31 =	vand.u32 $0x2BF8, v25;
	v49 =	vor.u32 v0, v20;
	v29 =	vand.u32 $0x2BF8, v24;
	v24 =	vld.idx.msk [tilespmem:v32+s19+$0x0], $0xffff  }
0xbe: {  	v46 =	vor.u32 v0, v46;
	v20 =	vshll.u32 v33, $0x4;
	v21 =	vand.u32 $0x7F, v37;
	v27 =	vld.idx.msk [tilespmem:v32+s18+$0x0], $0xffff  }
0xbf: {  	v20 =	vor.u32 v0, v20;
	v25 =	vshll.u32 v21, $0x4;
	v26 =	vor.u32 v1, v21;
	v30 =	vld.idx.msk [tilespmem:v36+s19+$0x0], $0xffff  }
0xc0: {  	v28 =	vand.u32 $0x7, v37;
	v21 =	vor.u32 v0, v25;
	v26 =	vand.u32 $0x2BF8, v26;
	v32 =	vld.idx.msk [tilespmem:v22+s18+$0x0], $0xffff  }
0xc1: {  	v38 =	vor.u32 v1, v42;
	v45 =	vor.u32 v1, v45;
	v39 =	vor.u32 v1, v33;
	v37 =	vld.idx.msk [tilespmem:v22+s19+$0x0], $0xffff  }
0xc2: {  	v33 =	vand.u32 $0x2BF8, v34;
	v34 =	vand.u32 $0x7, v44;
	v35 =	vld.idx.msk [tilespmem:v36+s18+$0x0], $0xffff;
	v36 =	vand.u32 $0x7, v47  }
.Ltmp7:
0xc3: {  	v38 =	vand.u32 $0x2BF8, v38;
	v22 =	vor.u32 v2, v23;
	v23 =	vor.u32 v34, v33;
	v25 =	vld.idx.msk [tilespmem:v19+s19+$0x0], $0xffff;
	(pc) =	sbr.rel @p3 .LBB2_8-.Ltmp7, $4  }
0xc4: {  	v39 =	vand.u32 $0x2BF8, v39;
	v27 =	vadd.f32 v24, v27;
	v24 =	vor.u32 v36, v31;
	v33 =	vld.idx.msk [tilespmem:v46+s19+$0x0], $0xffff  }
0xc5: {  	v42 =	vand.u32 $0x2BF8, v45;
	v31 =	vand.u32 $0x7, v48;
	v34 =	vld.idx.msk [tilespmem:v49+s19+$0x0], $0xffff  }
0xc6: {  	v44 =	vand.u32 $0x7, v40;
	v40 =	vand.u32 $0x7, v43;
	v31 =	vor.u32 v31, v29;
	v36 =	vld.idx.msk [tilespmem:v46+s18+$0x0], $0xffff  }
0xc7: {  	s14 =	simm.s32 $0x0;
	v41 =	vand.u32 $0x7, v41;
	v29 =	vor.u32 v44, v42;
	v32 =	vadd.f32 v37, v32;
	v37 =	vld.idx.msk [tilespmem:v49+s18+$0x0], $0xffff  }
0xc8: {  	_ =	sdelay $0x3  }
0xc9: {  	v19 =	vld.idx.msk [tilespmem:v19+s18+$0x0], $0xffff  }
0xca: {  	v42 =	vld.idx.msk [tilespmem:v20+s19+$0x0], $0xffff  }
0xcb: {  	v43 =	vld.idx.msk [tilespmem:v21+s19+$0x0], $0xffff;
	v38 =	vor.u32 v41, v38  }
0xcc: {  	v21 =	vld.idx.msk [tilespmem:v21+s18+$0x0], $0xffff  }
0xcd: {  	v20 =	vld.idx.msk [tilespmem:v20+s18+$0x0], $0xffff;
	v39 =	vor.u32 v40, v39;
	v30 =	vadd.f32 v30, v35;
	v57 =	vor.u32 v28, v26;
	s17 =	simm.s32 $0x5  }
0xce: {  	s8 =	simm.s32 $0x1;
	v45 =	vadd.s32 s14, v0;
	v50 =	vadd.s32 s17, v0;
	[tilespmem:v22+s20+$0x0] =	vst.idx.add.f32.msk $0xffff, v32;
	v33 =	vadd.f32 v33, v36  }
0xcf: {  	s16 =	simm.s32 $0x4;
	s13 =	simm.s32 $0x7;
	v46 =	vadd.s32 s8, v0;
	[tilespmem:v24+s20+$0x0] =	vst.idx.add.f32.msk $0xffff, v30;
	v59 =	vadd.f32 v25, v19;
	v25 =	vand.u32 $0x7F, v50  }
0xd0: {  	s25 =	simm.s32 $0x3;
	v48 =	vadd.s32 s16, v0;
	v54 =	vadd.s32 s13, v0;
	[tilespmem:v38+s20+$0x0] =	vst.idx.add.f32.msk $0xffff, v33;
	v44 =	vshll.u32 v25, $0x4  }
0xd1: {  	s7 =	simm.s32 $0x2;
	v51 =	vadd.s32 s25, v0;
	v61 =	vadd.f32 v43, v21;
	v21 =	vand.u32 $0x7F, v46;
	[tilespmem:$0x1FF50] =	vst v44  }
0xd2: {  	v26 =	vand.u32 $0x7F, v54;
	v19 =	vadd.s32 s7, v0;
	v49 =	vshll.u32 v21, $0x4;
	[tilespmem:v23+s20+$0x0] =	vst.idx.add.f32.msk $0xffff, v27  }
0xd3: {  	s25 =	simm.s32 $0x6;
	v58 =	vadd.f32 v34, v37;
	v60 =	vadd.f32 v42, v20;
	v20 =	vand.u32 $0x7F, v19;
	[tilespmem:$0x1FF60] =	vst v49  }
0xd4: {  	v22 =	vand.u32 $0x7F, v48;
	v40 =	vadd.s32 s25, v0;
	v62 =	vshll.u32 v26, $0x4;
	[tilespmem:$0x1FF70] =	vst v20  }
0xd5: {  	v63 =	vor.u32 v5, v26;
	v47 =	vor.u32 v5, v20;
	v20 =	vshll.u32 v20, $0x4;
	[tilespmem:v31+s20+$0x0] =	vst.idx.add.f32.msk $0xffff, v58  }
0xd6: {  	v26 =	vand.u32 $0x7F, v51;
	v24 =	vshll.u32 v22, $0x4;
	v52 =	vor.u32 v3, v62;
	[tilespmem:$0x1FF80] =	vst v20  }
0xd7: {  	v62 =	vor.u32 v5, v22;
	v33 =	vor.u32 v3, v20;
	v20 =	vshll.u32 v26, $0x4;
	[tilespmem:v29+s20+$0x0] =	vst.idx.add.f32.msk $0xffff, v59  }
0xd8: {  	v53 =	vor.u32 v5, v25;
	v34 =	vor.u32 v3, v44;
	v27 =	vshll.u32 v45, $0x4;
	[tilespmem:$0x1FF90] =	vst v20  }
0xd9: {  	v38 =	vor.u32 v3, v49;
	v35 =	vor.u32 v3, v27;
	v27 =	vand.u32 $0x7F, v40;
	[tilespmem:v39+s20+$0x0] =	vst.idx.add.f32.msk $0xffff, v60  }
0xda: {  	v23 =	vor.u32 v5, v26;
	v49 =	vor.u32 v3, v24;
	v55 =	vshll.u32 v27, $0x4;
	[tilespmem:$0x1FFA0] =	vst v24  }
0xdb: {  	v23 =	vand.u32 $0x2FF8, v23;
	v27 =	vor.u32 v5, v27;
	v43 =	vor.u32 v3, v55;
	[tilespmem:v57+s20+$0x0] =	vst.idx.add.f32.msk $0xffff, v61  }
0xdc: {  	v55 =	vand.u32 $0x7, v54;
	v44 =	vor.u32 v3, v20;
	v20 =	vand.u32 $0x7, v46;
	v42 =	vld.idx.msk [tilespmem:v52+s18+$0x0], $0xffff  }
0xdd: {  	v60 =	vand.u32 $0x2FF8, v63;
	v57 =	vand.u32 $0x2FF8, v53;
	v53 =	vand.u32 $0x2FF8, v47;
	v47 =	vld.idx.msk [tilespmem:v52+s19+$0x0], $0xffff;
	[tilespmem:$0x1FFB0] =	vst v21  }
0xde: {  	v55 =	vor.u32 v55, v60;
	v61 =	vor.u32 v5, v21;
	v52 =	vand.u32 $0x2FF8, v27;
	v39 =	vld.idx.msk [tilespmem:v34+s19+$0x0], $0xffff  }
0xdf: {  	v27 =	vand.u32 $0x78, v45;
	v63 =	vand.u32 $0x2FF8, v61;
	v21 =	vand.u32 $0x7, v51;
	v45 =	vld.idx.msk [tilespmem:v49+s19+$0x0], $0xffff;
	[tilespmem:$0x1FFC0] =	vst v20  }
0xe0: {  	v58 =	vand.u32 $0x2FF8, v62;
	v36 =	vor.u32 v4, v27;
	v37 =	vor.u32 v20, v63;
	v51 =	vld.idx.msk [tilespmem:v33+s19+$0x0], $0xffff;
	[tilespmem:$0x1FFD0] =	vst v21  }
0xe1: {  	v46 =	vor.u32 v21, v23;
	v23 =	vand.u32 $0x7, v48;
	v20 =	vand.u32 $0x7, v50;
	v54 =	vld.idx.msk [tilespmem:v33+s18+$0x0], $0xffff;
	[tilespmem:$0x1FFE0] =	vst v19  }
0xe2: {  	s7 =	simm.s32 $0x8;
	v56 =	vand.u32 $0x7, v19;
	v48 =	vor.u32 v23, v58;
	v41 =	vor.u32 v20, v57;
	v50 =	vld.idx.msk [tilespmem:v44+s19+$0x0], $0xffff;
	[tilespmem:$0x1FFF0] =	vst v20  }
.LBB2_10:
0xe3: {  	v57 =	vadd.s32 s7, v0;
	s8 =	sadd.s32 $0x1, s7;
	s13 =	sadd.s32 $0x2, s7;
	s16 =	sadd.s32 $0x3, s7;
	v53 =	vor.u32 v56, v53;
	v49 =	vld.idx.msk [tilespmem:v49+s18+$0x0], $0xffff;
	v40 =	vand.u32 $0x7, v40  }
0xe4: {  	s17 =	sadd.s32 $0x6, s7;
	v56 =	vadd.s32 s8, v0;
	v58 =	vadd.s32 s13, v0;
	s8 =	sadd.s32 $0x4, s7;
	s13 =	sadd.s32 $0x5, s7;
	v59 =	vld.idx.msk [tilespmem:v35+s19+$0x0], $0xffff;
	v52 =	vor.u32 v40, v52  }
0xe5: {  	p3 =	slt.u32 s7, $0x78;
	v60 =	vand.u32 $0x7F, v58;
	v61 =	vadd.s32 s8, v0;
	v62 =	vadd.s32 s13, v0;
	s8 =	sadd.s32 $0x7, s7;
	s7 =	sadd.s32 $0x8, s7;
	v44 =	vld.idx.msk [tilespmem:v44+s18+$0x0], $0xffff  }
0xe6: {  	v63 =	vand.u32 $0x7F, v56;
	v24 =	vor.u32 v5, v60;
	v27 =	vadd.s32 s8, v0;
	v28 =	vld.idx.msk [tilespmem:v43+s19+$0x0], $0xffff  }
0xe7: {  	v42 =	vadd.f32 v47, v42;
	v29 =	vadd.s32 s16, v0;
	v40 =	vand.u32 $0x7F, v27;
	v30 =	vld.idx.msk [tilespmem:v38+s18+$0x0], $0xffff  }
0xe8: {  	v47 =	vand.u32 $0x7F, v62;
	v31 =	vshll.u32 v40, $0x4;
	v19 =	vor.u32 v5, v40;
	v32 =	vld.idx.msk [tilespmem:v38+s19+$0x0], $0xffff  }
0xe9: {  	v33 =	vand.u32 $0x7F, v61;
	v38 =	vadd.f32 v51, v54;
	v31 =	vor.u32 v3, v31;
	[tilespmem:v55+s20+$0x0] =	vst.idx.add.f32.msk $0xffff, v42  }
0xea: {  	v51 =	vshll.u32 v47, $0x4;
	v40 =	vadd.s32 s17, v0;
	v42 =	vand.u32 $0x7F, v29;
	v43 =	vld.idx.msk [tilespmem:v43+s18+$0x0], $0xffff  }
0xeb: {  	v54 =	vshll.u32 v63, $0x4;
	v55 =	vshll.u32 v33, $0x4;
	v51 =	vor.u32 v3, v51;
	[tilespmem:v53+s20+$0x0] =	vst.idx.add.f32.msk $0xffff, v38  }
0xec: {  	v38 =	vor.u32 v3, v54;
	v53 =	vshll.u32 v60, $0x4;
	v54 =	vor.u32 v5, v42;
	v60 =	vld.idx.msk [tilespmem:v34+s18+$0x0], $0xffff;
	v34 =	vmovc v51  }
0xed: {  	v50 =	vadd.f32 v50, v44;
	v51 =	vshll.u32 v57, $0x4;
	v20 =	vor.u32 v3, v53;
	v21 =	vld.idx.msk [tilespmem:v35+s18+$0x0], $0xffff  }
0xee: {  	v45 =	vadd.f32 v45, v49;
	v44 =	vshll.u32 v42, $0x4;
	v35 =	vor.u32 v3, v51;
	v42 =	vld.idx.msk [tilespmem:v31+s18+$0x0], $0xffff  }
0xef: {  	v44 =	vor.u32 v3, v44;
	v54 =	vand.u32 $0x2FF8, v54;
	v30 =	vadd.f32 v32, v30;
	[tilespmem:v46+s20+$0x0] =	vst.idx.add.f32.msk $0xffff, v50  }
0xf0: {  	v49 =	vor.u32 v3, v55;
	v32 =	vand.u32 $0x7F, v40;
	v28 =	vadd.f32 v28, v43;
	[tilespmem:v48+s20+$0x0] =	vst.idx.add.f32.msk $0xffff, v45  }
0xf1: {  	v19 =	vand.u32 $0x2FF8, v19;
	v43 =	vor.u32 v5, v47;
	v45 =	vshll.u32 v32, $0x4;
	v47 =	vld.idx.msk [tilespmem:v31+s19+$0x0], $0xffff  }
0xf2: {  	v31 =	vand.u32 $0x2FF8, v43;
	v43 =	vor.u32 v3, v45;
	v45 =	vadd.f32 v39, v60;
	[tilespmem:v52+s20+$0x0] =	vst.idx.add.f32.msk $0xffff, v28  }
0xf3: {  	v53 =	vand.u32 $0x2FF8, v24;
	v24 =	vor.u32 v5, v32;
	v21 =	vadd.f32 v59, v21;
	v39 =	vld.idx.msk [tilespmem:v34+s19+$0x0], $0xffff  }
0xf4: {  	v32 =	vor.u32 v5, v33;
	v28 =	vor.u32 v5, v63;
	v52 =	vand.u32 $0x2FF8, v24;
	[tilespmem:v41+s20+$0x0] =	vst.idx.add.f32.msk $0xffff, v45  }
0xf5: {  	v32 =	vand.u32 $0x2FF8, v32;
	v24 =	vand.u32 $0x78, v57;
	v28 =	vand.u32 $0x2FF8, v28;
	[tilespmem:v36+s20+$0x0] =	vst.idx.add.f32.msk $0xffff, v21  }
.Ltmp8:
0xf6: {  	[tilespmem:v37+s20+$0x0] =	vst.idx.add.f32.msk $0xffff, v30;
	(pc) =	sbr.rel @p3 .LBB2_10-.Ltmp8, $4  }
0xf7: {  	v36 =	vor.u32 v4, v24;
	v21 =	vand.u32 $0x7, v56;
	v24 =	vand.u32 $0x7, v29;
	v45 =	vld.idx.msk [tilespmem:v49+s19+$0x0], $0xffff  }
0xf8: {  	v37 =	vor.u32 v21, v28;
	v46 =	vor.u32 v24, v54;
	v21 =	vand.u32 $0x7, v27;
	v51 =	vld.idx.msk [tilespmem:v20+s19+$0x0], $0xffff  }
0xf9: {  	v24 =	vand.u32 $0x7, v62;
	v55 =	vor.u32 v21, v19;
	v54 =	vld.idx.msk [tilespmem:v20+s18+$0x0], $0xffff;
	v20 =	vand.u32 $0x7, v61  }
0xfa: {  	v56 =	vand.u32 $0x7, v58;
	v41 =	vor.u32 v24, v31;
	v50 =	vld.idx.msk [tilespmem:v44+s19+$0x0], $0xffff;
	v48 =	vor.u32 v20, v32  }
0xfb: {  	_ =	sdelay $0x3  }
0xfc: {  	v19 =	vld.idx.msk [tilespmem:v49+s18+$0x0], $0xffff  }
0xfd: {  	v20 =	vld.idx.msk [tilespmem:v35+s19+$0x0], $0xffff  }
0xfe: {  	v21 =	vld.idx.msk [tilespmem:v44+s18+$0x0], $0xffff  }
0xff: {  	v24 =	vld.idx.msk [tilespmem:v43+s19+$0x0], $0xffff  }
0x100: {  	v27 =	vld.idx.msk [tilespmem:v38+s18+$0x0], $0xffff  }
0x101: {  	v28 =	vor.u32 v56, v53;
	v29 =	vld.idx.msk [tilespmem:v43+s18+$0x0], $0xffff  }
0x102: {  	v30 =	vld.idx.msk [tilespmem:v34+s18+$0x0], $0xffff;
	v31 =	vadd.f32 v47, v42  }
0x103: {  	v33 =	vld.idx.msk [tilespmem:v38+s19+$0x0], $0xffff  }
0x104: {  	[tilespmem:v55+s20+$0x0] =	vst.idx.add.f32.msk $0xffff, v31;
	v53 =	vadd.f32 v51, v54  }
0x105: {  	v32 =	vand.u32 $0x7, v40;
	v54 =	vld.idx.msk [tilespmem:v35+s18+$0x0], $0xffff;
	v21 =	vadd.f32 v50, v21  }
0x106: {  	v32 =	vor.u32 v32, v52;
	[tilespmem:v28+s20+$0x0] =	vst.idx.add.f32.msk $0xffff, v53;
	v19 =	vadd.f32 v45, v19  }
0x107: {  	[tilespmem:v46+s20+$0x0] =	vst.idx.add.f32.msk $0xffff, v21  }
0x108: {  	v27 =	vadd.f32 v33, v27;
	[tilespmem:v48+s20+$0x0] =	vst.idx.add.f32.msk $0xffff, v19  }
0x109: {  	v21 =	vadd.f32 v24, v29;
	v29 =	vld [tilespmem:$0x1FF50]  }
0x10a: {  	v24 =	vadd.f32 v39, v30;
	[tilespmem:v37+s20+$0x0] =	vst.idx.add.f32.msk $0xffff, v27  }
0x10b: {  	v30 =	vadd.s32 s14, v0;
	v20 =	vadd.f32 v20, v54;
	[tilespmem:v32+s20+$0x0] =	vst.idx.add.f32.msk $0xffff, v21  }
0x10c: {  	v30 =	vand.u32 $0x7F, v30;
	[tilespmem:v41+s20+$0x0] =	vst.idx.add.f32.msk $0xffff, v24  }
0x10d: {  	v24 =	vshll.u32 v30, $0x4;
	[tilespmem:v36+s20+$0x0] =	vst.idx.add.f32.msk $0xffff, v20  }
0x10e: {  	v20 =	vor.u32 v6, v24;
	v24 =	vld [tilespmem:$0x1FF60];
	_ =	sdelay $0x4  }
0x10f: {  	v27 =	vor.u32 v7, v25;
	v25 =	vor.u32 v6, v24;
	v24 =	vor.u32 v7, v30  }
0x110: {  	v55 =	vand.u32 $0x3BF8, v24;
	v24 =	vor.u32 v7, v26;
	v26 =	vld [tilespmem:$0x1FF90];
	_ =	sdelay $0x1  }
0x111: {  	v60 =	vld.idx.msk [tilespmem:v20+s18+$0x0], $0xffff  }
0x112: {  	v61 =	vld.idx.msk [tilespmem:v20+s19+$0x0], $0xffff  }
0x113: {  	v20 =	vld [tilespmem:$0x1FFB0]  }
0x114: {  	v56 =	vor.u32 v6, v26;
	v26 =	vld [tilespmem:$0x1FF80];
	_ =	sdelay $0x2  }
0x115: {  	v31 =	vadd.s32 s25, v0  }
0x116: {  	v37 =	vand.u32 $0x7, v31  }
0x117: {  	v57 =	vor.u32 v6, v26;
	v26 =	vand.u32 $0x7F, v31;
	v31 =	vor.u32 v7, v20;
	v20 =	vld [tilespmem:$0x1FF70];
	_ =	sdelay $0x3  }
0x118: {  	v59 =	vshll.u32 v26, $0x4;
	v26 =	vor.u32 v7, v26  }
0x119: {  	v36 =	vand.u32 $0x3BF8, v26;
	v26 =	vor.u32 v7, v20  }
0x11a: {  	v40 =	vand.u32 $0x3BF8, v26;
	v26 =	vld [tilespmem:$0x1FFF0];
	_ =	sdelay $0x2  }
0x11b: {  	s7 =	simm.s32 $0x7;
	v29 =	vor.u32 v6, v29  }
0x11c: {  	v28 =	vadd.s32 s7, v0;
	v27 =	vand.u32 $0x3BF8, v27  }
0x11d: {  	v19 =	vand.u32 $0x7F, v28;
	v26 =	vor.u32 v26, v27;
	v27 =	vld [tilespmem:$0x1FFD0]  }
0x11e: {  	v21 =	vshll.u32 v19, $0x4  }
0x11f: {  	v21 =	vor.u32 v6, v21  }
0x120: {  	v30 =	vld.idx.msk [tilespmem:v29+s19+$0x0], $0xffff  }
0x121: {  	v29 =	vld.idx.msk [tilespmem:v29+s18+$0x0], $0xffff;
	v58 =	vand.u32 $0x3BF8, v24  }
0x122: {  	v32 =	vor.u32 v27, v58;
	v27 =	vld [tilespmem:$0x1FFC0];
	_ =	sdelay $0x1  }
0x123: {  	v19 =	vor.u32 v7, v19;
	v35 =	vld.idx.msk [tilespmem:v21+s19+$0x0], $0xffff  }
0x124: {  	v63 =	vand.u32 $0x7, v28;
	v19 =	vand.u32 $0x3BF8, v19;
	v24 =	vld [tilespmem:$0x1FFA0]  }
0x125: {  	v38 =	vld.idx.msk [tilespmem:v21+s18+$0x0], $0xffff;
	v28 =	vadd.f32 v30, v29;
	v30 =	vor.u32 v63, v19;
	v19 =	vand.u32 $0x3BF8, v31  }
0x126: {  	v31 =	vor.u32 v27, v19;
	v19 =	vld [tilespmem:$0x1FFE0]  }
0x127: {  	v21 =	vld.idx.msk [tilespmem:v25+s19+$0x0], $0xffff  }
0x128: {  	v33 =	vld.idx.msk [tilespmem:v56+s19+$0x0], $0xffff  }
0x129: {  	v62 =	vor.u32 v7, v22;
	v24 =	vor.u32 v6, v24;
	v22 =	vld.idx.msk [tilespmem:v57+s19+$0x0], $0xffff  }
0x12a: {  	v41 =	vand.u32 $0x3BF8, v62;
	v34 =	vor.u32 v6, v59;
	v39 =	vld.idx.msk [tilespmem:v57+s18+$0x0], $0xffff  }
0x12b: {  	s25 =	simm.s32 $0x8;
	v29 =	vadd.f32 v61, v60;
	v20 =	vor.u32 v2, v55;
	v27 =	vand.u32 $0x7, v19;
	v19 =	vld.idx.msk [tilespmem:v56+s18+$0x0], $0xffff  }
.LBB2_12:
0x12c: {  	s7 =	sadd.s32 $0x1, s25  }
0x12d: {  	s8 =	sadd.s32 $0x2, s25;
	s13 =	sadd.s32 $0x3, s25;
	v25 =	vld.idx.msk [tilespmem:v25+s18+$0x0], $0xffff;
	v27 =	vor.u32 v27, v40;
	v23 =	vor.u32 v23, v41;
	v35 =	vadd.f32 v35, v38;
	s14 =	smov.u32 s25  }
0x12e: {  	s16 =	sadd.s32 $0x6, s25;
	v36 =	vor.u32 v37, v36;
	v42 =	vadd.s32 s7, v0;
	v43 =	vadd.s32 s8, v0;
	s7 =	sadd.s32 $0x4, s25;
	s8 =	sadd.s32 $0x5, s25;
	v38 =	vld.idx.msk [tilespmem:v24+s19+$0x0], $0xffff  }
0x12f: {  	p3 =	slt.u32 s25, $0x78;
	s25 =	sadd.s32 $0x8, s25;
	v40 =	vand.u32 $0x7F, v43;
	v44 =	vadd.s32 s7, v0;
	v41 =	vadd.s32 s8, v0;
	s7 =	sadd.s32 $0x7, s14;
	v37 =	vld.idx.msk [tilespmem:v34+s19+$0x0], $0xffff  }
0x130: {  	v45 =	vand.u32 $0x7F, v42;
	v46 =	vshll.u32 v40, $0x4;
	v47 =	vadd.s32 s7, v0;
	v24 =	vld.idx.msk [tilespmem:v24+s18+$0x0], $0xffff  }
0x131: {  	v48 =	vadd.s32 s13, v0;
	v22 =	vadd.f32 v22, v39;
	v49 =	vand.u32 $0x7F, v47;
	v34 =	vld.idx.msk [tilespmem:v34+s18+$0x0], $0xffff  }
0x132: {  	v39 =	vand.u32 $0x7F, v41;
	v19 =	vadd.f32 v33, v19;
	v50 =	vshll.u32 v49, $0x4;
	[tilespmem:v20+s20+$0x0] =	vst.idx.add.f32.msk $0xffff, v29  }
0x133: {  	v20 =	vshll.u32 v39, $0x4;
	v29 =	vor.u32 v7, v39;
	v33 =	vor.u32 v6, v50;
	[tilespmem:v27+s20+$0x0] =	vst.idx.add.f32.msk $0xffff, v22  }
0x134: {  	v22 =	vand.u32 $0x7F, v44;
	v20 =	vor.u32 v6, v20;
	v27 =	vadd.s32 s16, v0;
	[tilespmem:v30+s20+$0x0] =	vst.idx.add.f32.msk $0xffff, v35  }
0x135: {  	v21 =	vadd.f32 v21, v25;
	v30 =	vadd.s32 s14, v0;
	v35 =	vshll.u32 v45, $0x4;
	[tilespmem:v26+s20+$0x0] =	vst.idx.add.f32.msk $0xffff, v28  }
0x136: {  	v26 =	vand.u32 $0x7F, v30;
	v25 =	vor.u32 v6, v35;
	[tilespmem:v32+s20+$0x0] =	vst.idx.add.f32.msk $0xffff, v19;
	v19 =	vadd.f32 v38, v24  }
0x137: {  	v24 =	vshll.u32 v26, $0x4;
	v26 =	vor.u32 v7, v26;
	[tilespmem:v31+s20+$0x0] =	vst.idx.add.f32.msk $0xffff, v21;
	v21 =	vadd.f32 v37, v34  }
0x138: {  	v28 =	vor.u32 v6, v24;
	v26 =	vand.u32 $0x3BF8, v26;
	v24 =	vand.u32 $0x7F, v48;
	[tilespmem:v23+s20+$0x0] =	vst.idx.add.f32.msk $0xffff, v19  }
0x139: {  	v19 =	vshll.u32 v24, $0x4;
	v23 =	vor.u32 v7, v24;
	v24 =	vor.u32 v7, v49;
	[tilespmem:v36+s20+$0x0] =	vst.idx.add.f32.msk $0xffff, v21  }
0x13a: {  	v19 =	vor.u32 v6, v19;
	v23 =	vand.u32 $0x3BF8, v23;
	v31 =	vand.u32 $0x3BF8, v24;
	v30 =	vld.idx.msk [tilespmem:v20+s19+$0x0], $0xffff  }
0x13b: {  	v32 =	vor.u32 v6, v46;
	v21 =	vshll.u32 v22, $0x4;
	v39 =	vld.idx.msk [tilespmem:v20+s18+$0x0], $0xffff;
	v20 =	vand.u32 $0x7F, v27  }
0x13c: {  	v24 =	vor.u32 v6, v21;
	v21 =	vshll.u32 v20, $0x4;
	v20 =	vor.u32 v7, v20;
	v35 =	vld.idx.msk [tilespmem:v33+s19+$0x0], $0xffff  }
0x13d: {  	v37 =	vand.u32 $0x7, v27;
	v46 =	vld.idx.msk [tilespmem:v28+s18+$0x0], $0xffff;
	v34 =	vor.u32 v6, v21;
	v36 =	vand.u32 $0x3BF8, v20  }
0x13e: {  	v45 =	vor.u32 v7, v45;
	v49 =	vor.u32 v7, v22;
	v27 =	vld.idx.msk [tilespmem:v28+s19+$0x0], $0xffff;
	v28 =	vor.u32 v7, v40  }
0x13f: {  	v22 =	vand.u32 $0x3BF8, v29;
	v29 =	vand.u32 $0x7, v41;
	v38 =	vld.idx.msk [tilespmem:v33+s18+$0x0], $0xffff;
	v33 =	vand.u32 $0x7, v47  }
.Ltmp9:
0x140: {  	v20 =	vor.u32 v2, v26;
	v26 =	vor.u32 v29, v22;
	v40 =	vand.u32 $0x3BF8, v28;
	v21 =	vld.idx.msk [tilespmem:v25+s19+$0x0], $0xffff;
	(pc) =	sbr.rel @p3 .LBB2_12-.Ltmp9, $4  }
0x141: {  	v41 =	vand.u32 $0x3BF8, v49;
	v28 =	vadd.f32 v30, v39;
	v30 =	vor.u32 v33, v31;
	v22 =	vld.idx.msk [tilespmem:v32+s19+$0x0], $0xffff  }
0x142: {  	v29 =	vand.u32 $0x7, v48;
	v31 =	vand.u32 $0x3BF8, v45;
	v33 =	vld.idx.msk [tilespmem:v19+s19+$0x0], $0xffff  }
0x143: {  	v42 =	vand.u32 $0x7, v42;
	v39 =	vld.idx.msk [tilespmem:v32+s18+$0x0], $0xffff;
	v32 =	vor.u32 v29, v23;
	v23 =	vand.u32 $0x7, v44  }
0x144: {  	s14 =	simm.s32 $0x0;
	v31 =	vor.u32 v42, v31;
	v29 =	vadd.f32 v27, v46;
	v27 =	vand.u32 $0x7, v43;
	v19 =	vld.idx.msk [tilespmem:v19+s18+$0x0], $0xffff  }
0x145: {  	_ =	sdelay $0x3  }
0x146: {  	v25 =	vld.idx.msk [tilespmem:v25+s18+$0x0], $0xffff  }
0x147: {  	v42 =	vld.idx.msk [tilespmem:v24+s19+$0x0], $0xffff;
	v27 =	vor.u32 v27, v40  }
0x148: {  	v43 =	vld.idx.msk [tilespmem:v34+s19+$0x0], $0xffff  }
0x149: {  	v24 =	vld.idx.msk [tilespmem:v24+s18+$0x0], $0xffff;
	v38 =	vadd.f32 v35, v38  }
0x14a: {  	s13 =	simm.s32 $0x5;
	[tilespmem:v20+s20+$0x0] =	vst.idx.add.f32.msk $0xffff, v29;
	v39 =	vadd.f32 v22, v39  }
0x14b: {  	[tilespmem:v30+s20+$0x0] =	vst.idx.add.f32.msk $0xffff, v38;
	v33 =	vadd.f32 v33, v19;
	v19 =	vadd.s32 s13, v0  }
0x14c: {  	s16 =	simm.s32 $0x7;
	v61 =	vand.u32 $0x7F, v19;
	[tilespmem:v27+s20+$0x0] =	vst.idx.add.f32.msk $0xffff, v39  }
0x14d: {  	v59 =	vld.idx.msk [tilespmem:v34+s18+$0x0], $0xffff;
	v60 =	vor.u32 v23, v41;
	s7 =	simm.s32 $0x1;
	v35 =	vor.u32 $0x1800, v0;
	v48 =	vadd.s32 s16, v0;
	[tilespmem:$0x1FE80] =	vst v61  }
0x14e: {  	s8 =	simm.s32 $0x2;
	v45 =	vadd.s32 s7, v0;
	v50 =	vand.u32 $0x7F, v48;
	v23 =	vshll.u32 v61, $0x4;
	[tilespmem:v26+s20+$0x0] =	vst.idx.add.f32.msk $0xffff, v28  }
0x14f: {  	v22 =	vadd.s32 s8, v0;
	v42 =	vadd.f32 v42, v24;
	v24 =	vand.u32 $0x7F, v45;
	[tilespmem:$0x1FE90] =	vst v23  }
0x150: {  	v44 =	vadd.f32 v21, v25;
	v25 =	vshll.u32 v50, $0x4;
	v26 =	vshll.u32 v24, $0x4;
	[tilespmem:v32+s20+$0x0] =	vst.idx.add.f32.msk $0xffff, v33  }
0x151: {  	v37 =	vor.u32 v37, v36;
	s25 =	simm.s32 $0x4;
	v54 =	vor.u32 v35, v25;
	v25 =	vand.u32 $0x7F, v22;
	[tilespmem:$0x1FEA0] =	vst v26  }
0x152: {  	v49 =	vadd.s32 s14, v0;
	s17 =	simm.s32 $0x3;
	v21 =	vadd.s32 s25, v0;
	v62 =	vshll.u32 v25, $0x4;
	[tilespmem:v31+s20+$0x0] =	vst.idx.add.f32.msk $0xffff, v44  }
0x153: {  	v20 =	vadd.s32 s17, v0;
	v43 =	vadd.f32 v43, v59;
	v27 =	vand.u32 $0x7F, v21;
	[tilespmem:$0x1FEB0] =	vst v62  }
0x154: {  	s25 =	simm.s32 $0x6;
	v29 =	vshll.u32 v27, $0x4;
	v39 =	vor.u32 v35, v26;
	v26 =	vand.u32 $0x7F, v20;
	[tilespmem:v60+s20+$0x0] =	vst.idx.add.f32.msk $0xffff, v42  }
0x155: {  	v53 =	vadd.s32 s25, v0;
	v46 =	vor.u32 v35, v62;
	v33 =	vshll.u32 v26, $0x4;
	[tilespmem:$0x1FEC0] =	vst v29  }
0x156: {  	v47 =	vshll.u32 v49, $0x4;
	v31 =	vand.u32 $0x7F, v53;
	[tilespmem:$0x1FED0] =	vst v33  }
0x157: {  	v63 =	vor.u32 v35, v47;
	v36 =	vshll.u32 v31, $0x4;
	[tilespmem:v37+s20+$0x0] =	vst.idx.add.f32.msk $0xffff, v43  }
0x158: {  	v58 =	vand.u32 $0x7, v48;
	v59 =	vld.idx.msk [tilespmem:v54+s19+$0x0], $0xffff;
	[tilespmem:$0x1FEE0] =	vst v36  }
0x159: {  	v57 =	vor.u32 v9, v50;
	v51 =	vor.u32 v9, v61;
	v56 =	vand.u32 $0x7, v53;
	v54 =	vld.idx.msk [tilespmem:v54+s18+$0x0], $0xffff  }
0x15a: {  	v40 =	vand.u32 $0x3FF8, v57;
	v41 =	vor.u32 v35, v23;
	v38 =	vor.u32 v35, v29;
	v48 =	vld.idx.msk [tilespmem:v46+s19+$0x0], $0xffff;
	[tilespmem:$0x1FEF0] =	vst v56  }
0x15b: {  	v28 =	vor.u32 v9, v25;
	v50 =	vand.u32 $0x3FF8, v51;
	v61 =	vor.u32 v9, v27;
	[tilespmem:$0x1FF00] =	vst v21  }
0x15c: {  	v52 =	vand.u32 $0x3FF8, v28;
	v34 =	vor.u32 v9, v26;
	v44 =	vor.u32 v58, v40;
	v55 =	vld.idx.msk [tilespmem:v63+s19+$0x0], $0xffff  }
0x15d: {  	v58 =	vor.u32 v9, v24;
	v47 =	vor.u32 v35, v36;
	v57 =	vld.idx.msk [tilespmem:v63+s18+$0x0], $0xffff;
	v63 =	vand.u32 $0x7, v45  }
0x15e: {  	v53 =	vand.u32 $0x3FF8, v34;
	v62 =	vand.u32 $0x3FF8, v58;
	v58 =	vand.u32 $0x3FF8, v61;
	[tilespmem:$0x1FF10] =	vst v63  }
0x15f: {  	v61 =	vand.u32 $0x7, v22;
	v60 =	vand.u32 $0x78, v49;
	v37 =	vor.u32 v9, v31;
	v45 =	vld.idx.msk [tilespmem:v38+s18+$0x0], $0xffff;
	[tilespmem:$0x1FF20] =	vst v22  }
0x160: {  	v42 =	vor.u32 v35, v33;
	v51 =	vor.u32 v8, v60;
	v43 =	vand.u32 $0x3FF8, v37;
	[tilespmem:$0x1FF30] =	vst v20  }
0x161: {  	v60 =	vand.u32 $0x7, v20;
	v43 =	vor.u32 v56, v43;
	v56 =	vand.u32 $0x7, v21;
	[tilespmem:$0x1FF40] =	vst v19  }
0x162: {  	s7 =	simm.s32 $0x8;
	v40 =	vor.u32 v63, v62;
	v49 =	vadd.f32 v59, v54;
	v59 =	vand.u32 $0x7, v19;
	v54 =	vld.idx.msk [tilespmem:v47+s18+$0x0], $0xffff  }
.LBB2_14:
0x163: {  	s8 =	sadd.s32 $0x1, s7;
	s13 =	sadd.s32 $0x2, s7;
	s16 =	sadd.s32 $0x3, s7;
	v52 =	vor.u32 v61, v52;
	v60 =	vor.u32 v60, v53;
	v53 =	vld.idx.msk [tilespmem:v41+s19+$0x0], $0xffff  }
0x164: {  	s17 =	sadd.s32 $0x6, s7;
	v56 =	vor.u32 v56, v58;
	v61 =	vadd.s32 s8, v0;
	v62 =	vadd.s32 s13, v0;
	s8 =	sadd.s32 $0x4, s7;
	s13 =	sadd.s32 $0x5, s7;
	v46 =	vld.idx.msk [tilespmem:v46+s18+$0x0], $0xffff  }
0x165: {  	v58 =	vadd.s32 s7, v0;
	p3 =	slt.u32 s7, $0x78;
	v63 =	vadd.s32 s8, v0;
	v28 =	vadd.s32 s13, v0;
	s8 =	sadd.s32 $0x7, s7;
	s7 =	sadd.s32 $0x8, s7;
	v29 =	vld.idx.msk [tilespmem:v41+s18+$0x0], $0xffff  }
0x166: {  	v30 =	vshll.u32 v58, $0x4;
	v32 =	vand.u32 $0x7F, v61;
	v33 =	vadd.s32 s8, v0;
	v34 =	vld.idx.msk [tilespmem:v39+s18+$0x0], $0xffff  }
0x167: {  	v36 =	vadd.s32 s16, v0;
	v41 =	vadd.f32 v55, v57;
	v37 =	vand.u32 $0x7F, v33;
	v47 =	vld.idx.msk [tilespmem:v47+s19+$0x0], $0xffff  }
0x168: {  	v50 =	vor.u32 v59, v50;
	v55 =	vand.u32 $0x7F, v28;
	v57 =	vshll.u32 v37, $0x4;
	v19 =	vld.idx.msk [tilespmem:v39+s19+$0x0], $0xffff  }
0x169: {  	v20 =	vadd.s32 s17, v0;
	v59 =	vor.u32 v9, v55;
	v57 =	vor.u32 v35, v57;
	[tilespmem:v51+s20+$0x0] =	vst.idx.add.f32.msk $0xffff, v41  }
0x16a: {  	v39 =	vshll.u32 v55, $0x4;
	v51 =	vand.u32 $0x7F, v63;
	v46 =	vadd.f32 v48, v46;
	v48 =	vld.idx.msk [tilespmem:v42+s19+$0x0], $0xffff  }
0x16b: {  	v55 =	vand.u32 $0x7F, v62;
	v41 =	vor.u32 v35, v39;
	v21 =	vshll.u32 v51, $0x4;
	v22 =	vld.idx.msk [tilespmem:v42+s18+$0x0], $0xffff  }
0x16c: {  	v39 =	vshll.u32 v32, $0x4;
	v42 =	vshll.u32 v55, $0x4;
	v55 =	vor.u32 v9, v55;
	[tilespmem:v52+s20+$0x0] =	vst.idx.add.f32.msk $0xffff, v46  }
0x16d: {  	v39 =	vor.u32 v35, v39;
	v46 =	vor.u32 v35, v42;
	v42 =	vadd.f32 v47, v54;
	v23 =	vld.idx.msk [tilespmem:v38+s19+$0x0], $0xffff  }
0x16e: {  	v30 =	vor.u32 v35, v30;
	v29 =	vadd.f32 v53, v29;
	v47 =	vand.u32 $0x7F, v36;
	[tilespmem:v44+s20+$0x0] =	vst.idx.add.f32.msk $0xffff, v49  }
0x16f: {  	v38 =	vor.u32 v35, v21;
	v21 =	vand.u32 $0x7F, v20;
	v44 =	vshll.u32 v47, $0x4;
	[tilespmem:v43+s20+$0x0] =	vst.idx.add.f32.msk $0xffff, v42  }
0x170: {  	v42 =	vor.u32 v35, v44;
	v43 =	vor.u32 v9, v47;
	v44 =	vshll.u32 v21, $0x4;
	v49 =	vld.idx.msk [tilespmem:v57+s19+$0x0], $0xffff  }
0x171: {  	v21 =	vor.u32 v9, v21;
	v47 =	vor.u32 v35, v44;
	v22 =	vadd.f32 v48, v22;
	v54 =	vld.idx.msk [tilespmem:v57+s18+$0x0], $0xffff  }
0x172: {  	v52 =	vand.u32 $0x3FF8, v55;
	v20 =	vand.u32 $0x7, v20;
	v21 =	vand.u32 $0x3FF8, v21;
	[tilespmem:v50+s20+$0x0] =	vst.idx.add.f32.msk $0xffff, v29  }
0x173: {  	v53 =	vand.u32 $0x3FF8, v43;
	v29 =	vor.u32 v9, v37;
	[tilespmem:v60+s20+$0x0] =	vst.idx.add.f32.msk $0xffff, v22;
	v22 =	vadd.f32 v23, v45  }
0x174: {  	v19 =	vadd.f32 v19, v34;
	v23 =	vand.u32 $0x3FF8, v29;
	v29 =	vand.u32 $0x7, v33;
	v48 =	vld.idx.msk [tilespmem:v46+s19+$0x0], $0xffff  }
0x175: {  	v43 =	vor.u32 v20, v21;
	v50 =	vand.u32 $0x3FF8, v59;
	v44 =	vor.u32 v29, v23;
	[tilespmem:v56+s20+$0x0] =	vst.idx.add.f32.msk $0xffff, v22  }
.Ltmp10:
0x176: {  	v20 =	vand.u32 $0x78, v58;
	v21 =	vor.u32 v9, v51;
	v56 =	vand.u32 $0x7, v63;
	[tilespmem:v40+s20+$0x0] =	vst.idx.add.f32.msk $0xffff, v19;
	(pc) =	sbr.rel @p3 .LBB2_14-.Ltmp10, $4  }
0x177: {  	v51 =	vor.u32 v8, v20;
	v58 =	vand.u32 $0x3FF8, v21;
	v19 =	vor.u32 v9, v32;
	v55 =	vld.idx.msk [tilespmem:v30+s19+$0x0], $0xffff  }
0x178: {  	v20 =	vand.u32 $0x7, v61;
	v49 =	vadd.f32 v49, v54;
	v19 =	vand.u32 $0x3FF8, v19;
	v57 =	vld.idx.msk [tilespmem:v30+s18+$0x0], $0xffff  }
0x179: {  	v40 =	vor.u32 v20, v19;
	v45 =	vld.idx.msk [tilespmem:v38+s18+$0x0], $0xffff  }
0x17a: {  	v61 =	vand.u32 $0x7, v62;
	v59 =	vand.u32 $0x7, v28;
	v60 =	vand.u32 $0x7, v36;
	v54 =	vld.idx.msk [tilespmem:v47+s18+$0x0], $0xffff  }
0x17b: {  	_ =	sdelay $0x3  }
0x17c: {  	v19 =	vld.idx.msk [tilespmem:v41+s19+$0x0], $0xffff  }
0x17d: {  	v20 =	vld.idx.msk [tilespmem:v46+s18+$0x0], $0xffff  }
0x17e: {  	v21 =	vld.idx.msk [tilespmem:v41+s18+$0x0], $0xffff  }
0x17f: {  	v22 =	vld.idx.msk [tilespmem:v39+s18+$0x0], $0xffff  }
0x180: {  	v23 =	vld.idx.msk [tilespmem:v47+s19+$0x0], $0xffff  }
0x181: {  	v28 =	vor.u32 v61, v52;
	v29 =	vld.idx.msk [tilespmem:v42+s19+$0x0], $0xffff  }
0x182: {  	v30 =	vld.idx.msk [tilespmem:v42+s18+$0x0], $0xffff  }
0x183: {  	v33 =	vld.idx.msk [tilespmem:v38+s19+$0x0], $0xffff  }
0x184: {  	v36 =	vld.idx.msk [tilespmem:v39+s19+$0x0], $0xffff;
	v20 =	vadd.f32 v48, v20  }
0x185: {  	v34 =	vor.u32 v59, v50;
	[tilespmem:v44+s20+$0x0] =	vst.idx.add.f32.msk $0xffff, v49;
	v32 =	vadd.f32 v55, v57  }
0x186: {  	v37 =	vor.u32 v60, v53;
	[tilespmem:v28+s20+$0x0] =	vst.idx.add.f32.msk $0xffff, v20;
	v20 =	vadd.f32 v23, v54  }
0x187: {  	[tilespmem:v51+s20+$0x0] =	vst.idx.add.f32.msk $0xffff, v32  }
0x188: {  	v19 =	vadd.f32 v19, v21;
	[tilespmem:v43+s20+$0x0] =	vst.idx.add.f32.msk $0xffff, v20  }
0x189: {  	v21 =	vadd.f32 v29, v30;
	v23 =	vld [tilespmem:$0x1FEC0]  }
0x18a: {  	[tilespmem:v34+s20+$0x0] =	vst.idx.add.f32.msk $0xffff, v19  }
0x18b: {  	[tilespmem:v37+s20+$0x0] =	vst.idx.add.f32.msk $0xffff, v21  }
0x18c: {  	v57 =	vor.u32 v56, v58;
	v21 =	vld [tilespmem:$0x1FEA0];
	_ =	sdelay $0x2  }
0x18d: {  	v20 =	vadd.f32 v33, v45  }
0x18e: {  	v35 =	vor.u32 $0x2000, v0;
	v29 =	vadd.s32 s14, v0;
	v19 =	vadd.f32 v36, v22  }
0x18f: {  	[tilespmem:v57+s20+$0x0] =	vst.idx.add.f32.msk $0xffff, v20;
	v58 =	vor.u32 v35, v21;
	v21 =	vand.u32 $0x7F, v29  }
0x190: {  	[tilespmem:v40+s20+$0x0] =	vst.idx.add.f32.msk $0xffff, v19;
	v23 =	vor.u32 v35, v23;
	v20 =	vshll.u32 v21, $0x4  }
0x191: {  	v19 =	vor.u32 v35, v20;
	v20 =	vld [tilespmem:$0x1FE90];
	_ =	sdelay $0x3  }
0x192: {  	v44 =	vld.idx.msk [tilespmem:v23+s18+$0x0], $0xffff  }
0x193: {  	v30 =	vor.u32 v35, v20;
	v20 =	vld.idx.msk [tilespmem:v23+s19+$0x0], $0xffff  }
0x194: {  	v23 =	vld [tilespmem:$0x1FF20];
	_ =	sdelay $0x2  }
0x195: {  	v21 =	vor.u32 v10, v21  }
0x196: {  	v37 =	vand.u32 $0x3BF8, v21  }
0x197: {  	v21 =	vor.u32 v10, v24;
	v36 =	vand.u32 $0x7, v23;
	v23 =	vor.u32 v10, v27  }
0x198: {  	v60 =	vand.u32 $0x3BF8, v21;
	v21 =	vand.u32 $0x3BF8, v23;
	v23 =	vld [tilespmem:$0x1FF00]  }
0x199: {  	s7 =	simm.s32 $0x7;
	v27 =	vld [tilespmem:$0x1FEB0]  }
0x19a: {  	v28 =	vadd.s32 s7, v0  }
0x19b: {  	v22 =	vand.u32 $0x7F, v28  }
0x19c: {  	v29 =	vshll.u32 v22, $0x4  }
0x19d: {  	v34 =	vor.u32 v35, v29;
	v29 =	vld [tilespmem:$0x1FED0];
	v23 =	vand.u32 $0x7, v23  }
0x19e: {  	v38 =	vor.u32 v35, v27;
	v27 =	vor.u32 v23, v21;
	v23 =	vor.u32 v10, v25;
	v21 =	vld [tilespmem:$0x1FE80]  }
0x19f: {  	v40 =	vand.u32 $0x3BF8, v23;
	v23 =	vld [tilespmem:$0x1FF30];
	_ =	sdelay $0x3  }
0x1a0: {  	v59 =	vor.u32 v35, v29;
	v29 =	vld [tilespmem:$0x1FEE0];
	v25 =	vor.u32 v10, v21  }
0x1a1: {  	v61 =	vor.u32 v10, v31;
	v31 =	vand.u32 $0x7, v23;
	v23 =	vand.u32 $0x3BF8, v25;
	v25 =	vld [tilespmem:$0x1FF40]  }
0x1a2: {  	v63 =	vld [tilespmem:$0x1FEF0]  }
0x1a3: {  	v24 =	vld.idx.msk [tilespmem:v58+s18+$0x0], $0xffff  }
0x1a4: {  	v43 =	vld.idx.msk [tilespmem:v58+s19+$0x0], $0xffff  }
0x1a5: {  	v39 =	vld.idx.msk [tilespmem:v19+s19+$0x0], $0xffff;
	v33 =	vor.u32 v35, v29  }
0x1a6: {  	v42 =	vand.u32 $0x7, v25;
	v25 =	vld [tilespmem:$0x1FF10]  }
0x1a7: {  	v41 =	vld.idx.msk [tilespmem:v19+s18+$0x0], $0xffff  }
0x1a8: {  	v26 =	vor.u32 v10, v26;
	v29 =	vld.idx.msk [tilespmem:v34+s19+$0x0], $0xffff  }
0x1a9: {  	v26 =	vand.u32 $0x3BF8, v26;
	v28 =	vand.u32 $0x7, v28;
	v62 =	vor.u32 v10, v22;
	v22 =	vld.idx.msk [tilespmem:v59+s18+$0x0], $0xffff  }
0x1aa: {  	v20 =	vadd.f32 v20, v44;
	v19 =	vld.idx.msk [tilespmem:v33+s18+$0x0], $0xffff;
	v31 =	vor.u32 v31, v26;
	v26 =	vand.u32 $0x3BF8, v61  }
0x1ab: {  	s25 =	simm.s32 $0x8;
	v44 =	vand.u32 $0x3BF8, v62;
	v21 =	vld.idx.msk [tilespmem:v59+s19+$0x0], $0xffff;
	v26 =	vor.u32 v63, v26;
	v25 =	vor.u32 v25, v60  }
.LBB2_16:
0x1ac: {  	s7 =	sadd.s32 $0x1, s25  }
0x1ad: {  	s8 =	sadd.s32 $0x2, s25;
	s13 =	sadd.s32 $0x3, s25;
	v32 =	vor.u32 v2, v37;
	v33 =	vld.idx.msk [tilespmem:v33+s19+$0x0], $0xffff;
	v28 =	vor.u32 v28, v44;
	s14 =	smov.u32 s25  }
0x1ae: {  	s16 =	sadd.s32 $0x6, s25;
	v36 =	vor.u32 v36, v40;
	v44 =	vadd.s32 s7, v0;
	v45 =	vadd.s32 s8, v0;
	s7 =	sadd.s32 $0x4, s25;
	s8 =	sadd.s32 $0x5, s25;
	v34 =	vld.idx.msk [tilespmem:v34+s18+$0x0], $0xffff  }
0x1af: {  	p3 =	slt.u32 s25, $0x78;
	v23 =	vor.u32 v42, v23;
	s25 =	sadd.s32 $0x8, s25;
	v40 =	vadd.s32 s7, v0;
	v46 =	vadd.s32 s8, v0;
	s7 =	sadd.s32 $0x7, s14;
	v37 =	vld.idx.msk [tilespmem:v38+s19+$0x0], $0xffff  }
0x1b0: {  	v42 =	vand.u32 $0x7F, v44;
	v47 =	vand.u32 $0x7F, v45;
	v48 =	vadd.s32 s7, v0;
	v38 =	vld.idx.msk [tilespmem:v38+s18+$0x0], $0xffff  }
0x1b1: {  	v49 =	vadd.s32 s13, v0;
	v39 =	vadd.f32 v39, v41;
	v50 =	vand.u32 $0x7F, v40;
	v41 =	vld.idx.msk [tilespmem:v30+s19+$0x0], $0xffff  }
0x1b2: {  	v52 =	vadd.s32 s16, v0;
	v51 =	vshll.u32 v50, $0x4;
	v24 =	vadd.f32 v43, v24;
	[tilespmem:v27+s20+$0x0] =	vst.idx.add.f32.msk $0xffff, v20  }
0x1b3: {  	v43 =	vand.u32 $0x7F, v49;
	v53 =	vand.u32 $0x7F, v48;
	v20 =	vshll.u32 v47, $0x4;
	[tilespmem:v32+s20+$0x0] =	vst.idx.add.f32.msk $0xffff, v39  }
0x1b4: {  	v27 =	vadd.s32 s14, v0;
	v32 =	vor.u32 v35, v51;
	[tilespmem:v25+s20+$0x0] =	vst.idx.add.f32.msk $0xffff, v24;
	v24 =	vadd.f32 v29, v34  }
0x1b5: {  	v19 =	vadd.f32 v33, v19;
	v51 =	vand.u32 $0x7F, v46;
	v25 =	vshll.u32 v42, $0x4;
	v29 =	vld.idx.msk [tilespmem:v30+s18+$0x0], $0xffff  }
0x1b6: {  	v25 =	vor.u32 v35, v25;
	v30 =	vshll.u32 v51, $0x4;
	v33 =	vadd.f32 v37, v38;
	[tilespmem:v28+s20+$0x0] =	vst.idx.add.f32.msk $0xffff, v24  }
0x1b7: {  	v24 =	vand.u32 $0x7F, v27;
	v30 =	vor.u32 v35, v30;
	v28 =	vand.u32 $0x7F, v52;
	[tilespmem:v26+s20+$0x0] =	vst.idx.add.f32.msk $0xffff, v19  }
0x1b8: {  	v27 =	vshll.u32 v53, $0x4;
	v19 =	vshll.u32 v24, $0x4;
	v26 =	vshll.u32 v28, $0x4;
	[tilespmem:v36+s20+$0x0] =	vst.idx.add.f32.msk $0xffff, v33  }
0x1b9: {  	v34 =	vor.u32 v35, v27;
	v19 =	vor.u32 v35, v19;
	v33 =	vor.u32 v35, v26;
	v54 =	vld.idx.msk [tilespmem:v32+s19+$0x0], $0xffff  }
0x1ba: {  	v21 =	vadd.f32 v21, v22;
	v24 =	vor.u32 v10, v24;
	v26 =	vshll.u32 v43, $0x4;
	v32 =	vld.idx.msk [tilespmem:v32+s18+$0x0], $0xffff  }
0x1bb: {  	v37 =	vand.u32 $0x3BF8, v24;
	v22 =	vor.u32 v35, v26;
	v26 =	vadd.f32 v41, v29;
	v24 =	vld.idx.msk [tilespmem:v25+s18+$0x0], $0xffff  }
0x1bc: {  	v27 =	vor.u32 v10, v42;
	v36 =	vand.u32 $0x7, v45;
	v29 =	vor.u32 v10, v50;
	[tilespmem:v31+s20+$0x0] =	vst.idx.add.f32.msk $0xffff, v21  }
0x1bd: {  	v45 =	vand.u32 $0x3BF8, v27;
	v27 =	vand.u32 $0x7, v40;
	v21 =	vand.u32 $0x3BF8, v29;
	[tilespmem:v23+s20+$0x0] =	vst.idx.add.f32.msk $0xffff, v26  }
0x1be: {  	v38 =	vor.u32 v35, v20;
	v27 =	vor.u32 v27, v21;
	v26 =	vor.u32 v10, v28;
	v29 =	vld.idx.msk [tilespmem:v34+s19+$0x0], $0xffff  }
0x1bf: {  	v20 =	vor.u32 v10, v47;
	v23 =	vor.u32 v10, v51;
	v28 =	vor.u32 v10, v53;
	v39 =	vld.idx.msk [tilespmem:v19+s19+$0x0], $0xffff  }
.Ltmp11:
0x1c0: {  	v40 =	vand.u32 $0x3BF8, v20;
	v20 =	vor.u32 v10, v43;
	v23 =	vand.u32 $0x3BF8, v23;
	v21 =	vld.idx.msk [tilespmem:v22+s19+$0x0], $0xffff;
	(pc) =	sbr.rel @p3 .LBB2_16-.Ltmp11, $4  }
0x1c1: {  	v42 =	vand.u32 $0x7, v46;
	v20 =	vand.u32 $0x3BF8, v20;
	v31 =	vand.u32 $0x7, v49;
	v22 =	vld.idx.msk [tilespmem:v22+s18+$0x0], $0xffff  }
0x1c2: {  	v46 =	vand.u32 $0x7, v44;
	v31 =	vor.u32 v31, v20;
	v20 =	vadd.f32 v54, v32;
	v41 =	vld.idx.msk [tilespmem:v19+s18+$0x0], $0xffff  }
0x1c3: {  	v26 =	vand.u32 $0x3BF8, v26;
	v44 =	vand.u32 $0x3BF8, v28;
	v32 =	vand.u32 $0x7, v52;
	v19 =	vld.idx.msk [tilespmem:v33+s18+$0x0], $0xffff  }
0x1c4: {  	s14 =	simm.s32 $0x0;
	v28 =	vand.u32 $0x7, v48;
	v26 =	vor.u32 v32, v26;
	v43 =	vld.idx.msk [tilespmem:v25+s19+$0x0], $0xffff;
	v25 =	vor.u32 v46, v45  }
0x1c5: {  	_ =	sdelay $0x3  }
0x1c6: {  	v32 =	vld.idx.msk [tilespmem:v33+s19+$0x0], $0xffff  }
0x1c7: {  	v60 =	vld.idx.msk [tilespmem:v34+s18+$0x0], $0xffff  }
0x1c8: {  	v61 =	vld.idx.msk [tilespmem:v38+s19+$0x0], $0xffff;
	v37 =	vor.u32 v2, v37  }
0x1c9: {  	v35 =	vld.idx.msk [tilespmem:v38+s18+$0x0], $0xffff;
	_ =	sdelay $0x1  }
0x1ca: {  	v62 =	vld.idx.msk [tilespmem:v30+s19+$0x0], $0xffff;
	v28 =	vor.u32 v28, v44;
	v39 =	vadd.f32 v39, v41  }
0x1cb: {  	s13 =	simm.s32 $0x5;
	[tilespmem:v27+s20+$0x0] =	vst.idx.add.f32.msk $0xffff, v20;
	v63 =	vadd.f32 v43, v24  }
0x1cc: {  	v32 =	vadd.f32 v32, v19;
	v19 =	vadd.s32 s13, v0;
	[tilespmem:v37+s20+$0x0] =	vst.idx.add.f32.msk $0xffff, v39  }
0x1cd: {  	v29 =	vadd.f32 v29, v60;
	v57 =	vadd.f32 v61, v35;
	v61 =	vand.u32 $0x7F, v19;
	[tilespmem:v25+s20+$0x0] =	vst.idx.add.f32.msk $0xffff, v63  }
0x1ce: {  	v30 =	vld.idx.msk [tilespmem:v30+s18+$0x0], $0xffff;
	v40 =	vor.u32 v36, v40;
	s7 =	simm.s32 $0x1;
	[tilespmem:$0x1FDB0] =	vst v61  }
0x1cf: {  	s16 =	simm.s32 $0x7;
	v45 =	vadd.s32 s7, v0;
	v43 =	vor.u32 v42, v23;
	v23 =	vshll.u32 v61, $0x4;
	[tilespmem:v28+s20+$0x0] =	vst.idx.add.f32.msk $0xffff, v29  }
0x1d0: {  	s8 =	simm.s32 $0x2;
	v58 =	vadd.f32 v21, v22;
	v48 =	vadd.s32 s16, v0;
	v24 =	vand.u32 $0x7F, v45;
	[tilespmem:$0x1FDC0] =	vst v23  }
0x1d1: {  	s25 =	simm.s32 $0x4;
	v22 =	vadd.s32 s8, v0;
	v50 =	vand.u32 $0x7F, v48;
	v29 =	vshll.u32 v24, $0x4;
	[tilespmem:v26+s20+$0x0] =	vst.idx.add.f32.msk $0xffff, v32  }
0x1d2: {  	v21 =	vadd.s32 s25, v0;
	v27 =	vshll.u32 v50, $0x4;
	v25 =	vand.u32 $0x7F, v22;
	[tilespmem:$0x1FDD0] =	vst v29  }
0x1d3: {  	s17 =	simm.s32 $0x3;
	v59 =	vadd.f32 v62, v30;
	v35 =	vor.u32 $0x2800, v0;
	v62 =	vshll.u32 v25, $0x4;
	[tilespmem:v40+s20+$0x0] =	vst.idx.add.f32.msk $0xffff, v57  }
0x1d4: {  	v20 =	vadd.s32 s17, v0;
	v54 =	vor.u32 v35, v27;
	v27 =	vand.u32 $0x7F, v21;
	[tilespmem:$0x1FDE0] =	vst v62  }
0x1d5: {  	v49 =	vadd.s32 s14, v0;
	s25 =	simm.s32 $0x6;
	v30 =	vshll.u32 v27, $0x4;
	v26 =	vand.u32 $0x7F, v20;
	[tilespmem:v31+s20+$0x0] =	vst.idx.add.f32.msk $0xffff, v58  }
0x1d6: {  	v53 =	vadd.s32 s25, v0;
	v46 =	vor.u32 v35, v62;
	v33 =	vshll.u32 v26, $0x4;
	[tilespmem:$0x1FDF0] =	vst v30  }
0x1d7: {  	v60 =	vshll.u32 v49, $0x4;
	v31 =	vand.u32 $0x7F, v53;
	[tilespmem:$0x1FE00] =	vst v33  }
0x1d8: {  	v63 =	vor.u32 v35, v60;
	v36 =	vshll.u32 v31, $0x4;
	[tilespmem:v43+s20+$0x0] =	vst.idx.add.f32.msk $0xffff, v59  }
0x1d9: {  	v56 =	vand.u32 $0x7, v53;
	v60 =	vand.u32 $0x78, v49;
	v59 =	vld.idx.msk [tilespmem:v54+s19+$0x0], $0xffff;
	[tilespmem:$0x1FE10] =	vst v36  }
0x1da: {  	v51 =	vor.u32 v12, v61;
	v61 =	vor.u32 v12, v27;
	v41 =	vor.u32 v35, v23;
	v54 =	vld.idx.msk [tilespmem:v54+s18+$0x0], $0xffff  }
0x1db: {  	v28 =	vor.u32 v12, v25;
	v38 =	vor.u32 v35, v30;
	v58 =	vand.u32 $0x7, v48;
	v48 =	vld.idx.msk [tilespmem:v46+s19+$0x0], $0xffff;
	[tilespmem:$0x1FE20] =	vst v56  }
0x1dc: {  	v39 =	vor.u32 v35, v29;
	v52 =	vand.u32 $0x3FF8, v28;
	v34 =	vor.u32 v12, v26;
	[tilespmem:$0x1FE30] =	vst v21  }
0x1dd: {  	v42 =	vor.u32 v35, v33;
	v57 =	vor.u32 v12, v50;
	v50 =	vand.u32 $0x3FF8, v51;
	v55 =	vld.idx.msk [tilespmem:v63+s19+$0x0], $0xffff  }
0x1de: {  	v40 =	vand.u32 $0x3FF8, v57;
	v47 =	vor.u32 v35, v36;
	v57 =	vld.idx.msk [tilespmem:v63+s18+$0x0], $0xffff;
	v63 =	vand.u32 $0x7, v45  }
0x1df: {  	v51 =	vor.u32 v11, v60;
	v60 =	vand.u32 $0x7, v20;
	v37 =	vor.u32 v12, v31;
	[tilespmem:$0x1FE40] =	vst v63  }
0x1e0: {  	v53 =	vand.u32 $0x3FF8, v34;
	v44 =	vor.u32 v58, v40;
	v58 =	vor.u32 v12, v24;
	v45 =	vld.idx.msk [tilespmem:v38+s18+$0x0], $0xffff;
	[tilespmem:$0x1FE50] =	vst v22  }
0x1e1: {  	v43 =	vand.u32 $0x3FF8, v37;
	v62 =	vand.u32 $0x3FF8, v58;
	v58 =	vand.u32 $0x3FF8, v61;
	[tilespmem:$0x1FE60] =	vst v20  }
0x1e2: {  	v61 =	vand.u32 $0x7, v22;
	v43 =	vor.u32 v56, v43;
	v56 =	vand.u32 $0x7, v21;
	[tilespmem:$0x1FE70] =	vst v19  }
0x1e3: {  	s7 =	simm.s32 $0x8;
	v40 =	vor.u32 v63, v62;
	v49 =	vadd.f32 v59, v54;
	v59 =	vand.u32 $0x7, v19;
	v54 =	vld.idx.msk [tilespmem:v47+s18+$0x0], $0xffff  }
.LBB2_18:
0x1e4: {  	s8 =	sadd.s32 $0x1, s7;
	s13 =	sadd.s32 $0x2, s7;
	s16 =	sadd.s32 $0x3, s7;
	v52 =	vor.u32 v61, v52;
	v60 =	vor.u32 v60, v53;
	v53 =	vld.idx.msk [tilespmem:v41+s19+$0x0], $0xffff  }
0x1e5: {  	s17 =	sadd.s32 $0x6, s7;
	v56 =	vor.u32 v56, v58;
	v61 =	vadd.s32 s8, v0;
	v62 =	vadd.s32 s13, v0;
	s8 =	sadd.s32 $0x4, s7;
	s13 =	sadd.s32 $0x5, s7;
	v46 =	vld.idx.msk [tilespmem:v46+s18+$0x0], $0xffff  }
0x1e6: {  	v58 =	vadd.s32 s7, v0;
	p3 =	slt.u32 s7, $0x78;
	v63 =	vadd.s32 s8, v0;
	v28 =	vadd.s32 s13, v0;
	s8 =	sadd.s32 $0x7, s7;
	s7 =	sadd.s32 $0x8, s7;
	v29 =	vld.idx.msk [tilespmem:v41+s18+$0x0], $0xffff  }
0x1e7: {  	v30 =	vshll.u32 v58, $0x4;
	v32 =	vand.u32 $0x7F, v61;
	v33 =	vadd.s32 s8, v0;
	v34 =	vld.idx.msk [tilespmem:v39+s18+$0x0], $0xffff  }
0x1e8: {  	v36 =	vadd.s32 s16, v0;
	v41 =	vadd.f32 v55, v57;
	v37 =	vand.u32 $0x7F, v33;
	v47 =	vld.idx.msk [tilespmem:v47+s19+$0x0], $0xffff  }
0x1e9: {  	v50 =	vor.u32 v59, v50;
	v55 =	vand.u32 $0x7F, v28;
	v57 =	vshll.u32 v37, $0x4;
	v19 =	vld.idx.msk [tilespmem:v39+s19+$0x0], $0xffff  }
0x1ea: {  	v20 =	vadd.s32 s17, v0;
	v59 =	vor.u32 v12, v55;
	v57 =	vor.u32 v35, v57;
	[tilespmem:v51+s20+$0x0] =	vst.idx.add.f32.msk $0xffff, v41  }
0x1eb: {  	v39 =	vshll.u32 v55, $0x4;
	v51 =	vand.u32 $0x7F, v63;
	v46 =	vadd.f32 v48, v46;
	v48 =	vld.idx.msk [tilespmem:v42+s19+$0x0], $0xffff  }
0x1ec: {  	v55 =	vand.u32 $0x7F, v62;
	v41 =	vor.u32 v35, v39;
	v21 =	vshll.u32 v51, $0x4;
	v22 =	vld.idx.msk [tilespmem:v42+s18+$0x0], $0xffff  }
0x1ed: {  	v39 =	vshll.u32 v32, $0x4;
	v42 =	vshll.u32 v55, $0x4;
	v55 =	vor.u32 v12, v55;
	[tilespmem:v52+s20+$0x0] =	vst.idx.add.f32.msk $0xffff, v46  }
0x1ee: {  	v39 =	vor.u32 v35, v39;
	v46 =	vor.u32 v35, v42;
	v42 =	vadd.f32 v47, v54;
	v23 =	vld.idx.msk [tilespmem:v38+s19+$0x0], $0xffff  }
0x1ef: {  	v30 =	vor.u32 v35, v30;
	v29 =	vadd.f32 v53, v29;
	v47 =	vand.u32 $0x7F, v36;
	[tilespmem:v44+s20+$0x0] =	vst.idx.add.f32.msk $0xffff, v49  }
0x1f0: {  	v38 =	vor.u32 v35, v21;
	v21 =	vand.u32 $0x7F, v20;
	v44 =	vshll.u32 v47, $0x4;
	[tilespmem:v43+s20+$0x0] =	vst.idx.add.f32.msk $0xffff, v42  }
0x1f1: {  	v42 =	vor.u32 v35, v44;
	v43 =	vor.u32 v12, v47;
	v44 =	vshll.u32 v21, $0x4;
	v49 =	vld.idx.msk [tilespmem:v57+s19+$0x0], $0xffff  }
0x1f2: {  	v21 =	vor.u32 v12, v21;
	v47 =	vor.u32 v35, v44;
	v22 =	vadd.f32 v48, v22;
	v54 =	vld.idx.msk [tilespmem:v57+s18+$0x0], $0xffff  }
0x1f3: {  	v52 =	vand.u32 $0x3FF8, v55;
	v20 =	vand.u32 $0x7, v20;
	v21 =	vand.u32 $0x3FF8, v21;
	[tilespmem:v50+s20+$0x0] =	vst.idx.add.f32.msk $0xffff, v29  }
0x1f4: {  	v53 =	vand.u32 $0x3FF8, v43;
	v29 =	vor.u32 v12, v37;
	[tilespmem:v60+s20+$0x0] =	vst.idx.add.f32.msk $0xffff, v22;
	v22 =	vadd.f32 v23, v45  }
0x1f5: {  	v19 =	vadd.f32 v19, v34;
	v23 =	vand.u32 $0x3FF8, v29;
	v29 =	vand.u32 $0x7, v33;
	v48 =	vld.idx.msk [tilespmem:v46+s19+$0x0], $0xffff  }
0x1f6: {  	v43 =	vor.u32 v20, v21;
	v50 =	vand.u32 $0x3FF8, v59;
	v44 =	vor.u32 v29, v23;
	[tilespmem:v56+s20+$0x0] =	vst.idx.add.f32.msk $0xffff, v22  }
.Ltmp12:
0x1f7: {  	v20 =	vand.u32 $0x78, v58;
	v21 =	vor.u32 v12, v51;
	v56 =	vand.u32 $0x7, v63;
	[tilespmem:v40+s20+$0x0] =	vst.idx.add.f32.msk $0xffff, v19;
	(pc) =	sbr.rel @p3 .LBB2_18-.Ltmp12, $4  }
0x1f8: {  	v51 =	vor.u32 v11, v20;
	v58 =	vand.u32 $0x3FF8, v21;
	v19 =	vor.u32 v12, v32;
	v55 =	vld.idx.msk [tilespmem:v30+s19+$0x0], $0xffff  }
0x1f9: {  	v20 =	vand.u32 $0x7, v61;
	v49 =	vadd.f32 v49, v54;
	v19 =	vand.u32 $0x3FF8, v19;
	v57 =	vld.idx.msk [tilespmem:v30+s18+$0x0], $0xffff  }
0x1fa: {  	v40 =	vor.u32 v20, v19;
	v45 =	vld.idx.msk [tilespmem:v38+s18+$0x0], $0xffff  }
0x1fb: {  	v61 =	vand.u32 $0x7, v62;
	v59 =	vand.u32 $0x7, v28;
	v60 =	vand.u32 $0x7, v36;
	v54 =	vld.idx.msk [tilespmem:v47+s18+$0x0], $0xffff  }
0x1fc: {  	_ =	sdelay $0x3  }
0x1fd: {  	v19 =	vld.idx.msk [tilespmem:v41+s19+$0x0], $0xffff  }
0x1fe: {  	v20 =	vld.idx.msk [tilespmem:v46+s18+$0x0], $0xffff  }
0x1ff: {  	v21 =	vld.idx.msk [tilespmem:v41+s18+$0x0], $0xffff  }
0x200: {  	v22 =	vld.idx.msk [tilespmem:v39+s18+$0x0], $0xffff  }
0x201: {  	v23 =	vld.idx.msk [tilespmem:v47+s19+$0x0], $0xffff  }
0x202: {  	v28 =	vor.u32 v61, v52;
	v29 =	vld.idx.msk [tilespmem:v42+s19+$0x0], $0xffff  }
0x203: {  	v30 =	vld.idx.msk [tilespmem:v42+s18+$0x0], $0xffff  }
0x204: {  	v33 =	vld.idx.msk [tilespmem:v38+s19+$0x0], $0xffff  }
0x205: {  	v36 =	vld.idx.msk [tilespmem:v39+s19+$0x0], $0xffff;
	v20 =	vadd.f32 v48, v20  }
0x206: {  	v34 =	vor.u32 v59, v50;
	[tilespmem:v44+s20+$0x0] =	vst.idx.add.f32.msk $0xffff, v49;
	v32 =	vadd.f32 v55, v57  }
0x207: {  	v37 =	vor.u32 v60, v53;
	[tilespmem:v28+s20+$0x0] =	vst.idx.add.f32.msk $0xffff, v20;
	v20 =	vadd.f32 v23, v54  }
0x208: {  	[tilespmem:v51+s20+$0x0] =	vst.idx.add.f32.msk $0xffff, v32  }
0x209: {  	v19 =	vadd.f32 v19, v21;
	[tilespmem:v43+s20+$0x0] =	vst.idx.add.f32.msk $0xffff, v20  }
0x20a: {  	v21 =	vadd.f32 v29, v30;
	v23 =	vld [tilespmem:$0x1FDF0]  }
0x20b: {  	[tilespmem:v34+s20+$0x0] =	vst.idx.add.f32.msk $0xffff, v19  }
0x20c: {  	[tilespmem:v37+s20+$0x0] =	vst.idx.add.f32.msk $0xffff, v21  }
0x20d: {  	v57 =	vor.u32 v56, v58;
	v21 =	vld [tilespmem:$0x1FDD0];
	_ =	sdelay $0x2  }
0x20e: {  	v20 =	vadd.f32 v33, v45  }
0x20f: {  	v35 =	vor.u32 $0x3000, v0;
	v29 =	vadd.s32 s14, v0;
	v19 =	vadd.f32 v36, v22  }
0x210: {  	[tilespmem:v57+s20+$0x0] =	vst.idx.add.f32.msk $0xffff, v20;
	v58 =	vor.u32 v35, v21;
	v21 =	vand.u32 $0x7F, v29  }
0x211: {  	[tilespmem:v40+s20+$0x0] =	vst.idx.add.f32.msk $0xffff, v19;
	v23 =	vor.u32 v35, v23;
	v20 =	vshll.u32 v21, $0x4  }
0x212: {  	v19 =	vor.u32 v35, v20;
	v20 =	vld [tilespmem:$0x1FDC0];
	_ =	sdelay $0x3  }
0x213: {  	v44 =	vld.idx.msk [tilespmem:v23+s18+$0x0], $0xffff  }
0x214: {  	v30 =	vor.u32 v35, v20;
	v20 =	vld.idx.msk [tilespmem:v23+s19+$0x0], $0xffff  }
0x215: {  	v23 =	vld [tilespmem:$0x1FE50];
	_ =	sdelay $0x2  }
0x216: {  	v21 =	vor.u32 v13, v21  }
0x217: {  	v37 =	vand.u32 $0x5BF8, v21  }
0x218: {  	v21 =	vor.u32 v13, v24;
	v36 =	vand.u32 $0x7, v23;
	v23 =	vor.u32 v13, v27  }
0x219: {  	v60 =	vand.u32 $0x5BF8, v21;
	v21 =	vand.u32 $0x5BF8, v23;
	v23 =	vld [tilespmem:$0x1FE30]  }
0x21a: {  	s7 =	simm.s32 $0x7;
	v27 =	vld [tilespmem:$0x1FDE0]  }
0x21b: {  	v28 =	vadd.s32 s7, v0  }
0x21c: {  	v22 =	vand.u32 $0x7F, v28  }
0x21d: {  	v29 =	vshll.u32 v22, $0x4  }
0x21e: {  	v34 =	vor.u32 v35, v29;
	v29 =	vld [tilespmem:$0x1FE00];
	v23 =	vand.u32 $0x7, v23  }
0x21f: {  	v38 =	vor.u32 v35, v27;
	v27 =	vor.u32 v23, v21;
	v23 =	vor.u32 v13, v25;
	v21 =	vld [tilespmem:$0x1FDB0]  }
0x220: {  	v40 =	vand.u32 $0x5BF8, v23;
	v23 =	vld [tilespmem:$0x1FE60];
	_ =	sdelay $0x3  }
0x221: {  	v59 =	vor.u32 v35, v29;
	v29 =	vld [tilespmem:$0x1FE10];
	v25 =	vor.u32 v13, v21  }
0x222: {  	v61 =	vor.u32 v13, v31;
	v31 =	vand.u32 $0x7, v23;
	v23 =	vand.u32 $0x5BF8, v25;
	v25 =	vld [tilespmem:$0x1FE70]  }
0x223: {  	v63 =	vld [tilespmem:$0x1FE20]  }
0x224: {  	v24 =	vld.idx.msk [tilespmem:v58+s18+$0x0], $0xffff  }
0x225: {  	v43 =	vld.idx.msk [tilespmem:v58+s19+$0x0], $0xffff  }
0x226: {  	v39 =	vld.idx.msk [tilespmem:v19+s19+$0x0], $0xffff;
	v33 =	vor.u32 v35, v29  }
0x227: {  	v42 =	vand.u32 $0x7, v25;
	v25 =	vld [tilespmem:$0x1FE40]  }
0x228: {  	v41 =	vld.idx.msk [tilespmem:v19+s18+$0x0], $0xffff  }
0x229: {  	v26 =	vor.u32 v13, v26;
	v29 =	vld.idx.msk [tilespmem:v34+s19+$0x0], $0xffff  }
0x22a: {  	v26 =	vand.u32 $0x5BF8, v26;
	v28 =	vand.u32 $0x7, v28;
	v62 =	vor.u32 v13, v22;
	v22 =	vld.idx.msk [tilespmem:v59+s18+$0x0], $0xffff  }
0x22b: {  	v20 =	vadd.f32 v20, v44;
	v19 =	vld.idx.msk [tilespmem:v33+s18+$0x0], $0xffff;
	v31 =	vor.u32 v31, v26;
	v26 =	vand.u32 $0x5BF8, v61  }
0x22c: {  	s25 =	simm.s32 $0x8;
	v44 =	vand.u32 $0x5BF8, v62;
	v21 =	vld.idx.msk [tilespmem:v59+s19+$0x0], $0xffff;
	v26 =	vor.u32 v63, v26;
	v25 =	vor.u32 v25, v60  }
.LBB2_20:
0x22d: {  	s7 =	sadd.s32 $0x1, s25  }
0x22e: {  	s8 =	sadd.s32 $0x2, s25;
	s13 =	sadd.s32 $0x3, s25;
	v32 =	vor.u32 v2, v37;
	v33 =	vld.idx.msk [tilespmem:v33+s19+$0x0], $0xffff;
	v28 =	vor.u32 v28, v44;
	s14 =	smov.u32 s25  }
0x22f: {  	s16 =	sadd.s32 $0x6, s25;
	v36 =	vor.u32 v36, v40;
	v44 =	vadd.s32 s7, v0;
	v45 =	vadd.s32 s8, v0;
	s7 =	sadd.s32 $0x4, s25;
	s8 =	sadd.s32 $0x5, s25;
	v34 =	vld.idx.msk [tilespmem:v34+s18+$0x0], $0xffff  }
0x230: {  	p3 =	slt.u32 s25, $0x78;
	v23 =	vor.u32 v42, v23;
	s25 =	sadd.s32 $0x8, s25;
	v40 =	vadd.s32 s7, v0;
	v46 =	vadd.s32 s8, v0;
	s7 =	sadd.s32 $0x7, s14;
	v37 =	vld.idx.msk [tilespmem:v38+s19+$0x0], $0xffff  }
0x231: {  	v42 =	vand.u32 $0x7F, v44;
	v47 =	vand.u32 $0x7F, v45;
	v48 =	vadd.s32 s7, v0;
	v38 =	vld.idx.msk [tilespmem:v38+s18+$0x0], $0xffff  }
0x232: {  	v49 =	vadd.s32 s13, v0;
	v39 =	vadd.f32 v39, v41;
	v50 =	vand.u32 $0x7F, v40;
	v41 =	vld.idx.msk [tilespmem:v30+s19+$0x0], $0xffff  }
0x233: {  	v52 =	vadd.s32 s16, v0;
	v51 =	vshll.u32 v50, $0x4;
	v24 =	vadd.f32 v43, v24;
	[tilespmem:v27+s20+$0x0] =	vst.idx.add.f32.msk $0xffff, v20  }
0x234: {  	v43 =	vand.u32 $0x7F, v49;
	v53 =	vand.u32 $0x7F, v48;
	v20 =	vshll.u32 v47, $0x4;
	[tilespmem:v32+s20+$0x0] =	vst.idx.add.f32.msk $0xffff, v39  }
0x235: {  	v27 =	vadd.s32 s14, v0;
	v32 =	vor.u32 v35, v51;
	[tilespmem:v25+s20+$0x0] =	vst.idx.add.f32.msk $0xffff, v24;
	v24 =	vadd.f32 v29, v34  }
0x236: {  	v19 =	vadd.f32 v33, v19;
	v51 =	vand.u32 $0x7F, v46;
	v25 =	vshll.u32 v42, $0x4;
	v29 =	vld.idx.msk [tilespmem:v30+s18+$0x0], $0xffff  }
0x237: {  	v25 =	vor.u32 v35, v25;
	v30 =	vshll.u32 v51, $0x4;
	v33 =	vadd.f32 v37, v38;
	[tilespmem:v28+s20+$0x0] =	vst.idx.add.f32.msk $0xffff, v24  }
0x238: {  	v24 =	vand.u32 $0x7F, v27;
	v30 =	vor.u32 v35, v30;
	v28 =	vand.u32 $0x7F, v52;
	[tilespmem:v26+s20+$0x0] =	vst.idx.add.f32.msk $0xffff, v19  }
0x239: {  	v27 =	vshll.u32 v53, $0x4;
	v19 =	vshll.u32 v24, $0x4;
	v26 =	vshll.u32 v28, $0x4;
	[tilespmem:v36+s20+$0x0] =	vst.idx.add.f32.msk $0xffff, v33  }
0x23a: {  	v34 =	vor.u32 v35, v27;
	v19 =	vor.u32 v35, v19;
	v33 =	vor.u32 v35, v26;
	v54 =	vld.idx.msk [tilespmem:v32+s19+$0x0], $0xffff  }
0x23b: {  	v21 =	vadd.f32 v21, v22;
	v24 =	vor.u32 v13, v24;
	v26 =	vshll.u32 v43, $0x4;
	v32 =	vld.idx.msk [tilespmem:v32+s18+$0x0], $0xffff  }
0x23c: {  	v37 =	vand.u32 $0x5BF8, v24;
	v22 =	vor.u32 v35, v26;
	v26 =	vadd.f32 v41, v29;
	v24 =	vld.idx.msk [tilespmem:v25+s18+$0x0], $0xffff  }
0x23d: {  	v27 =	vor.u32 v13, v42;
	v36 =	vand.u32 $0x7, v45;
	v29 =	vor.u32 v13, v50;
	[tilespmem:v31+s20+$0x0] =	vst.idx.add.f32.msk $0xffff, v21  }
0x23e: {  	v45 =	vand.u32 $0x5BF8, v27;
	v27 =	vand.u32 $0x7, v40;
	v21 =	vand.u32 $0x5BF8, v29;
	[tilespmem:v23+s20+$0x0] =	vst.idx.add.f32.msk $0xffff, v26  }
0x23f: {  	v38 =	vor.u32 v35, v20;
	v27 =	vor.u32 v27, v21;
	v26 =	vor.u32 v13, v28;
	v29 =	vld.idx.msk [tilespmem:v34+s19+$0x0], $0xffff  }
0x240: {  	v20 =	vor.u32 v13, v47;
	v23 =	vor.u32 v13, v51;
	v28 =	vor.u32 v13, v53;
	v39 =	vld.idx.msk [tilespmem:v19+s19+$0x0], $0xffff  }
.Ltmp13:
0x241: {  	v40 =	vand.u32 $0x5BF8, v20;
	v20 =	vor.u32 v13, v43;
	v23 =	vand.u32 $0x5BF8, v23;
	v21 =	vld.idx.msk [tilespmem:v22+s19+$0x0], $0xffff;
	(pc) =	sbr.rel @p3 .LBB2_20-.Ltmp13, $4  }
0x242: {  	v42 =	vand.u32 $0x7, v46;
	v20 =	vand.u32 $0x5BF8, v20;
	v31 =	vand.u32 $0x7, v49;
	v22 =	vld.idx.msk [tilespmem:v22+s18+$0x0], $0xffff  }
0x243: {  	v46 =	vand.u32 $0x7, v44;
	v31 =	vor.u32 v31, v20;
	v20 =	vadd.f32 v54, v32;
	v41 =	vld.idx.msk [tilespmem:v19+s18+$0x0], $0xffff  }
0x244: {  	v26 =	vand.u32 $0x5BF8, v26;
	v44 =	vand.u32 $0x5BF8, v28;
	v32 =	vand.u32 $0x7, v52;
	v19 =	vld.idx.msk [tilespmem:v33+s18+$0x0], $0xffff  }
0x245: {  	s14 =	simm.s32 $0x0;
	v28 =	vand.u32 $0x7, v48;
	v26 =	vor.u32 v32, v26;
	v43 =	vld.idx.msk [tilespmem:v25+s19+$0x0], $0xffff;
	v25 =	vor.u32 v46, v45  }
0x246: {  	_ =	sdelay $0x3  }
0x247: {  	v32 =	vld.idx.msk [tilespmem:v33+s19+$0x0], $0xffff  }
0x248: {  	v60 =	vld.idx.msk [tilespmem:v34+s18+$0x0], $0xffff  }
0x249: {  	v61 =	vld.idx.msk [tilespmem:v38+s19+$0x0], $0xffff;
	v37 =	vor.u32 v2, v37  }
0x24a: {  	v35 =	vld.idx.msk [tilespmem:v38+s18+$0x0], $0xffff;
	_ =	sdelay $0x1  }
0x24b: {  	v62 =	vld.idx.msk [tilespmem:v30+s19+$0x0], $0xffff;
	v28 =	vor.u32 v28, v44;
	v39 =	vadd.f32 v39, v41  }
0x24c: {  	s13 =	simm.s32 $0x5;
	[tilespmem:v27+s20+$0x0] =	vst.idx.add.f32.msk $0xffff, v20;
	v63 =	vadd.f32 v43, v24  }
0x24d: {  	v32 =	vadd.f32 v32, v19;
	v19 =	vadd.s32 s13, v0;
	[tilespmem:v37+s20+$0x0] =	vst.idx.add.f32.msk $0xffff, v39  }
0x24e: {  	v29 =	vadd.f32 v29, v60;
	v57 =	vadd.f32 v61, v35;
	v61 =	vand.u32 $0x7F, v19;
	[tilespmem:v25+s20+$0x0] =	vst.idx.add.f32.msk $0xffff, v63  }
0x24f: {  	v30 =	vld.idx.msk [tilespmem:v30+s18+$0x0], $0xffff;
	v40 =	vor.u32 v36, v40;
	s7 =	simm.s32 $0x1;
	[tilespmem:$0x1FCE0] =	vst v61  }
0x250: {  	s16 =	simm.s32 $0x7;
	v45 =	vadd.s32 s7, v0;
	v43 =	vor.u32 v42, v23;
	v23 =	vshll.u32 v61, $0x4;
	[tilespmem:v28+s20+$0x0] =	vst.idx.add.f32.msk $0xffff, v29  }
0x251: {  	s8 =	simm.s32 $0x2;
	v58 =	vadd.f32 v21, v22;
	v48 =	vadd.s32 s16, v0;
	v24 =	vand.u32 $0x7F, v45;
	[tilespmem:$0x1FCF0] =	vst v23  }
0x252: {  	s25 =	simm.s32 $0x4;
	v22 =	vadd.s32 s8, v0;
	v50 =	vand.u32 $0x7F, v48;
	v29 =	vshll.u32 v24, $0x4;
	[tilespmem:v26+s20+$0x0] =	vst.idx.add.f32.msk $0xffff, v32  }
0x253: {  	v21 =	vadd.s32 s25, v0;
	v27 =	vshll.u32 v50, $0x4;
	v25 =	vand.u32 $0x7F, v22;
	[tilespmem:$0x1FD00] =	vst v29  }
0x254: {  	s17 =	simm.s32 $0x3;
	v59 =	vadd.f32 v62, v30;
	v35 =	vor.u32 $0x3800, v0;
	v62 =	vshll.u32 v25, $0x4;
	[tilespmem:v40+s20+$0x0] =	vst.idx.add.f32.msk $0xffff, v57  }
0x255: {  	v20 =	vadd.s32 s17, v0;
	v54 =	vor.u32 v35, v27;
	v27 =	vand.u32 $0x7F, v21;
	[tilespmem:$0x1FD10] =	vst v62  }
0x256: {  	v49 =	vadd.s32 s14, v0;
	s25 =	simm.s32 $0x6;
	v30 =	vshll.u32 v27, $0x4;
	v26 =	vand.u32 $0x7F, v20;
	[tilespmem:v31+s20+$0x0] =	vst.idx.add.f32.msk $0xffff, v58  }
0x257: {  	v53 =	vadd.s32 s25, v0;
	v46 =	vor.u32 v35, v62;
	v33 =	vshll.u32 v26, $0x4;
	[tilespmem:$0x1FD20] =	vst v30  }
0x258: {  	v60 =	vshll.u32 v49, $0x4;
	v31 =	vand.u32 $0x7F, v53;
	[tilespmem:$0x1FD30] =	vst v33  }
0x259: {  	v63 =	vor.u32 v35, v60;
	v36 =	vshll.u32 v31, $0x4;
	[tilespmem:v43+s20+$0x0] =	vst.idx.add.f32.msk $0xffff, v59  }
0x25a: {  	v56 =	vand.u32 $0x7, v53;
	v60 =	vand.u32 $0x78, v49;
	v59 =	vld.idx.msk [tilespmem:v54+s19+$0x0], $0xffff;
	[tilespmem:$0x1FD40] =	vst v36  }
0x25b: {  	v51 =	vor.u32 v15, v61;
	v61 =	vor.u32 v15, v27;
	v41 =	vor.u32 v35, v23;
	v54 =	vld.idx.msk [tilespmem:v54+s18+$0x0], $0xffff  }
0x25c: {  	v28 =	vor.u32 v15, v25;
	v38 =	vor.u32 v35, v30;
	v58 =	vand.u32 $0x7, v48;
	v48 =	vld.idx.msk [tilespmem:v46+s19+$0x0], $0xffff;
	[tilespmem:$0x1FD50] =	vst v56  }
0x25d: {  	v39 =	vor.u32 v35, v29;
	v52 =	vand.u32 $0x5FF8, v28;
	v34 =	vor.u32 v15, v26;
	[tilespmem:$0x1FD60] =	vst v21  }
0x25e: {  	v42 =	vor.u32 v35, v33;
	v57 =	vor.u32 v15, v50;
	v50 =	vand.u32 $0x5FF8, v51;
	v55 =	vld.idx.msk [tilespmem:v63+s19+$0x0], $0xffff  }
0x25f: {  	v40 =	vand.u32 $0x5FF8, v57;
	v47 =	vor.u32 v35, v36;
	v57 =	vld.idx.msk [tilespmem:v63+s18+$0x0], $0xffff;
	v63 =	vand.u32 $0x7, v45  }
0x260: {  	v51 =	vor.u32 v14, v60;
	v60 =	vand.u32 $0x7, v20;
	v37 =	vor.u32 v15, v31;
	[tilespmem:$0x1FD70] =	vst v63  }
0x261: {  	v53 =	vand.u32 $0x5FF8, v34;
	v44 =	vor.u32 v58, v40;
	v58 =	vor.u32 v15, v24;
	v45 =	vld.idx.msk [tilespmem:v38+s18+$0x0], $0xffff;
	[tilespmem:$0x1FD80] =	vst v22  }
0x262: {  	v43 =	vand.u32 $0x5FF8, v37;
	v62 =	vand.u32 $0x5FF8, v58;
	v58 =	vand.u32 $0x5FF8, v61;
	[tilespmem:$0x1FD90] =	vst v20  }
0x263: {  	v61 =	vand.u32 $0x7, v22;
	v43 =	vor.u32 v56, v43;
	v56 =	vand.u32 $0x7, v21;
	[tilespmem:$0x1FDA0] =	vst v19  }
0x264: {  	s7 =	simm.s32 $0x8;
	v40 =	vor.u32 v63, v62;
	v49 =	vadd.f32 v59, v54;
	v59 =	vand.u32 $0x7, v19;
	v54 =	vld.idx.msk [tilespmem:v47+s18+$0x0], $0xffff  }
.LBB2_22:
0x265: {  	s8 =	sadd.s32 $0x1, s7;
	s13 =	sadd.s32 $0x2, s7;
	s16 =	sadd.s32 $0x3, s7;
	v52 =	vor.u32 v61, v52;
	v60 =	vor.u32 v60, v53;
	v53 =	vld.idx.msk [tilespmem:v41+s19+$0x0], $0xffff  }
0x266: {  	s17 =	sadd.s32 $0x6, s7;
	v56 =	vor.u32 v56, v58;
	v61 =	vadd.s32 s8, v0;
	v62 =	vadd.s32 s13, v0;
	s8 =	sadd.s32 $0x4, s7;
	s13 =	sadd.s32 $0x5, s7;
	v46 =	vld.idx.msk [tilespmem:v46+s18+$0x0], $0xffff  }
0x267: {  	v58 =	vadd.s32 s7, v0;
	p3 =	slt.u32 s7, $0x78;
	v63 =	vadd.s32 s8, v0;
	v28 =	vadd.s32 s13, v0;
	s8 =	sadd.s32 $0x7, s7;
	s7 =	sadd.s32 $0x8, s7;
	v29 =	vld.idx.msk [tilespmem:v41+s18+$0x0], $0xffff  }
0x268: {  	v30 =	vshll.u32 v58, $0x4;
	v32 =	vand.u32 $0x7F, v61;
	v33 =	vadd.s32 s8, v0;
	v34 =	vld.idx.msk [tilespmem:v39+s18+$0x0], $0xffff  }
0x269: {  	v36 =	vadd.s32 s16, v0;
	v41 =	vadd.f32 v55, v57;
	v37 =	vand.u32 $0x7F, v33;
	v47 =	vld.idx.msk [tilespmem:v47+s19+$0x0], $0xffff  }
0x26a: {  	v50 =	vor.u32 v59, v50;
	v55 =	vand.u32 $0x7F, v28;
	v57 =	vshll.u32 v37, $0x4;
	v19 =	vld.idx.msk [tilespmem:v39+s19+$0x0], $0xffff  }
0x26b: {  	v20 =	vadd.s32 s17, v0;
	v59 =	vor.u32 v15, v55;
	v57 =	vor.u32 v35, v57;
	[tilespmem:v51+s20+$0x0] =	vst.idx.add.f32.msk $0xffff, v41  }
0x26c: {  	v39 =	vshll.u32 v55, $0x4;
	v51 =	vand.u32 $0x7F, v63;
	v46 =	vadd.f32 v48, v46;
	v48 =	vld.idx.msk [tilespmem:v42+s19+$0x0], $0xffff  }
0x26d: {  	v55 =	vand.u32 $0x7F, v62;
	v41 =	vor.u32 v35, v39;
	v21 =	vshll.u32 v51, $0x4;
	v22 =	vld.idx.msk [tilespmem:v42+s18+$0x0], $0xffff  }
0x26e: {  	v39 =	vshll.u32 v32, $0x4;
	v42 =	vshll.u32 v55, $0x4;
	v55 =	vor.u32 v15, v55;
	[tilespmem:v52+s20+$0x0] =	vst.idx.add.f32.msk $0xffff, v46  }
0x26f: {  	v39 =	vor.u32 v35, v39;
	v46 =	vor.u32 v35, v42;
	v42 =	vadd.f32 v47, v54;
	v23 =	vld.idx.msk [tilespmem:v38+s19+$0x0], $0xffff  }
0x270: {  	v30 =	vor.u32 v35, v30;
	v29 =	vadd.f32 v53, v29;
	v47 =	vand.u32 $0x7F, v36;
	[tilespmem:v44+s20+$0x0] =	vst.idx.add.f32.msk $0xffff, v49  }
0x271: {  	v38 =	vor.u32 v35, v21;
	v21 =	vand.u32 $0x7F, v20;
	v44 =	vshll.u32 v47, $0x4;
	[tilespmem:v43+s20+$0x0] =	vst.idx.add.f32.msk $0xffff, v42  }
0x272: {  	v42 =	vor.u32 v35, v44;
	v43 =	vor.u32 v15, v47;
	v44 =	vshll.u32 v21, $0x4;
	v49 =	vld.idx.msk [tilespmem:v57+s19+$0x0], $0xffff  }
0x273: {  	v21 =	vor.u32 v15, v21;
	v47 =	vor.u32 v35, v44;
	v22 =	vadd.f32 v48, v22;
	v54 =	vld.idx.msk [tilespmem:v57+s18+$0x0], $0xffff  }
0x274: {  	v52 =	vand.u32 $0x5FF8, v55;
	v20 =	vand.u32 $0x7, v20;
	v21 =	vand.u32 $0x5FF8, v21;
	[tilespmem:v50+s20+$0x0] =	vst.idx.add.f32.msk $0xffff, v29  }
0x275: {  	v53 =	vand.u32 $0x5FF8, v43;
	v29 =	vor.u32 v15, v37;
	[tilespmem:v60+s20+$0x0] =	vst.idx.add.f32.msk $0xffff, v22;
	v22 =	vadd.f32 v23, v45  }
0x276: {  	v19 =	vadd.f32 v19, v34;
	v23 =	vand.u32 $0x5FF8, v29;
	v29 =	vand.u32 $0x7, v33;
	v48 =	vld.idx.msk [tilespmem:v46+s19+$0x0], $0xffff  }
0x277: {  	v43 =	vor.u32 v20, v21;
	v50 =	vand.u32 $0x5FF8, v59;
	v44 =	vor.u32 v29, v23;
	[tilespmem:v56+s20+$0x0] =	vst.idx.add.f32.msk $0xffff, v22  }
.Ltmp14:
0x278: {  	v20 =	vand.u32 $0x78, v58;
	v21 =	vor.u32 v15, v51;
	v56 =	vand.u32 $0x7, v63;
	[tilespmem:v40+s20+$0x0] =	vst.idx.add.f32.msk $0xffff, v19;
	(pc) =	sbr.rel @p3 .LBB2_22-.Ltmp14, $4  }
0x279: {  	v51 =	vor.u32 v14, v20;
	v58 =	vand.u32 $0x5FF8, v21;
	v19 =	vor.u32 v15, v32;
	v55 =	vld.idx.msk [tilespmem:v30+s19+$0x0], $0xffff  }
0x27a: {  	v20 =	vand.u32 $0x7, v61;
	v49 =	vadd.f32 v49, v54;
	v19 =	vand.u32 $0x5FF8, v19;
	v57 =	vld.idx.msk [tilespmem:v30+s18+$0x0], $0xffff  }
0x27b: {  	v40 =	vor.u32 v20, v19;
	v45 =	vld.idx.msk [tilespmem:v38+s18+$0x0], $0xffff  }
0x27c: {  	v61 =	vand.u32 $0x7, v62;
	v59 =	vand.u32 $0x7, v28;
	v60 =	vand.u32 $0x7, v36;
	v54 =	vld.idx.msk [tilespmem:v47+s18+$0x0], $0xffff  }
0x27d: {  	_ =	sdelay $0x3  }
0x27e: {  	v19 =	vld.idx.msk [tilespmem:v41+s19+$0x0], $0xffff  }
0x27f: {  	v20 =	vld.idx.msk [tilespmem:v46+s18+$0x0], $0xffff  }
0x280: {  	v21 =	vld.idx.msk [tilespmem:v41+s18+$0x0], $0xffff  }
0x281: {  	v22 =	vld.idx.msk [tilespmem:v39+s18+$0x0], $0xffff  }
0x282: {  	v23 =	vld.idx.msk [tilespmem:v47+s19+$0x0], $0xffff  }
0x283: {  	v28 =	vor.u32 v61, v52;
	v29 =	vld.idx.msk [tilespmem:v42+s19+$0x0], $0xffff  }
0x284: {  	v30 =	vld.idx.msk [tilespmem:v42+s18+$0x0], $0xffff  }
0x285: {  	v33 =	vld.idx.msk [tilespmem:v38+s19+$0x0], $0xffff  }
0x286: {  	v36 =	vld.idx.msk [tilespmem:v39+s19+$0x0], $0xffff;
	v20 =	vadd.f32 v48, v20  }
0x287: {  	v34 =	vor.u32 v59, v50;
	[tilespmem:v44+s20+$0x0] =	vst.idx.add.f32.msk $0xffff, v49;
	v32 =	vadd.f32 v55, v57  }
0x288: {  	v37 =	vor.u32 v60, v53;
	[tilespmem:v28+s20+$0x0] =	vst.idx.add.f32.msk $0xffff, v20;
	v20 =	vadd.f32 v23, v54  }
0x289: {  	[tilespmem:v51+s20+$0x0] =	vst.idx.add.f32.msk $0xffff, v32  }
0x28a: {  	v19 =	vadd.f32 v19, v21;
	[tilespmem:v43+s20+$0x0] =	vst.idx.add.f32.msk $0xffff, v20  }
0x28b: {  	v21 =	vadd.f32 v29, v30;
	v23 =	vld [tilespmem:$0x1FD20]  }
0x28c: {  	[tilespmem:v34+s20+$0x0] =	vst.idx.add.f32.msk $0xffff, v19  }
0x28d: {  	[tilespmem:v37+s20+$0x0] =	vst.idx.add.f32.msk $0xffff, v21  }
0x28e: {  	v56 =	vor.u32 v56, v58;
	v21 =	vld [tilespmem:$0x1FD00];
	_ =	sdelay $0x2  }
0x28f: {  	v20 =	vadd.f32 v33, v45  }
0x290: {  	v35 =	vor.u32 $0x4000, v0;
	v19 =	vadd.f32 v36, v22;
	v22 =	vadd.s32 s14, v0  }
0x291: {  	[tilespmem:v56+s20+$0x0] =	vst.idx.add.f32.msk $0xffff, v20;
	v58 =	vor.u32 v35, v21;
	v21 =	vand.u32 $0x7F, v22  }
0x292: {  	[tilespmem:v40+s20+$0x0] =	vst.idx.add.f32.msk $0xffff, v19;
	v20 =	vshll.u32 v21, $0x4  }
0x293: {  	v19 =	vor.u32 v35, v20;
	v20 =	vld [tilespmem:$0x1FCF0];
	_ =	sdelay $0x4  }
0x294: {  	v30 =	vor.u32 v35, v20;
	v20 =	vor.u32 v16, v21;
	v21 =	vld [tilespmem:$0x1FD30];
	_ =	sdelay $0x4  }
0x295: {  	v59 =	vor.u32 v35, v21;
	v21 =	vld [tilespmem:$0x1FD40];
	_ =	sdelay $0x4  }
0x296: {  	v33 =	vor.u32 v35, v21;
	v21 =	vld [tilespmem:$0x1FD80];
	_ =	sdelay $0x1  }
0x297: {  	s7 =	simm.s32 $0x7  }
0x298: {  	v28 =	vadd.s32 s7, v0  }
0x299: {  	v57 =	vand.u32 $0x7F, v28;
	v23 =	vor.u32 v35, v23;
	v37 =	vand.u32 $0x6BF8, v20  }
0x29a: {  	v20 =	vor.u32 v16, v24;
	v36 =	vand.u32 $0x7, v21;
	v21 =	vor.u32 v16, v27  }
0x29b: {  	v22 =	vshll.u32 v57, $0x4;
	v60 =	vand.u32 $0x6BF8, v20;
	v20 =	vand.u32 $0x6BF8, v21;
	v21 =	vld [tilespmem:$0x1FD60]  }
0x29c: {  	v34 =	vor.u32 v35, v22;
	v22 =	vld [tilespmem:$0x1FD10];
	_ =	sdelay $0x2  }
0x29d: {  	v63 =	vld [tilespmem:$0x1FD50]  }
0x29e: {  	v26 =	vor.u32 v16, v26;
	v32 =	vld.idx.msk [tilespmem:v23+s19+$0x0], $0xffff;
	v21 =	vand.u32 $0x7, v21  }
0x29f: {  	v29 =	vor.u32 v35, v22;
	v22 =	vor.u32 v21, v20;
	v20 =	vor.u32 v16, v25;
	v21 =	vld [tilespmem:$0x1FCE0]  }
0x2a0: {  	v40 =	vand.u32 $0x6BF8, v20;
	v20 =	vand.u32 $0x6BF8, v26;
	v26 =	vld [tilespmem:$0x1FD90]  }
0x2a1: {  	v44 =	vld.idx.msk [tilespmem:v23+s18+$0x0], $0xffff  }
0x2a2: {  	v43 =	vld.idx.msk [tilespmem:v58+s19+$0x0], $0xffff  }
0x2a3: {  	v61 =	vor.u32 v16, v31;
	v31 =	vld.idx.msk [tilespmem:v19+s19+$0x0], $0xffff  }
0x2a4: {  	v41 =	vld.idx.msk [tilespmem:v19+s18+$0x0], $0xffff;
	v25 =	vor.u32 v16, v21  }
0x2a5: {  	v26 =	vand.u32 $0x7, v26;
	v39 =	vand.u32 $0x6BF8, v25;
	v25 =	vld [tilespmem:$0x1FDA0]  }
0x2a6: {  	v20 =	vor.u32 v26, v20;
	v26 =	vld [tilespmem:$0x1FD70]  }
0x2a7: {  	v24 =	vld.idx.msk [tilespmem:v58+s18+$0x0], $0xffff  }
0x2a8: {  	v23 =	vld.idx.msk [tilespmem:v59+s18+$0x0], $0xffff  }
0x2a9: {  	v28 =	vand.u32 $0x7, v28;
	v62 =	vor.u32 v16, v57;
	v27 =	vld.idx.msk [tilespmem:v34+s19+$0x0], $0xffff  }
0x2aa: {  	v38 =	vadd.f32 v32, v44;
	v19 =	vld.idx.msk [tilespmem:v33+s18+$0x0], $0xffff;
	v42 =	vand.u32 $0x7, v25;
	v25 =	vand.u32 $0x6BF8, v61  }
0x2ab: {  	s14 =	simm.s32 $0x8;
	v44 =	vand.u32 $0x6BF8, v62;
	v21 =	vld.idx.msk [tilespmem:v59+s19+$0x0], $0xffff;
	v26 =	vor.u32 v26, v60;
	v25 =	vor.u32 v63, v25  }
.LBB2_24:
0x2ac: {  	s7 =	sadd.s32 $0x1, s14  }
0x2ad: {  	s8 =	sadd.s32 $0x2, s14;
	s13 =	sadd.s32 $0x3, s14;
	v32 =	vor.u32 v2, v37;
	v33 =	vld.idx.msk [tilespmem:v33+s19+$0x0], $0xffff;
	v28 =	vor.u32 v28, v44;
	s16 =	smov.u32 s14  }
0x2ae: {  	s17 =	sadd.s32 $0x6, s14;
	v36 =	vor.u32 v36, v40;
	v44 =	vadd.s32 s7, v0;
	v45 =	vadd.s32 s8, v0;
	s7 =	sadd.s32 $0x4, s14;
	s8 =	sadd.s32 $0x5, s14;
	v34 =	vld.idx.msk [tilespmem:v34+s18+$0x0], $0xffff  }
0x2af: {  	p3 =	slt.u32 s14, $0x78;
	v39 =	vor.u32 v42, v39;
	s14 =	sadd.s32 $0x8, s14;
	v40 =	vadd.s32 s7, v0;
	v46 =	vadd.s32 s8, v0;
	s7 =	sadd.s32 $0x7, s16;
	v37 =	vld.idx.msk [tilespmem:v29+s19+$0x0], $0xffff  }
0x2b0: {  	v42 =	vand.u32 $0x7F, v44;
	v47 =	vand.u32 $0x7F, v45;
	v48 =	vadd.s32 s7, v0;
	v29 =	vld.idx.msk [tilespmem:v29+s18+$0x0], $0xffff  }
0x2b1: {  	v49 =	vadd.s32 s13, v0;
	v31 =	vadd.f32 v31, v41;
	v50 =	vand.u32 $0x7F, v40;
	v41 =	vld.idx.msk [tilespmem:v30+s19+$0x0], $0xffff  }
0x2b2: {  	v52 =	vadd.s32 s17, v0;
	v51 =	vshll.u32 v50, $0x4;
	v24 =	vadd.f32 v43, v24;
	[tilespmem:v22+s20+$0x0] =	vst.idx.add.f32.msk $0xffff, v38  }
0x2b3: {  	v43 =	vand.u32 $0x7F, v48;
	v22 =	vshll.u32 v47, $0x4;
	v38 =	vand.u32 $0x7F, v49;
	[tilespmem:v32+s20+$0x0] =	vst.idx.add.f32.msk $0xffff, v31  }
0x2b4: {  	v31 =	vadd.s32 s16, v0;
	v32 =	vor.u32 v35, v51;
	[tilespmem:v26+s20+$0x0] =	vst.idx.add.f32.msk $0xffff, v24;
	v24 =	vadd.f32 v27, v34  }
0x2b5: {  	v19 =	vadd.f32 v33, v19;
	v51 =	vand.u32 $0x7F, v46;
	v26 =	vshll.u32 v42, $0x4;
	v27 =	vld.idx.msk [tilespmem:v30+s18+$0x0], $0xffff  }
0x2b6: {  	v26 =	vor.u32 v35, v26;
	v30 =	vshll.u32 v51, $0x4;
	v29 =	vadd.f32 v37, v29;
	[tilespmem:v28+s20+$0x0] =	vst.idx.add.f32.msk $0xffff, v24  }
0x2b7: {  	v24 =	vand.u32 $0x7F, v31;
	v30 =	vor.u32 v35, v30;
	v28 =	vand.u32 $0x7F, v52;
	[tilespmem:v25+s20+$0x0] =	vst.idx.add.f32.msk $0xffff, v19  }
0x2b8: {  	v31 =	vshll.u32 v43, $0x4;
	v19 =	vshll.u32 v24, $0x4;
	v25 =	vshll.u32 v28, $0x4;
	[tilespmem:v36+s20+$0x0] =	vst.idx.add.f32.msk $0xffff, v29  }
0x2b9: {  	v34 =	vor.u32 v35, v31;
	v19 =	vor.u32 v35, v19;
	v33 =	vor.u32 v35, v25;
	v53 =	vld.idx.msk [tilespmem:v32+s19+$0x0], $0xffff  }
0x2ba: {  	v21 =	vadd.f32 v21, v23;
	v24 =	vor.u32 v16, v24;
	v25 =	vshll.u32 v38, $0x4;
	v32 =	vld.idx.msk [tilespmem:v32+s18+$0x0], $0xffff  }
0x2bb: {  	v37 =	vand.u32 $0x6BF8, v24;
	v23 =	vor.u32 v35, v25;
	v25 =	vadd.f32 v41, v27;
	v24 =	vld.idx.msk [tilespmem:v26+s18+$0x0], $0xffff  }
0x2bc: {  	v36 =	vand.u32 $0x7, v45;
	v29 =	vor.u32 v16, v50;
	v27 =	vor.u32 v16, v42;
	[tilespmem:v20+s20+$0x0] =	vst.idx.add.f32.msk $0xffff, v21  }
0x2bd: {  	v45 =	vand.u32 $0x6BF8, v27;
	v20 =	vand.u32 $0x6BF8, v29;
	v21 =	vand.u32 $0x7, v40;
	[tilespmem:v39+s20+$0x0] =	vst.idx.add.f32.msk $0xffff, v25  }
0x2be: {  	v29 =	vor.u32 v35, v22;
	v22 =	vor.u32 v21, v20;
	v25 =	vor.u32 v16, v28;
	v27 =	vld.idx.msk [tilespmem:v34+s19+$0x0], $0xffff  }
0x2bf: {  	v43 =	vor.u32 v16, v43;
	v20 =	vor.u32 v16, v47;
	v28 =	vor.u32 v16, v51;
	v31 =	vld.idx.msk [tilespmem:v19+s19+$0x0], $0xffff  }
.Ltmp15:
0x2c0: {  	v40 =	vand.u32 $0x6BF8, v20;
	v20 =	vor.u32 v16, v38;
	v39 =	vand.u32 $0x6BF8, v28;
	v21 =	vld.idx.msk [tilespmem:v23+s19+$0x0], $0xffff;
	(pc) =	sbr.rel @p3 .LBB2_24-.Ltmp15, $4  }
0x2c1: {  	v42 =	vand.u32 $0x7, v46;
	v28 =	vand.u32 $0x7, v49;
	v20 =	vand.u32 $0x6BF8, v20;
	v23 =	vld.idx.msk [tilespmem:v23+s18+$0x0], $0xffff  }
0x2c2: {  	v46 =	vand.u32 $0x7, v44;
	v38 =	vadd.f32 v53, v32;
	v20 =	vor.u32 v28, v20;
	v41 =	vld.idx.msk [tilespmem:v19+s18+$0x0], $0xffff  }
0x2c3: {  	v44 =	vand.u32 $0x6BF8, v43;
	v25 =	vand.u32 $0x6BF8, v25;
	v28 =	vand.u32 $0x7, v52;
	v19 =	vld.idx.msk [tilespmem:v33+s18+$0x0], $0xffff  }
0x2c4: {  	s7 =	simm.s32 $0x0;
	v25 =	vor.u32 v28, v25;
	v28 =	vand.u32 $0x7, v48;
	v43 =	vld.idx.msk [tilespmem:v26+s19+$0x0], $0xffff;
	v26 =	vor.u32 v46, v45  }
0x2c5: {  	_ =	sdelay $0x2  }
0x2c6: {  	v37 =	vor.u32 v2, v37  }
0x2c7: {  	v32 =	vld.idx.msk [tilespmem:v33+s19+$0x0], $0xffff;
	v28 =	vor.u32 v28, v44;
	v36 =	vor.u32 v36, v40;
	v51 =	vor.u32 v42, v39;
	s8 =	simm.s32 $0x1  }
0x2c8: {  	v49 =	vld.idx.msk [tilespmem:v34+s18+$0x0], $0xffff;
	s13 =	simm.s32 $0x2;
	s25 =	simm.s32 $0x4;
	s14 =	simm.s32 $0x5;
	v54 =	vadd.s32 s7, v0;
	v23 =	vadd.f32 v21, v23;
	v52 =	vadd.s32 s8, v0  }
0x2c9: {  	v50 =	vld.idx.msk [tilespmem:v29+s19+$0x0], $0xffff;
	s16 =	simm.s32 $0x7;
	s17 =	simm.s32 $0x3;
	v53 =	vadd.s32 s13, v0;
	v55 =	vadd.s32 s25, v0;
	v56 =	vadd.s32 s14, v0  }
0x2ca: {  	v29 =	vld.idx.msk [tilespmem:v29+s18+$0x0], $0xffff;
	v57 =	vshll.u32 v54, $0x4;
	v58 =	vadd.s32 s16, v0;
	v47 =	vadd.s32 s17, v0  }
0x2cb: {  	v35 =	vld.idx.msk [tilespmem:v30+s19+$0x0], $0xffff;
	v31 =	vadd.f32 v31, v41;
	v45 =	vand.u32 $0x7F, v52;
	v46 =	vand.u32 $0x7F, v58  }
0x2cc: {  	v30 =	vld.idx.msk [tilespmem:v30+s18+$0x0], $0xffff;
	v21 =	vand.u32 $0x7F, v56;
	v61 =	vand.u32 $0x7F, v55;
	v62 =	vand.u32 $0x7, v58  }
0x2cd: {  	[tilespmem:v22+s20+$0x0] =	vst.idx.add.f32.msk $0xffff, v38;
	v38 =	vand.u32 $0x7, v55;
	v42 =	vand.u32 $0x7, v47;
	v41 =	vand.u32 $0x7, v56  }
0x2ce: {  	v22 =	vshll.u32 v46, $0x4;
	v59 =	vor.u32 v18, v21;
	v21 =	vshll.u32 v21, $0x4;
	[tilespmem:v20+s20+$0x0] =	vst.idx.add.f32.msk $0xffff, v23  }
0x2cf: {  	v63 =	vor.u32 v18, v45;
	v24 =	vadd.f32 v43, v24;
	v27 =	vadd.f32 v27, v49  }
0x2d0: {  	s25 =	simm.s32 $0x6;
	v43 =	vand.u32 $0x7, v53;
	v32 =	vadd.f32 v32, v19;
	v29 =	vadd.f32 v50, v29;
	[tilespmem:v37+s20+$0x0] =	vst.idx.add.f32.msk $0xffff, v31  }
0x2d1: {  	v30 =	vadd.f32 v35, v30;
	v19 =	vor.u32 $0x4800, v0;
	v31 =	vadd.s32 s25, v0;
	[tilespmem:v26+s20+$0x0] =	vst.idx.add.f32.msk $0xffff, v24  }
0x2d2: {  	v60 =	vor.u32 v19, v22;
	v24 =	vand.u32 $0x7F, v53;
	v26 =	vshll.u32 v61, $0x4;
	[tilespmem:v28+s20+$0x0] =	vst.idx.add.f32.msk $0xffff, v27  }
0x2d3: {  	v22 =	vor.u32 v19, v21;
	v21 =	vshll.u32 v45, $0x4;
	v27 =	vshll.u32 v24, $0x4;
	[tilespmem:v25+s20+$0x0] =	vst.idx.add.f32.msk $0xffff, v32  }
0x2d4: {  	v24 =	vor.u32 v18, v24;
	v21 =	vor.u32 v19, v21;
	v28 =	vor.u32 v19, v27  }
0x2d5: {  	v25 =	vand.u32 $0x7F, v47;
	[tilespmem:v36+s20+$0x0] =	vst.idx.add.f32.msk $0xffff, v29;
	v20 =	vor.u32 v19, v26;
	v27 =	vor.u32 v19, v57  }
0x2d6: {  	v26 =	vand.u32 $0x7F, v31;
	[tilespmem:v51+s20+$0x0] =	vst.idx.add.f32.msk $0xffff, v30;
	v29 =	vshll.u32 v25, $0x4;
	v25 =	vor.u32 v18, v25  }
0x2d7: {  	v34 =	vand.u32 $0x6FF8, v24;
	v23 =	vor.u32 v19, v29;
	v29 =	vshll.u32 v26, $0x4;
	v36 =	vld.idx.msk [tilespmem:v60+s19+$0x0], $0xffff  }
0x2d8: {  	v26 =	vor.u32 v18, v26;
	v35 =	vand.u32 $0x6FF8, v25;
	v29 =	vor.u32 v19, v29;
	v48 =	vld.idx.msk [tilespmem:v60+s18+$0x0], $0xffff  }
0x2d9: {  	v25 =	vor.u32 v18, v46;
	v24 =	vand.u32 $0x6FF8, v26;
	v26 =	vand.u32 $0x7, v31;
	v30 =	vld.idx.msk [tilespmem:v28+s19+$0x0], $0xffff  }
0x2da: {  	v31 =	vand.u32 $0x6FF8, v25;
	v25 =	vor.u32 v26, v24;
	v24 =	vand.u32 $0x78, v54;
	v37 =	vld.idx.msk [tilespmem:v27+s19+$0x0], $0xffff  }
0x2db: {  	v33 =	vor.u32 v17, v24;
	v24 =	vand.u32 $0x6FF8, v63;
	v39 =	vld.idx.msk [tilespmem:v27+s18+$0x0], $0xffff;
	v27 =	vand.u32 $0x7, v52  }
0x2dc: {  	v26 =	vor.u32 v62, v31;
	v31 =	vor.u32 v18, v61;
	v24 =	vor.u32 v27, v24;
	v27 =	vld.idx.msk [tilespmem:v20+s18+$0x0], $0xffff  }
0x2dd: {  	s7 =	simm.s32 $0x8;
	v32 =	vand.u32 $0x6FF8, v59;
	v40 =	vand.u32 $0x6FF8, v31;
	v31 =	vadd.f32 v36, v48;
	v36 =	vld.idx.msk [tilespmem:v29+s18+$0x0], $0xffff  }
.LBB2_26:
0x2de: {  	s8 =	sadd.s32 $0x1, s7;
	s13 =	sadd.s32 $0x2, s7;
	s14 =	sadd.s32 $0x3, s7;
	v34 =	vor.u32 v43, v34;
	v42 =	vor.u32 v42, v35;
	v35 =	vld.idx.msk [tilespmem:v22+s19+$0x0], $0xffff  }
0x2df: {  	s16 =	sadd.s32 $0x6, s7;
	v38 =	vor.u32 v38, v40;
	v43 =	vadd.s32 s8, v0;
	v44 =	vadd.s32 s13, v0;
	s8 =	sadd.s32 $0x4, s7;
	s13 =	sadd.s32 $0x5, s7;
	v28 =	vld.idx.msk [tilespmem:v28+s18+$0x0], $0xffff  }
0x2e0: {  	v40 =	vadd.s32 s7, v0;
	p3 =	slt.u32 s7, $0x78;
	v45 =	vadd.s32 s8, v0;
	v46 =	vadd.s32 s13, v0;
	s8 =	sadd.s32 $0x7, s7;
	s7 =	sadd.s32 $0x8, s7;
	v47 =	vld.idx.msk [tilespmem:v22+s18+$0x0], $0xffff  }
0x2e1: {  	v48 =	vshll.u32 v40, $0x4;
	v49 =	vand.u32 $0x7F, v43;
	v50 =	vadd.s32 s8, v0;
	v51 =	vld.idx.msk [tilespmem:v21+s18+$0x0], $0xffff  }
0x2e2: {  	v52 =	vadd.s32 s14, v0;
	v22 =	vadd.f32 v37, v39;
	v53 =	vand.u32 $0x7F, v50;
	v29 =	vld.idx.msk [tilespmem:v29+s19+$0x0], $0xffff  }
0x2e3: {  	v32 =	vor.u32 v41, v32;
	v37 =	vand.u32 $0x7F, v46;
	v39 =	vshll.u32 v53, $0x4;
	v54 =	vld.idx.msk [tilespmem:v21+s19+$0x0], $0xffff  }
0x2e4: {  	v55 =	vadd.s32 s16, v0;
	v41 =	vor.u32 v18, v37;
	v39 =	vor.u32 v19, v39;
	[tilespmem:v33+s20+$0x0] =	vst.idx.add.f32.msk $0xffff, v22  }
0x2e5: {  	v21 =	vshll.u32 v37, $0x4;
	v33 =	vand.u32 $0x7F, v45;
	v28 =	vadd.f32 v30, v28;
	v30 =	vld.idx.msk [tilespmem:v23+s19+$0x0], $0xffff  }
0x2e6: {  	v37 =	vand.u32 $0x7F, v44;
	v22 =	vor.u32 v19, v21;
	v56 =	vshll.u32 v33, $0x4;
	v57 =	vld.idx.msk [tilespmem:v23+s18+$0x0], $0xffff  }
0x2e7: {  	v21 =	vshll.u32 v49, $0x4;
	v23 =	vshll.u32 v37, $0x4;
	v37 =	vor.u32 v18, v37;
	[tilespmem:v34+s20+$0x0] =	vst.idx.add.f32.msk $0xffff, v28  }
0x2e8: {  	v21 =	vor.u32 v19, v21;
	v28 =	vor.u32 v19, v23;
	v23 =	vadd.f32 v29, v36;
	v58 =	vld.idx.msk [tilespmem:v20+s19+$0x0], $0xffff  }
0x2e9: {  	v35 =	vadd.f32 v35, v47;
	v36 =	vor.u32 v19, v48;
	v29 =	vand.u32 $0x7F, v52;
	[tilespmem:v26+s20+$0x0] =	vst.idx.add.f32.msk $0xffff, v31  }
0x2ea: {  	v20 =	vor.u32 v19, v56;
	v26 =	vshll.u32 v29, $0x4;
	v31 =	vand.u32 $0x7F, v55;
	[tilespmem:v25+s20+$0x0] =	vst.idx.add.f32.msk $0xffff, v23  }
0x2eb: {  	v23 =	vor.u32 v19, v26;
	v25 =	vor.u32 v18, v29;
	v26 =	vshll.u32 v31, $0x4;
	v47 =	vld.idx.msk [tilespmem:v39+s19+$0x0], $0xffff  }
0x2ec: {  	v29 =	vor.u32 v19, v26;
	v26 =	vor.u32 v18, v31;
	v30 =	vadd.f32 v30, v57;
	v31 =	vld.idx.msk [tilespmem:v39+s18+$0x0], $0xffff  }
0x2ed: {  	v34 =	vand.u32 $0x6FF8, v37;
	v37 =	vand.u32 $0x7, v55;
	v26 =	vand.u32 $0x6FF8, v26;
	[tilespmem:v32+s20+$0x0] =	vst.idx.add.f32.msk $0xffff, v35  }
0x2ee: {  	v35 =	vand.u32 $0x6FF8, v25;
	v25 =	vor.u32 v18, v53;
	v27 =	vadd.f32 v58, v27;
	[tilespmem:v42+s20+$0x0] =	vst.idx.add.f32.msk $0xffff, v30  }
0x2ef: {  	v48 =	vadd.f32 v54, v51;
	v39 =	vand.u32 $0x6FF8, v25;
	v42 =	vand.u32 $0x7, v50;
	v30 =	vld.idx.msk [tilespmem:v28+s19+$0x0], $0xffff  }
0x2f0: {  	v32 =	vand.u32 $0x6FF8, v41;
	v25 =	vor.u32 v37, v26;
	v26 =	vor.u32 v42, v39;
	[tilespmem:v38+s20+$0x0] =	vst.idx.add.f32.msk $0xffff, v27  }
.Ltmp16:
0x2f1: {  	v39 =	vor.u32 v18, v33;
	v27 =	vand.u32 $0x78, v40;
	v38 =	vand.u32 $0x7, v45;
	[tilespmem:v24+s20+$0x0] =	vst.idx.add.f32.msk $0xffff, v48;
	(pc) =	sbr.rel @p3 .LBB2_26-.Ltmp16, $4  }
0x2f2: {  	v40 =	vand.u32 $0x6FF8, v39;
	v33 =	vor.u32 v17, v27;
	v24 =	vor.u32 v18, v49;
	v37 =	vld.idx.msk [tilespmem:v36+s19+$0x0], $0xffff  }
0x2f3: {  	v27 =	vand.u32 $0x7, v43;
	v31 =	vadd.f32 v47, v31;
	v24 =	vand.u32 $0x6FF8, v24;
	v39 =	vld.idx.msk [tilespmem:v36+s18+$0x0], $0xffff  }
0x2f4: {  	v24 =	vor.u32 v27, v24;
	v27 =	vld.idx.msk [tilespmem:v20+s18+$0x0], $0xffff  }
0x2f5: {  	v41 =	vand.u32 $0x7, v46;
	v42 =	vand.u32 $0x7, v52;
	v43 =	vand.u32 $0x7, v44;
	v36 =	vld.idx.msk [tilespmem:v29+s18+$0x0], $0xffff  }
0x2f6: {  	_ =	sdelay $0x3  }
0x2f7: {  	v19 =	vld.idx.msk [tilespmem:v22+s19+$0x0], $0xffff  }
0x2f8: {  	v28 =	vld.idx.msk [tilespmem:v28+s18+$0x0], $0xffff  }
0x2f9: {  	v56 =	vld.idx.msk [tilespmem:v22+s18+$0x0], $0xffff  }
0x2fa: {  	v44 =	vld.idx.msk [tilespmem:v21+s18+$0x0], $0xffff  }
0x2fb: {  	v29 =	vld.idx.msk [tilespmem:v29+s19+$0x0], $0xffff  }
0x2fc: {  	v57 =	vld.idx.msk [tilespmem:v21+s19+$0x0], $0xffff  }
0x2fd: {  	v34 =	vor.u32 v43, v34;
	v58 =	vld.idx.msk [tilespmem:v23+s19+$0x0], $0xffff  }
0x2fe: {  	v59 =	vld.idx.msk [tilespmem:v23+s18+$0x0], $0xffff  }
0x2ff: {  	v32 =	vor.u32 v41, v32;
	v20 =	vld.idx.msk [tilespmem:v20+s19+$0x0], $0xffff;
	v37 =	vadd.f32 v37, v39  }
0x300: {  	v60 =	vor.u32 v42, v35;
	[tilespmem:v26+s20+$0x0] =	vst.idx.add.f32.msk $0xffff, v31;
	v28 =	vadd.f32 v30, v28  }
0x301: {  	v61 =	vor.u32 v38, v40;
	[tilespmem:v33+s20+$0x0] =	vst.idx.add.f32.msk $0xffff, v37;
	v62 =	vadd.f32 v29, v36  }
0x302: {  	v19 =	vadd.f32 v19, v56;
	[tilespmem:v34+s20+$0x0] =	vst.idx.add.f32.msk $0xffff, v28  }
0x303: {  	v63 =	vadd.f32 v58, v59;
	[tilespmem:v25+s20+$0x0] =	vst.idx.add.f32.msk $0xffff, v62  }
0x304: {  	[tilespmem:v32+s20+$0x0] =	vst.idx.add.f32.msk $0xffff, v19;
	v19 =	vadd.f32 v20, v27  }
0x305: {  	[tilespmem:v60+s20+$0x0] =	vst.idx.add.f32.msk $0xffff, v63;
	v20 =	vadd.f32 v57, v44  }
.Ltmp17:
0x306: {  	[tilespmem:v61+s20+$0x0] =	vst.idx.add.f32.msk $0xffff, v19;
	(pc) =	sbr.rel @p2 .LBB2_49-.Ltmp17, $4  }
0x307: {  	s7 =	sadd.s32 s0, s31;
	[tilespmem:v24+s20+$0x0] =	vst.idx.add.f32.msk $0xffff, v20  }
0x308: {  	[hbm4b:s7+s4] =	stream.linear.scatter [tilespmem:s20], [sflag:$0x3], $0x2800, $0x38;
	[tilespmem:$0x1F220] =	vst v63  }
0x309: {  	s2 =	sadd.s32 s0, s2  }
0x30a: {  	[hbm4b:s2+s4] =	stream.linear.scatter [tilespmem:s21], [sflag:$0x3], $0x2800, $0x38;
	[tilespmem:$0x1F220] =	vst v63  }
0x30b: {  	p2 =	sgt.u32 s30, $0xD9  }
0x30c: {  	s2 =	smul.u32 @!p2 $0x500, s30;
	_ =	sdelay $0x1  }
0x30d: {  	s2 =	sshrl.u32 @!p2 s2, $0x3  }
0x30e: {  	s2 =	sadd.s32 @!p2 s6, s2  }
0x30f: {  	s8 =	simm.s32 @!p2 $0x0;
	s7 =	sadd.s32 @!p2 $0x1400, s2  }
0x310: {  	[tilespmem:s8], [sflag:$0x4] =	stream.linear.gather @!p2 [hbm4b:s7+s8], $0x500, $0x38;
	[tilespmem:$0x1F220] =	vst v63  }
0x311: {  	s7 =	simm.s32 @!p2 $0x4  }
0x312: {  	_ =	swait.ge @!p2 [sflag:s7], $0x500  }
0x313: {  	[sflag:s7] =	ssyncset.done @!p2 $0x0  }
0x314: {  	s13 =	simm.s32 @!p2 $0xA00;
	s2 =	sadd.s32 @!p2 $0xB040, s2;
	[sflag:s7] =	ssyncadd.s32 @!p2 $0xFFFFFB00  }
0x315: {  	[tilespmem:s13], [sflag:$0x4] =	stream.linear.gather @!p2 [hbm4b:s2+s8], $0x500, $0x38;
	[tilespmem:$0x1F220] =	vst v63  }
0x316: {  	_ =	swait.ge @!p2 [sflag:s7], $0x500  }
0x317: {  	[sflag:s7] =	ssyncset.done @!p2 $0x0  }
0x318: {  	s2 =	simm.s32 @!p2 $0x500;
	[sflag:s7] =	ssyncadd.s32 @!p2 $0xFFFFFB00;
	s7 =	simm.s32 @!p2 $0x1400  }
0x319: {  	[tilespmem:s7], [sflag:$0x1] =	stream.indirect.gather @!p2 [spmem:s1], $0x10, s8, s2, $0xb8;
	[tilespmem:$0x1F220] =	vst v63  }
0x31a: {  	s7 =	simm.s32 @!p2 $0xB400  }
0x31b: {  	[tilespmem:s7], [sflag:$0x1] =	stream.indirect.gather @!p2 [spmem:s3], $0x10, s13, s2, $0xb8;
	[tilespmem:$0x1F220] =	vst v63  }
0x31c: {  	_ =	swait.ge [sflag:s23], $0x2800  }
0x31d: {  	[sflag:s23] =	ssyncset.done $0x0  }
0x31e: {  	s7 =	smul.u32 $0x2800, s30;
	[sflag:s23] =	ssyncadd.s32 $0xFFFFD800  }
0x31f: {  	_ =	swait.ge [sflag:s23], $0x2800  }
0x320: {  	s2 =	sshrl.u32 s7, $0x3;
	[sflag:s23] =	ssyncset.done $0x0  }
0x321: {  	s14 =	simm.s32 $0x0;
	s8 =	sadd.s32 s9, s2;
	[sflag:s23] =	ssyncadd.s32 $0xFFFFD800  }
0x322: {  	[tilespmem:s20], [sflag:$0x4] =	stream.linear.gather [hbm4b:s8+s14], $0x2800, $0x38;
	[tilespmem:$0x1F220] =	vst v63  }
0x323: {  	s16 =	simm.s32 $0x1;
	_ =	swait.ge [sflag:s15], $0x2800  }
0x324: {  	s17 =	simm.s32 $0x2;
	s30 =	sadd.s32 $0x4E200, s2;
	[sflag:s15] =	ssyncset.done $0x0  }
0x325: {  	s25 =	simm.s32 $0x4;
	s13 =	sadd.s32 s9, s30;
	[sflag:s15] =	ssyncadd.s32 $0xFFFFD800  }
0x326: {  	v31 =	vor.u32 $0x5000, v0;
	[tilespmem:s21], [sflag:$0x4] =	stream.linear.gather [hbm4b:s13+s14], $0x2800, $0x38;
	[tilespmem:$0x1F220] =	vst v63  }
0x327: {  	s31 =	simm.s32 $0x6;
	v34 =	vadd.s32 s16, v0;
	v19 =	vadd.s32 s17, v0;
	s16 =	simm.s32 $0x5;
	v27 =	vadd.s32 s25, v0;
	_ =	swait.ge [sflag:s15], $0x2800  }
0x328: {  	v36 =	vadd.s32 s31, v0;
	v33 =	vadd.s32 s14, v0;
	v30 =	vadd.s32 s16, v0;
	[sflag:s15] =	ssyncset.done $0x0  }
0x329: {  	s17 =	simm.s32 $0x3;
	s25 =	simm.s32 $0x7;
	v21 =	vand.u32 $0x7F, v34;
	v22 =	vand.u32 $0x7F, v19;
	v23 =	vand.u32 $0x7F, v27;
	[sflag:s15] =	ssyncadd.s32 $0xFFFFD800  }
0x32a: {  	v57 =	vadd.s32 s25, v0;
	v20 =	vadd.s32 s17, v0;
	v24 =	vshll.u32 v23, $0x4;
	_ =	swait.ge [sflag:s24], $0x5000  }
0x32b: {  	v33 =	vand.u32 $0x7F, v33;
	v28 =	vshll.u32 v21, $0x4;
	v38 =	vor.u32 v31, v24;
	[sflag:s24] =	ssyncset.done $0x0;
	[tilespmem:$0x1FC80] =	vst v24  }
0x32c: {  	v39 =	vand.u32 $0x7F, v36;
	v27 =	vand.u32 $0x7, v27;
	v19 =	vand.u32 $0x7, v19;
	[tilespmem:$0x1FC90] =	vst v28;
	[sflag:s24] =	ssyncadd.s32 $0xFFFFB000  }
0x32d: {  	v37 =	vand.u32 $0x7F, v57;
	v42 =	vor.u32 v31, v28;
	v24 =	vand.u32 $0x7F, v30;
	_ =	swait.ge [sflag:s24], $0x5000  }
0x32e: {  	v34 =	vand.u32 $0x7, v34;
	v40 =	vshll.u32 v37, $0x4;
	v28 =	vshll.u32 v24, $0x4;
	[sflag:s24] =	ssyncset.done $0x0  }
0x32f: {  	v25 =	vand.u32 $0x7F, v20;
	v41 =	vshll.u32 v33, $0x4;
	v43 =	vor.u32 v31, v40;
	[tilespmem:$0x1FCA0] =	vst v28;
	[sflag:s24] =	ssyncadd.s32 $0xFFFFB000  }
0x330: {  	v63 =	vor.u32 v1, v33;
	v50 =	vor.u32 v31, v41;
	v33 =	vshll.u32 v25, $0x4;
	v51 =	vld.idx.msk [tilespmem:v38+s19+$0x0], $0xffff  }
0x331: {  	v26 =	vshll.u32 v22, $0x4;
	v44 =	vshll.u32 v39, $0x4;
	v32 =	vor.u32 v31, v33;
	v53 =	vld.idx.msk [tilespmem:v38+s18+$0x0], $0xffff  }
0x332: {  	v54 =	vor.u32 v1, v21;
	v20 =	vand.u32 $0x7, v20;
	v55 =	vor.u32 v1, v23;
	v40 =	vld.idx.msk [tilespmem:v42+s18+$0x0], $0xffff;
	[tilespmem:$0x1FCB0] =	vst v26  }
0x333: {  	v61 =	vor.u32 v1, v22;
	v39 =	vor.u32 v1, v39;
	v57 =	vand.u32 $0x7, v57;
	[tilespmem:$0x1FCC0] =	vst v27  }
0x334: {  	v46 =	vor.u32 v31, v44;
	v49 =	vand.u32 $0x2BF8, v63;
	v58 =	vand.u32 $0x2BF8, v54;
	v41 =	vld.idx.msk [tilespmem:v43+s19+$0x0], $0xffff  }
0x335: {  	v60 =	vand.u32 $0x2BF8, v55;
	v47 =	vor.u32 v31, v26;
	v54 =	vor.u32 v1, v37;
	v48 =	vld.idx.msk [tilespmem:v50+s19+$0x0], $0xffff  }
0x336: {  	v55 =	vand.u32 $0x2BF8, v61;
	v52 =	vand.u32 $0x2BF8, v39;
	v63 =	vor.u32 v1, v25;
	v37 =	vld.idx.msk [tilespmem:v32+s19+$0x0], $0xffff  }
0x337: {  	v45 =	vor.u32 v27, v60;
	v62 =	vor.u32 v1, v24;
	v26 =	vand.u32 $0x7, v30;
	v38 =	vld.idx.msk [tilespmem:v32+s18+$0x0], $0xffff  }
0x338: {  	v56 =	vand.u32 $0x2BF8, v54;
	v60 =	vand.u32 $0x2BF8, v63;
	v59 =	vand.u32 $0x2BF8, v62;
	v54 =	vld.idx.msk [tilespmem:v50+s18+$0x0], $0xffff;
	[tilespmem:$0x1FCD0] =	vst v26  }
0x339: {  	v44 =	vor.u32 v19, v55;
	v35 =	vor.u32 v31, v28;
	v39 =	vor.u32 v26, v59;
	v50 =	vld.idx.msk [tilespmem:v46+s18+$0x0], $0xffff  }
0x33a: {  	s25 =	simm.s32 $0x8;
	v55 =	vld.idx.msk [tilespmem:v42+s19+$0x0], $0xffff;
	v42 =	vor.u32 v20, v60;
	v53 =	vadd.f32 v51, v53;
	v51 =	vor.u32 v34, v58  }
.LBB2_29:
0x33b: {  	s7 =	sadd.s32 $0x1, s25  }
0x33c: {  	s8 =	sadd.s32 $0x2, s25;
	s13 =	sadd.s32 $0x3, s25;
	v49 =	vor.u32 v2, v49;
	v46 =	vld.idx.msk [tilespmem:v46+s19+$0x0], $0xffff;
	v56 =	vor.u32 v57, v56;
	s16 =	smov.u32 s25  }
0x33d: {  	s17 =	sadd.s32 $0x6, s25;
	v36 =	vand.u32 $0x7, v36;
	v57 =	vadd.s32 s7, v0;
	v58 =	vadd.s32 s8, v0;
	s7 =	sadd.s32 $0x4, s25;
	s8 =	sadd.s32 $0x5, s25;
	v43 =	vld.idx.msk [tilespmem:v43+s18+$0x0], $0xffff  }
0x33e: {  	p2 =	slt.u32 s25, $0x78;
	s25 =	sadd.s32 $0x8, s25;
	v52 =	vor.u32 v36, v52;
	v59 =	vadd.s32 s7, v0;
	v60 =	vadd.s32 s8, v0;
	s7 =	sadd.s32 $0x7, s16;
	v61 =	vld.idx.msk [tilespmem:v47+s19+$0x0], $0xffff  }
0x33f: {  	v62 =	vand.u32 $0x7F, v57;
	v63 =	vand.u32 $0x7F, v58;
	v26 =	vadd.s32 s7, v0;
	v47 =	vld.idx.msk [tilespmem:v47+s18+$0x0], $0xffff  }
0x340: {  	v27 =	vadd.s32 s13, v0;
	v48 =	vadd.f32 v48, v54;
	v28 =	vand.u32 $0x7F, v59;
	v54 =	vld.idx.msk [tilespmem:v35+s19+$0x0], $0xffff  }
0x341: {  	v36 =	vadd.s32 s17, v0;
	v29 =	vshll.u32 v28, $0x4;
	v40 =	vadd.f32 v55, v40;
	[tilespmem:v45+s20+$0x0] =	vst.idx.add.f32.msk $0xffff, v53  }
0x342: {  	v55 =	vand.u32 $0x7F, v26;
	v45 =	vshll.u32 v63, $0x4;
	v53 =	vand.u32 $0x7F, v27;
	[tilespmem:v49+s20+$0x0] =	vst.idx.add.f32.msk $0xffff, v48  }
0x343: {  	v29 =	vor.u32 v31, v29;
	v48 =	vadd.s32 s16, v0;
	[tilespmem:v51+s20+$0x0] =	vst.idx.add.f32.msk $0xffff, v40;
	v40 =	vadd.f32 v41, v43  }
0x344: {  	v41 =	vshll.u32 v62, $0x4;
	v51 =	vand.u32 $0x7F, v60;
	v43 =	vadd.f32 v46, v50;
	v30 =	vld.idx.msk [tilespmem:v35+s18+$0x0], $0xffff  }
0x345: {  	v32 =	vor.u32 v31, v41;
	v35 =	vshll.u32 v51, $0x4;
	v41 =	vadd.f32 v61, v47;
	[tilespmem:v56+s20+$0x0] =	vst.idx.add.f32.msk $0xffff, v40  }
0x346: {  	v50 =	vand.u32 $0x7F, v36;
	v40 =	vand.u32 $0x7F, v48;
	v35 =	vor.u32 v31, v35;
	[tilespmem:v52+s20+$0x0] =	vst.idx.add.f32.msk $0xffff, v43  }
0x347: {  	v46 =	vshll.u32 v50, $0x4;
	v47 =	vshll.u32 v55, $0x4;
	v43 =	vshll.u32 v40, $0x4;
	[tilespmem:v44+s20+$0x0] =	vst.idx.add.f32.msk $0xffff, v41  }
0x348: {  	v46 =	vor.u32 v31, v46;
	v44 =	vor.u32 v31, v43;
	v43 =	vor.u32 v31, v47;
	v61 =	vld.idx.msk [tilespmem:v29+s19+$0x0], $0xffff  }
0x349: {  	v37 =	vadd.f32 v37, v38;
	v40 =	vor.u32 v1, v40;
	v41 =	vshll.u32 v53, $0x4;
	v29 =	vld.idx.msk [tilespmem:v29+s18+$0x0], $0xffff  }
0x34a: {  	v49 =	vand.u32 $0x2BF8, v40;
	v38 =	vor.u32 v31, v41;
	v30 =	vadd.f32 v54, v30;
	v40 =	vld.idx.msk [tilespmem:v32+s18+$0x0], $0xffff  }
0x34b: {  	v28 =	vor.u32 v1, v28;
	v27 =	vand.u32 $0x7, v27;
	v41 =	vor.u32 v1, v62;
	[tilespmem:v42+s20+$0x0] =	vst.idx.add.f32.msk $0xffff, v37  }
0x34c: {  	v28 =	vand.u32 $0x2BF8, v28;
	v42 =	vand.u32 $0x2BF8, v41;
	v37 =	vand.u32 $0x7, v59;
	[tilespmem:v39+s20+$0x0] =	vst.idx.add.f32.msk $0xffff, v30  }
0x34d: {  	v47 =	vor.u32 v31, v45;
	v45 =	vor.u32 v37, v28;
	v28 =	vor.u32 v1, v55;
	v41 =	vld.idx.msk [tilespmem:v43+s19+$0x0], $0xffff  }
0x34e: {  	v50 =	vor.u32 v1, v50;
	v30 =	vor.u32 v1, v63;
	v39 =	vor.u32 v1, v51;
	v48 =	vld.idx.msk [tilespmem:v44+s19+$0x0], $0xffff  }
.Ltmp18:
0x34f: {  	v52 =	vand.u32 $0x2BF8, v50;
	v30 =	vand.u32 $0x2BF8, v30;
	v39 =	vand.u32 $0x2BF8, v39;
	v37 =	vld.idx.msk [tilespmem:v38+s19+$0x0], $0xffff;
	(pc) =	sbr.rel @p2 .LBB2_29-.Ltmp18, $4  }
0x350: {  	v50 =	vor.u32 v1, v53;
	v51 =	vand.u32 $0x7, v60;
	v56 =	vand.u32 $0x2BF8, v28;
	v38 =	vld.idx.msk [tilespmem:v38+s18+$0x0], $0xffff  }
0x351: {  	v28 =	vand.u32 $0x7, v58;
	v58 =	vand.u32 $0x2BF8, v50;
	v53 =	vadd.f32 v61, v29;
	v54 =	vld.idx.msk [tilespmem:v44+s18+$0x0], $0xffff  }
0x352: {  	v29 =	vand.u32 $0x7, v57;
	v39 =	vor.u32 v51, v39;
	v44 =	vor.u32 v28, v30;
	v50 =	vld.idx.msk [tilespmem:v46+s18+$0x0], $0xffff  }
0x353: {  	v57 =	vand.u32 $0x7, v26;
	v51 =	vor.u32 v29, v42;
	v42 =	vor.u32 v27, v58;
	v55 =	vld.idx.msk [tilespmem:v32+s19+$0x0], $0xffff  }
0x354: {  	_ =	sdelay $0x3  }
0x355: {  	v26 =	vld.idx.msk [tilespmem:v46+s19+$0x0], $0xffff  }
0x356: {  	v27 =	vld.idx.msk [tilespmem:v43+s18+$0x0], $0xffff  }
0x357: {  	v28 =	vor.u32 v2, v49;
	v29 =	vld.idx.msk [tilespmem:v47+s19+$0x0], $0xffff  }
0x358: {  	v30 =	vld.idx.msk [tilespmem:v47+s18+$0x0], $0xffff  }
0x359: {  	v32 =	vor.u32 v57, v56;
	v31 =	vand.u32 $0x7, v36;
	v61 =	vld.idx.msk [tilespmem:v35+s19+$0x0], $0xffff  }
0x35a: {  	[tilespmem:v45+s20+$0x0] =	vst.idx.add.f32.msk $0xffff, v53;
	v62 =	vor.u32 v31, v52;
	v31 =	vadd.f32 v48, v54  }
0x35b: {  	v63 =	vld.idx.msk [tilespmem:v35+s18+$0x0], $0xffff;
	v40 =	vadd.f32 v55, v40  }
0x35c: {  	s7 =	simm.s32 $0x7;
	[tilespmem:v28+s20+$0x0] =	vst.idx.add.f32.msk $0xffff, v31;
	v27 =	vadd.f32 v41, v27  }
0x35d: {  	v48 =	vadd.s32 s7, v0;
	v26 =	vadd.f32 v26, v50;
	[tilespmem:v51+s20+$0x0] =	vst.idx.add.f32.msk $0xffff, v40  }
0x35e: {  	v49 =	vand.u32 $0x7F, v48;
	[tilespmem:v32+s20+$0x0] =	vst.idx.add.f32.msk $0xffff, v27  }
0x35f: {  	v31 =	vor.u32 $0x5800, v0;
	v28 =	vshll.u32 v49, $0x4;
	[tilespmem:v62+s20+$0x0] =	vst.idx.add.f32.msk $0xffff, v26  }
0x360: {  	v27 =	vor.u32 v31, v28;
	v28 =	vld [tilespmem:$0x1FC90];
	_ =	sdelay $0x1  }
0x361: {  	v29 =	vadd.f32 v29, v30;
	_ =	sdelay $0x1  }
0x362: {  	v26 =	vadd.f32 v37, v38;
	[tilespmem:v44+s20+$0x0] =	vst.idx.add.f32.msk $0xffff, v29  }
0x363: {  	v29 =	vld [tilespmem:$0x1FC80];
	v32 =	vor.u32 v31, v28;
	v28 =	vadd.f32 v61, v63  }
0x364: {  	[tilespmem:v42+s20+$0x0] =	vst.idx.add.f32.msk $0xffff, v26  }
0x365: {  	[tilespmem:v39+s20+$0x0] =	vst.idx.add.f32.msk $0xffff, v28  }
0x366: {  	v26 =	vld [tilespmem:$0x1FCA0]  }
0x367: {  	v52 =	vadd.s32 s31, v0;
	v37 =	vld.idx.msk [tilespmem:v27+s19+$0x0], $0xffff  }
0x368: {  	v25 =	vor.u32 v5, v25;
	v54 =	vand.u32 $0x7F, v52;
	v57 =	vld [tilespmem:$0x1FCB0]  }
0x369: {  	v41 =	vand.u32 $0x2FF8, v25;
	v61 =	vor.u32 v5, v54;
	v25 =	vld.idx.msk [tilespmem:v27+s18+$0x0], $0xffff;
	v27 =	vor.u32 v5, v21  }
0x36a: {  	v30 =	vor.u32 v31, v29;
	v63 =	vand.u32 $0x2FF8, v61;
	v27 =	vand.u32 $0x2FF8, v27  }
0x36b: {  	v39 =	vor.u32 v31, v33;
	v33 =	vor.u32 v34, v27;
	v27 =	vand.u32 $0x7, v52  }
0x36c: {  	v34 =	vor.u32 v27, v63;
	v27 =	vld [tilespmem:$0x1FCC0]  }
0x36d: {  	v53 =	vadd.s32 s14, v0  }
0x36e: {  	v29 =	vld.idx.msk [tilespmem:v32+s19+$0x0], $0xffff;
	v28 =	vor.u32 v31, v26;
	v26 =	vshll.u32 v53, $0x4;
	v58 =	vor.u32 v31, v57  }
0x36f: {  	v60 =	vor.u32 v5, v23;
	v23 =	vld.idx.msk [tilespmem:v30+s18+$0x0], $0xffff;
	v56 =	vor.u32 v31, v26;
	v26 =	vor.u32 v5, v49  }
0x370: {  	v59 =	vand.u32 $0x2FF8, v26;
	v26 =	vld.idx.msk [tilespmem:v30+s19+$0x0], $0xffff;
	v30 =	vand.u32 $0x2FF8, v60  }
0x371: {  	v38 =	vor.u32 v27, v30;
	v27 =	vld [tilespmem:$0x1FCD0]  }
0x372: {  	v21 =	vld.idx.msk [tilespmem:v39+s19+$0x0], $0xffff  }
0x373: {  	v22 =	vor.u32 v5, v22;
	v55 =	vshll.u32 v54, $0x4;
	v42 =	vld.idx.msk [tilespmem:v58+s19+$0x0], $0xffff  }
0x374: {  	v24 =	vor.u32 v5, v24;
	v22 =	vand.u32 $0x2FF8, v22;
	v36 =	vor.u32 v31, v55;
	v43 =	vld.idx.msk [tilespmem:v58+s18+$0x0], $0xffff  }
0x375: {  	v35 =	vand.u32 $0x78, v53;
	v62 =	vand.u32 $0x2FF8, v24;
	v24 =	vand.u32 $0x7, v48;
	v40 =	vld.idx.msk [tilespmem:v56+s18+$0x0], $0xffff  }
0x376: {  	v35 =	vor.u32 v4, v35;
	s7 =	simm.s32 $0x8;
	v24 =	vor.u32 v24, v59;
	v44 =	vld.idx.msk [tilespmem:v56+s19+$0x0], $0xffff;
	v27 =	vor.u32 v27, v62  }
.LBB2_31:
0x377: {  	v30 =	vadd.s32 s7, v0;
	s8 =	sadd.s32 $0x1, s7;
	s13 =	sadd.s32 $0x2, s7;
	s14 =	sadd.s32 $0x3, s7;
	v39 =	vld.idx.msk [tilespmem:v39+s18+$0x0], $0xffff;
	v20 =	vor.u32 v20, v41  }
0x378: {  	s16 =	sadd.s32 $0x6, s7;
	v19 =	vor.u32 v19, v22;
	v45 =	vadd.s32 s8, v0;
	v41 =	vadd.s32 s13, v0;
	s8 =	sadd.s32 $0x4, s7;
	s13 =	sadd.s32 $0x5, s7;
	v46 =	vld.idx.msk [tilespmem:v32+s18+$0x0], $0xffff  }
0x379: {  	p2 =	slt.u32 s7, $0x78;
	v22 =	vadd.f32 v26, v23;
	v47 =	vadd.s32 s8, v0;
	v48 =	vadd.s32 s13, v0;
	s8 =	sadd.s32 $0x7, s7;
	s7 =	sadd.s32 $0x8, s7;
	v23 =	vld.idx.msk [tilespmem:v36+s18+$0x0], $0xffff  }
0x37a: {  	v25 =	vadd.f32 v37, v25;
	v49 =	vand.u32 $0x7F, v45;
	v50 =	vadd.s32 s8, v0;
	v26 =	vld.idx.msk [tilespmem:v28+s18+$0x0], $0xffff  }
0x37b: {  	v51 =	vadd.s32 s14, v0;
	v32 =	vadd.f32 v42, v43;
	v37 =	vand.u32 $0x7F, v50;
	v36 =	vld.idx.msk [tilespmem:v36+s19+$0x0], $0xffff  }
0x37c: {  	v42 =	vand.u32 $0x7F, v41;
	v40 =	vadd.f32 v44, v40;
	v43 =	vshll.u32 v37, $0x4;
	v44 =	vld.idx.msk [tilespmem:v28+s19+$0x0], $0xffff  }
0x37d: {  	v52 =	vshll.u32 v42, $0x4;
	v43 =	vor.u32 v31, v43;
	[tilespmem:v19+s20+$0x0] =	vst.idx.add.f32.msk $0xffff, v32;
	v19 =	vadd.f32 v21, v39  }
0x37e: {  	v54 =	vadd.s32 s16, v0;
	v53 =	vand.u32 $0x7F, v51;
	v21 =	vshll.u32 v49, $0x4;
	[tilespmem:v24+s20+$0x0] =	vst.idx.add.f32.msk $0xffff, v25  }
0x37f: {  	v55 =	vand.u32 $0x7F, v54;
	v24 =	vand.u32 $0x7F, v47;
	v25 =	vand.u32 $0x7F, v48;
	[tilespmem:v20+s20+$0x0] =	vst.idx.add.f32.msk $0xffff, v19  }
0x380: {  	v32 =	vor.u32 v31, v21;
	v19 =	vshll.u32 v24, $0x4;
	v20 =	vadd.f32 v29, v46;
	[tilespmem:v38+s20+$0x0] =	vst.idx.add.f32.msk $0xffff, v22  }
0x381: {  	v21 =	vor.u32 v31, v19;
	v19 =	vshll.u32 v25, $0x4;
	v22 =	vadd.f32 v36, v23;
	[tilespmem:v35+s20+$0x0] =	vst.idx.add.f32.msk $0xffff, v40  }
0x382: {  	v28 =	vor.u32 v31, v19;
	v19 =	vshll.u32 v55, $0x4;
	[tilespmem:v33+s20+$0x0] =	vst.idx.add.f32.msk $0xffff, v20;
	v20 =	vadd.f32 v44, v26  }
0x383: {  	v23 =	vshll.u32 v30, $0x4;
	v26 =	vshll.u32 v53, $0x4;
	v36 =	vor.u32 v31, v19;
	[tilespmem:v34+s20+$0x0] =	vst.idx.add.f32.msk $0xffff, v22  }
0x384: {  	v38 =	vor.u32 v31, v23;
	v19 =	vand.u32 $0x7, v41;
	v22 =	vor.u32 v5, v37;
	[tilespmem:v27+s20+$0x0] =	vst.idx.add.f32.msk $0xffff, v20  }
0x385: {  	v39 =	vor.u32 v31, v26;
	v20 =	vor.u32 v31, v52;
	v27 =	vand.u32 $0x2FF8, v22;
	v37 =	vld.idx.msk [tilespmem:v43+s19+$0x0], $0xffff  }
0x386: {  	v24 =	vor.u32 v5, v24;
	v23 =	vor.u32 v5, v53;
	v22 =	vor.u32 v5, v42;
	v29 =	vld.idx.msk [tilespmem:v32+s19+$0x0], $0xffff  }
0x387: {  	v46 =	vand.u32 $0x2FF8, v24;
	v41 =	vand.u32 $0x2FF8, v23;
	v22 =	vand.u32 $0x2FF8, v22;
	v26 =	vld.idx.msk [tilespmem:v21+s19+$0x0], $0xffff  }
0x388: {  	v24 =	vor.u32 v5, v49;
	v23 =	vld.idx.msk [tilespmem:v21+s18+$0x0], $0xffff;
	v21 =	vor.u32 v5, v25;
	v25 =	vor.u32 v5, v55  }
0x389: {  	v33 =	vand.u32 $0x2FF8, v24;
	v49 =	vand.u32 $0x2FF8, v21;
	v34 =	vand.u32 $0x2FF8, v25;
	v25 =	vld.idx.msk [tilespmem:v43+s18+$0x0], $0xffff  }
.Ltmp19:
0x38a: {  	v30 =	vand.u32 $0x78, v30;
	v24 =	vand.u32 $0x7, v50;
	v21 =	vld.idx.msk [tilespmem:v39+s19+$0x0], $0xffff;
	(pc) =	sbr.rel @p2 .LBB2_31-.Ltmp19, $4  }
0x38b: {  	v42 =	vand.u32 $0x7, v45;
	v24 =	vor.u32 v24, v27;
	v40 =	vld.idx.msk [tilespmem:v38+s18+$0x0], $0xffff  }
0x38c: {  	v35 =	vor.u32 v4, v30;
	v33 =	vor.u32 v42, v33;
	v27 =	vand.u32 $0x7, v54;
	v42 =	vld.idx.msk [tilespmem:v20+s19+$0x0], $0xffff  }
0x38d: {  	v30 =	vand.u32 $0x7, v47;
	v45 =	vand.u32 $0x7, v48;
	v34 =	vor.u32 v27, v34;
	v43 =	vld.idx.msk [tilespmem:v20+s18+$0x0], $0xffff  }
0x38e: {  	s31 =	simm.s32 $0x0;
	v27 =	vor.u32 v45, v49;
	v20 =	vand.u32 $0x7, v51;
	v44 =	vld.idx.msk [tilespmem:v38+s19+$0x0], $0xffff;
	v38 =	vor.u32 v30, v46  }
0x38f: {  	_ =	sdelay $0x3  }
0x390: {  	v30 =	vld.idx.msk [tilespmem:v39+s18+$0x0], $0xffff  }
0x391: {  	v31 =	vld.idx.msk [tilespmem:v32+s18+$0x0], $0xffff  }
0x392: {  	v49 =	vld.idx.msk [tilespmem:v36+s18+$0x0], $0xffff  }
0x393: {  	v50 =	vld.idx.msk [tilespmem:v28+s18+$0x0], $0xffff;
	v19 =	vor.u32 v19, v22  }
0x394: {  	v51 =	vld.idx.msk [tilespmem:v36+s19+$0x0], $0xffff;
	v25 =	vadd.f32 v37, v25;
	v20 =	vor.u32 v20, v41  }
0x395: {  	v52 =	vld.idx.msk [tilespmem:v28+s19+$0x0], $0xffff;
	v45 =	vadd.f32 v26, v23;
	v32 =	vor.u32 $0x6000, v0;
	s13 =	simm.s32 $0x4;
	s14 =	simm.s32 $0x6  }
0x396: {  	s25 =	simm.s32 $0x7;
	v47 =	vadd.s32 s13, v0;
	v36 =	vadd.s32 s14, v0;
	[tilespmem:v24+s20+$0x0] =	vst.idx.add.f32.msk $0xffff, v25;
	v23 =	vadd.f32 v42, v43  }
0x397: {  	s7 =	simm.s32 $0x1;
	v57 =	vadd.s32 s25, v0;
	[tilespmem:v38+s20+$0x0] =	vst.idx.add.f32.msk $0xffff, v45;
	v63 =	vand.u32 $0x7F, v36;
	v30 =	vadd.f32 v21, v30  }
0x398: {  	s8 =	simm.s32 $0x2;
	v42 =	vadd.s32 s7, v0;
	v60 =	vshll.u32 v63, $0x4;
	[tilespmem:v19+s20+$0x0] =	vst.idx.add.f32.msk $0xffff, v23;
	v23 =	vand.u32 $0x7F, v47  }
0x399: {  	v53 =	vadd.f32 v44, v40;
	v44 =	vadd.s32 s8, v0;
	v24 =	vshll.u32 v23, $0x4;
	[tilespmem:v20+s20+$0x0] =	vst.idx.add.f32.msk $0xffff, v30  }
0x39a: {  	s16 =	simm.s32 $0x5;
	v46 =	vor.u32 v32, v60;
	v54 =	vadd.f32 v29, v31;
	v21 =	vand.u32 $0x7F, v42;
	[tilespmem:$0x1FC20] =	vst v24  }
0x39b: {  	v39 =	vadd.f32 v52, v50;
	v50 =	vadd.s32 s16, v0;
	v61 =	vshll.u32 v21, $0x4;
	[tilespmem:v35+s20+$0x0] =	vst.idx.add.f32.msk $0xffff, v53  }
0x39c: {  	s17 =	simm.s32 $0x3;
	v55 =	vadd.f32 v51, v49;
	v56 =	vor.u32 v32, v24;
	v24 =	vand.u32 $0x7F, v50;
	[tilespmem:$0x1FC30] =	vst v61  }
0x39d: {  	v22 =	vand.u32 $0x7F, v44;
	v19 =	vadd.s32 s17, v0;
	v62 =	vshll.u32 v24, $0x4;
	[tilespmem:v33+s20+$0x0] =	vst.idx.add.f32.msk $0xffff, v54  }
0x39e: {  	v52 =	vor.u32 v7, v63;
	v30 =	vand.u32 $0x7F, v57;
	v51 =	vor.u32 v32, v61;
	[tilespmem:$0x1FC40] =	vst v62  }
0x39f: {  	v26 =	vshll.u32 v22, $0x4;
	v25 =	vand.u32 $0x7F, v19;
	v58 =	vshll.u32 v30, $0x4;
	[tilespmem:v34+s20+$0x0] =	vst.idx.add.f32.msk $0xffff, v55  }
0x3a0: {  	v20 =	vadd.s32 s31, v0;
	v43 =	vor.u32 v32, v58;
	v33 =	vshll.u32 v25, $0x4;
	[tilespmem:v27+s20+$0x0] =	vst.idx.add.f32.msk $0xffff, v39  }
0x3a1: {  	v52 =	vand.u32 $0x3BF8, v52;
	v20 =	vand.u32 $0x7F, v20;
	v53 =	vor.u32 v32, v33;
	v39 =	vld.idx.msk [tilespmem:v56+s19+$0x0], $0xffff  }
0x3a2: {  	v63 =	vor.u32 v7, v25;
	v59 =	vshll.u32 v20, $0x4;
	v27 =	vor.u32 v7, v21;
	v55 =	vld.idx.msk [tilespmem:v56+s18+$0x0], $0xffff  }
0x3a3: {  	v34 =	vor.u32 v32, v59;
	v40 =	vld.idx.msk [tilespmem:v51+s18+$0x0], $0xffff;
	v58 =	vand.u32 $0x3BF8, v27;
	v27 =	vand.u32 $0x7, v47;
	[tilespmem:$0x1FC50] =	vst v26  }
0x3a4: {  	v57 =	vand.u32 $0x7, v57;
	v20 =	vor.u32 v7, v20;
	v35 =	vor.u32 v32, v62;
	[tilespmem:$0x1FC60] =	vst v27  }
0x3a5: {  	v49 =	vand.u32 $0x3BF8, v20;
	v20 =	vand.u32 $0x7, v19;
	v19 =	vor.u32 v7, v23;
	v41 =	vld.idx.msk [tilespmem:v43+s19+$0x0], $0xffff  }
0x3a6: {  	v61 =	vor.u32 v7, v22;
	v19 =	vand.u32 $0x3BF8, v19;
	v62 =	vor.u32 v7, v24;
	v37 =	vld.idx.msk [tilespmem:v53+s19+$0x0], $0xffff  }
0x3a7: {  	v59 =	vand.u32 $0x3BF8, v61;
	v60 =	vand.u32 $0x3BF8, v62;
	v47 =	vor.u32 v32, v26;
	v38 =	vld.idx.msk [tilespmem:v53+s18+$0x0], $0xffff  }
0x3a8: {  	v26 =	vand.u32 $0x7, v50;
	v45 =	vor.u32 v27, v19;
	v19 =	vor.u32 v7, v30;
	v48 =	vld.idx.msk [tilespmem:v34+s19+$0x0], $0xffff  }
0x3a9: {  	v61 =	vand.u32 $0x3BF8, v63;
	v56 =	vand.u32 $0x3BF8, v19;
	v19 =	vand.u32 $0x7, v44;
	v54 =	vld.idx.msk [tilespmem:v34+s18+$0x0], $0xffff;
	[tilespmem:$0x1FC70] =	vst v26  }
0x3aa: {  	v44 =	vor.u32 v19, v59;
	v34 =	vand.u32 $0x7, v42;
	v42 =	vor.u32 v20, v61;
	v50 =	vld.idx.msk [tilespmem:v46+s18+$0x0], $0xffff  }
0x3ab: {  	s25 =	simm.s32 $0x8;
	v53 =	vadd.f32 v39, v55;
	v39 =	vor.u32 v26, v60;
	v55 =	vld.idx.msk [tilespmem:v51+s19+$0x0], $0xffff;
	v51 =	vor.u32 v34, v58  }
.LBB2_33:
0x3ac: {  	s7 =	sadd.s32 $0x1, s25  }
0x3ad: {  	s8 =	sadd.s32 $0x2, s25;
	s13 =	sadd.s32 $0x3, s25;
	v49 =	vor.u32 v2, v49;
	v46 =	vld.idx.msk [tilespmem:v46+s19+$0x0], $0xffff;
	v56 =	vor.u32 v57, v56;
	s16 =	smov.u32 s25  }
0x3ae: {  	s17 =	sadd.s32 $0x6, s25;
	v36 =	vand.u32 $0x7, v36;
	v57 =	vadd.s32 s7, v0;
	v58 =	vadd.s32 s8, v0;
	s7 =	sadd.s32 $0x4, s25;
	s8 =	sadd.s32 $0x5, s25;
	v43 =	vld.idx.msk [tilespmem:v43+s18+$0x0], $0xffff  }
0x3af: {  	p2 =	slt.u32 s25, $0x78;
	s25 =	sadd.s32 $0x8, s25;
	v52 =	vor.u32 v36, v52;
	v59 =	vadd.s32 s7, v0;
	v60 =	vadd.s32 s8, v0;
	s7 =	sadd.s32 $0x7, s16;
	v61 =	vld.idx.msk [tilespmem:v47+s19+$0x0], $0xffff  }
0x3b0: {  	v62 =	vand.u32 $0x7F, v57;
	v63 =	vand.u32 $0x7F, v58;
	v26 =	vadd.s32 s7, v0;
	v47 =	vld.idx.msk [tilespmem:v47+s18+$0x0], $0xffff  }
0x3b1: {  	v27 =	vadd.s32 s13, v0;
	v48 =	vadd.f32 v48, v54;
	v28 =	vand.u32 $0x7F, v59;
	v54 =	vld.idx.msk [tilespmem:v35+s19+$0x0], $0xffff  }
0x3b2: {  	v36 =	vadd.s32 s17, v0;
	v29 =	vshll.u32 v28, $0x4;
	v40 =	vadd.f32 v55, v40;
	[tilespmem:v45+s20+$0x0] =	vst.idx.add.f32.msk $0xffff, v53  }
0x3b3: {  	v55 =	vand.u32 $0x7F, v26;
	v45 =	vshll.u32 v63, $0x4;
	v53 =	vand.u32 $0x7F, v27;
	[tilespmem:v49+s20+$0x0] =	vst.idx.add.f32.msk $0xffff, v48  }
0x3b4: {  	v29 =	vor.u32 v32, v29;
	v48 =	vadd.s32 s16, v0;
	[tilespmem:v51+s20+$0x0] =	vst.idx.add.f32.msk $0xffff, v40;
	v40 =	vadd.f32 v41, v43  }
0x3b5: {  	v41 =	vshll.u32 v62, $0x4;
	v51 =	vand.u32 $0x7F, v60;
	v43 =	vadd.f32 v46, v50;
	v30 =	vld.idx.msk [tilespmem:v35+s18+$0x0], $0xffff  }
0x3b6: {  	v31 =	vor.u32 v32, v41;
	v35 =	vshll.u32 v51, $0x4;
	v41 =	vadd.f32 v61, v47;
	[tilespmem:v56+s20+$0x0] =	vst.idx.add.f32.msk $0xffff, v40  }
0x3b7: {  	v50 =	vand.u32 $0x7F, v36;
	v40 =	vand.u32 $0x7F, v48;
	v35 =	vor.u32 v32, v35;
	[tilespmem:v52+s20+$0x0] =	vst.idx.add.f32.msk $0xffff, v43  }
0x3b8: {  	v46 =	vshll.u32 v50, $0x4;
	v47 =	vshll.u32 v55, $0x4;
	v43 =	vshll.u32 v40, $0x4;
	[tilespmem:v44+s20+$0x0] =	vst.idx.add.f32.msk $0xffff, v41  }
0x3b9: {  	v46 =	vor.u32 v32, v46;
	v44 =	vor.u32 v32, v43;
	v43 =	vor.u32 v32, v47;
	v61 =	vld.idx.msk [tilespmem:v29+s19+$0x0], $0xffff  }
0x3ba: {  	v37 =	vadd.f32 v37, v38;
	v40 =	vor.u32 v7, v40;
	v41 =	vshll.u32 v53, $0x4;
	v29 =	vld.idx.msk [tilespmem:v29+s18+$0x0], $0xffff  }
0x3bb: {  	v49 =	vand.u32 $0x3BF8, v40;
	v38 =	vor.u32 v32, v41;
	v30 =	vadd.f32 v54, v30;
	v40 =	vld.idx.msk [tilespmem:v31+s18+$0x0], $0xffff  }
0x3bc: {  	v28 =	vor.u32 v7, v28;
	v27 =	vand.u32 $0x7, v27;
	v41 =	vor.u32 v7, v62;
	[tilespmem:v42+s20+$0x0] =	vst.idx.add.f32.msk $0xffff, v37  }
0x3bd: {  	v28 =	vand.u32 $0x3BF8, v28;
	v42 =	vand.u32 $0x3BF8, v41;
	v37 =	vand.u32 $0x7, v59;
	[tilespmem:v39+s20+$0x0] =	vst.idx.add.f32.msk $0xffff, v30  }
0x3be: {  	v47 =	vor.u32 v32, v45;
	v45 =	vor.u32 v37, v28;
	v28 =	vor.u32 v7, v55;
	v41 =	vld.idx.msk [tilespmem:v43+s19+$0x0], $0xffff  }
0x3bf: {  	v50 =	vor.u32 v7, v50;
	v30 =	vor.u32 v7, v63;
	v39 =	vor.u32 v7, v51;
	v48 =	vld.idx.msk [tilespmem:v44+s19+$0x0], $0xffff  }
.Ltmp20:
0x3c0: {  	v52 =	vand.u32 $0x3BF8, v50;
	v30 =	vand.u32 $0x3BF8, v30;
	v39 =	vand.u32 $0x3BF8, v39;
	v37 =	vld.idx.msk [tilespmem:v38+s19+$0x0], $0xffff;
	(pc) =	sbr.rel @p2 .LBB2_33-.Ltmp20, $4  }
0x3c1: {  	v50 =	vor.u32 v7, v53;
	v51 =	vand.u32 $0x7, v60;
	v56 =	vand.u32 $0x3BF8, v28;
	v38 =	vld.idx.msk [tilespmem:v38+s18+$0x0], $0xffff  }
0x3c2: {  	v28 =	vand.u32 $0x7, v58;
	v58 =	vand.u32 $0x3BF8, v50;
	v53 =	vadd.f32 v61, v29;
	v54 =	vld.idx.msk [tilespmem:v44+s18+$0x0], $0xffff  }
0x3c3: {  	v29 =	vand.u32 $0x7, v57;
	v39 =	vor.u32 v51, v39;
	v44 =	vor.u32 v28, v30;
	v50 =	vld.idx.msk [tilespmem:v46+s18+$0x0], $0xffff  }
0x3c4: {  	v57 =	vand.u32 $0x7, v26;
	v51 =	vor.u32 v29, v42;
	v42 =	vor.u32 v27, v58;
	v55 =	vld.idx.msk [tilespmem:v31+s19+$0x0], $0xffff  }
0x3c5: {  	_ =	sdelay $0x3  }
0x3c6: {  	v26 =	vld.idx.msk [tilespmem:v46+s19+$0x0], $0xffff  }
0x3c7: {  	v27 =	vld.idx.msk [tilespmem:v43+s18+$0x0], $0xffff  }
0x3c8: {  	v28 =	vor.u32 v2, v49;
	v29 =	vld.idx.msk [tilespmem:v47+s19+$0x0], $0xffff  }
0x3c9: {  	v30 =	vld.idx.msk [tilespmem:v47+s18+$0x0], $0xffff  }
0x3ca: {  	v31 =	vor.u32 v57, v56;
	v32 =	vand.u32 $0x7, v36;
	v60 =	vld.idx.msk [tilespmem:v35+s19+$0x0], $0xffff  }
0x3cb: {  	[tilespmem:v45+s20+$0x0] =	vst.idx.add.f32.msk $0xffff, v53;
	v61 =	vor.u32 v32, v52;
	v62 =	vadd.f32 v48, v54  }
0x3cc: {  	v63 =	vld.idx.msk [tilespmem:v35+s18+$0x0], $0xffff;
	v40 =	vadd.f32 v55, v40  }
0x3cd: {  	s7 =	simm.s32 $0x7;
	[tilespmem:v28+s20+$0x0] =	vst.idx.add.f32.msk $0xffff, v62;
	v27 =	vadd.f32 v41, v27  }
0x3ce: {  	v48 =	vadd.s32 s7, v0;
	v26 =	vadd.f32 v26, v50;
	[tilespmem:v51+s20+$0x0] =	vst.idx.add.f32.msk $0xffff, v40  }
0x3cf: {  	v49 =	vand.u32 $0x7F, v48;
	[tilespmem:v31+s20+$0x0] =	vst.idx.add.f32.msk $0xffff, v27  }
0x3d0: {  	v32 =	vor.u32 $0x6800, v0;
	v28 =	vshll.u32 v49, $0x4;
	[tilespmem:v61+s20+$0x0] =	vst.idx.add.f32.msk $0xffff, v26  }
0x3d1: {  	v27 =	vor.u32 v32, v28;
	v28 =	vld [tilespmem:$0x1FC30];
	_ =	sdelay $0x1  }
0x3d2: {  	v29 =	vadd.f32 v29, v30;
	_ =	sdelay $0x1  }
0x3d3: {  	v26 =	vadd.f32 v37, v38;
	[tilespmem:v44+s20+$0x0] =	vst.idx.add.f32.msk $0xffff, v29  }
0x3d4: {  	v29 =	vld [tilespmem:$0x1FC20];
	v31 =	vor.u32 v32, v28;
	v28 =	vadd.f32 v60, v63  }
0x3d5: {  	[tilespmem:v42+s20+$0x0] =	vst.idx.add.f32.msk $0xffff, v26  }
0x3d6: {  	[tilespmem:v39+s20+$0x0] =	vst.idx.add.f32.msk $0xffff, v28  }
0x3d7: {  	v26 =	vld [tilespmem:$0x1FC40]  }
0x3d8: {  	v52 =	vadd.s32 s14, v0;
	v37 =	vld.idx.msk [tilespmem:v27+s19+$0x0], $0xffff  }
0x3d9: {  	v25 =	vor.u32 v9, v25;
	v54 =	vand.u32 $0x7F, v52;
	v57 =	vld [tilespmem:$0x1FC50]  }
0x3da: {  	v41 =	vand.u32 $0x3FF8, v25;
	v61 =	vor.u32 v9, v54;
	v25 =	vld.idx.msk [tilespmem:v27+s18+$0x0], $0xffff;
	v27 =	vor.u32 v9, v21  }
0x3db: {  	v63 =	vand.u32 $0x3FF8, v61;
	v30 =	vor.u32 v32, v29;
	v27 =	vand.u32 $0x3FF8, v27  }
0x3dc: {  	v39 =	vor.u32 v32, v33;
	v33 =	vor.u32 v34, v27;
	v27 =	vand.u32 $0x7, v52  }
0x3dd: {  	v34 =	vor.u32 v27, v63;
	v27 =	vld [tilespmem:$0x1FC60]  }
0x3de: {  	v53 =	vadd.s32 s31, v0  }
0x3df: {  	v29 =	vld.idx.msk [tilespmem:v31+s19+$0x0], $0xffff;
	v28 =	vor.u32 v32, v26;
	v26 =	vshll.u32 v53, $0x4;
	v58 =	vor.u32 v32, v57  }
0x3e0: {  	v60 =	vor.u32 v9, v23;
	v23 =	vld.idx.msk [tilespmem:v30+s18+$0x0], $0xffff;
	v56 =	vor.u32 v32, v26;
	v26 =	vor.u32 v9, v49  }
0x3e1: {  	v59 =	vand.u32 $0x3FF8, v26;
	v26 =	vld.idx.msk [tilespmem:v30+s19+$0x0], $0xffff;
	v30 =	vand.u32 $0x3FF8, v60  }
0x3e2: {  	v38 =	vor.u32 v27, v30;
	v27 =	vld [tilespmem:$0x1FC70]  }
0x3e3: {  	v21 =	vld.idx.msk [tilespmem:v39+s19+$0x0], $0xffff  }
0x3e4: {  	v22 =	vor.u32 v9, v22;
	v55 =	vshll.u32 v54, $0x4;
	v42 =	vld.idx.msk [tilespmem:v58+s19+$0x0], $0xffff  }
0x3e5: {  	v24 =	vor.u32 v9, v24;
	v22 =	vand.u32 $0x3FF8, v22;
	v36 =	vor.u32 v32, v55;
	v43 =	vld.idx.msk [tilespmem:v58+s18+$0x0], $0xffff  }
0x3e6: {  	v35 =	vand.u32 $0x78, v53;
	v62 =	vand.u32 $0x3FF8, v24;
	v24 =	vand.u32 $0x7, v48;
	v40 =	vld.idx.msk [tilespmem:v56+s18+$0x0], $0xffff  }
0x3e7: {  	v35 =	vor.u32 v8, v35;
	s7 =	simm.s32 $0x8;
	v24 =	vor.u32 v24, v59;
	v44 =	vld.idx.msk [tilespmem:v56+s19+$0x0], $0xffff;
	v27 =	vor.u32 v27, v62  }
.LBB2_35:
0x3e8: {  	v30 =	vadd.s32 s7, v0;
	s8 =	sadd.s32 $0x1, s7;
	s13 =	sadd.s32 $0x2, s7;
	s14 =	sadd.s32 $0x3, s7;
	v39 =	vld.idx.msk [tilespmem:v39+s18+$0x0], $0xffff;
	v20 =	vor.u32 v20, v41  }
0x3e9: {  	s16 =	sadd.s32 $0x6, s7;
	v19 =	vor.u32 v19, v22;
	v45 =	vadd.s32 s8, v0;
	v41 =	vadd.s32 s13, v0;
	s8 =	sadd.s32 $0x4, s7;
	s13 =	sadd.s32 $0x5, s7;
	v46 =	vld.idx.msk [tilespmem:v31+s18+$0x0], $0xffff  }
0x3ea: {  	p2 =	slt.u32 s7, $0x78;
	v22 =	vadd.f32 v26, v23;
	v47 =	vadd.s32 s8, v0;
	v48 =	vadd.s32 s13, v0;
	s8 =	sadd.s32 $0x7, s7;
	s7 =	sadd.s32 $0x8, s7;
	v23 =	vld.idx.msk [tilespmem:v36+s18+$0x0], $0xffff  }
0x3eb: {  	v25 =	vadd.f32 v37, v25;
	v49 =	vand.u32 $0x7F, v45;
	v50 =	vadd.s32 s8, v0;
	v26 =	vld.idx.msk [tilespmem:v28+s18+$0x0], $0xffff  }
0x3ec: {  	v51 =	vadd.s32 s14, v0;
	v31 =	vadd.f32 v42, v43;
	v37 =	vand.u32 $0x7F, v50;
	v36 =	vld.idx.msk [tilespmem:v36+s19+$0x0], $0xffff  }
0x3ed: {  	v42 =	vand.u32 $0x7F, v41;
	v40 =	vadd.f32 v44, v40;
	v43 =	vshll.u32 v37, $0x4;
	v44 =	vld.idx.msk [tilespmem:v28+s19+$0x0], $0xffff  }
0x3ee: {  	v52 =	vshll.u32 v42, $0x4;
	v43 =	vor.u32 v32, v43;
	[tilespmem:v19+s20+$0x0] =	vst.idx.add.f32.msk $0xffff, v31;
	v19 =	vadd.f32 v21, v39  }
0x3ef: {  	v54 =	vadd.s32 s16, v0;
	v53 =	vand.u32 $0x7F, v51;
	v21 =	vshll.u32 v49, $0x4;
	[tilespmem:v24+s20+$0x0] =	vst.idx.add.f32.msk $0xffff, v25  }
0x3f0: {  	v55 =	vand.u32 $0x7F, v54;
	v24 =	vand.u32 $0x7F, v47;
	v25 =	vand.u32 $0x7F, v48;
	[tilespmem:v20+s20+$0x0] =	vst.idx.add.f32.msk $0xffff, v19  }
0x3f1: {  	v31 =	vor.u32 v32, v21;
	v19 =	vshll.u32 v24, $0x4;
	v20 =	vadd.f32 v29, v46;
	[tilespmem:v38+s20+$0x0] =	vst.idx.add.f32.msk $0xffff, v22  }
0x3f2: {  	v21 =	vor.u32 v32, v19;
	v19 =	vshll.u32 v25, $0x4;
	v22 =	vadd.f32 v36, v23;
	[tilespmem:v35+s20+$0x0] =	vst.idx.add.f32.msk $0xffff, v40  }
0x3f3: {  	v28 =	vor.u32 v32, v19;
	v19 =	vshll.u32 v55, $0x4;
	[tilespmem:v33+s20+$0x0] =	vst.idx.add.f32.msk $0xffff, v20;
	v20 =	vadd.f32 v44, v26  }
0x3f4: {  	v23 =	vshll.u32 v30, $0x4;
	v26 =	vshll.u32 v53, $0x4;
	v36 =	vor.u32 v32, v19;
	[tilespmem:v34+s20+$0x0] =	vst.idx.add.f32.msk $0xffff, v22  }
0x3f5: {  	v38 =	vor.u32 v32, v23;
	v19 =	vand.u32 $0x7, v41;
	v22 =	vor.u32 v9, v37;
	[tilespmem:v27+s20+$0x0] =	vst.idx.add.f32.msk $0xffff, v20  }
0x3f6: {  	v39 =	vor.u32 v32, v26;
	v20 =	vor.u32 v32, v52;
	v27 =	vand.u32 $0x3FF8, v22;
	v37 =	vld.idx.msk [tilespmem:v43+s19+$0x0], $0xffff  }
0x3f7: {  	v24 =	vor.u32 v9, v24;
	v23 =	vor.u32 v9, v53;
	v22 =	vor.u32 v9, v42;
	v29 =	vld.idx.msk [tilespmem:v31+s19+$0x0], $0xffff  }
0x3f8: {  	v46 =	vand.u32 $0x3FF8, v24;
	v41 =	vand.u32 $0x3FF8, v23;
	v22 =	vand.u32 $0x3FF8, v22;
	v26 =	vld.idx.msk [tilespmem:v21+s19+$0x0], $0xffff  }
0x3f9: {  	v24 =	vor.u32 v9, v49;
	v23 =	vld.idx.msk [tilespmem:v21+s18+$0x0], $0xffff;
	v21 =	vor.u32 v9, v25;
	v25 =	vor.u32 v9, v55  }
0x3fa: {  	v33 =	vand.u32 $0x3FF8, v24;
	v49 =	vand.u32 $0x3FF8, v21;
	v34 =	vand.u32 $0x3FF8, v25;
	v25 =	vld.idx.msk [tilespmem:v43+s18+$0x0], $0xffff  }
.Ltmp21:
0x3fb: {  	v30 =	vand.u32 $0x78, v30;
	v24 =	vand.u32 $0x7, v50;
	v21 =	vld.idx.msk [tilespmem:v39+s19+$0x0], $0xffff;
	(pc) =	sbr.rel @p2 .LBB2_35-.Ltmp21, $4  }
0x3fc: {  	v42 =	vand.u32 $0x7, v45;
	v24 =	vor.u32 v24, v27;
	v40 =	vld.idx.msk [tilespmem:v38+s18+$0x0], $0xffff  }
0x3fd: {  	v35 =	vor.u32 v8, v30;
	v33 =	vor.u32 v42, v33;
	v27 =	vand.u32 $0x7, v54;
	v42 =	vld.idx.msk [tilespmem:v20+s19+$0x0], $0xffff  }
0x3fe: {  	v30 =	vand.u32 $0x7, v47;
	v45 =	vand.u32 $0x7, v48;
	v34 =	vor.u32 v27, v34;
	v43 =	vld.idx.msk [tilespmem:v20+s18+$0x0], $0xffff  }
0x3ff: {  	s31 =	simm.s32 $0x0;
	v27 =	vor.u32 v45, v49;
	v20 =	vand.u32 $0x7, v51;
	v44 =	vld.idx.msk [tilespmem:v38+s19+$0x0], $0xffff;
	v38 =	vor.u32 v30, v46  }
0x400: {  	_ =	sdelay $0x3  }
0x401: {  	v30 =	vld.idx.msk [tilespmem:v39+s18+$0x0], $0xffff  }
0x402: {  	v31 =	vld.idx.msk [tilespmem:v31+s18+$0x0], $0xffff  }
0x403: {  	v32 =	vld.idx.msk [tilespmem:v36+s18+$0x0], $0xffff  }
0x404: {  	v50 =	vld.idx.msk [tilespmem:v28+s18+$0x0], $0xffff;
	v19 =	vor.u32 v19, v22  }
0x405: {  	v51 =	vld.idx.msk [tilespmem:v36+s19+$0x0], $0xffff;
	v25 =	vadd.f32 v37, v25;
	v20 =	vor.u32 v20, v41;
	s13 =	simm.s32 $0x4  }
0x406: {  	v52 =	vld.idx.msk [tilespmem:v28+s19+$0x0], $0xffff;
	v45 =	vadd.f32 v26, v23;
	s25 =	simm.s32 $0x7;
	s14 =	simm.s32 $0x6;
	v47 =	vadd.s32 s13, v0  }
0x407: {  	s7 =	simm.s32 $0x1;
	v57 =	vadd.s32 s25, v0;
	v36 =	vadd.s32 s14, v0;
	[tilespmem:v24+s20+$0x0] =	vst.idx.add.f32.msk $0xffff, v25;
	v23 =	vadd.f32 v42, v43  }
0x408: {  	[tilespmem:v38+s20+$0x0] =	vst.idx.add.f32.msk $0xffff, v45;
	v63 =	vand.u32 $0x7F, v36;
	v42 =	vadd.s32 s7, v0;
	v30 =	vadd.f32 v21, v30  }
0x409: {  	s8 =	simm.s32 $0x2;
	v60 =	vshll.u32 v63, $0x4;
	v53 =	vadd.f32 v44, v40;
	[tilespmem:v19+s20+$0x0] =	vst.idx.add.f32.msk $0xffff, v23;
	v23 =	vand.u32 $0x7F, v47  }
0x40a: {  	v44 =	vadd.s32 s8, v0;
	v54 =	vadd.f32 v29, v31;
	v24 =	vshll.u32 v23, $0x4;
	[tilespmem:v20+s20+$0x0] =	vst.idx.add.f32.msk $0xffff, v30  }
0x40b: {  	s16 =	simm.s32 $0x5;
	v55 =	vadd.f32 v51, v32;
	v39 =	vadd.f32 v52, v50;
	v21 =	vand.u32 $0x7F, v42;
	[tilespmem:$0x1FBC0] =	vst v24  }
0x40c: {  	v32 =	vor.u32 $0x7000, v0;
	v50 =	vadd.s32 s16, v0;
	v61 =	vshll.u32 v21, $0x4;
	[tilespmem:v35+s20+$0x0] =	vst.idx.add.f32.msk $0xffff, v53  }
0x40d: {  	s17 =	simm.s32 $0x3;
	v22 =	vand.u32 $0x7F, v44;
	v56 =	vor.u32 v32, v24;
	v24 =	vand.u32 $0x7F, v50;
	[tilespmem:$0x1FBD0] =	vst v61  }
0x40e: {  	v19 =	vadd.s32 s17, v0;
	v52 =	vor.u32 v10, v63;
	v62 =	vshll.u32 v24, $0x4;
	[tilespmem:v33+s20+$0x0] =	vst.idx.add.f32.msk $0xffff, v54  }
0x40f: {  	v26 =	vshll.u32 v22, $0x4;
	v30 =	vand.u32 $0x7F, v57;
	v51 =	vor.u32 v32, v61;
	[tilespmem:$0x1FBE0] =	vst v62  }
0x410: {  	v25 =	vand.u32 $0x7F, v19;
	v46 =	vor.u32 v32, v60;
	v58 =	vshll.u32 v30, $0x4;
	[tilespmem:v34+s20+$0x0] =	vst.idx.add.f32.msk $0xffff, v55  }
0x411: {  	v20 =	vadd.s32 s31, v0;
	v43 =	vor.u32 v32, v58;
	v33 =	vshll.u32 v25, $0x4;
	[tilespmem:v27+s20+$0x0] =	vst.idx.add.f32.msk $0xffff, v39  }
0x412: {  	v52 =	vand.u32 $0x3BF8, v52;
	v20 =	vand.u32 $0x7F, v20;
	v53 =	vor.u32 v32, v33;
	v39 =	vld.idx.msk [tilespmem:v56+s19+$0x0], $0xffff  }
0x413: {  	v63 =	vor.u32 v10, v25;
	v59 =	vshll.u32 v20, $0x4;
	v27 =	vor.u32 v10, v21;
	v55 =	vld.idx.msk [tilespmem:v56+s18+$0x0], $0xffff  }
0x414: {  	v34 =	vor.u32 v32, v59;
	v40 =	vld.idx.msk [tilespmem:v51+s18+$0x0], $0xffff;
	v58 =	vand.u32 $0x3BF8, v27;
	v27 =	vand.u32 $0x7, v47;
	[tilespmem:$0x1FBF0] =	vst v26  }
0x415: {  	v57 =	vand.u32 $0x7, v57;
	v20 =	vor.u32 v10, v20;
	v35 =	vor.u32 v32, v62;
	[tilespmem:$0x1FC00] =	vst v27  }
0x416: {  	v49 =	vand.u32 $0x3BF8, v20;
	v20 =	vand.u32 $0x7, v19;
	v19 =	vor.u32 v10, v23;
	v41 =	vld.idx.msk [tilespmem:v43+s19+$0x0], $0xffff  }
0x417: {  	v61 =	vor.u32 v10, v22;
	v19 =	vand.u32 $0x3BF8, v19;
	v62 =	vor.u32 v10, v24;
	v37 =	vld.idx.msk [tilespmem:v53+s19+$0x0], $0xffff  }
0x418: {  	v59 =	vand.u32 $0x3BF8, v61;
	v60 =	vand.u32 $0x3BF8, v62;
	v47 =	vor.u32 v32, v26;
	v38 =	vld.idx.msk [tilespmem:v53+s18+$0x0], $0xffff  }
0x419: {  	v26 =	vand.u32 $0x7, v50;
	v45 =	vor.u32 v27, v19;
	v19 =	vor.u32 v10, v30;
	v48 =	vld.idx.msk [tilespmem:v34+s19+$0x0], $0xffff  }
0x41a: {  	v61 =	vand.u32 $0x3BF8, v63;
	v56 =	vand.u32 $0x3BF8, v19;
	v19 =	vand.u32 $0x7, v44;
	v54 =	vld.idx.msk [tilespmem:v34+s18+$0x0], $0xffff;
	[tilespmem:$0x1FC10] =	vst v26  }
0x41b: {  	v44 =	vor.u32 v19, v59;
	v34 =	vand.u32 $0x7, v42;
	v42 =	vor.u32 v20, v61;
	v50 =	vld.idx.msk [tilespmem:v46+s18+$0x0], $0xffff  }
0x41c: {  	s25 =	simm.s32 $0x8;
	v53 =	vadd.f32 v39, v55;
	v39 =	vor.u32 v26, v60;
	v55 =	vld.idx.msk [tilespmem:v51+s19+$0x0], $0xffff;
	v51 =	vor.u32 v34, v58  }
.LBB2_37:
0x41d: {  	s7 =	sadd.s32 $0x1, s25  }
0x41e: {  	s8 =	sadd.s32 $0x2, s25;
	s13 =	sadd.s32 $0x3, s25;
	v49 =	vor.u32 v2, v49;
	v46 =	vld.idx.msk [tilespmem:v46+s19+$0x0], $0xffff;
	v56 =	vor.u32 v57, v56;
	s16 =	smov.u32 s25  }
0x41f: {  	s17 =	sadd.s32 $0x6, s25;
	v36 =	vand.u32 $0x7, v36;
	v57 =	vadd.s32 s7, v0;
	v58 =	vadd.s32 s8, v0;
	s7 =	sadd.s32 $0x4, s25;
	s8 =	sadd.s32 $0x5, s25;
	v43 =	vld.idx.msk [tilespmem:v43+s18+$0x0], $0xffff  }
0x420: {  	p2 =	slt.u32 s25, $0x78;
	s25 =	sadd.s32 $0x8, s25;
	v52 =	vor.u32 v36, v52;
	v59 =	vadd.s32 s7, v0;
	v60 =	vadd.s32 s8, v0;
	s7 =	sadd.s32 $0x7, s16;
	v61 =	vld.idx.msk [tilespmem:v47+s19+$0x0], $0xffff  }
0x421: {  	v62 =	vand.u32 $0x7F, v57;
	v63 =	vand.u32 $0x7F, v58;
	v26 =	vadd.s32 s7, v0;
	v47 =	vld.idx.msk [tilespmem:v47+s18+$0x0], $0xffff  }
0x422: {  	v27 =	vadd.s32 s13, v0;
	v48 =	vadd.f32 v48, v54;
	v28 =	vand.u32 $0x7F, v59;
	v54 =	vld.idx.msk [tilespmem:v35+s19+$0x0], $0xffff  }
0x423: {  	v36 =	vadd.s32 s17, v0;
	v29 =	vshll.u32 v28, $0x4;
	v40 =	vadd.f32 v55, v40;
	[tilespmem:v45+s20+$0x0] =	vst.idx.add.f32.msk $0xffff, v53  }
0x424: {  	v55 =	vand.u32 $0x7F, v26;
	v45 =	vshll.u32 v63, $0x4;
	v53 =	vand.u32 $0x7F, v27;
	[tilespmem:v49+s20+$0x0] =	vst.idx.add.f32.msk $0xffff, v48  }
0x425: {  	v29 =	vor.u32 v32, v29;
	v48 =	vadd.s32 s16, v0;
	[tilespmem:v51+s20+$0x0] =	vst.idx.add.f32.msk $0xffff, v40;
	v40 =	vadd.f32 v41, v43  }
0x426: {  	v41 =	vshll.u32 v62, $0x4;
	v51 =	vand.u32 $0x7F, v60;
	v43 =	vadd.f32 v46, v50;
	v30 =	vld.idx.msk [tilespmem:v35+s18+$0x0], $0xffff  }
0x427: {  	v31 =	vor.u32 v32, v41;
	v35 =	vshll.u32 v51, $0x4;
	v41 =	vadd.f32 v61, v47;
	[tilespmem:v56+s20+$0x0] =	vst.idx.add.f32.msk $0xffff, v40  }
0x428: {  	v50 =	vand.u32 $0x7F, v36;
	v40 =	vand.u32 $0x7F, v48;
	v35 =	vor.u32 v32, v35;
	[tilespmem:v52+s20+$0x0] =	vst.idx.add.f32.msk $0xffff, v43  }
0x429: {  	v46 =	vshll.u32 v50, $0x4;
	v47 =	vshll.u32 v55, $0x4;
	v43 =	vshll.u32 v40, $0x4;
	[tilespmem:v44+s20+$0x0] =	vst.idx.add.f32.msk $0xffff, v41  }
0x42a: {  	v46 =	vor.u32 v32, v46;
	v44 =	vor.u32 v32, v43;
	v43 =	vor.u32 v32, v47;
	v61 =	vld.idx.msk [tilespmem:v29+s19+$0x0], $0xffff  }
0x42b: {  	v37 =	vadd.f32 v37, v38;
	v40 =	vor.u32 v10, v40;
	v41 =	vshll.u32 v53, $0x4;
	v29 =	vld.idx.msk [tilespmem:v29+s18+$0x0], $0xffff  }
0x42c: {  	v49 =	vand.u32 $0x3BF8, v40;
	v38 =	vor.u32 v32, v41;
	v30 =	vadd.f32 v54, v30;
	v40 =	vld.idx.msk [tilespmem:v31+s18+$0x0], $0xffff  }
0x42d: {  	v28 =	vor.u32 v10, v28;
	v27 =	vand.u32 $0x7, v27;
	v41 =	vor.u32 v10, v62;
	[tilespmem:v42+s20+$0x0] =	vst.idx.add.f32.msk $0xffff, v37  }
0x42e: {  	v28 =	vand.u32 $0x3BF8, v28;
	v42 =	vand.u32 $0x3BF8, v41;
	v37 =	vand.u32 $0x7, v59;
	[tilespmem:v39+s20+$0x0] =	vst.idx.add.f32.msk $0xffff, v30  }
0x42f: {  	v47 =	vor.u32 v32, v45;
	v45 =	vor.u32 v37, v28;
	v28 =	vor.u32 v10, v55;
	v41 =	vld.idx.msk [tilespmem:v43+s19+$0x0], $0xffff  }
0x430: {  	v50 =	vor.u32 v10, v50;
	v30 =	vor.u32 v10, v63;
	v39 =	vor.u32 v10, v51;
	v48 =	vld.idx.msk [tilespmem:v44+s19+$0x0], $0xffff  }
.Ltmp22:
0x431: {  	v52 =	vand.u32 $0x3BF8, v50;
	v30 =	vand.u32 $0x3BF8, v30;
	v39 =	vand.u32 $0x3BF8, v39;
	v37 =	vld.idx.msk [tilespmem:v38+s19+$0x0], $0xffff;
	(pc) =	sbr.rel @p2 .LBB2_37-.Ltmp22, $4  }
0x432: {  	v50 =	vor.u32 v10, v53;
	v51 =	vand.u32 $0x7, v60;
	v56 =	vand.u32 $0x3BF8, v28;
	v38 =	vld.idx.msk [tilespmem:v38+s18+$0x0], $0xffff  }
0x433: {  	v28 =	vand.u32 $0x7, v58;
	v58 =	vand.u32 $0x3BF8, v50;
	v53 =	vadd.f32 v61, v29;
	v54 =	vld.idx.msk [tilespmem:v44+s18+$0x0], $0xffff  }
0x434: {  	v29 =	vand.u32 $0x7, v57;
	v39 =	vor.u32 v51, v39;
	v44 =	vor.u32 v28, v30;
	v50 =	vld.idx.msk [tilespmem:v46+s18+$0x0], $0xffff  }
0x435: {  	v57 =	vand.u32 $0x7, v26;
	v51 =	vor.u32 v29, v42;
	v42 =	vor.u32 v27, v58;
	v55 =	vld.idx.msk [tilespmem:v31+s19+$0x0], $0xffff  }
0x436: {  	_ =	sdelay $0x3  }
0x437: {  	v26 =	vld.idx.msk [tilespmem:v46+s19+$0x0], $0xffff  }
0x438: {  	v27 =	vld.idx.msk [tilespmem:v43+s18+$0x0], $0xffff  }
0x439: {  	v28 =	vor.u32 v2, v49;
	v29 =	vld.idx.msk [tilespmem:v47+s19+$0x0], $0xffff  }
0x43a: {  	v30 =	vld.idx.msk [tilespmem:v47+s18+$0x0], $0xffff  }
0x43b: {  	v31 =	vor.u32 v57, v56;
	v32 =	vand.u32 $0x7, v36;
	v60 =	vld.idx.msk [tilespmem:v35+s19+$0x0], $0xffff  }
0x43c: {  	[tilespmem:v45+s20+$0x0] =	vst.idx.add.f32.msk $0xffff, v53;
	v61 =	vor.u32 v32, v52;
	v62 =	vadd.f32 v48, v54  }
0x43d: {  	v63 =	vld.idx.msk [tilespmem:v35+s18+$0x0], $0xffff;
	v40 =	vadd.f32 v55, v40  }
0x43e: {  	s7 =	simm.s32 $0x7;
	[tilespmem:v28+s20+$0x0] =	vst.idx.add.f32.msk $0xffff, v62;
	v27 =	vadd.f32 v41, v27  }
0x43f: {  	v48 =	vadd.s32 s7, v0;
	v26 =	vadd.f32 v26, v50;
	[tilespmem:v51+s20+$0x0] =	vst.idx.add.f32.msk $0xffff, v40  }
0x440: {  	v49 =	vand.u32 $0x7F, v48;
	[tilespmem:v31+s20+$0x0] =	vst.idx.add.f32.msk $0xffff, v27  }
0x441: {  	v32 =	vor.u32 $0x7800, v0;
	v28 =	vshll.u32 v49, $0x4;
	[tilespmem:v61+s20+$0x0] =	vst.idx.add.f32.msk $0xffff, v26  }
0x442: {  	v27 =	vor.u32 v32, v28;
	v28 =	vld [tilespmem:$0x1FBD0];
	_ =	sdelay $0x1  }
0x443: {  	v29 =	vadd.f32 v29, v30;
	_ =	sdelay $0x1  }
0x444: {  	v26 =	vadd.f32 v37, v38;
	[tilespmem:v44+s20+$0x0] =	vst.idx.add.f32.msk $0xffff, v29  }
0x445: {  	v29 =	vld [tilespmem:$0x1FBC0];
	v31 =	vor.u32 v32, v28;
	v28 =	vadd.f32 v60, v63  }
0x446: {  	[tilespmem:v42+s20+$0x0] =	vst.idx.add.f32.msk $0xffff, v26  }
0x447: {  	[tilespmem:v39+s20+$0x0] =	vst.idx.add.f32.msk $0xffff, v28  }
0x448: {  	v26 =	vld [tilespmem:$0x1FBE0]  }
0x449: {  	v52 =	vadd.s32 s14, v0;
	v37 =	vld.idx.msk [tilespmem:v27+s19+$0x0], $0xffff  }
0x44a: {  	v25 =	vor.u32 v12, v25;
	v54 =	vand.u32 $0x7F, v52;
	v57 =	vld [tilespmem:$0x1FBF0]  }
0x44b: {  	v41 =	vand.u32 $0x3FF8, v25;
	v61 =	vor.u32 v12, v54;
	v25 =	vld.idx.msk [tilespmem:v27+s18+$0x0], $0xffff;
	v27 =	vor.u32 v12, v21  }
0x44c: {  	v63 =	vand.u32 $0x3FF8, v61;
	v30 =	vor.u32 v32, v29;
	v27 =	vand.u32 $0x3FF8, v27  }
0x44d: {  	v39 =	vor.u32 v32, v33;
	v33 =	vor.u32 v34, v27;
	v27 =	vand.u32 $0x7, v52  }
0x44e: {  	v34 =	vor.u32 v27, v63;
	v27 =	vld [tilespmem:$0x1FC00]  }
0x44f: {  	v53 =	vadd.s32 s31, v0  }
0x450: {  	v29 =	vld.idx.msk [tilespmem:v31+s19+$0x0], $0xffff;
	v28 =	vor.u32 v32, v26;
	v26 =	vshll.u32 v53, $0x4;
	v58 =	vor.u32 v32, v57  }
0x451: {  	v60 =	vor.u32 v12, v23;
	v23 =	vld.idx.msk [tilespmem:v30+s18+$0x0], $0xffff;
	v56 =	vor.u32 v32, v26;
	v26 =	vor.u32 v12, v49  }
0x452: {  	v59 =	vand.u32 $0x3FF8, v26;
	v26 =	vld.idx.msk [tilespmem:v30+s19+$0x0], $0xffff;
	v30 =	vand.u32 $0x3FF8, v60  }
0x453: {  	v38 =	vor.u32 v27, v30;
	v27 =	vld [tilespmem:$0x1FC10]  }
0x454: {  	v21 =	vld.idx.msk [tilespmem:v39+s19+$0x0], $0xffff  }
0x455: {  	v22 =	vor.u32 v12, v22;
	v55 =	vshll.u32 v54, $0x4;
	v42 =	vld.idx.msk [tilespmem:v58+s19+$0x0], $0xffff  }
0x456: {  	v24 =	vor.u32 v12, v24;
	v22 =	vand.u32 $0x3FF8, v22;
	v36 =	vor.u32 v32, v55;
	v43 =	vld.idx.msk [tilespmem:v58+s18+$0x0], $0xffff  }
0x457: {  	v35 =	vand.u32 $0x78, v53;
	v62 =	vand.u32 $0x3FF8, v24;
	v24 =	vand.u32 $0x7, v48;
	v40 =	vld.idx.msk [tilespmem:v56+s18+$0x0], $0xffff  }
0x458: {  	v35 =	vor.u32 v11, v35;
	s7 =	simm.s32 $0x8;
	v24 =	vor.u32 v24, v59;
	v44 =	vld.idx.msk [tilespmem:v56+s19+$0x0], $0xffff;
	v27 =	vor.u32 v27, v62  }
.LBB2_39:
0x459: {  	v30 =	vadd.s32 s7, v0;
	s8 =	sadd.s32 $0x1, s7;
	s13 =	sadd.s32 $0x2, s7;
	s14 =	sadd.s32 $0x3, s7;
	v39 =	vld.idx.msk [tilespmem:v39+s18+$0x0], $0xffff;
	v20 =	vor.u32 v20, v41  }
0x45a: {  	s16 =	sadd.s32 $0x6, s7;
	v19 =	vor.u32 v19, v22;
	v45 =	vadd.s32 s8, v0;
	v41 =	vadd.s32 s13, v0;
	s8 =	sadd.s32 $0x4, s7;
	s13 =	sadd.s32 $0x5, s7;
	v46 =	vld.idx.msk [tilespmem:v31+s18+$0x0], $0xffff  }
0x45b: {  	p2 =	slt.u32 s7, $0x78;
	v22 =	vadd.f32 v26, v23;
	v47 =	vadd.s32 s8, v0;
	v48 =	vadd.s32 s13, v0;
	s8 =	sadd.s32 $0x7, s7;
	s7 =	sadd.s32 $0x8, s7;
	v23 =	vld.idx.msk [tilespmem:v36+s18+$0x0], $0xffff  }
0x45c: {  	v25 =	vadd.f32 v37, v25;
	v49 =	vand.u32 $0x7F, v45;
	v50 =	vadd.s32 s8, v0;
	v26 =	vld.idx.msk [tilespmem:v28+s18+$0x0], $0xffff  }
0x45d: {  	v51 =	vadd.s32 s14, v0;
	v31 =	vadd.f32 v42, v43;
	v37 =	vand.u32 $0x7F, v50;
	v36 =	vld.idx.msk [tilespmem:v36+s19+$0x0], $0xffff  }
0x45e: {  	v42 =	vand.u32 $0x7F, v41;
	v40 =	vadd.f32 v44, v40;
	v43 =	vshll.u32 v37, $0x4;
	v44 =	vld.idx.msk [tilespmem:v28+s19+$0x0], $0xffff  }
0x45f: {  	v52 =	vshll.u32 v42, $0x4;
	v43 =	vor.u32 v32, v43;
	[tilespmem:v19+s20+$0x0] =	vst.idx.add.f32.msk $0xffff, v31;
	v19 =	vadd.f32 v21, v39  }
0x460: {  	v54 =	vadd.s32 s16, v0;
	v53 =	vand.u32 $0x7F, v51;
	v21 =	vshll.u32 v49, $0x4;
	[tilespmem:v24+s20+$0x0] =	vst.idx.add.f32.msk $0xffff, v25  }
0x461: {  	v55 =	vand.u32 $0x7F, v54;
	v24 =	vand.u32 $0x7F, v47;
	v25 =	vand.u32 $0x7F, v48;
	[tilespmem:v20+s20+$0x0] =	vst.idx.add.f32.msk $0xffff, v19  }
0x462: {  	v31 =	vor.u32 v32, v21;
	v19 =	vshll.u32 v24, $0x4;
	v20 =	vadd.f32 v29, v46;
	[tilespmem:v38+s20+$0x0] =	vst.idx.add.f32.msk $0xffff, v22  }
0x463: {  	v21 =	vor.u32 v32, v19;
	v19 =	vshll.u32 v25, $0x4;
	v22 =	vadd.f32 v36, v23;
	[tilespmem:v35+s20+$0x0] =	vst.idx.add.f32.msk $0xffff, v40  }
0x464: {  	v28 =	vor.u32 v32, v19;
	v19 =	vshll.u32 v55, $0x4;
	[tilespmem:v33+s20+$0x0] =	vst.idx.add.f32.msk $0xffff, v20;
	v20 =	vadd.f32 v44, v26  }
0x465: {  	v23 =	vshll.u32 v30, $0x4;
	v26 =	vshll.u32 v53, $0x4;
	v36 =	vor.u32 v32, v19;
	[tilespmem:v34+s20+$0x0] =	vst.idx.add.f32.msk $0xffff, v22  }
0x466: {  	v38 =	vor.u32 v32, v23;
	v19 =	vand.u32 $0x7, v41;
	v22 =	vor.u32 v12, v37;
	[tilespmem:v27+s20+$0x0] =	vst.idx.add.f32.msk $0xffff, v20  }
0x467: {  	v39 =	vor.u32 v32, v26;
	v20 =	vor.u32 v32, v52;
	v27 =	vand.u32 $0x3FF8, v22;
	v37 =	vld.idx.msk [tilespmem:v43+s19+$0x0], $0xffff  }
0x468: {  	v24 =	vor.u32 v12, v24;
	v23 =	vor.u32 v12, v53;
	v22 =	vor.u32 v12, v42;
	v29 =	vld.idx.msk [tilespmem:v31+s19+$0x0], $0xffff  }
0x469: {  	v46 =	vand.u32 $0x3FF8, v24;
	v41 =	vand.u32 $0x3FF8, v23;
	v22 =	vand.u32 $0x3FF8, v22;
	v26 =	vld.idx.msk [tilespmem:v21+s19+$0x0], $0xffff  }
0x46a: {  	v24 =	vor.u32 v12, v49;
	v23 =	vld.idx.msk [tilespmem:v21+s18+$0x0], $0xffff;
	v21 =	vor.u32 v12, v25;
	v25 =	vor.u32 v12, v55  }
0x46b: {  	v33 =	vand.u32 $0x3FF8, v24;
	v49 =	vand.u32 $0x3FF8, v21;
	v34 =	vand.u32 $0x3FF8, v25;
	v25 =	vld.idx.msk [tilespmem:v43+s18+$0x0], $0xffff  }
.Ltmp23:
0x46c: {  	v30 =	vand.u32 $0x78, v30;
	v24 =	vand.u32 $0x7, v50;
	v21 =	vld.idx.msk [tilespmem:v39+s19+$0x0], $0xffff;
	(pc) =	sbr.rel @p2 .LBB2_39-.Ltmp23, $4  }
0x46d: {  	v42 =	vand.u32 $0x7, v45;
	v24 =	vor.u32 v24, v27;
	v40 =	vld.idx.msk [tilespmem:v38+s18+$0x0], $0xffff  }
0x46e: {  	v35 =	vor.u32 v11, v30;
	v33 =	vor.u32 v42, v33;
	v27 =	vand.u32 $0x7, v54;
	v42 =	vld.idx.msk [tilespmem:v20+s19+$0x0], $0xffff  }
0x46f: {  	v30 =	vand.u32 $0x7, v47;
	v45 =	vand.u32 $0x7, v48;
	v34 =	vor.u32 v27, v34;
	v43 =	vld.idx.msk [tilespmem:v20+s18+$0x0], $0xffff  }
0x470: {  	s31 =	simm.s32 $0x0;
	v27 =	vor.u32 v45, v49;
	v20 =	vand.u32 $0x7, v51;
	v44 =	vld.idx.msk [tilespmem:v38+s19+$0x0], $0xffff;
	v38 =	vor.u32 v30, v46  }
0x471: {  	_ =	sdelay $0x3  }
0x472: {  	v30 =	vld.idx.msk [tilespmem:v39+s18+$0x0], $0xffff  }
0x473: {  	v31 =	vld.idx.msk [tilespmem:v31+s18+$0x0], $0xffff  }
0x474: {  	v32 =	vld.idx.msk [tilespmem:v36+s18+$0x0], $0xffff  }
0x475: {  	v50 =	vld.idx.msk [tilespmem:v28+s18+$0x0], $0xffff;
	v19 =	vor.u32 v19, v22  }
0x476: {  	v51 =	vld.idx.msk [tilespmem:v36+s19+$0x0], $0xffff;
	v25 =	vadd.f32 v37, v25;
	v20 =	vor.u32 v20, v41;
	s13 =	simm.s32 $0x4  }
0x477: {  	v52 =	vld.idx.msk [tilespmem:v28+s19+$0x0], $0xffff;
	v45 =	vadd.f32 v26, v23;
	s25 =	simm.s32 $0x7;
	s14 =	simm.s32 $0x6;
	v47 =	vadd.s32 s13, v0  }
0x478: {  	s7 =	simm.s32 $0x1;
	v57 =	vadd.s32 s25, v0;
	v36 =	vadd.s32 s14, v0;
	[tilespmem:v24+s20+$0x0] =	vst.idx.add.f32.msk $0xffff, v25;
	v23 =	vadd.f32 v42, v43  }
0x479: {  	[tilespmem:v38+s20+$0x0] =	vst.idx.add.f32.msk $0xffff, v45;
	v63 =	vand.u32 $0x7F, v36;
	v42 =	vadd.s32 s7, v0;
	v30 =	vadd.f32 v21, v30  }
0x47a: {  	s8 =	simm.s32 $0x2;
	v60 =	vshll.u32 v63, $0x4;
	v53 =	vadd.f32 v44, v40;
	[tilespmem:v19+s20+$0x0] =	vst.idx.add.f32.msk $0xffff, v23;
	v23 =	vand.u32 $0x7F, v47  }
0x47b: {  	v44 =	vadd.s32 s8, v0;
	v54 =	vadd.f32 v29, v31;
	v24 =	vshll.u32 v23, $0x4;
	[tilespmem:v20+s20+$0x0] =	vst.idx.add.f32.msk $0xffff, v30  }
0x47c: {  	s16 =	simm.s32 $0x5;
	v55 =	vadd.f32 v51, v32;
	v39 =	vadd.f32 v52, v50;
	v21 =	vand.u32 $0x7F, v42;
	[tilespmem:$0x1FB60] =	vst v24  }
0x47d: {  	v32 =	vor.u32 $0x8000, v0;
	v50 =	vadd.s32 s16, v0;
	v61 =	vshll.u32 v21, $0x4;
	[tilespmem:v35+s20+$0x0] =	vst.idx.add.f32.msk $0xffff, v53  }
0x47e: {  	s17 =	simm.s32 $0x3;
	v22 =	vand.u32 $0x7F, v44;
	v56 =	vor.u32 v32, v24;
	v24 =	vand.u32 $0x7F, v50;
	[tilespmem:$0x1FB70] =	vst v61  }
0x47f: {  	v19 =	vadd.s32 s17, v0;
	v52 =	vor.u32 v13, v63;
	v62 =	vshll.u32 v24, $0x4;
	[tilespmem:v33+s20+$0x0] =	vst.idx.add.f32.msk $0xffff, v54  }
0x480: {  	v26 =	vshll.u32 v22, $0x4;
	v30 =	vand.u32 $0x7F, v57;
	v51 =	vor.u32 v32, v61;
	[tilespmem:$0x1FB80] =	vst v62  }
0x481: {  	v25 =	vand.u32 $0x7F, v19;
	v46 =	vor.u32 v32, v60;
	v58 =	vshll.u32 v30, $0x4;
	[tilespmem:v34+s20+$0x0] =	vst.idx.add.f32.msk $0xffff, v55  }
0x482: {  	v20 =	vadd.s32 s31, v0;
	v43 =	vor.u32 v32, v58;
	v33 =	vshll.u32 v25, $0x4;
	[tilespmem:v27+s20+$0x0] =	vst.idx.add.f32.msk $0xffff, v39  }
0x483: {  	v52 =	vand.u32 $0x5BF8, v52;
	v20 =	vand.u32 $0x7F, v20;
	v53 =	vor.u32 v32, v33;
	v39 =	vld.idx.msk [tilespmem:v56+s19+$0x0], $0xffff  }
0x484: {  	v63 =	vor.u32 v13, v25;
	v59 =	vshll.u32 v20, $0x4;
	v27 =	vor.u32 v13, v21;
	v55 =	vld.idx.msk [tilespmem:v56+s18+$0x0], $0xffff  }
0x485: {  	v34 =	vor.u32 v32, v59;
	v40 =	vld.idx.msk [tilespmem:v51+s18+$0x0], $0xffff;
	v58 =	vand.u32 $0x5BF8, v27;
	v27 =	vand.u32 $0x7, v47;
	[tilespmem:$0x1FB90] =	vst v26  }
0x486: {  	v57 =	vand.u32 $0x7, v57;
	v20 =	vor.u32 v13, v20;
	v35 =	vor.u32 v32, v62;
	[tilespmem:$0x1FBA0] =	vst v27  }
0x487: {  	v49 =	vand.u32 $0x5BF8, v20;
	v20 =	vand.u32 $0x7, v19;
	v19 =	vor.u32 v13, v23;
	v41 =	vld.idx.msk [tilespmem:v43+s19+$0x0], $0xffff  }
0x488: {  	v61 =	vor.u32 v13, v22;
	v19 =	vand.u32 $0x5BF8, v19;
	v62 =	vor.u32 v13, v24;
	v37 =	vld.idx.msk [tilespmem:v53+s19+$0x0], $0xffff  }
0x489: {  	v59 =	vand.u32 $0x5BF8, v61;
	v60 =	vand.u32 $0x5BF8, v62;
	v47 =	vor.u32 v32, v26;
	v38 =	vld.idx.msk [tilespmem:v53+s18+$0x0], $0xffff  }
0x48a: {  	v26 =	vand.u32 $0x7, v50;
	v45 =	vor.u32 v27, v19;
	v19 =	vor.u32 v13, v30;
	v48 =	vld.idx.msk [tilespmem:v34+s19+$0x0], $0xffff  }
0x48b: {  	v61 =	vand.u32 $0x5BF8, v63;
	v56 =	vand.u32 $0x5BF8, v19;
	v19 =	vand.u32 $0x7, v44;
	v54 =	vld.idx.msk [tilespmem:v34+s18+$0x0], $0xffff;
	[tilespmem:$0x1FBB0] =	vst v26  }
0x48c: {  	v44 =	vor.u32 v19, v59;
	v34 =	vand.u32 $0x7, v42;
	v42 =	vor.u32 v20, v61;
	v50 =	vld.idx.msk [tilespmem:v46+s18+$0x0], $0xffff  }
0x48d: {  	s25 =	simm.s32 $0x8;
	v53 =	vadd.f32 v39, v55;
	v39 =	vor.u32 v26, v60;
	v55 =	vld.idx.msk [tilespmem:v51+s19+$0x0], $0xffff;
	v51 =	vor.u32 v34, v58  }
.LBB2_41:
0x48e: {  	s7 =	sadd.s32 $0x1, s25  }
0x48f: {  	s8 =	sadd.s32 $0x2, s25;
	s13 =	sadd.s32 $0x3, s25;
	v49 =	vor.u32 v2, v49;
	v46 =	vld.idx.msk [tilespmem:v46+s19+$0x0], $0xffff;
	v56 =	vor.u32 v57, v56;
	s16 =	smov.u32 s25  }
0x490: {  	s17 =	sadd.s32 $0x6, s25;
	v36 =	vand.u32 $0x7, v36;
	v57 =	vadd.s32 s7, v0;
	v58 =	vadd.s32 s8, v0;
	s7 =	sadd.s32 $0x4, s25;
	s8 =	sadd.s32 $0x5, s25;
	v43 =	vld.idx.msk [tilespmem:v43+s18+$0x0], $0xffff  }
0x491: {  	p2 =	slt.u32 s25, $0x78;
	s25 =	sadd.s32 $0x8, s25;
	v52 =	vor.u32 v36, v52;
	v59 =	vadd.s32 s7, v0;
	v60 =	vadd.s32 s8, v0;
	s7 =	sadd.s32 $0x7, s16;
	v61 =	vld.idx.msk [tilespmem:v47+s19+$0x0], $0xffff  }
0x492: {  	v62 =	vand.u32 $0x7F, v57;
	v63 =	vand.u32 $0x7F, v58;
	v26 =	vadd.s32 s7, v0;
	v47 =	vld.idx.msk [tilespmem:v47+s18+$0x0], $0xffff  }
0x493: {  	v27 =	vadd.s32 s13, v0;
	v48 =	vadd.f32 v48, v54;
	v28 =	vand.u32 $0x7F, v59;
	v54 =	vld.idx.msk [tilespmem:v35+s19+$0x0], $0xffff  }
0x494: {  	v36 =	vadd.s32 s17, v0;
	v29 =	vshll.u32 v28, $0x4;
	v40 =	vadd.f32 v55, v40;
	[tilespmem:v45+s20+$0x0] =	vst.idx.add.f32.msk $0xffff, v53  }
0x495: {  	v55 =	vand.u32 $0x7F, v26;
	v45 =	vshll.u32 v63, $0x4;
	v53 =	vand.u32 $0x7F, v27;
	[tilespmem:v49+s20+$0x0] =	vst.idx.add.f32.msk $0xffff, v48  }
0x496: {  	v29 =	vor.u32 v32, v29;
	v48 =	vadd.s32 s16, v0;
	[tilespmem:v51+s20+$0x0] =	vst.idx.add.f32.msk $0xffff, v40;
	v40 =	vadd.f32 v41, v43  }
0x497: {  	v41 =	vshll.u32 v62, $0x4;
	v51 =	vand.u32 $0x7F, v60;
	v43 =	vadd.f32 v46, v50;
	v30 =	vld.idx.msk [tilespmem:v35+s18+$0x0], $0xffff  }
0x498: {  	v31 =	vor.u32 v32, v41;
	v35 =	vshll.u32 v51, $0x4;
	v41 =	vadd.f32 v61, v47;
	[tilespmem:v56+s20+$0x0] =	vst.idx.add.f32.msk $0xffff, v40  }
0x499: {  	v50 =	vand.u32 $0x7F, v36;
	v40 =	vand.u32 $0x7F, v48;
	v35 =	vor.u32 v32, v35;
	[tilespmem:v52+s20+$0x0] =	vst.idx.add.f32.msk $0xffff, v43  }
0x49a: {  	v46 =	vshll.u32 v50, $0x4;
	v47 =	vshll.u32 v55, $0x4;
	v43 =	vshll.u32 v40, $0x4;
	[tilespmem:v44+s20+$0x0] =	vst.idx.add.f32.msk $0xffff, v41  }
0x49b: {  	v46 =	vor.u32 v32, v46;
	v44 =	vor.u32 v32, v43;
	v43 =	vor.u32 v32, v47;
	v61 =	vld.idx.msk [tilespmem:v29+s19+$0x0], $0xffff  }
0x49c: {  	v37 =	vadd.f32 v37, v38;
	v40 =	vor.u32 v13, v40;
	v41 =	vshll.u32 v53, $0x4;
	v29 =	vld.idx.msk [tilespmem:v29+s18+$0x0], $0xffff  }
0x49d: {  	v49 =	vand.u32 $0x5BF8, v40;
	v38 =	vor.u32 v32, v41;
	v30 =	vadd.f32 v54, v30;
	v40 =	vld.idx.msk [tilespmem:v31+s18+$0x0], $0xffff  }
0x49e: {  	v28 =	vor.u32 v13, v28;
	v27 =	vand.u32 $0x7, v27;
	v41 =	vor.u32 v13, v62;
	[tilespmem:v42+s20+$0x0] =	vst.idx.add.f32.msk $0xffff, v37  }
0x49f: {  	v28 =	vand.u32 $0x5BF8, v28;
	v42 =	vand.u32 $0x5BF8, v41;
	v37 =	vand.u32 $0x7, v59;
	[tilespmem:v39+s20+$0x0] =	vst.idx.add.f32.msk $0xffff, v30  }
0x4a0: {  	v47 =	vor.u32 v32, v45;
	v45 =	vor.u32 v37, v28;
	v28 =	vor.u32 v13, v55;
	v41 =	vld.idx.msk [tilespmem:v43+s19+$0x0], $0xffff  }
0x4a1: {  	v50 =	vor.u32 v13, v50;
	v30 =	vor.u32 v13, v63;
	v39 =	vor.u32 v13, v51;
	v48 =	vld.idx.msk [tilespmem:v44+s19+$0x0], $0xffff  }
.Ltmp24:
0x4a2: {  	v52 =	vand.u32 $0x5BF8, v50;
	v30 =	vand.u32 $0x5BF8, v30;
	v39 =	vand.u32 $0x5BF8, v39;
	v37 =	vld.idx.msk [tilespmem:v38+s19+$0x0], $0xffff;
	(pc) =	sbr.rel @p2 .LBB2_41-.Ltmp24, $4  }
0x4a3: {  	v50 =	vor.u32 v13, v53;
	v51 =	vand.u32 $0x7, v60;
	v56 =	vand.u32 $0x5BF8, v28;
	v38 =	vld.idx.msk [tilespmem:v38+s18+$0x0], $0xffff  }
0x4a4: {  	v28 =	vand.u32 $0x7, v58;
	v58 =	vand.u32 $0x5BF8, v50;
	v53 =	vadd.f32 v61, v29;
	v54 =	vld.idx.msk [tilespmem:v44+s18+$0x0], $0xffff  }
0x4a5: {  	v29 =	vand.u32 $0x7, v57;
	v39 =	vor.u32 v51, v39;
	v44 =	vor.u32 v28, v30;
	v50 =	vld.idx.msk [tilespmem:v46+s18+$0x0], $0xffff  }
0x4a6: {  	v57 =	vand.u32 $0x7, v26;
	v51 =	vor.u32 v29, v42;
	v42 =	vor.u32 v27, v58;
	v55 =	vld.idx.msk [tilespmem:v31+s19+$0x0], $0xffff  }
0x4a7: {  	_ =	sdelay $0x3  }
0x4a8: {  	v26 =	vld.idx.msk [tilespmem:v46+s19+$0x0], $0xffff  }
0x4a9: {  	v27 =	vld.idx.msk [tilespmem:v43+s18+$0x0], $0xffff  }
0x4aa: {  	v28 =	vor.u32 v2, v49;
	v29 =	vld.idx.msk [tilespmem:v47+s19+$0x0], $0xffff  }
0x4ab: {  	v30 =	vld.idx.msk [tilespmem:v47+s18+$0x0], $0xffff  }
0x4ac: {  	v31 =	vor.u32 v57, v56;
	v32 =	vand.u32 $0x7, v36;
	v61 =	vld.idx.msk [tilespmem:v35+s19+$0x0], $0xffff  }
0x4ad: {  	[tilespmem:v45+s20+$0x0] =	vst.idx.add.f32.msk $0xffff, v53;
	v62 =	vor.u32 v32, v52;
	v63 =	vadd.f32 v48, v54  }
0x4ae: {  	v48 =	vld.idx.msk [tilespmem:v35+s18+$0x0], $0xffff;
	v40 =	vadd.f32 v55, v40  }
0x4af: {  	s7 =	simm.s32 $0x7;
	[tilespmem:v28+s20+$0x0] =	vst.idx.add.f32.msk $0xffff, v63;
	v27 =	vadd.f32 v41, v27  }
0x4b0: {  	v49 =	vadd.s32 s7, v0;
	v26 =	vadd.f32 v26, v50;
	[tilespmem:v51+s20+$0x0] =	vst.idx.add.f32.msk $0xffff, v40  }
0x4b1: {  	v52 =	vand.u32 $0x7F, v49;
	[tilespmem:v31+s20+$0x0] =	vst.idx.add.f32.msk $0xffff, v27  }
0x4b2: {  	v32 =	vor.u32 $0x8800, v0;
	v28 =	vshll.u32 v52, $0x4;
	[tilespmem:v62+s20+$0x0] =	vst.idx.add.f32.msk $0xffff, v26  }
0x4b3: {  	v27 =	vor.u32 v32, v28;
	v28 =	vld [tilespmem:$0x1FB70]  }
0x4b4: {  	v29 =	vadd.f32 v29, v30;
	_ =	sdelay $0x1  }
0x4b5: {  	[tilespmem:v44+s20+$0x0] =	vst.idx.add.f32.msk $0xffff, v29  }
0x4b6: {  	v26 =	vadd.f32 v37, v38;
	v29 =	vld [tilespmem:$0x1FB60]  }
0x4b7: {  	v31 =	vor.u32 v32, v28;
	v28 =	vadd.f32 v61, v48  }
0x4b8: {  	[tilespmem:v42+s20+$0x0] =	vst.idx.add.f32.msk $0xffff, v26  }
0x4b9: {  	[tilespmem:v39+s20+$0x0] =	vst.idx.add.f32.msk $0xffff, v28  }
0x4ba: {  	v26 =	vld [tilespmem:$0x1FB80]  }
0x4bb: {  	v30 =	vor.u32 v32, v29;
	v58 =	vld [tilespmem:$0x1FB90];
	_ =	sdelay $0x1  }
0x4bc: {  	v37 =	vld.idx.msk [tilespmem:v27+s19+$0x0], $0xffff  }
0x4bd: {  	v53 =	vadd.s32 s14, v0;
	v23 =	vor.u32 v15, v23;
	v54 =	vadd.s32 s31, v0;
	v63 =	vld [tilespmem:$0x1FBA0]  }
0x4be: {  	v38 =	vor.u32 v32, v33;
	v40 =	vld.idx.msk [tilespmem:v27+s18+$0x0], $0xffff;
	v28 =	vor.u32 v32, v26;
	v26 =	vshll.u32 v54, $0x4  }
0x4bf: {  	v39 =	vld.idx.msk [tilespmem:v30+s18+$0x0], $0xffff;
	v33 =	vor.u32 v32, v58;
	v57 =	vor.u32 v32, v26;
	v26 =	vor.u32 v15, v52  }
0x4c0: {  	v59 =	vand.u32 $0x5FF8, v26;
	v26 =	vld.idx.msk [tilespmem:v30+s19+$0x0], $0xffff;
	v30 =	vand.u32 $0x5FF8, v23;
	v23 =	vor.u32 v15, v21  }
0x4c1: {  	v22 =	vor.u32 v15, v22;
	v25 =	vor.u32 v15, v25;
	v29 =	vld.idx.msk [tilespmem:v31+s19+$0x0], $0xffff;
	v23 =	vand.u32 $0x5FF8, v23  }
0x4c2: {  	v24 =	vor.u32 v15, v24;
	v23 =	vor.u32 v34, v23;
	v34 =	vor.u32 v63, v30;
	v30 =	vld [tilespmem:$0x1FBB0]  }
0x4c3: {  	v22 =	vand.u32 $0x5FF8, v22;
	v35 =	vand.u32 $0x78, v54;
	v55 =	vand.u32 $0x7F, v53;
	v21 =	vld.idx.msk [tilespmem:v38+s19+$0x0], $0xffff  }
0x4c4: {  	v60 =	vand.u32 $0x7, v49;
	v35 =	vor.u32 v14, v35;
	v56 =	vshll.u32 v55, $0x4;
	v42 =	vld.idx.msk [tilespmem:v33+s19+$0x0], $0xffff  }
0x4c5: {  	v41 =	vand.u32 $0x5FF8, v25;
	v25 =	vor.u32 v15, v55;
	v36 =	vor.u32 v32, v56;
	v43 =	vld.idx.msk [tilespmem:v33+s18+$0x0], $0xffff  }
0x4c6: {  	v62 =	vand.u32 $0x7, v53;
	v61 =	vand.u32 $0x5FF8, v25;
	v27 =	vand.u32 $0x5FF8, v24;
	v24 =	vld.idx.msk [tilespmem:v57+s18+$0x0], $0xffff  }
0x4c7: {  	s7 =	simm.s32 $0x8;
	v25 =	vor.u32 v60, v59;
	v33 =	vor.u32 v62, v61;
	v44 =	vld.idx.msk [tilespmem:v57+s19+$0x0], $0xffff;
	v27 =	vor.u32 v30, v27  }
.LBB2_43:
0x4c8: {  	v30 =	vadd.s32 s7, v0;
	s8 =	sadd.s32 $0x1, s7;
	s13 =	sadd.s32 $0x2, s7;
	s14 =	sadd.s32 $0x3, s7;
	v38 =	vld.idx.msk [tilespmem:v38+s18+$0x0], $0xffff;
	v20 =	vor.u32 v20, v41  }
0x4c9: {  	s16 =	sadd.s32 $0x6, s7;
	v19 =	vor.u32 v19, v22;
	v45 =	vadd.s32 s8, v0;
	v41 =	vadd.s32 s13, v0;
	s8 =	sadd.s32 $0x4, s7;
	s13 =	sadd.s32 $0x5, s7;
	v46 =	vld.idx.msk [tilespmem:v31+s18+$0x0], $0xffff  }
0x4ca: {  	p2 =	slt.u32 s7, $0x78;
	v22 =	vadd.f32 v26, v39;
	v47 =	vadd.s32 s8, v0;
	v48 =	vadd.s32 s13, v0;
	s8 =	sadd.s32 $0x7, s7;
	s7 =	sadd.s32 $0x8, s7;
	v26 =	vld.idx.msk [tilespmem:v36+s18+$0x0], $0xffff  }
0x4cb: {  	v31 =	vadd.f32 v37, v40;
	v39 =	vand.u32 $0x7F, v45;
	v49 =	vadd.s32 s8, v0;
	v50 =	vld.idx.msk [tilespmem:v28+s18+$0x0], $0xffff  }
0x4cc: {  	v51 =	vadd.s32 s14, v0;
	v40 =	vadd.f32 v42, v43;
	v37 =	vand.u32 $0x7F, v49;
	v36 =	vld.idx.msk [tilespmem:v36+s19+$0x0], $0xffff  }
0x4cd: {  	v42 =	vand.u32 $0x7F, v41;
	v24 =	vadd.f32 v44, v24;
	v43 =	vshll.u32 v37, $0x4;
	v44 =	vld.idx.msk [tilespmem:v28+s19+$0x0], $0xffff  }
0x4ce: {  	v52 =	vshll.u32 v42, $0x4;
	v43 =	vor.u32 v32, v43;
	[tilespmem:v19+s20+$0x0] =	vst.idx.add.f32.msk $0xffff, v40;
	v19 =	vadd.f32 v21, v38  }
0x4cf: {  	v53 =	vadd.s32 s16, v0;
	v21 =	vshll.u32 v39, $0x4;
	v40 =	vand.u32 $0x7F, v51;
	[tilespmem:v25+s20+$0x0] =	vst.idx.add.f32.msk $0xffff, v31  }
0x4d0: {  	v55 =	vand.u32 $0x7F, v53;
	v54 =	vand.u32 $0x7F, v48;
	v25 =	vand.u32 $0x7F, v47;
	[tilespmem:v20+s20+$0x0] =	vst.idx.add.f32.msk $0xffff, v19  }
0x4d1: {  	v31 =	vor.u32 v32, v21;
	v19 =	vshll.u32 v25, $0x4;
	v20 =	vadd.f32 v29, v46;
	[tilespmem:v34+s20+$0x0] =	vst.idx.add.f32.msk $0xffff, v22  }
0x4d2: {  	v21 =	vor.u32 v32, v19;
	v19 =	vshll.u32 v54, $0x4;
	v22 =	vadd.f32 v36, v26;
	[tilespmem:v35+s20+$0x0] =	vst.idx.add.f32.msk $0xffff, v24  }
0x4d3: {  	v28 =	vor.u32 v32, v19;
	v19 =	vshll.u32 v55, $0x4;
	[tilespmem:v23+s20+$0x0] =	vst.idx.add.f32.msk $0xffff, v20;
	v20 =	vadd.f32 v44, v50  }
0x4d4: {  	v24 =	vshll.u32 v40, $0x4;
	v23 =	vshll.u32 v30, $0x4;
	v36 =	vor.u32 v32, v19;
	[tilespmem:v33+s20+$0x0] =	vst.idx.add.f32.msk $0xffff, v22  }
0x4d5: {  	v19 =	vand.u32 $0x7, v41;
	v34 =	vor.u32 v32, v23;
	v22 =	vor.u32 v15, v37;
	[tilespmem:v27+s20+$0x0] =	vst.idx.add.f32.msk $0xffff, v20  }
0x4d6: {  	v38 =	vor.u32 v32, v24;
	v20 =	vor.u32 v32, v52;
	v23 =	vand.u32 $0x5FF8, v22;
	v37 =	vld.idx.msk [tilespmem:v43+s19+$0x0], $0xffff  }
0x4d7: {  	v25 =	vor.u32 v15, v25;
	v24 =	vor.u32 v15, v40;
	v22 =	vor.u32 v15, v42;
	v29 =	vld.idx.msk [tilespmem:v31+s19+$0x0], $0xffff  }
0x4d8: {  	v41 =	vand.u32 $0x5FF8, v24;
	v27 =	vand.u32 $0x5FF8, v25;
	v22 =	vand.u32 $0x5FF8, v22;
	v26 =	vld.idx.msk [tilespmem:v21+s19+$0x0], $0xffff  }
0x4d9: {  	v24 =	vor.u32 v15, v39;
	v25 =	vor.u32 v15, v55;
	v39 =	vld.idx.msk [tilespmem:v21+s18+$0x0], $0xffff;
	v21 =	vor.u32 v15, v54  }
0x4da: {  	v33 =	vand.u32 $0x5FF8, v24;
	v44 =	vand.u32 $0x5FF8, v25;
	v46 =	vand.u32 $0x5FF8, v21;
	v40 =	vld.idx.msk [tilespmem:v43+s18+$0x0], $0xffff  }
.Ltmp25:
0x4db: {  	v30 =	vand.u32 $0x78, v30;
	v25 =	vand.u32 $0x7, v49;
	v21 =	vld.idx.msk [tilespmem:v38+s19+$0x0], $0xffff;
	(pc) =	sbr.rel @p2 .LBB2_43-.Ltmp25, $4  }
0x4dc: {  	v42 =	vand.u32 $0x7, v45;
	v25 =	vor.u32 v25, v23;
	v24 =	vld.idx.msk [tilespmem:v34+s18+$0x0], $0xffff  }
0x4dd: {  	v35 =	vor.u32 v14, v30;
	v30 =	vand.u32 $0x7, v53;
	v23 =	vor.u32 v42, v33;
	v42 =	vld.idx.msk [tilespmem:v20+s19+$0x0], $0xffff  }
0x4de: {  	v45 =	vand.u32 $0x7, v47;
	v47 =	vand.u32 $0x7, v48;
	v33 =	vor.u32 v30, v44;
	v43 =	vld.idx.msk [tilespmem:v20+s18+$0x0], $0xffff  }
0x4df: {  	s31 =	simm.s32 $0x0;
	v20 =	vand.u32 $0x7, v51;
	v44 =	vld.idx.msk [tilespmem:v34+s19+$0x0], $0xffff;
	v34 =	vor.u32 v45, v27;
	v27 =	vor.u32 v47, v46  }
0x4e0: {  	_ =	sdelay $0x3  }
0x4e1: {  	v30 =	vld.idx.msk [tilespmem:v38+s18+$0x0], $0xffff  }
0x4e2: {  	v31 =	vld.idx.msk [tilespmem:v31+s18+$0x0], $0xffff  }
0x4e3: {  	v32 =	vld.idx.msk [tilespmem:v36+s18+$0x0], $0xffff  }
0x4e4: {  	v60 =	vld.idx.msk [tilespmem:v28+s18+$0x0], $0xffff;
	v19 =	vor.u32 v19, v22  }
0x4e5: {  	v61 =	vld.idx.msk [tilespmem:v36+s19+$0x0], $0xffff;
	v39 =	vadd.f32 v26, v39;
	v26 =	vadd.f32 v37, v40;
	v20 =	vor.u32 v20, v41;
	s8 =	simm.s32 $0x2  }
0x4e6: {  	v28 =	vld.idx.msk [tilespmem:v28+s19+$0x0], $0xffff;
	s16 =	simm.s32 $0x5;
	s25 =	simm.s32 $0x7;
	v50 =	vadd.s32 s8, v0  }
0x4e7: {  	s13 =	simm.s32 $0x4;
	s14 =	simm.s32 $0x6;
	v51 =	vadd.s32 s16, v0;
	v57 =	vadd.s32 s25, v0;
	[tilespmem:v25+s20+$0x0] =	vst.idx.add.f32.msk $0xffff, v26;
	v22 =	vadd.f32 v42, v43  }
0x4e8: {  	s7 =	simm.s32 $0x1;
	v36 =	vadd.s32 s14, v0;
	[tilespmem:v34+s20+$0x0] =	vst.idx.add.f32.msk $0xffff, v39;
	v42 =	vadd.s32 s13, v0;
	v30 =	vadd.f32 v21, v30  }
0x4e9: {  	v62 =	vadd.f32 v44, v24;
	v44 =	vadd.s32 s7, v0;
	[tilespmem:v19+s20+$0x0] =	vst.idx.add.f32.msk $0xffff, v22;
	v22 =	vand.u32 $0x7F, v42  }
0x4ea: {  	v24 =	vand.u32 $0x7F, v50;
	v63 =	vadd.f32 v29, v31;
	v25 =	vshll.u32 v22, $0x4;
	[tilespmem:v20+s20+$0x0] =	vst.idx.add.f32.msk $0xffff, v30  }
0x4eb: {  	v41 =	vadd.f32 v61, v32;
	v32 =	vor.u32 $0x9000, v0;
	v21 =	vand.u32 $0x7F, v44;
	[tilespmem:$0x1FB00] =	vst v25  }
0x4ec: {  	s17 =	simm.s32 $0x3;
	v38 =	vadd.f32 v28, v60;
	v61 =	vor.u32 v32, v25;
	v25 =	vshll.u32 v21, $0x4;
	[tilespmem:v35+s20+$0x0] =	vst.idx.add.f32.msk $0xffff, v62  }
0x4ed: {  	v19 =	vadd.s32 s17, v0;
	v60 =	vadd.s32 s31, v0;
	v30 =	vand.u32 $0x7F, v51;
	[tilespmem:$0x1FB10] =	vst v25  }
0x4ee: {  	v20 =	vand.u32 $0x7F, v57;
	v53 =	vor.u32 v32, v25;
	v25 =	vshll.u32 v30, $0x4;
	[tilespmem:v23+s20+$0x0] =	vst.idx.add.f32.msk $0xffff, v63  }
0x4ef: {  	v28 =	vshll.u32 v24, $0x4;
	v62 =	vand.u32 $0x7F, v60;
	v23 =	vshll.u32 v20, $0x4;
	[tilespmem:$0x1FB20] =	vst v25  }
0x4f0: {  	v26 =	vand.u32 $0x7F, v19;
	v58 =	vshll.u32 v62, $0x4;
	v43 =	vor.u32 v32, v23;
	[tilespmem:v33+s20+$0x0] =	vst.idx.add.f32.msk $0xffff, v41  }
0x4f1: {  	v35 =	vor.u32 v32, v25;
	v25 =	vshll.u32 v26, $0x4;
	[tilespmem:v27+s20+$0x0] =	vst.idx.add.f32.msk $0xffff, v38;
	v27 =	vor.u32 v32, v58  }
0x4f2: {  	v47 =	vor.u32 v32, v28;
	v63 =	vand.u32 $0x7F, v36;
	v60 =	vor.u32 v32, v25;
	v37 =	vld.idx.msk [tilespmem:v61+s19+$0x0], $0xffff;
	[tilespmem:$0x1FB30] =	vst v25  }
0x4f3: {  	v57 =	vand.u32 $0x7, v57;
	v59 =	vshll.u32 v63, $0x4;
	v23 =	vor.u32 v16, v62;
	v34 =	vld.idx.msk [tilespmem:v61+s18+$0x0], $0xffff  }
0x4f4: {  	v49 =	vand.u32 $0x6BF8, v23;
	v23 =	vand.u32 $0x7, v19;
	v19 =	vor.u32 v16, v22;
	v40 =	vld.idx.msk [tilespmem:v53+s18+$0x0], $0xffff;
	[tilespmem:$0x1FB40] =	vst v28  }
0x4f5: {  	v46 =	vor.u32 v32, v59;
	v62 =	vand.u32 $0x6BF8, v19;
	v19 =	vand.u32 $0x7, v42;
	v42 =	vld.idx.msk [tilespmem:v43+s19+$0x0], $0xffff  }
0x4f6: {  	v54 =	vor.u32 v16, v20;
	v52 =	vor.u32 v16, v30;
	v20 =	vor.u32 v16, v24;
	v48 =	vld.idx.msk [tilespmem:v27+s19+$0x0], $0xffff  }
0x4f7: {  	v56 =	vand.u32 $0x6BF8, v54;
	v39 =	vor.u32 v16, v63;
	v55 =	vand.u32 $0x6BF8, v20;
	v38 =	vld.idx.msk [tilespmem:v60+s19+$0x0], $0xffff  }
0x4f8: {  	v63 =	vor.u32 v16, v26;
	v59 =	vand.u32 $0x6BF8, v52;
	v52 =	vand.u32 $0x6BF8, v39;
	v39 =	vld.idx.msk [tilespmem:v60+s18+$0x0], $0xffff  }
0x4f9: {  	v20 =	vand.u32 $0x7, v51;
	v41 =	vand.u32 $0x6BF8, v63;
	v25 =	vand.u32 $0x7, v44;
	v54 =	vld.idx.msk [tilespmem:v27+s18+$0x0], $0xffff  }
0x4fa: {  	v41 =	vor.u32 v23, v41;
	v61 =	vor.u32 v16, v21;
	v27 =	vand.u32 $0x7, v50;
	v50 =	vld.idx.msk [tilespmem:v46+s18+$0x0], $0xffff  }
0x4fb: {  	v45 =	vor.u32 v19, v62;
	v58 =	vand.u32 $0x6BF8, v61;
	v44 =	vor.u32 v27, v55;
	v55 =	vld.idx.msk [tilespmem:v53+s19+$0x0], $0xffff  }
0x4fc: {  	s25 =	simm.s32 $0x8;
	[tilespmem:$0x1FB50] =	vst v25;
	v53 =	vor.u32 v25, v58;
	v51 =	vadd.f32 v37, v34;
	v37 =	vor.u32 v20, v59  }
.LBB2_45:
0x4fd: {  	s7 =	sadd.s32 $0x1, s25  }
0x4fe: {  	s8 =	sadd.s32 $0x2, s25;
	s13 =	sadd.s32 $0x3, s25;
	v49 =	vor.u32 v2, v49;
	v46 =	vld.idx.msk [tilespmem:v46+s19+$0x0], $0xffff;
	v56 =	vor.u32 v57, v56;
	s16 =	smov.u32 s25  }
0x4ff: {  	s17 =	sadd.s32 $0x6, s25;
	v36 =	vand.u32 $0x7, v36;
	v57 =	vadd.s32 s7, v0;
	v58 =	vadd.s32 s8, v0;
	s7 =	sadd.s32 $0x4, s25;
	s8 =	sadd.s32 $0x5, s25;
	v43 =	vld.idx.msk [tilespmem:v43+s18+$0x0], $0xffff  }
0x500: {  	p2 =	slt.u32 s25, $0x78;
	s25 =	sadd.s32 $0x8, s25;
	v52 =	vor.u32 v36, v52;
	v59 =	vadd.s32 s7, v0;
	v60 =	vadd.s32 s8, v0;
	s7 =	sadd.s32 $0x7, s16;
	v61 =	vld.idx.msk [tilespmem:v47+s19+$0x0], $0xffff  }
0x501: {  	v62 =	vand.u32 $0x7F, v57;
	v63 =	vand.u32 $0x7F, v58;
	v25 =	vadd.s32 s7, v0;
	v47 =	vld.idx.msk [tilespmem:v47+s18+$0x0], $0xffff  }
0x502: {  	v28 =	vadd.s32 s13, v0;
	v48 =	vadd.f32 v48, v54;
	v29 =	vand.u32 $0x7F, v59;
	v54 =	vld.idx.msk [tilespmem:v35+s19+$0x0], $0xffff  }
0x503: {  	v36 =	vadd.s32 s17, v0;
	v31 =	vshll.u32 v29, $0x4;
	v40 =	vadd.f32 v55, v40;
	[tilespmem:v45+s20+$0x0] =	vst.idx.add.f32.msk $0xffff, v51  }
0x504: {  	v55 =	vand.u32 $0x7F, v25;
	v45 =	vshll.u32 v63, $0x4;
	v51 =	vand.u32 $0x7F, v28;
	[tilespmem:v49+s20+$0x0] =	vst.idx.add.f32.msk $0xffff, v48  }
0x505: {  	v31 =	vor.u32 v32, v31;
	v48 =	vadd.s32 s16, v0;
	[tilespmem:v53+s20+$0x0] =	vst.idx.add.f32.msk $0xffff, v40;
	v40 =	vadd.f32 v42, v43  }
0x506: {  	v42 =	vshll.u32 v62, $0x4;
	v53 =	vand.u32 $0x7F, v60;
	v43 =	vadd.f32 v46, v50;
	v33 =	vld.idx.msk [tilespmem:v35+s18+$0x0], $0xffff  }
0x507: {  	v34 =	vor.u32 v32, v42;
	v35 =	vshll.u32 v53, $0x4;
	v42 =	vadd.f32 v61, v47;
	[tilespmem:v56+s20+$0x0] =	vst.idx.add.f32.msk $0xffff, v40  }
0x508: {  	v50 =	vand.u32 $0x7F, v36;
	v40 =	vand.u32 $0x7F, v48;
	v35 =	vor.u32 v32, v35;
	[tilespmem:v52+s20+$0x0] =	vst.idx.add.f32.msk $0xffff, v43  }
0x509: {  	v46 =	vshll.u32 v50, $0x4;
	v47 =	vshll.u32 v55, $0x4;
	v43 =	vshll.u32 v40, $0x4;
	[tilespmem:v44+s20+$0x0] =	vst.idx.add.f32.msk $0xffff, v42  }
0x50a: {  	v46 =	vor.u32 v32, v46;
	v44 =	vor.u32 v32, v43;
	v43 =	vor.u32 v32, v47;
	v61 =	vld.idx.msk [tilespmem:v31+s19+$0x0], $0xffff  }
0x50b: {  	v38 =	vadd.f32 v38, v39;
	v40 =	vor.u32 v16, v40;
	v42 =	vshll.u32 v51, $0x4;
	v31 =	vld.idx.msk [tilespmem:v31+s18+$0x0], $0xffff  }
0x50c: {  	v49 =	vand.u32 $0x6BF8, v40;
	v39 =	vor.u32 v32, v42;
	v33 =	vadd.f32 v54, v33;
	v40 =	vld.idx.msk [tilespmem:v34+s18+$0x0], $0xffff  }
0x50d: {  	v29 =	vor.u32 v16, v29;
	v28 =	vand.u32 $0x7, v28;
	v42 =	vor.u32 v16, v62;
	[tilespmem:v41+s20+$0x0] =	vst.idx.add.f32.msk $0xffff, v38  }
0x50e: {  	v29 =	vand.u32 $0x6BF8, v29;
	v41 =	vand.u32 $0x6BF8, v42;
	v38 =	vand.u32 $0x7, v59;
	[tilespmem:v37+s20+$0x0] =	vst.idx.add.f32.msk $0xffff, v33  }
0x50f: {  	v47 =	vor.u32 v32, v45;
	v45 =	vor.u32 v38, v29;
	v29 =	vor.u32 v16, v55;
	v42 =	vld.idx.msk [tilespmem:v43+s19+$0x0], $0xffff  }
0x510: {  	v50 =	vor.u32 v16, v50;
	v33 =	vor.u32 v16, v63;
	v37 =	vor.u32 v16, v53;
	v48 =	vld.idx.msk [tilespmem:v44+s19+$0x0], $0xffff  }
.Ltmp26:
0x511: {  	v52 =	vand.u32 $0x6BF8, v50;
	v33 =	vand.u32 $0x6BF8, v33;
	v37 =	vand.u32 $0x6BF8, v37;
	v38 =	vld.idx.msk [tilespmem:v39+s19+$0x0], $0xffff;
	(pc) =	sbr.rel @p2 .LBB2_45-.Ltmp26, $4  }
0x512: {  	v50 =	vor.u32 v16, v51;
	v53 =	vand.u32 $0x7, v60;
	v56 =	vand.u32 $0x6BF8, v29;
	v39 =	vld.idx.msk [tilespmem:v39+s18+$0x0], $0xffff  }
0x513: {  	v29 =	vand.u32 $0x7, v58;
	v58 =	vand.u32 $0x6BF8, v50;
	v51 =	vadd.f32 v61, v31;
	v54 =	vld.idx.msk [tilespmem:v44+s18+$0x0], $0xffff  }
0x514: {  	v31 =	vand.u32 $0x7, v57;
	v37 =	vor.u32 v53, v37;
	v44 =	vor.u32 v29, v33;
	v50 =	vld.idx.msk [tilespmem:v46+s18+$0x0], $0xffff  }
0x515: {  	v57 =	vand.u32 $0x7, v25;
	v53 =	vor.u32 v31, v41;
	v41 =	vor.u32 v28, v58;
	v55 =	vld.idx.msk [tilespmem:v34+s19+$0x0], $0xffff  }
0x516: {  	_ =	sdelay $0x3  }
0x517: {  	v25 =	vld.idx.msk [tilespmem:v46+s19+$0x0], $0xffff  }
0x518: {  	v28 =	vld.idx.msk [tilespmem:v43+s18+$0x0], $0xffff;
	v29 =	vor.u32 v2, v49  }
0x519: {  	v31 =	vld.idx.msk [tilespmem:v47+s19+$0x0], $0xffff  }
0x51a: {  	v32 =	vld.idx.msk [tilespmem:v47+s18+$0x0], $0xffff;
	v33 =	vor.u32 v57, v56;
	v34 =	vand.u32 $0x7, v36  }
0x51b: {  	v34 =	vor.u32 v34, v52;
	v46 =	vadd.f32 v48, v54  }
0x51c: {  	[tilespmem:v45+s20+$0x0] =	vst.idx.add.f32.msk $0xffff, v51;
	v40 =	vadd.f32 v55, v40  }
0x51d: {  	[tilespmem:v29+s20+$0x0] =	vst.idx.add.f32.msk $0xffff, v46;
	v28 =	vadd.f32 v42, v28  }
0x51e: {  	v25 =	vadd.f32 v25, v50;
	[tilespmem:v53+s20+$0x0] =	vst.idx.add.f32.msk $0xffff, v40  }
0x51f: {  	v31 =	vadd.f32 v31, v32;
	[tilespmem:v33+s20+$0x0] =	vst.idx.add.f32.msk $0xffff, v28  }
0x520: {  	[tilespmem:v34+s20+$0x0] =	vst.idx.add.f32.msk $0xffff, v25  }
0x521: {  	[tilespmem:v44+s20+$0x0] =	vst.idx.add.f32.msk $0xffff, v31  }
0x522: {  	v55 =	vor.u32 v18, v24;
	v24 =	vld [tilespmem:$0x1FB40]  }
0x523: {  	v63 =	vld.idx.msk [tilespmem:v35+s19+$0x0], $0xffff  }
0x524: {  	v47 =	vld.idx.msk [tilespmem:v35+s18+$0x0], $0xffff;
	v28 =	vadd.f32 v38, v39  }
0x525: {  	v53 =	vor.u32 v18, v30;
	v30 =	vld [tilespmem:$0x1FB20]  }
0x526: {  	s7 =	simm.s32 $0x7;
	v32 =	vor.u32 $0x9800, v0;
	[tilespmem:v41+s20+$0x0] =	vst.idx.add.f32.msk $0xffff, v28  }
0x527: {  	v29 =	vadd.s32 s7, v0;
	v31 =	vor.u32 v32, v24;
	v24 =	vld [tilespmem:$0x1FB10]  }
0x528: {  	v48 =	vand.u32 $0x7F, v29  }
0x529: {  	v49 =	vshll.u32 v48, $0x4;
	v25 =	vadd.f32 v63, v47  }
0x52a: {  	v51 =	vor.u32 v32, v49  }
0x52b: {  	v50 =	vadd.s32 s31, v0;
	[tilespmem:v37+s20+$0x0] =	vst.idx.add.f32.msk $0xffff, v25  }
0x52c: {  	v54 =	vadd.s32 s14, v0;
	v52 =	vshll.u32 v50, $0x4;
	v28 =	vor.u32 v32, v24;
	v24 =	vld [tilespmem:$0x1FB00]  }
0x52d: {  	v57 =	vand.u32 $0x7F, v54;
	v56 =	vor.u32 v32, v52  }
0x52e: {  	v58 =	vshll.u32 v57, $0x4;
	v25 =	vld [tilespmem:$0x1FB30]  }
0x52f: {  	v26 =	vor.u32 v18, v26;
	v21 =	vor.u32 v18, v21;
	v33 =	vor.u32 v32, v58;
	v44 =	vld.idx.msk [tilespmem:v51+s19+$0x0], $0xffff  }
0x530: {  	v62 =	vor.u32 v18, v22;
	v21 =	vand.u32 $0x6FF8, v21;
	v59 =	vor.u32 v18, v57;
	v45 =	vld.idx.msk [tilespmem:v51+s18+$0x0], $0xffff  }
0x531: {  	v38 =	vand.u32 $0x7, v54;
	v41 =	vand.u32 $0x6FF8, v59;
	v63 =	vld [tilespmem:$0x1FB50];
	v24 =	vor.u32 v32, v24  }
0x532: {  	v40 =	vand.u32 $0x6FF8, v26;
	v26 =	vor.u32 v38, v41;
	v30 =	vor.u32 v32, v30;
	v41 =	vld.idx.msk [tilespmem:v56+s19+$0x0], $0xffff  }
0x533: {  	v43 =	vand.u32 $0x6FF8, v62;
	v60 =	vor.u32 v18, v48;
	v34 =	vand.u32 $0x78, v50;
	v42 =	vld.idx.msk [tilespmem:v56+s18+$0x0], $0xffff  }
0x534: {  	v29 =	vand.u32 $0x7, v29;
	v61 =	vand.u32 $0x6FF8, v60;
	v38 =	vor.u32 v17, v34;
	v34 =	vld.idx.msk [tilespmem:v33+s18+$0x0], $0xffff  }
0x535: {  	v39 =	vand.u32 $0x6FF8, v55;
	v29 =	vor.u32 v29, v61;
	v37 =	vand.u32 $0x6FF8, v53;
	v35 =	vld.idx.msk [tilespmem:v31+s19+$0x0], $0xffff  }
0x536: {  	s7 =	simm.s32 $0x8;
	v25 =	vor.u32 v32, v25;
	v36 =	vadd.f32 v44, v45;
	v21 =	vor.u32 v63, v21;
	v22 =	vld.idx.msk [tilespmem:v24+s18+$0x0], $0xffff  }
.LBB2_47:
0x537: {  	s8 =	sadd.s32 $0x1, s7;
	s13 =	sadd.s32 $0x2, s7;
	s14 =	sadd.s32 $0x3, s7;
	v27 =	vor.u32 v27, v39;
	v23 =	vor.u32 v23, v40;
	v39 =	vld.idx.msk [tilespmem:v30+s19+$0x0], $0xffff  }
0x538: {  	s16 =	sadd.s32 $0x6, s7;
	v19 =	vor.u32 v19, v43;
	v44 =	vadd.s32 s8, v0;
	v45 =	vadd.s32 s13, v0;
	s8 =	sadd.s32 $0x4, s7;
	s13 =	sadd.s32 $0x5, s7;
	v31 =	vld.idx.msk [tilespmem:v31+s18+$0x0], $0xffff  }
0x539: {  	v43 =	vadd.s32 s7, v0;
	p2 =	slt.u32 s7, $0x78;
	v46 =	vadd.s32 s8, v0;
	v47 =	vadd.s32 s13, v0;
	s8 =	sadd.s32 $0x7, s7;
	s7 =	sadd.s32 $0x8, s7;
	v40 =	vld.idx.msk [tilespmem:v30+s18+$0x0], $0xffff  }
0x53a: {  	v48 =	vshll.u32 v43, $0x4;
	v49 =	vand.u32 $0x7F, v44;
	v50 =	vadd.s32 s8, v0;
	v51 =	vld.idx.msk [tilespmem:v28+s18+$0x0], $0xffff  }
0x53b: {  	v52 =	vadd.s32 s14, v0;
	v30 =	vadd.f32 v41, v42;
	v53 =	vand.u32 $0x7F, v50;
	v33 =	vld.idx.msk [tilespmem:v33+s19+$0x0], $0xffff  }
0x53c: {  	v20 =	vor.u32 v20, v37;
	v41 =	vand.u32 $0x7F, v47;
	v42 =	vshll.u32 v53, $0x4;
	v54 =	vld.idx.msk [tilespmem:v28+s19+$0x0], $0xffff  }
0x53d: {  	v55 =	vadd.s32 s16, v0;
	v37 =	vor.u32 v18, v41;
	v42 =	vor.u32 v32, v42;
	[tilespmem:v38+s20+$0x0] =	vst.idx.add.f32.msk $0xffff, v30  }
0x53e: {  	v28 =	vshll.u32 v41, $0x4;
	v38 =	vand.u32 $0x7F, v46;
	v31 =	vadd.f32 v35, v31;
	v35 =	vld.idx.msk [tilespmem:v25+s19+$0x0], $0xffff  }
0x53f: {  	v41 =	vand.u32 $0x7F, v45;
	v30 =	vor.u32 v32, v28;
	v56 =	vshll.u32 v38, $0x4;
	v57 =	vld.idx.msk [tilespmem:v25+s18+$0x0], $0xffff  }
0x540: {  	v58 =	vshll.u32 v41, $0x4;
	v41 =	vor.u32 v18, v41;
	v25 =	vshll.u32 v49, $0x4;
	[tilespmem:v27+s20+$0x0] =	vst.idx.add.f32.msk $0xffff, v31  }
0x541: {  	v28 =	vor.u32 v32, v25;
	v31 =	vor.u32 v32, v58;
	v25 =	vadd.f32 v33, v34;
	v27 =	vld.idx.msk [tilespmem:v24+s19+$0x0], $0xffff  }
0x542: {  	v40 =	vadd.f32 v39, v40;
	v34 =	vor.u32 v32, v48;
	v33 =	vand.u32 $0x7F, v52;
	[tilespmem:v29+s20+$0x0] =	vst.idx.add.f32.msk $0xffff, v36  }
0x543: {  	v24 =	vor.u32 v32, v56;
	v29 =	vshll.u32 v33, $0x4;
	v36 =	vand.u32 $0x7F, v55;
	[tilespmem:v26+s20+$0x0] =	vst.idx.add.f32.msk $0xffff, v25  }
0x544: {  	v25 =	vor.u32 v32, v29;
	v26 =	vor.u32 v18, v33;
	v29 =	vshll.u32 v36, $0x4;
	v48 =	vld.idx.msk [tilespmem:v42+s19+$0x0], $0xffff  }
0x545: {  	v33 =	vor.u32 v32, v29;
	v29 =	vor.u32 v18, v36;
	v35 =	vadd.f32 v35, v57;
	v36 =	vld.idx.msk [tilespmem:v42+s18+$0x0], $0xffff  }
0x546: {  	v39 =	vand.u32 $0x6FF8, v41;
	v41 =	vand.u32 $0x7, v55;
	v29 =	vand.u32 $0x6FF8, v29;
	[tilespmem:v20+s20+$0x0] =	vst.idx.add.f32.msk $0xffff, v40  }
0x547: {  	v40 =	vand.u32 $0x6FF8, v26;
	v20 =	vor.u32 v18, v53;
	v22 =	vadd.f32 v27, v22;
	[tilespmem:v23+s20+$0x0] =	vst.idx.add.f32.msk $0xffff, v35  }
0x548: {  	v27 =	vadd.f32 v54, v51;
	v20 =	vand.u32 $0x6FF8, v20;
	v23 =	vand.u32 $0x7, v50;
	v35 =	vld.idx.msk [tilespmem:v31+s19+$0x0], $0xffff  }
0x549: {  	v37 =	vand.u32 $0x6FF8, v37;
	v26 =	vor.u32 v41, v29;
	v29 =	vor.u32 v23, v20;
	[tilespmem:v19+s20+$0x0] =	vst.idx.add.f32.msk $0xffff, v22  }
.Ltmp27:
0x54a: {  	v20 =	vand.u32 $0x78, v43;
	v22 =	vor.u32 v18, v38;
	v19 =	vand.u32 $0x7, v46;
	[tilespmem:v21+s20+$0x0] =	vst.idx.add.f32.msk $0xffff, v27;
	(pc) =	sbr.rel @p2 .LBB2_47-.Ltmp27, $4  }
0x54b: {  	v38 =	vor.u32 v17, v20;
	v20 =	vor.u32 v18, v49;
	v43 =	vand.u32 $0x6FF8, v22;
	v41 =	vld.idx.msk [tilespmem:v34+s19+$0x0], $0xffff  }
0x54c: {  	v20 =	vand.u32 $0x6FF8, v20;
	v21 =	vand.u32 $0x7, v44;
	v36 =	vadd.f32 v48, v36;
	v42 =	vld.idx.msk [tilespmem:v34+s18+$0x0], $0xffff  }
0x54d: {  	v21 =	vor.u32 v21, v20;
	v22 =	vld.idx.msk [tilespmem:v24+s18+$0x0], $0xffff  }
0x54e: {  	v23 =	vand.u32 $0x7, v52;
	v27 =	vand.u32 $0x7, v45;
	v20 =	vand.u32 $0x7, v47;
	v34 =	vld.idx.msk [tilespmem:v33+s18+$0x0], $0xffff  }
0x54f: {  	_ =	sdelay $0x3  }
0x550: {  	v32 =	vld.idx.msk [tilespmem:v30+s19+$0x0], $0xffff  }
0x551: {  	v31 =	vld.idx.msk [tilespmem:v31+s18+$0x0], $0xffff  }
0x552: {  	v58 =	vld.idx.msk [tilespmem:v30+s18+$0x0], $0xffff  }
0x553: {  	v44 =	vld.idx.msk [tilespmem:v28+s18+$0x0], $0xffff  }
0x554: {  	v33 =	vld.idx.msk [tilespmem:v33+s19+$0x0], $0xffff  }
0x555: {  	v59 =	vld.idx.msk [tilespmem:v28+s19+$0x0], $0xffff  }
0x556: {  	v27 =	vor.u32 v27, v39;
	v60 =	vld.idx.msk [tilespmem:v25+s19+$0x0], $0xffff  }
0x557: {  	v61 =	vld.idx.msk [tilespmem:v25+s18+$0x0], $0xffff  }
0x558: {  	v20 =	vor.u32 v20, v37;
	v24 =	vld.idx.msk [tilespmem:v24+s19+$0x0], $0xffff;
	v41 =	vadd.f32 v41, v42  }
0x559: {  	v23 =	vor.u32 v23, v40;
	[tilespmem:v29+s20+$0x0] =	vst.idx.add.f32.msk $0xffff, v36;
	v31 =	vadd.f32 v35, v31  }
0x55a: {  	[tilespmem:v38+s20+$0x0] =	vst.idx.add.f32.msk $0xffff, v41;
	v62 =	vadd.f32 v33, v34  }
0x55b: {  	v19 =	vor.u32 v19, v43;
	v30 =	vadd.f32 v32, v58;
	[tilespmem:v27+s20+$0x0] =	vst.idx.add.f32.msk $0xffff, v31  }
0x55c: {  	v25 =	vadd.f32 v60, v61;
	[tilespmem:v26+s20+$0x0] =	vst.idx.add.f32.msk $0xffff, v62  }
0x55d: {  	v63 =	vadd.f32 v59, v44;
	[tilespmem:v20+s20+$0x0] =	vst.idx.add.f32.msk $0xffff, v30  }
0x55e: {  	v20 =	vadd.f32 v24, v22;
	[tilespmem:v23+s20+$0x0] =	vst.idx.add.f32.msk $0xffff, v25  }
.Ltmp28:
0x55f: {  	[tilespmem:v21+s20+$0x0] =	vst.idx.add.f32.msk $0xffff, v63;
	(pc) =	sbr.rel .LBB2_49-.Ltmp28, $4  }
0x560: {  	s2 =	sadd.s32 s0, s2;
	[tilespmem:v19+s20+$0x0] =	vst.idx.add.f32.msk $0xffff, v20  }
0x561: {  	[hbm4b:s2+s4] =	stream.linear.scatter [tilespmem:s20], [sflag:$0x3], $0x2800, $0x38;
	[tilespmem:$0x1F220] =	vst v63  }
0x562: {  	s31 =	sadd.s32 s0, s30  }
0x563: {  	[hbm4b:s31+s4] =	stream.linear.scatter [tilespmem:s21], [sflag:$0x3], $0x2800, $0x38;
	[tilespmem:$0x1F220] =	vst v63  }
.LBB2_51:
0x564: {  	_ =	sfence.sel $0x180000  }
0x565: {  	[bflag:$0x0] =	sbarrier.arrive $0xFFFF  }
0x566: {  	_ =	strace $0x90000047  }
0x567: {  	[bflag:$0x2] =	sbarrier.arrive $0xFFFF  }
0x568: {  	s0 =	rddreg [dreg:$0x4]  }
0x569: {  	s0 =	sadd.s32 @!p1 $0x100000, s0  }
0x56a: {  	[sflag:s0] =	ssyncadd.tile.s32 @!p1 $0x1;
	_ =	shalt  }
.Lfunc_end2:
_tile_overlayer_lowered:
.L_overlay_start_2:
0x56b: {  	(tag) =	ssettag $0x2  }
0x56c: {  	s0 =	rddreg [dreg:$0x0];
	s2 =	stileid.u32  }
0x56d: {  	s1 =	rddreg [dreg:$0x1];
	p0 =	sne.s32 s2, $0x0  }
0x56e: {  	s3 =	rddreg [dreg:$0x2];
	[bflag:$0x3] =	sbarrier.arrive $0xFFFF;
	s2 =	simm.s32 @!p0 $0x1C04  }
0x56f: {  	[timem:s3], [sflag:s2] =	dma.local @!p0 [hbm:s0], s1  }
0x570: {  	s0 =	simm.s32 @!p0 $0x4  }
0x571: {  	_ =	swait.ge @!p0 [sflag:s0], s1  }
0x572: {  	s1 =	ssub.s32 @!p0 $0x0, s1;
	[sflag:s0] =	ssyncset.done @!p0 $0x0  }
0x573: {  	[sflag:s0] =	ssyncadd.s32 @!p0 s1  }
0x574: {  	[bflag:$0x3] =	sbarrier.arrive $0xFFFF  }
0x575: {  	_ =	shalt  }

</sc_bundles>
